<compile_context>
chip_gen: v7x
topology: tpu7x:2x2x1
jax: 0.10.2.dev20260603
libtpu: 0.0.44.dev20260713+nightly
codegen_flags: <defaults>
</compile_context>

<pallas_src>
import functools
import math

import jax
import jax.numpy as jnp
from jax import lax
from jax.experimental import pallas as pl
from jax.experimental.pallas import tpu as pltpu
from jax.experimental.pallas import tpu_sc as plsc

M = 0.5
COS_M = math.cos(M)
SIN_M = math.sin(M)

BB = 512
BV = 4096
GW = 128


def _make_sc_gather(B, V):
    info = plsc.get_sparse_core_info()
    nw = info.num_cores * info.num_subcores
    bpw = B // nw
    nchunk = bpw // 16

    @functools.partial(
        pl.kernel,
        mesh=plsc.VectorSubcoreMesh(core_axis_name="c", subcore_axis_name="s"),
        out_type=jax.ShapeDtypeStruct((B, GW), jnp.float32),
        scratch_types=[
            pltpu.VMEM((bpw,), jnp.int32),
            pltpu.VMEM((bpw, 8, GW), jnp.float32),
            pltpu.VMEM((bpw, GW), jnp.float32),
            pltpu.SemaphoreType.DMA,
        ],
    )
    def sc_gather(x_hbm, t_hbm, rows_hbm, t_v, tiles_v, rows_v, sem):
        wid = lax.axis_index("s") * info.num_cores + lax.axis_index("c")
        base = wid * bpw
        pltpu.sync_copy(t_hbm.at[pl.ds(base, bpw)], t_v)
        copies = []
        for kc in range(nchunk):
            t16 = t_v[pl.ds(kc * 16, 16)]
            for r in range(16):
                k = kc * 16 + r
                col0 = pl.multiple_of(t16[r] & ~(GW - 1), GW)
                row0 = pl.multiple_of((base + k) & ~7, 8)
                copies.append(
                    pltpu.async_copy(
                        x_hbm.at[pl.ds(row0, 8), pl.ds(col0, GW)],
                        tiles_v.at[k],
                        sem,
                    )
                )
        for h in copies:
            h.wait()
        for k in range(bpw):
            sub = k & 7
            for c in range(GW // 16):
                rows_v[k, pl.ds(c * 16, 16)] = tiles_v[k, sub, pl.ds(c * 16, 16)]
        pltpu.sync_copy(rows_v, rows_hbm.at[pl.ds(base, bpw)])

    return sc_gather


def kernel(input, target):
    B, V = input.shape
    nb = B // BB
    nv = (V + BV - 1) // BV

    t32 = target.astype(jnp.int32)
    crows = _make_sc_gather(B, V)(input, t32)
    t2 = t32.reshape(B, 1)

    def loss_body(x_ref, cr_ref, t_ref, out_ref, acc_ref):
        i = pl.program_id(0)
        j = pl.program_id(1)

        @pl.when(jnp.logical_and(i == 0, j == 0))
        def _():
            out_ref[...] = jnp.zeros_like(out_ref)

        @pl.when(j == 0)
        def _():
            acc_ref[...] = jnp.zeros_like(acc_ref)

        @pl.when(j < nv - 1)
        def _():
            acc_ref[...] += jnp.sum(jnp.exp(x_ref[...]), axis=1, keepdims=True)

        @pl.when(j == nv - 1)
        def _():
            x = x_ref[...]
            col = j * BV + lax.broadcasted_iota(jnp.int32, (BB, BV), 1)
            e = jnp.where(col < V, jnp.exp(x), 0.0)
            s = acc_ref[...] + jnp.sum(e, axis=1, keepdims=True)
            lane = t_ref[...] & (GW - 1)
            lane_iota = lax.broadcasted_iota(jnp.int32, (BB, GW), 1)
            cv = jnp.sum(
                jnp.where(lane_iota == lane, cr_ref[...], 0.0),
                axis=1,
                keepdims=True,
            )
            sin_t = jnp.sqrt(jnp.maximum(1.0 - cv * cv, 0.0))
            newc = cv * COS_M - sin_t * SIN_M
            s2 = s - jnp.exp(cv) + jnp.exp(newc)
            li = jnp.log(s2) - newc
            out_ref[...] += jnp.sum(li).reshape(1, 1) * (1.0 / B)

    out = pl.pallas_call(
        loss_body,
        grid=(nb, nv),
        in_specs=[
            pl.BlockSpec((BB, BV), lambda i, j: (i, j)),
            pl.BlockSpec((BB, GW), lambda i, j: (i, 0)),
            pl.BlockSpec((BB, 1), lambda i, j: (i, 0)),
        ],
        out_specs=pl.BlockSpec((1, 1), lambda i, j: (0, 0)),
        out_shape=jax.ShapeDtypeStruct((1, 1), jnp.float32),
        scratch_shapes=[pltpu.VMEM((BB, 1), jnp.float32)],
    )(input, crows, t2)
    return out[0, 0]

# --- scband reference (transcript-rebuilt; emitter-appended) ---
"""Pipeline reference for scband-angle-loss-36928128811344 (READ-ONLY COPY).

The authoritative reference and input builder live on the scoring server;
editing this copy changes nothing except your own understanding.
"""

import jax, jax.numpy as jnp
import numpy as np
import math

B = 1024
V = 100000
M = 0.5

def setup_inputs(seed: int = 0) -> dict:
    key = jax.random.key(seed)
    k1, k2 = jax.random.split(key)
    # input must be valid cosines in [-1, 1]; uniform [0,1) keeps sqrt(1-c^2) real
    inp = jax.random.uniform(k1, (B, V), dtype=jnp.float32)
    target = jax.random.randint(k2, (B,), 0, V, dtype=jnp.int32)
    return {"input": inp, "target": target}

def reference(input, target):
    cos_m = math.cos(M)
    sin_m = math.sin(M)
    # gather cos(theta_y) for the target class of each row
    cos_theta = jnp.take_along_axis(input, target[:, None].astype(jnp.int32), axis=1)  # [B, 1]
    sin_theta = jnp.sqrt(1.0 - cos_theta ** 2)
    new_cos = cos_theta * cos_m - sin_theta * sin_m  # cos(theta + m)
    # scatter-overwrite the target column with the margin-adjusted cosine
    rows = jnp.arange(B, dtype=jnp.int32)
    logits = input.at[rows, target.astype(jnp.int32)].set(new_cos[:, 0])
    # cross entropy (mean reduction)
    logp = jax.nn.log_softmax(logits, axis=1)
    nll = -jnp.take_along_axis(logp, target[:, None].astype(jnp.int32), axis=1)[:, 0]
    return jnp.mean(nll)

if __name__ == "__main__":
    import jax
    _d = setup_inputs()
    print(jax.jit(kernel)(*tuple(_d.values())))

</pallas_src>

<mosaic_0001>
#map = affine_map<(d0, d1) -> (0, 0)>
#map1 = affine_map<(d0, d1) -> (0)>
module attributes {stable_mosaic.version = 14 : i64} {
  func.func @sc_gather(%arg0: i32, %arg1: i32, %arg2: memref<1024x100000xf32, #tpu.memory_space<hbm>>, %arg3: memref<1024xi32, #tpu.memory_space<hbm>>, %arg4: memref<1024x128xf32, #tpu.memory_space<hbm>>, %arg5: memref<32xi32, #tpu.memory_space<vmem>>, %arg6: memref<32x8x128xf32, #tpu.memory_space<vmem>>, %arg7: memref<32x128xf32, #tpu.memory_space<vmem>>, %arg8: memref<!tpu.dma_semaphore, #tpu.memory_space<semaphore_mem>>) attributes {dimension_semantics = [#tpu.dimension_semantics<core_parallel>, #tpu.dimension_semantics<subcore_parallel>], iteration_bounds = array<i64: 2, 16>, scalar_prefetch = 0 : i64, scratch_operands = 4 : i64, tpu.core_type = #tpu.core_type<sc_vector_subcore>, window_params = [{transform_indices = #map}, {transform_indices = #map1}, {transform_indices = #map}]} {
    %mul3A = arith.constant 2 : i32
    %mul3A_0 = arith.muli %arg1, %mul3A : i32
    %add3A = arith.addi %mul3A_0, %arg0 : i32
    %mul3A_1 = arith.constant 32 : i32
    %mul3A_2 = arith.muli %add3A, %mul3A_1 : i32
    "tpu.region"() ({
      %run_scoped3A = tpu.sem_alloc : memref<!tpu.dma_semaphore, #tpu.memory_space<semaphore_mem>>
      %dma_start3A_4353 = tpu.memref_slice %arg3[%mul3A_2] : memref<1024xi32, #tpu.memory_space<hbm>> -> memref<32xi32, #tpu.memory_space<hbm>>
      %dma_start3A_4354 = tpu.memref_slice %arg3[%mul3A_2] : memref<1024xi32, #tpu.memory_space<hbm>> -> memref<32xi32, #tpu.memory_space<hbm>>
      tpu.enqueue_dma source(%dma_start3A_4354 : memref<32xi32, #tpu.memory_space<hbm>>) target(%arg5 : memref<32xi32, #tpu.memory_space<vmem>>) target_semaphore(%run_scoped3A : memref<!tpu.dma_semaphore, #tpu.memory_space<semaphore_mem>>)
      %dma_wait3A_4355 = tpu.memref_slice %arg3[%mul3A_2] : memref<1024xi32, #tpu.memory_space<hbm>> -> memref<32xi32, #tpu.memory_space<hbm>>
      %dma_wait3A_4356 = tpu.memref_slice %arg3[%mul3A_2] : memref<1024xi32, #tpu.memory_space<hbm>> -> memref<32xi32, #tpu.memory_space<hbm>>
      tpu.wait_dma2 semaphore(%run_scoped3A : memref<!tpu.dma_semaphore, #tpu.memory_space<semaphore_mem>>) src(%dma_wait3A_4356 : memref<32xi32, #tpu.memory_space<hbm>>) dst(%arg5 : memref<32xi32, #tpu.memory_space<vmem>>)
      tpu.yield
    }) : () -> ()
    %get3A = arith.constant 0 : index
    %get3A_3 = tpu.vector_load %arg5[%get3A] {strides = array<i32>} : memref<32xi32, #tpu.memory_space<vmem>>, vector<16xi32>,
    %get3A_4 = vector.shape_cast %get3A_3 : vector<16xi32> to vector<16xi32>
    %slice3A = vector.extract_strided_slice %get3A_4 {offsets = [0], sizes = [1], strides = [1]} : vector<16xi32> to vector<1xi32>
    %squeeze3A = vector.extract %slice3A[0] : i32 from vector<1xi32>
    %and3A = arith.constant -128 : i32
    %and3A_5 = arith.andi %squeeze3A, %and3A : i32
    %multiple_of3A = tpu.assume_multiple %and3A_5, 128 : i32
    %add3A_6 = arith.constant 0 : i32
    %add3A_7 = arith.addi %mul3A_2, %add3A_6 : i32
    %and3A_8 = arith.constant -8 : i32
    %and3A_9 = arith.andi %add3A_7, %and3A_8 : i32
    %multiple_of3A_10 = tpu.assume_multiple %and3A_9, 8 : i32
    %dma_start3A = arith.constant 0 : i32
    %dma_start3A_11 = arith.constant 0 : i32
    %dma_start3A_12 = arith.constant 0 : i32
    %dma_start3A_13 = tpu.memref_slice %arg6[%dma_start3A, %dma_start3A_11, %dma_start3A_12] : memref<32x8x128xf32, #tpu.memory_space<vmem>> -> memref<1x8x128xf32, #tpu.memory_space<vmem>>
    %dma_start3A_14 = tpu.memref_squeeze %dma_start3A_13 : memref<1x8x128xf32, #tpu.memory_space<vmem>> -> memref<8x128xf32, #tpu.memory_space<vmem>>
    %dma_start3A_15 = tpu.memref_slice %arg2[%multiple_of3A_10, %multiple_of3A] : memref<1024x100000xf32, #tpu.memory_space<hbm>> -> memref<8x128xf32, #tpu.memory_space<hbm>>
    %dma_start3A_16 = arith.constant 0 : i32
    %dma_start3A_17 = arith.constant 0 : i32
    %dma_start3A_18 = tpu.memref_slice %arg6[%dma_start3A, %dma_start3A_16, %dma_start3A_17] : memref<32x8x128xf32, #tpu.memory_space<vmem>> -> memref<1x8x128xf32, #tpu.memory_space<vmem>>
    %dma_start3A_19 = tpu.memref_squeeze %dma_start3A_18 : memref<1x8x128xf32, #tpu.memory_space<vmem>> -> memref<8x128xf32, #tpu.memory_space<vmem>>
    %dma_start3A_20 = tpu.memref_slice %arg2[%multiple_of3A_10, %multiple_of3A] : memref<1024x100000xf32, #tpu.memory_space<hbm>> -> memref<8x128xf32, #tpu.memory_space<hbm>>
    tpu.enqueue_dma source(%dma_start3A_20 : memref<8x128xf32, #tpu.memory_space<hbm>>) target(%dma_start3A_19 : memref<8x128xf32, #tpu.memory_space<vmem>>) target_semaphore(%arg8 : memref<!tpu.dma_semaphore, #tpu.memory_space<semaphore_mem>>)
    %slice3A_21 = vector.extract_strided_slice %get3A_4 {offsets = [1], sizes = [1], strides = [1]} : vector<16xi32> to vector<1xi32>
    %squeeze3A_22 = vector.extract %slice3A_21[0] : i32 from vector<1xi32>
    %and3A_23 = arith.constant -128 : i32
    %and3A_24 = arith.andi %squeeze3A_22, %and3A_23 : i32
    %multiple_of3A_25 = tpu.assume_multiple %and3A_24, 128 : i32
    %add3A_26 = arith.constant 1 : i32
    %add3A_27 = arith.addi %mul3A_2, %add3A_26 : i32
    %and3A_28 = arith.constant -8 : i32
    %and3A_29 = arith.andi %add3A_27, %and3A_28 : i32
    %multiple_of3A_30 = tpu.assume_multiple %and3A_29, 8 : i32
    %dma_start3A_31 = arith.constant 1 : i32
    %dma_start3A_32 = arith.constant 0 : i32
    %dma_start3A_33 = arith.constant 0 : i32
    %dma_start3A_34 = tpu.memref_slice %arg6[%dma_start3A_31, %dma_start3A_32, %dma_start3A_33] : memref<32x8x128xf32, #tpu.memory_space<vmem>> -> memref<1x8x128xf32, #tpu.memory_space<vmem>>
    %dma_start3A_35 = tpu.memref_squeeze %dma_start3A_34 : memref<1x8x128xf32, #tpu.memory_space<vmem>> -> memref<8x128xf32, #tpu.memory_space<vmem>>
    %dma_start3A_36 = tpu.memref_slice %arg2[%multiple_of3A_30, %multiple_of3A_25] : memref<1024x100000xf32, #tpu.memory_space<hbm>> -> memref<8x128xf32, #tpu.memory_space<hbm>>
    %dma_start3A_37 = arith.constant 0 : i32
    %dma_start3A_38 = arith.constant 0 : i32
    %dma_start3A_39 = tpu.memref_slice %arg6[%dma_start3A_31, %dma_start3A_37, %dma_start3A_38] : memref<32x8x128xf32, #tpu.memory_space<vmem>> -> memref<1x8x128xf32, #tpu.memory_space<vmem>>
    %dma_start3A_40 = tpu.memref_squeeze %dma_start3A_39 : memref<1x8x128xf32, #tpu.memory_space<vmem>> -> memref<8x128xf32, #tpu.memory_space<vmem>>
    %dma_start3A_41 = tpu.memref_slice %arg2[%multiple_of3A_30, %multiple_of3A_25] : memref<1024x100000xf32, #tpu.memory_space<hbm>> -> memref<8x128xf32, #tpu.memory_space<hbm>>
    tpu.enqueue_dma source(%dma_start3A_41 : memref<8x128xf32, #tpu.memory_space<hbm>>) target(%dma_start3A_40 : memref<8x128xf32, #tpu.memory_space<vmem>>) target_semaphore(%arg8 : memref<!tpu.dma_semaphore, #tpu.memory_space<semaphore_mem>>)
    %slice3A_42 = vector.extract_strided_slice %get3A_4 {offsets = [2], sizes = [1], strides = [1]} : vector<16xi32> to vector<1xi32>
    %squeeze3A_43 = vector.extract %slice3A_42[0] : i32 from vector<1xi32>
    %and3A_44 = arith.constant -128 : i32
    %and3A_45 = arith.andi %squeeze3A_43, %and3A_44 : i32
    %multiple_of3A_46 = tpu.assume_multiple %and3A_45, 128 : i32
    %add3A_47 = arith.constant 2 : i32
    %add3A_48 = arith.addi %mul3A_2, %add3A_47 : i32
    %and3A_49 = arith.constant -8 : i32
    %and3A_50 = arith.andi %add3A_48, %and3A_49 : i32
    %multiple_of3A_51 = tpu.assume_multiple %and3A_50, 8 : i32
    %dma_start3A_52 = arith.constant 2 : i32
    %dma_start3A_53 = arith.constant 0 : i32
    %dma_start3A_54 = arith.constant 0 : i32
    %dma_start3A_55 = tpu.memref_slice %arg6[%dma_start3A_52, %dma_start3A_53, %dma_start3A_54] : memref<32x8x128xf32, #tpu.memory_space<vmem>> -> memref<1x8x128xf32, #tpu.memory_space<vmem>>
    %dma_start3A_56 = tpu.memref_squeeze %dma_start3A_55 : memref<1x8x128xf32, #tpu.memory_space<vmem>> -> memref<8x128xf32, #tpu.memory_space<vmem>>
    %dma_start3A_57 = tpu.memref_slice %arg2[%multiple_of3A_51, %multiple_of3A_46] : memref<1024x100000xf32, #tpu.memory_space<hbm>> -> memref<8x128xf32, #tpu.memory_space<hbm>>
    %dma_start3A_58 = arith.constant 0 : i32
    %dma_start3A_59 = arith.constant 0 : i32
    %dma_start3A_60 = tpu.memref_slice %arg6[%dma_start3A_52, %dma_start3A_58, %dma_start3A_59] : memref<32x8x128xf32, #tpu.memory_space<vmem>> -> memref<1x8x128xf32, #tpu.memory_space<vmem>>
    %dma_start3A_61 = tpu.memref_squeeze %dma_start3A_60 : memref<1x8x128xf32, #tpu.memory_space<vmem>> -> memref<8x128xf32, #tpu.memory_space<vmem>>
    %dma_start3A_62 = tpu.memref_slice %arg2[%multiple_of3A_51, %multiple_of3A_46] : memref<1024x100000xf32, #tpu.memory_space<hbm>> -> memref<8x128xf32, #tpu.memory_space<hbm>>
    tpu.enqueue_dma source(%dma_start3A_62 : memref<8x128xf32, #tpu.memory_space<hbm>>) target(%dma_start3A_61 : memref<8x128xf32, #tpu.memory_space<vmem>>) target_semaphore(%arg8 : memref<!tpu.dma_semaphore, #tpu.memory_space<semaphore_mem>>)
    %slice3A_63 = vector.extract_strided_slice %get3A_4 {offsets = [3], sizes = [1], strides = [1]} : vector<16xi32> to vector<1xi32>
    %squeeze3A_64 = vector.extract %slice3A_63[0] : i32 from vector<1xi32>
    %and3A_65 = arith.constant -128 : i32
    %and3A_66 = arith.andi %squeeze3A_64, %and3A_65 : i32
    %multiple_of3A_67 = tpu.assume_multiple %and3A_66, 128 : i32
    %add3A_68 = arith.constant 3 : i32
    %add3A_69 = arith.addi %mul3A_2, %add3A_68 : i32
    %and3A_70 = arith.constant -8 : i32
    %and3A_71 = arith.andi %add3A_69, %and3A_70 : i32
    %multiple_of3A_72 = tpu.assume_multiple %and3A_71, 8 : i32
    %dma_start3A_73 = arith.constant 3 : i32
    %dma_start3A_74 = arith.constant 0 : i32
    %dma_start3A_75 = arith.constant 0 : i32
    %dma_start3A_76 = tpu.memref_slice %arg6[%dma_start3A_73, %dma_start3A_74, %dma_start3A_75] : memref<32x8x128xf32, #tpu.memory_space<vmem>> -> memref<1x8x128xf32, #tpu.memory_space<vmem>>
    %dma_start3A_77 = tpu.memref_squeeze %dma_start3A_76 : memref<1x8x128xf32, #tpu.memory_space<vmem>> -> memref<8x128xf32, #tpu.memory_space<vmem>>
    %dma_start3A_78 = tpu.memref_slice %arg2[%multiple_of3A_72, %multiple_of3A_67] : memref<1024x100000xf32, #tpu.memory_space<hbm>> -> memref<8x128xf32, #tpu.memory_space<hbm>>
    %dma_start3A_79 = arith.constant 0 : i32
    %dma_start3A_80 = arith.constant 0 : i32
    %dma_start3A_81 = tpu.memref_slice %arg6[%dma_start3A_73, %dma_start3A_79, %dma_start3A_80] : memref<32x8x128xf32, #tpu.memory_space<vmem>> -> memref<1x8x128xf32, #tpu.memory_space<vmem>>
    %dma_start3A_82 = tpu.memref_squeeze %dma_start3A_81 : memref<1x8x128xf32, #tpu.memory_space<vmem>> -> memref<8x128xf32, #tpu.memory_space<vmem>>
    %dma_start3A_83 = tpu.memref_slice %arg2[%multiple_of3A_72, %multiple_of3A_67] : memref<1024x100000xf32, #tpu.memory_space<hbm>> -> memref<8x128xf32, #tpu.memory_space<hbm>>
    tpu.enqueue_dma source(%dma_start3A_83 : memref<8x128xf32, #tpu.memory_space<hbm>>) target(%dma_start3A_82 : memref<8x128xf32, #tpu.memory_space<vmem>>) target_semaphore(%arg8 : memref<!tpu.dma_semaphore, #tpu.memory_space<semaphore_mem>>)
    %slice3A_84 = vector.extract_strided_slice %get3A_4 {offsets = [4], sizes = [1], strides = [1]} : vector<16xi32> to vector<1xi32>
    %squeeze3A_85 = vector.extract %slice3A_84[0] : i32 from vector<1xi32>
    %and3A_86 = arith.constant -128 : i32
    %and3A_87 = arith.andi %squeeze3A_85, %and3A_86 : i32
    %multiple_of3A_88 = tpu.assume_multiple %and3A_87, 128 : i32
    %add3A_89 = arith.constant 4 : i32
    %add3A_90 = arith.addi %mul3A_2, %add3A_89 : i32
    %and3A_91 = arith.constant -8 : i32
    %and3A_92 = arith.andi %add3A_90, %and3A_91 : i32
    %multiple_of3A_93 = tpu.assume_multiple %and3A_92, 8 : i32
    %dma_start3A_94 = arith.constant 4 : i32
    %dma_start3A_95 = arith.constant 0 : i32
    %dma_start3A_96 = arith.constant 0 : i32
    %dma_start3A_97 = tpu.memref_slice %arg6[%dma_start3A_94, %dma_start3A_95, %dma_start3A_96] : memref<32x8x128xf32, #tpu.memory_space<vmem>> -> memref<1x8x128xf32, #tpu.memory_space<vmem>>
    %dma_start3A_98 = tpu.memref_squeeze %dma_start3A_97 : memref<1x8x128xf32, #tpu.memory_space<vmem>> -> memref<8x128xf32, #tpu.memory_space<vmem>>
    %dma_start3A_99 = tpu.memref_slice %arg2[%multiple_of3A_93, %multiple_of3A_88] : memref<1024x100000xf32, #tpu.memory_space<hbm>> -> memref<8x128xf32, #tpu.memory_space<hbm>>
    %dma_start3A_100 = arith.constant 0 : i32
    %dma_start3A_101 = arith.constant 0 : i32
    %dma_start3A_102 = tpu.memref_slice %arg6[%dma_start3A_94, %dma_start3A_100, %dma_start3A_101] : memref<32x8x128xf32, #tpu.memory_space<vmem>> -> memref<1x8x128xf32, #tpu.memory_space<vmem>>
    %dma_start3A_103 = tpu.memref_squeeze %dma_start3A_102 : memref<1x8x128xf32, #tpu.memory_space<vmem>> -> memref<8x128xf32, #tpu.memory_space<vmem>>
    %dma_start3A_104 = tpu.memref_slice %arg2[%multiple_of3A_93, %multiple_of3A_88] : memref<1024x100000xf32, #tpu.memory_space<hbm>> -> memref<8x128xf32, #tpu.memory_space<hbm>>
    tpu.enqueue_dma source(%dma_start3A_104 : memref<8x128xf32, #tpu.memory_space<hbm>>) target(%dma_start3A_103 : memref<8x128xf32, #tpu.memory_space<vmem>>) target_semaphore(%arg8 : memref<!tpu.dma_semaphore, #tpu.memory_space<semaphore_mem>>)
    %slice3A_105 = vector.extract_strided_slice %get3A_4 {offsets = [5], sizes = [1], strides = [1]} : vector<16xi32> to vector<1xi32>
    %squeeze3A_106 = vector.extract %slice3A_105[0] : i32 from vector<1xi32>
    %and3A_107 = arith.constant -128 : i32
    %and3A_108 = arith.andi %squeeze3A_106, %and3A_107 : i32
    %multiple_of3A_109 = tpu.assume_multiple %and3A_108, 128 : i32
    %add3A_110 = arith.constant 5 : i32
    %add3A_111 = arith.addi %mul3A_2, %add3A_110 : i32
    %and3A_112 = arith.constant -8 : i32
    %and3A_113 = arith.andi %add3A_111, %and3A_112 : i32
    %multiple_of3A_114 = tpu.assume_multiple %and3A_113, 8 : i32
    %dma_start3A_115 = arith.constant 5 : i32
    %dma_start3A_116 = arith.constant 0 : i32
    %dma_start3A_117 = arith.constant 0 : i32
    %dma_start3A_118 = tpu.memref_slice %arg6[%dma_start3A_115, %dma_start3A_116, %dma_start3A_117] : memref<32x8x128xf32, #tpu.memory_space<vmem>> -> memref<1x8x128xf32, #tpu.memory_space<vmem>>
    %dma_start3A_119 = tpu.memref_squeeze %dma_start3A_118 : memref<1x8x128xf32, #tpu.memory_space<vmem>> -> memref<8x128xf32, #tpu.memory_space<vmem>>
    %dma_start3A_120 = tpu.memref_slice %arg2[%multiple_of3A_114, %multiple_of3A_109] : memref<1024x100000xf32, #tpu.memory_space<hbm>> -> memref<8x128xf32, #tpu.memory_space<hbm>>
    %dma_start3A_121 = arith.constant 0 : i32
    %dma_start3A_122 = arith.constant 0 : i32
    %dma_start3A_123 = tpu.memref_slice %arg6[%dma_start3A_115, %dma_start3A_121, %dma_start3A_122] : memref<32x8x128xf32, #tpu.memory_space<vmem>> -> memref<1x8x128xf32, #tpu.memory_space<vmem>>
    %dma_start3A_124 = tpu.memref_squeeze %dma_start3A_123 : memref<1x8x128xf32, #tpu.memory_space<vmem>> -> memref<8x128xf32, #tpu.memory_space<vmem>>
    %dma_start3A_125 = tpu.memref_slice %arg2[%multiple_of3A_114, %multiple_of3A_109] : memref<1024x100000xf32, #tpu.memory_space<hbm>> -> memref<8x128xf32, #tpu.memory_space<hbm>>
    tpu.enqueue_dma source(%dma_start3A_125 : memref<8x128xf32, #tpu.memory_space<hbm>>) target(%dma_start3A_124 : memref<8x128xf32, #tpu.memory_space<vmem>>) target_semaphore(%arg8 : memref<!tpu.dma_semaphore, #tpu.memory_space<semaphore_mem>>)
    %slice3A_126 = vector.extract_strided_slice %get3A_4 {offsets = [6], sizes = [1], strides = [1]} : vector<16xi32> to vector<1xi32>
    %squeeze3A_127 = vector.extract %slice3A_126[0] : i32 from vector<1xi32>
    %and3A_128 = arith.constant -128 : i32
    %and3A_129 = arith.andi %squeeze3A_127, %and3A_128 : i32
    %multiple_of3A_130 = tpu.assume_multiple %and3A_129, 128 : i32
    %add3A_131 = arith.constant 6 : i32
    %add3A_132 = arith.addi %mul3A_2, %add3A_131 : i32
    %and3A_133 = arith.constant -8 : i32
    %and3A_134 = arith.andi %add3A_132, %and3A_133 : i32
    %multiple_of3A_135 = tpu.assume_multiple %and3A_134, 8 : i32
    %dma_start3A_136 = arith.constant 6 : i32
    %dma_start3A_137 = arith.constant 0 : i32
    %dma_start3A_138 = arith.constant 0 : i32
    %dma_start3A_139 = tpu.memref_slice %arg6[%dma_start3A_136, %dma_start3A_137, %dma_start3A_138] : memref<32x8x128xf32, #tpu.memory_space<vmem>> -> memref<1x8x128xf32, #tpu.memory_space<vmem>>
    %dma_start3A_140 = tpu.memref_squeeze %dma_start3A_139 : memref<1x8x128xf32, #tpu.memory_space<vmem>> -> memref<8x128xf32, #tpu.memory_space<vmem>>
    %dma_start3A_141 = tpu.memref_slice %arg2[%multiple_of3A_135, %multiple_of3A_130] : memref<1024x100000xf32, #tpu.memory_space<hbm>> -> memref<8x128xf32, #tpu.memory_space<hbm>>
    %dma_start3A_142 = arith.constant 0 : i32
    %dma_start3A_143 = arith.constant 0 : i32
    %dma_start3A_144 = tpu.memref_slice %arg6[%dma_start3A_136, %dma_start3A_142, %dma_start3A_143] : memref<32x8x128xf32, #tpu.memory_space<vmem>> -> memref<1x8x128xf32, #tpu.memory_space<vmem>>
    %dma_start3A_145 = tpu.memref_squeeze %dma_start3A_144 : memref<1x8x128xf32, #tpu.memory_space<vmem>> -> memref<8x128xf32, #tpu.memory_space<vmem>>
    %dma_start3A_146 = tpu.memref_slice %arg2[%multiple_of3A_135, %multiple_of3A_130] : memref<1024x100000xf32, #tpu.memory_space<hbm>> -> memref<8x128xf32, #tpu.memory_space<hbm>>
    tpu.enqueue_dma source(%dma_start3A_146 : memref<8x128xf32, #tpu.memory_space<hbm>>) target(%dma_start3A_145 : memref<8x128xf32, #tpu.memory_space<vmem>>) target_semaphore(%arg8 : memref<!tpu.dma_semaphore, #tpu.memory_space<semaphore_mem>>)
    %slice3A_147 = vector.extract_strided_slice %get3A_4 {offsets = [7], sizes = [1], strides = [1]} : vector<16xi32> to vector<1xi32>
    %squeeze3A_148 = vector.extract %slice3A_147[0] : i32 from vector<1xi32>
    %and3A_149 = arith.constant -128 : i32
    %and3A_150 = arith.andi %squeeze3A_148, %and3A_149 : i32
    %multiple_of3A_151 = tpu.assume_multiple %and3A_150, 128 : i32
    %add3A_152 = arith.constant 7 : i32
    %add3A_153 = arith.addi %mul3A_2, %add3A_152 : i32
    %and3A_154 = arith.constant -8 : i32
    %and3A_155 = arith.andi %add3A_153, %and3A_154 : i32
    %multiple_of3A_156 = tpu.assume_multiple %and3A_155, 8 : i32
    %dma_start3A_157 = arith.constant 7 : i32
    %dma_start3A_158 = arith.constant 0 : i32
    %dma_start3A_159 = arith.constant 0 : i32
    %dma_start3A_160 = tpu.memref_slice %arg6[%dma_start3A_157, %dma_start3A_158, %dma_start3A_159] : memref<32x8x128xf32, #tpu.memory_space<vmem>> -> memref<1x8x128xf32, #tpu.memory_space<vmem>>
    %dma_start3A_161 = tpu.memref_squeeze %dma_start3A_160 : memref<1x8x128xf32, #tpu.memory_space<vmem>> -> memref<8x128xf32, #tpu.memory_space<vmem>>
    %dma_start3A_162 = tpu.memref_slice %arg2[%multiple_of3A_156, %multiple_of3A_151] : memref<1024x100000xf32, #tpu.memory_space<hbm>> -> memref<8x128xf32, #tpu.memory_space<hbm>>
    %dma_start3A_163 = arith.constant 0 : i32
    %dma_start3A_164 = arith.constant 0 : i32
    %dma_start3A_165 = tpu.memref_slice %arg6[%dma_start3A_157, %dma_start3A_163, %dma_start3A_164] : memref<32x8x128xf32, #tpu.memory_space<vmem>> -> memref<1x8x128xf32, #tpu.memory_space<vmem>>
    %dma_start3A_166 = tpu.memref_squeeze %dma_start3A_165 : memref<1x8x128xf32, #tpu.memory_space<vmem>> -> memref<8x128xf32, #tpu.memory_space<vmem>>
    %dma_start3A_167 = tpu.memref_slice %arg2[%multiple_of3A_156, %multiple_of3A_151] : memref<1024x100000xf32, #tpu.memory_space<hbm>> -> memref<8x128xf32, #tpu.memory_space<hbm>>
    tpu.enqueue_dma source(%dma_start3A_167 : memref<8x128xf32, #tpu.memory_space<hbm>>) target(%dma_start3A_166 : memref<8x128xf32, #tpu.memory_space<vmem>>) target_semaphore(%arg8 : memref<!tpu.dma_semaphore, #tpu.memory_space<semaphore_mem>>)
    %slice3A_168 = vector.extract_strided_slice %get3A_4 {offsets = [8], sizes = [1], strides = [1]} : vector<16xi32> to vector<1xi32>
    %squeeze3A_169 = vector.extract %slice3A_168[0] : i32 from vector<1xi32>
    %and3A_170 = arith.constant -128 : i32
    %and3A_171 = arith.andi %squeeze3A_169, %and3A_170 : i32
    %multiple_of3A_172 = tpu.assume_multiple %and3A_171, 128 : i32
    %add3A_173 = arith.constant 8 : i32
    %add3A_174 = arith.addi %mul3A_2, %add3A_173 : i32
    %and3A_175 = arith.constant -8 : i32
    %and3A_176 = arith.andi %add3A_174, %and3A_175 : i32
    %multiple_of3A_177 = tpu.assume_multiple %and3A_176, 8 : i32
    %dma_start3A_178 = arith.constant 8 : i32
    %dma_start3A_179 = arith.constant 0 : i32
    %dma_start3A_180 = arith.constant 0 : i32
    %dma_start3A_181 = tpu.memref_slice %arg6[%dma_start3A_178, %dma_start3A_179, %dma_start3A_180] : memref<32x8x128xf32, #tpu.memory_space<vmem>> -> memref<1x8x128xf32, #tpu.memory_space<vmem>>
    %dma_start3A_182 = tpu.memref_squeeze %dma_start3A_181 : memref<1x8x128xf32, #tpu.memory_space<vmem>> -> memref<8x128xf32, #tpu.memory_space<vmem>>
    %dma_start3A_183 = tpu.memref_slice %arg2[%multiple_of3A_177, %multiple_of3A_172] : memref<1024x100000xf32, #tpu.memory_space<hbm>> -> memref<8x128xf32, #tpu.memory_space<hbm>>
    %dma_start3A_184 = arith.constant 0 : i32
    %dma_start3A_185 = arith.constant 0 : i32
    %dma_start3A_186 = tpu.memref_slice %arg6[%dma_start3A_178, %dma_start3A_184, %dma_start3A_185] : memref<32x8x128xf32, #tpu.memory_space<vmem>> -> memref<1x8x128xf32, #tpu.memory_space<vmem>>
    %dma_start3A_187 = tpu.memref_squeeze %dma_start3A_186 : memref<1x8x128xf32, #tpu.memory_space<vmem>> -> memref<8x128xf32, #tpu.memory_space<vmem>>
    %dma_start3A_188 = tpu.memref_slice %arg2[%multiple_of3A_177, %multiple_of3A_172] : memref<1024x100000xf32, #tpu.memory_space<hbm>> -> memref<8x128xf32, #tpu.memory_space<hbm>>
    tpu.enqueue_dma source(%dma_start3A_188 : memref<8x128xf32, #tpu.memory_space<hbm>>) target(%dma_start3A_187 : memref<8x128xf32, #tpu.memory_space<vmem>>) target_semaphore(%arg8 : memref<!tpu.dma_semaphore, #tpu.memory_space<semaphore_mem>>)
    %slice3A_189 = vector.extract_strided_slice %get3A_4 {offsets = [9], sizes = [1], strides = [1]} : vector<16xi32> to vector<1xi32>
    %squeeze3A_190 = vector.extract %slice3A_189[0] : i32 from vector<1xi32>
    %and3A_191 = arith.constant -128 : i32
    %and3A_192 = arith.andi %squeeze3A_190, %and3A_191 : i32
    %multiple_of3A_193 = tpu.assume_multiple %and3A_192, 128 : i32
    %add3A_194 = arith.constant 9 : i32
    %add3A_195 = arith.addi %mul3A_2, %add3A_194 : i32
    %and3A_196 = arith.constant -8 : i32
    %and3A_197 = arith.andi %add3A_195, %and3A_196 : i32
    %multiple_of3A_198 = tpu.assume_multiple %and3A_197, 8 : i32
    %dma_start3A_199 = arith.constant 9 : i32
    %dma_start3A_200 = arith.constant 0 : i32
    %dma_start3A_201 = arith.constant 0 : i32
    %dma_start3A_202 = tpu.memref_slice %arg6[%dma_start3A_199, %dma_start3A_200, %dma_start3A_201] : memref<32x8x128xf32, #tpu.memory_space<vmem>> -> memref<1x8x128xf32, #tpu.memory_space<vmem>>
    %dma_start3A_203 = tpu.memref_squeeze %dma_start3A_202 : memref<1x8x128xf32, #tpu.memory_space<vmem>> -> memref<8x128xf32, #tpu.memory_space<vmem>>
    %dma_start3A_204 = tpu.memref_slice %arg2[%multiple_of3A_198, %multiple_of3A_193] : memref<1024x100000xf32, #tpu.memory_space<hbm>> -> memref<8x128xf32, #tpu.memory_space<hbm>>
    %dma_start3A_205 = arith.constant 0 : i32
    %dma_start3A_206 = arith.constant 0 : i32
    %dma_start3A_207 = tpu.memref_slice %arg6[%dma_start3A_199, %dma_start3A_205, %dma_start3A_206] : memref<32x8x128xf32, #tpu.memory_space<vmem>> -> memref<1x8x128xf32, #tpu.memory_space<vmem>>
    %dma_start3A_208 = tpu.memref_squeeze %dma_start3A_207 : memref<1x8x128xf32, #tpu.memory_space<vmem>> -> memref<8x128xf32, #tpu.memory_space<vmem>>
    %dma_start3A_209 = tpu.memref_slice %arg2[%multiple_of3A_198, %multiple_of3A_193] : memref<1024x100000xf32, #tpu.memory_space<hbm>> -> memref<8x128xf32, #tpu.memory_space<hbm>>
    tpu.enqueue_dma source(%dma_start3A_209 : memref<8x128xf32, #tpu.memory_space<hbm>>) target(%dma_start3A_208 : memref<8x128xf32, #tpu.memory_space<vmem>>) target_semaphore(%arg8 : memref<!tpu.dma_semaphore, #tpu.memory_space<semaphore_mem>>)
    %slice3A_210 = vector.extract_strided_slice %get3A_4 {offsets = [10], sizes = [1], strides = [1]} : vector<16xi32> to vector<1xi32>
    %squeeze3A_211 = vector.extract %slice3A_210[0] : i32 from vector<1xi32>
    %and3A_212 = arith.constant -128 : i32
    %and3A_213 = arith.andi %squeeze3A_211, %and3A_212 : i32
    %multiple_of3A_214 = tpu.assume_multiple %and3A_213, 128 : i32
    %add3A_215 = arith.constant 10 : i32
    %add3A_216 = arith.addi %mul3A_2, %add3A_215 : i32
    %and3A_217 = arith.constant -8 : i32
    %and3A_218 = arith.andi %add3A_216, %and3A_217 : i32
    %multiple_of3A_219 = tpu.assume_multiple %and3A_218, 8 : i32
    %dma_start3A_220 = arith.constant 10 : i32
    %dma_start3A_221 = arith.constant 0 : i32
    %dma_start3A_222 = arith.constant 0 : i32
    %dma_start3A_223 = tpu.memref_slice %arg6[%dma_start3A_220, %dma_start3A_221, %dma_start3A_222] : memref<32x8x128xf32, #tpu.memory_space<vmem>> -> memref<1x8x128xf32, #tpu.memory_space<vmem>>
    %dma_start3A_224 = tpu.memref_squeeze %dma_start3A_223 : memref<1x8x128xf32, #tpu.memory_space<vmem>> -> memref<8x128xf32, #tpu.memory_space<vmem>>
    %dma_start3A_225 = tpu.memref_slice %arg2[%multiple_of3A_219, %multiple_of3A_214] : memref<1024x100000xf32, #tpu.memory_space<hbm>> -> memref<8x128xf32, #tpu.memory_space<hbm>>
    %dma_start3A_226 = arith.constant 0 : i32
    %dma_start3A_227 = arith.constant 0 : i32
    %dma_start3A_228 = tpu.memref_slice %arg6[%dma_start3A_220, %dma_start3A_226, %dma_start3A_227] : memref<32x8x128xf32, #tpu.memory_space<vmem>> -> memref<1x8x128xf32, #tpu.memory_space<vmem>>
    %dma_start3A_229 = tpu.memref_squeeze %dma_start3A_228 : memref<1x8x128xf32, #tpu.memory_space<vmem>> -> memref<8x128xf32, #tpu.memory_space<vmem>>
    %dma_start3A_230 = tpu.memref_slice %arg2[%multiple_of3A_219, %multiple_of3A_214] : memref<1024x100000xf32, #tpu.memory_space<hbm>> -> memref<8x128xf32, #tpu.memory_space<hbm>>
    tpu.enqueue_dma source(%dma_start3A_230 : memref<8x128xf32, #tpu.memory_space<hbm>>) target(%dma_start3A_229 : memref<8x128xf32, #tpu.memory_space<vmem>>) target_semaphore(%arg8 : memref<!tpu.dma_semaphore, #tpu.memory_space<semaphore_mem>>)
    %slice3A_231 = vector.extract_strided_slice %get3A_4 {offsets = [11], sizes = [1], strides = [1]} : vector<16xi32> to vector<1xi32>
    %squeeze3A_232 = vector.extract %slice3A_231[0] : i32 from vector<1xi32>
    %and3A_233 = arith.constant -128 : i32
    %and3A_234 = arith.andi %squeeze3A_232, %and3A_233 : i32
    %multiple_of3A_235 = tpu.assume_multiple %and3A_234, 128 : i32
    %add3A_236 = arith.constant 11 : i32
    %add3A_237 = arith.addi %mul3A_2, %add3A_236 : i32
    %and3A_238 = arith.constant -8 : i32
    %and3A_239 = arith.andi %add3A_237, %and3A_238 : i32
    %multiple_of3A_240 = tpu.assume_multiple %and3A_239, 8 : i32
    %dma_start3A_241 = arith.constant 11 : i32
    %dma_start3A_242 = arith.constant 0 : i32
    %dma_start3A_243 = arith.constant 0 : i32
    %dma_start3A_244 = tpu.memref_slice %arg6[%dma_start3A_241, %dma_start3A_242, %dma_start3A_243] : memref<32x8x128xf32, #tpu.memory_space<vmem>> -> memref<1x8x128xf32, #tpu.memory_space<vmem>>
    %dma_start3A_245 = tpu.memref_squeeze %dma_start3A_244 : memref<1x8x128xf32, #tpu.memory_space<vmem>> -> memref<8x128xf32, #tpu.memory_space<vmem>>
    %dma_start3A_246 = tpu.memref_slice %arg2[%multiple_of3A_240, %multiple_of3A_235] : memref<1024x100000xf32, #tpu.memory_space<hbm>> -> memref<8x128xf32, #tpu.memory_space<hbm>>
    %dma_start3A_247 = arith.constant 0 : i32
    %dma_start3A_248 = arith.constant 0 : i32
    %dma_start3A_249 = tpu.memref_slice %arg6[%dma_start3A_241, %dma_start3A_247, %dma_start3A_248] : memref<32x8x128xf32, #tpu.memory_space<vmem>> -> memref<1x8x128xf32, #tpu.memory_space<vmem>>
    %dma_start3A_250 = tpu.memref_squeeze %dma_start3A_249 : memref<1x8x128xf32, #tpu.memory_space<vmem>> -> memref<8x128xf32, #tpu.memory_space<vmem>>
    %dma_start3A_251 = tpu.memref_slice %arg2[%multiple_of3A_240, %multiple_of3A_235] : memref<1024x100000xf32, #tpu.memory_space<hbm>> -> memref<8x128xf32, #tpu.memory_space<hbm>>
    tpu.enqueue_dma source(%dma_start3A_251 : memref<8x128xf32, #tpu.memory_space<hbm>>) target(%dma_start3A_250 : memref<8x128xf32, #tpu.memory_space<vmem>>) target_semaphore(%arg8 : memref<!tpu.dma_semaphore, #tpu.memory_space<semaphore_mem>>)
    %slice3A_252 = vector.extract_strided_slice %get3A_4 {offsets = [12], sizes = [1], strides = [1]} : vector<16xi32> to vector<1xi32>
    %squeeze3A_253 = vector.extract %slice3A_252[0] : i32 from vector<1xi32>
    %and3A_254 = arith.constant -128 : i32
    %and3A_255 = arith.andi %squeeze3A_253, %and3A_254 : i32
    %multiple_of3A_256 = tpu.assume_multiple %and3A_255, 128 : i32
    %add3A_257 = arith.constant 12 : i32
    %add3A_258 = arith.addi %mul3A_2, %add3A_257 : i32
    %and3A_259 = arith.constant -8 : i32
    %and3A_260 = arith.andi %add3A_258, %and3A_259 : i32
    %multiple_of3A_261 = tpu.assume_multiple %and3A_260, 8 : i32
    %dma_start3A_262 = arith.constant 12 : i32
    %dma_start3A_263 = arith.constant 0 : i32
    %dma_start3A_264 = arith.constant 0 : i32
    %dma_start3A_265 = tpu.memref_slice %arg6[%dma_start3A_262, %dma_start3A_263, %dma_start3A_264] : memref<32x8x128xf32, #tpu.memory_space<vmem>> -> memref<1x8x128xf32, #tpu.memory_space<vmem>>
    %dma_start3A_266 = tpu.memref_squeeze %dma_start3A_265 : memref<1x8x128xf32, #tpu.memory_space<vmem>> -> memref<8x128xf32, #tpu.memory_space<vmem>>
    %dma_start3A_267 = tpu.memref_slice %arg2[%multiple_of3A_261, %multiple_of3A_256] : memref<1024x100000xf32, #tpu.memory_space<hbm>> -> memref<8x128xf32, #tpu.memory_space<hbm>>
    %dma_start3A_268 = arith.constant 0 : i32
    %dma_start3A_269 = arith.constant 0 : i32
    %dma_start3A_270 = tpu.memref_slice %arg6[%dma_start3A_262, %dma_start3A_268, %dma_start3A_269] : memref<32x8x128xf32, #tpu.memory_space<vmem>> -> memref<1x8x128xf32, #tpu.memory_space<vmem>>
    %dma_start3A_271 = tpu.memref_squeeze %dma_start3A_270 : memref<1x8x128xf32, #tpu.memory_space<vmem>> -> memref<8x128xf32, #tpu.memory_space<vmem>>
    %dma_start3A_272 = tpu.memref_slice %arg2[%multiple_of3A_261, %multiple_of3A_256] : memref<1024x100000xf32, #tpu.memory_space<hbm>> -> memref<8x128xf32, #tpu.memory_space<hbm>>
    tpu.enqueue_dma source(%dma_start3A_272 : memref<8x128xf32, #tpu.memory_space<hbm>>) target(%dma_start3A_271 : memref<8x128xf32, #tpu.memory_space<vmem>>) target_semaphore(%arg8 : memref<!tpu.dma_semaphore, #tpu.memory_space<semaphore_mem>>)
    %slice3A_273 = vector.extract_strided_slice %get3A_4 {offsets = [13], sizes = [1], strides = [1]} : vector<16xi32> to vector<1xi32>
    %squeeze3A_274 = vector.extract %slice3A_273[0] : i32 from vector<1xi32>
    %and3A_275 = arith.constant -128 : i32
    %and3A_276 = arith.andi %squeeze3A_274, %and3A_275 : i32
    %multiple_of3A_277 = tpu.assume_multiple %and3A_276, 128 : i32
    %add3A_278 = arith.constant 13 : i32
    %add3A_279 = arith.addi %mul3A_2, %add3A_278 : i32
    %and3A_280 = arith.constant -8 : i32
    %and3A_281 = arith.andi %add3A_279, %and3A_280 : i32
    %multiple_of3A_282 = tpu.assume_multiple %and3A_281, 8 : i32
    %dma_start3A_283 = arith.constant 13 : i32
    %dma_start3A_284 = arith.constant 0 : i32
    %dma_start3A_285 = arith.constant 0 : i32
    %dma_start3A_286 = tpu.memref_slice %arg6[%dma_start3A_283, %dma_start3A_284, %dma_start3A_285] : memref<32x8x128xf32, #tpu.memory_space<vmem>> -> memref<1x8x128xf32, #tpu.memory_space<vmem>>
    %dma_start3A_287 = tpu.memref_squeeze %dma_start3A_286 : memref<1x8x128xf32, #tpu.memory_space<vmem>> -> memref<8x128xf32, #tpu.memory_space<vmem>>
    %dma_start3A_288 = tpu.memref_slice %arg2[%multiple_of3A_282, %multiple_of3A_277] : memref<1024x100000xf32, #tpu.memory_space<hbm>> -> memref<8x128xf32, #tpu.memory_space<hbm>>
    %dma_start3A_289 = arith.constant 0 : i32
    %dma_start3A_290 = arith.constant 0 : i32
    %dma_start3A_291 = tpu.memref_slice %arg6[%dma_start3A_283, %dma_start3A_289, %dma_start3A_290] : memref<32x8x128xf32, #tpu.memory_space<vmem>> -> memref<1x8x128xf32, #tpu.memory_space<vmem>>
    %dma_start3A_292 = tpu.memref_squeeze %dma_start3A_291 : memref<1x8x128xf32, #tpu.memory_space<vmem>> -> memref<8x128xf32, #tpu.memory_space<vmem>>
    %dma_start3A_293 = tpu.memref_slice %arg2[%multiple_of3A_282, %multiple_of3A_277] : memref<1024x100000xf32, #tpu.memory_space<hbm>> -> memref<8x128xf32, #tpu.memory_space<hbm>>
    tpu.enqueue_dma source(%dma_start3A_293 : memref<8x128xf32, #tpu.memory_space<hbm>>) target(%dma_start3A_292 : memref<8x128xf32, #tpu.memory_space<vmem>>) target_semaphore(%arg8 : memref<!tpu.dma_semaphore, #tpu.memory_space<semaphore_mem>>)
    %slice3A_294 = vector.extract_strided_slice %get3A_4 {offsets = [14], sizes = [1], strides = [1]} : vector<16xi32> to vector<1xi32>
    %squeeze3A_295 = vector.extract %slice3A_294[0] : i32 from vector<1xi32>
    %and3A_296 = arith.constant -128 : i32
    %and3A_297 = arith.andi %squeeze3A_295, %and3A_296 : i32
    %multiple_of3A_298 = tpu.assume_multiple %and3A_297, 128 : i32
    %add3A_299 = arith.constant 14 : i32
    %add3A_300 = arith.addi %mul3A_2, %add3A_299 : i32
    %and3A_301 = arith.constant -8 : i32
    %and3A_302 = arith.andi %add3A_300, %and3A_301 : i32
    %multiple_of3A_303 = tpu.assume_multiple %and3A_302, 8 : i32
    %dma_start3A_304 = arith.constant 14 : i32
    %dma_start3A_305 = arith.constant 0 : i32
    %dma_start3A_306 = arith.constant 0 : i32
    %dma_start3A_307 = tpu.memref_slice %arg6[%dma_start3A_304, %dma_start3A_305, %dma_start3A_306] : memref<32x8x128xf32, #tpu.memory_space<vmem>> -> memref<1x8x128xf32, #tpu.memory_space<vmem>>
    %dma_start3A_308 = tpu.memref_squeeze %dma_start3A_307 : memref<1x8x128xf32, #tpu.memory_space<vmem>> -> memref<8x128xf32, #tpu.memory_space<vmem>>
    %dma_start3A_309 = tpu.memref_slice %arg2[%multiple_of3A_303, %multiple_of3A_298] : memref<1024x100000xf32, #tpu.memory_space<hbm>> -> memref<8x128xf32, #tpu.memory_space<hbm>>
    %dma_start3A_310 = arith.constant 0 : i32
    %dma_start3A_311 = arith.constant 0 : i32
    %dma_start3A_312 = tpu.memref_slice %arg6[%dma_start3A_304, %dma_start3A_310, %dma_start3A_311] : memref<32x8x128xf32, #tpu.memory_space<vmem>> -> memref<1x8x128xf32, #tpu.memory_space<vmem>>
    %dma_start3A_313 = tpu.memref_squeeze %dma_start3A_312 : memref<1x8x128xf32, #tpu.memory_space<vmem>> -> memref<8x128xf32, #tpu.memory_space<vmem>>
    %dma_start3A_314 = tpu.memref_slice %arg2[%multiple_of3A_303, %multiple_of3A_298] : memref<1024x100000xf32, #tpu.memory_space<hbm>> -> memref<8x128xf32, #tpu.memory_space<hbm>>
    tpu.enqueue_dma source(%dma_start3A_314 : memref<8x128xf32, #tpu.memory_space<hbm>>) target(%dma_start3A_313 : memref<8x128xf32, #tpu.memory_space<vmem>>) target_semaphore(%arg8 : memref<!tpu.dma_semaphore, #tpu.memory_space<semaphore_mem>>)
    %slice3A_315 = vector.extract_strided_slice %get3A_4 {offsets = [15], sizes = [1], strides = [1]} : vector<16xi32> to vector<1xi32>
    %squeeze3A_316 = vector.extract %slice3A_315[0] : i32 from vector<1xi32>
    %and3A_317 = arith.constant -128 : i32
    %and3A_318 = arith.andi %squeeze3A_316, %and3A_317 : i32
    %multiple_of3A_319 = tpu.assume_multiple %and3A_318, 128 : i32
    %add3A_320 = arith.constant 15 : i32
    %add3A_321 = arith.addi %mul3A_2, %add3A_320 : i32
    %and3A_322 = arith.constant -8 : i32
    %and3A_323 = arith.andi %add3A_321, %and3A_322 : i32
    %multiple_of3A_324 = tpu.assume_multiple %and3A_323, 8 : i32
    %dma_start3A_325 = arith.constant 15 : i32
    %dma_start3A_326 = arith.constant 0 : i32
    %dma_start3A_327 = arith.constant 0 : i32
    %dma_start3A_328 = tpu.memref_slice %arg6[%dma_start3A_325, %dma_start3A_326, %dma_start3A_327] : memref<32x8x128xf32, #tpu.memory_space<vmem>> -> memref<1x8x128xf32, #tpu.memory_space<vmem>>
    %dma_start3A_329 = tpu.memref_squeeze %dma_start3A_328 : memref<1x8x128xf32, #tpu.memory_space<vmem>> -> memref<8x128xf32, #tpu.memory_space<vmem>>
    %dma_start3A_330 = tpu.memref_slice %arg2[%multiple_of3A_324, %multiple_of3A_319] : memref<1024x100000xf32, #tpu.memory_space<hbm>> -> memref<8x128xf32, #tpu.memory_space<hbm>>
    %dma_start3A_331 = arith.constant 0 : i32
    %dma_start3A_332 = arith.constant 0 : i32
    %dma_start3A_333 = tpu.memref_slice %arg6[%dma_start3A_325, %dma_start3A_331, %dma_start3A_332] : memref<32x8x128xf32, #tpu.memory_space<vmem>> -> memref<1x8x128xf32, #tpu.memory_space<vmem>>
    %dma_start3A_334 = tpu.memref_squeeze %dma_start3A_333 : memref<1x8x128xf32, #tpu.memory_space<vmem>> -> memref<8x128xf32, #tpu.memory_space<vmem>>
    %dma_start3A_335 = tpu.memref_slice %arg2[%multiple_of3A_324, %multiple_of3A_319] : memref<1024x100000xf32, #tpu.memory_space<hbm>> -> memref<8x128xf32, #tpu.memory_space<hbm>>
    tpu.enqueue_dma source(%dma_start3A_335 : memref<8x128xf32, #tpu.memory_space<hbm>>) target(%dma_start3A_334 : memref<8x128xf32, #tpu.memory_space<vmem>>) target_semaphore(%arg8 : memref<!tpu.dma_semaphore, #tpu.memory_space<semaphore_mem>>)
    %get3A_336 = arith.constant 16 : index
    %get3A_337 = tpu.vector_load %arg5[%get3A_336] {strides = array<i32>} : memref<32xi32, #tpu.memory_space<vmem>>, vector<16xi32>,
    %get3A_338 = vector.shape_cast %get3A_337 : vector<16xi32> to vector<16xi32>
    %slice3A_339 = vector.extract_strided_slice %get3A_338 {offsets = [0], sizes = [1], strides = [1]} : vector<16xi32> to vector<1xi32>
    %squeeze3A_340 = vector.extract %slice3A_339[0] : i32 from vector<1xi32>
    %and3A_341 = arith.constant -128 : i32
    %and3A_342 = arith.andi %squeeze3A_340, %and3A_341 : i32
    %multiple_of3A_343 = tpu.assume_multiple %and3A_342, 128 : i32
    %add3A_344 = arith.constant 16 : i32
    %add3A_345 = arith.addi %mul3A_2, %add3A_344 : i32
    %and3A_346 = arith.constant -8 : i32
    %and3A_347 = arith.andi %add3A_345, %and3A_346 : i32
    %multiple_of3A_348 = tpu.assume_multiple %and3A_347, 8 : i32
    %dma_start3A_349 = arith.constant 16 : i32
    %dma_start3A_350 = arith.constant 0 : i32
    %dma_start3A_351 = arith.constant 0 : i32
    %dma_start3A_352 = tpu.memref_slice %arg6[%dma_start3A_349, %dma_start3A_350, %dma_start3A_351] : memref<32x8x128xf32, #tpu.memory_space<vmem>> -> memref<1x8x128xf32, #tpu.memory_space<vmem>>
    %dma_start3A_353 = tpu.memref_squeeze %dma_start3A_352 : memref<1x8x128xf32, #tpu.memory_space<vmem>> -> memref<8x128xf32, #tpu.memory_space<vmem>>
    %dma_start3A_354 = tpu.memref_slice %arg2[%multiple_of3A_348, %multiple_of3A_343] : memref<1024x100000xf32, #tpu.memory_space<hbm>> -> memref<8x128xf32, #tpu.memory_space<hbm>>
    %dma_start3A_355 = arith.constant 0 : i32
    %dma_start3A_356 = arith.constant 0 : i32
    %dma_start3A_357 = tpu.memref_slice %arg6[%dma_start3A_349, %dma_start3A_355, %dma_start3A_356] : memref<32x8x128xf32, #tpu.memory_space<vmem>> -> memref<1x8x128xf32, #tpu.memory_space<vmem>>
    %dma_start3A_358 = tpu.memref_squeeze %dma_start3A_357 : memref<1x8x128xf32, #tpu.memory_space<vmem>> -> memref<8x128xf32, #tpu.memory_space<vmem>>
    %dma_start3A_359 = tpu.memref_slice %arg2[%multiple_of3A_348, %multiple_of3A_343] : memref<1024x100000xf32, #tpu.memory_space<hbm>> -> memref<8x128xf32, #tpu.memory_space<hbm>>
    tpu.enqueue_dma source(%dma_start3A_359 : memref<8x128xf32, #tpu.memory_space<hbm>>) target(%dma_start3A_358 : memref<8x128xf32, #tpu.memory_space<vmem>>) target_semaphore(%arg8 : memref<!tpu.dma_semaphore, #tpu.memory_space<semaphore_mem>>)
    %slice3A_360 = vector.extract_strided_slice %get3A_338 {offsets = [1], sizes = [1], strides = [1]} : vector<16xi32> to vector<1xi32>
    %squeeze3A_361 = vector.extract %slice3A_360[0] : i32 from vector<1xi32>
    %and3A_362 = arith.constant -128 : i32
    %and3A_363 = arith.andi %squeeze3A_361, %and3A_362 : i32
    %multiple_of3A_364 = tpu.assume_multiple %and3A_363, 128 : i32
    %add3A_365 = arith.constant 17 : i32
    %add3A_366 = arith.addi %mul3A_2, %add3A_365 : i32
    %and3A_367 = arith.constant -8 : i32
    %and3A_368 = arith.andi %add3A_366, %and3A_367 : i32
    %multiple_of3A_369 = tpu.assume_multiple %and3A_368, 8 : i32
    %dma_start3A_370 = arith.constant 17 : i32
    %dma_start3A_371 = arith.constant 0 : i32
    %dma_start3A_372 = arith.constant 0 : i32
    %dma_start3A_373 = tpu.memref_slice %arg6[%dma_start3A_370, %dma_start3A_371, %dma_start3A_372] : memref<32x8x128xf32, #tpu.memory_space<vmem>> -> memref<1x8x128xf32, #tpu.memory_space<vmem>>
    %dma_start3A_374 = tpu.memref_squeeze %dma_start3A_373 : memref<1x8x128xf32, #tpu.memory_space<vmem>> -> memref<8x128xf32, #tpu.memory_space<vmem>>
    %dma_start3A_375 = tpu.memref_slice %arg2[%multiple_of3A_369, %multiple_of3A_364] : memref<1024x100000xf32, #tpu.memory_space<hbm>> -> memref<8x128xf32, #tpu.memory_space<hbm>>
    %dma_start3A_376 = arith.constant 0 : i32
    %dma_start3A_377 = arith.constant 0 : i32
    %dma_start3A_378 = tpu.memref_slice %arg6[%dma_start3A_370, %dma_start3A_376, %dma_start3A_377] : memref<32x8x128xf32, #tpu.memory_space<vmem>> -> memref<1x8x128xf32, #tpu.memory_space<vmem>>
    %dma_start3A_379 = tpu.memref_squeeze %dma_start3A_378 : memref<1x8x128xf32, #tpu.memory_space<vmem>> -> memref<8x128xf32, #tpu.memory_space<vmem>>
    %dma_start3A_380 = tpu.memref_slice %arg2[%multiple_of3A_369, %multiple_of3A_364] : memref<1024x100000xf32, #tpu.memory_space<hbm>> -> memref<8x128xf32, #tpu.memory_space<hbm>>
    tpu.enqueue_dma source(%dma_start3A_380 : memref<8x128xf32, #tpu.memory_space<hbm>>) target(%dma_start3A_379 : memref<8x128xf32, #tpu.memory_space<vmem>>) target_semaphore(%arg8 : memref<!tpu.dma_semaphore, #tpu.memory_space<semaphore_mem>>)
    %slice3A_381 = vector.extract_strided_slice %get3A_338 {offsets = [2], sizes = [1], strides = [1]} : vector<16xi32> to vector<1xi32>
    %squeeze3A_382 = vector.extract %slice3A_381[0] : i32 from vector<1xi32>
    %and3A_383 = arith.constant -128 : i32
    %and3A_384 = arith.andi %squeeze3A_382, %and3A_383 : i32
    %multiple_of3A_385 = tpu.assume_multiple %and3A_384, 128 : i32
    %add3A_386 = arith.constant 18 : i32
    %add3A_387 = arith.addi %mul3A_2, %add3A_386 : i32
    %and3A_388 = arith.constant -8 : i32
    %and3A_389 = arith.andi %add3A_387, %and3A_388 : i32
    %multiple_of3A_390 = tpu.assume_multiple %and3A_389, 8 : i32
    %dma_start3A_391 = arith.constant 18 : i32
    %dma_start3A_392 = arith.constant 0 : i32
    %dma_start3A_393 = arith.constant 0 : i32
    %dma_start3A_394 = tpu.memref_slice %arg6[%dma_start3A_391, %dma_start3A_392, %dma_start3A_393] : memref<32x8x128xf32, #tpu.memory_space<vmem>> -> memref<1x8x128xf32, #tpu.memory_space<vmem>>
    %dma_start3A_395 = tpu.memref_squeeze %dma_start3A_394 : memref<1x8x128xf32, #tpu.memory_space<vmem>> -> memref<8x128xf32, #tpu.memory_space<vmem>>
    %dma_start3A_396 = tpu.memref_slice %arg2[%multiple_of3A_390, %multiple_of3A_385] : memref<1024x100000xf32, #tpu.memory_space<hbm>> -> memref<8x128xf32, #tpu.memory_space<hbm>>
    %dma_start3A_397 = arith.constant 0 : i32
    %dma_start3A_398 = arith.constant 0 : i32
    %dma_start3A_399 = tpu.memref_slice %arg6[%dma_start3A_391, %dma_start3A_397, %dma_start3A_398] : memref<32x8x128xf32, #tpu.memory_space<vmem>> -> memref<1x8x128xf32, #tpu.memory_space<vmem>>
    %dma_start3A_400 = tpu.memref_squeeze %dma_start3A_399 : memref<1x8x128xf32, #tpu.memory_space<vmem>> -> memref<8x128xf32, #tpu.memory_space<vmem>>
    %dma_start3A_401 = tpu.memref_slice %arg2[%multiple_of3A_390, %multiple_of3A_385] : memref<1024x100000xf32, #tpu.memory_space<hbm>> -> memref<8x128xf32, #tpu.memory_space<hbm>>
    tpu.enqueue_dma source(%dma_start3A_401 : memref<8x128xf32, #tpu.memory_space<hbm>>) target(%dma_start3A_400 : memref<8x128xf32, #tpu.memory_space<vmem>>) target_semaphore(%arg8 : memref<!tpu.dma_semaphore, #tpu.memory_space<semaphore_mem>>)
    %slice3A_402 = vector.extract_strided_slice %get3A_338 {offsets = [3], sizes = [1], strides = [1]} : vector<16xi32> to vector<1xi32>
    %squeeze3A_403 = vector.extract %slice3A_402[0] : i32 from vector<1xi32>
    %and3A_404 = arith.constant -128 : i32
    %and3A_405 = arith.andi %squeeze3A_403, %and3A_404 : i32
    %multiple_of3A_406 = tpu.assume_multiple %and3A_405, 128 : i32
    %add3A_407 = arith.constant 19 : i32
    %add3A_408 = arith.addi %mul3A_2, %add3A_407 : i32
    %and3A_409 = arith.constant -8 : i32
    %and3A_410 = arith.andi %add3A_408, %and3A_409 : i32
    %multiple_of3A_411 = tpu.assume_multiple %and3A_410, 8 : i32
    %dma_start3A_412 = arith.constant 19 : i32
    %dma_start3A_413 = arith.constant 0 : i32
    %dma_start3A_414 = arith.constant 0 : i32
    %dma_start3A_415 = tpu.memref_slice %arg6[%dma_start3A_412, %dma_start3A_413, %dma_start3A_414] : memref<32x8x128xf32, #tpu.memory_space<vmem>> -> memref<1x8x128xf32, #tpu.memory_space<vmem>>
    %dma_start3A_416 = tpu.memref_squeeze %dma_start3A_415 : memref<1x8x128xf32, #tpu.memory_space<vmem>> -> memref<8x128xf32, #tpu.memory_space<vmem>>
    %dma_start3A_417 = tpu.memref_slice %arg2[%multiple_of3A_411, %multiple_of3A_406] : memref<1024x100000xf32, #tpu.memory_space<hbm>> -> memref<8x128xf32, #tpu.memory_space<hbm>>
    %dma_start3A_418 = arith.constant 0 : i32
    %dma_start3A_419 = arith.constant 0 : i32
    %dma_start3A_420 = tpu.memref_slice %arg6[%dma_start3A_412, %dma_start3A_418, %dma_start3A_419] : memref<32x8x128xf32, #tpu.memory_space<vmem>> -> memref<1x8x128xf32, #tpu.memory_space<vmem>>
    %dma_start3A_421 = tpu.memref_squeeze %dma_start3A_420 : memref<1x8x128xf32, #tpu.memory_space<vmem>> -> memref<8x128xf32, #tpu.memory_space<vmem>>
    %dma_start3A_422 = tpu.memref_slice %arg2[%multiple_of3A_411, %multiple_of3A_406] : memref<1024x100000xf32, #tpu.memory_space<hbm>> -> memref<8x128xf32, #tpu.memory_space<hbm>>
    tpu.enqueue_dma source(%dma_start3A_422 : memref<8x128xf32, #tpu.memory_space<hbm>>) target(%dma_start3A_421 : memref<8x128xf32, #tpu.memory_space<vmem>>) target_semaphore(%arg8 : memref<!tpu.dma_semaphore, #tpu.memory_space<semaphore_mem>>)
    %slice3A_423 = vector.extract_strided_slice %get3A_338 {offsets = [4], sizes = [1], strides = [1]} : vector<16xi32> to vector<1xi32>
    %squeeze3A_424 = vector.extract %slice3A_423[0] : i32 from vector<1xi32>
    %and3A_425 = arith.constant -128 : i32
    %and3A_426 = arith.andi %squeeze3A_424, %and3A_425 : i32
    %multiple_of3A_427 = tpu.assume_multiple %and3A_426, 128 : i32
    %add3A_428 = arith.constant 20 : i32
    %add3A_429 = arith.addi %mul3A_2, %add3A_428 : i32
    %and3A_430 = arith.constant -8 : i32
    %and3A_431 = arith.andi %add3A_429, %and3A_430 : i32
    %multiple_of3A_432 = tpu.assume_multiple %and3A_431, 8 : i32
    %dma_start3A_433 = arith.constant 20 : i32
    %dma_start3A_434 = arith.constant 0 : i32
    %dma_start3A_435 = arith.constant 0 : i32
    %dma_start3A_436 = tpu.memref_slice %arg6[%dma_start3A_433, %dma_start3A_434, %dma_start3A_435] : memref<32x8x128xf32, #tpu.memory_space<vmem>> -> memref<1x8x128xf32, #tpu.memory_space<vmem>>
    %dma_start3A_437 = tpu.memref_squeeze %dma_start3A_436 : memref<1x8x128xf32, #tpu.memory_space<vmem>> -> memref<8x128xf32, #tpu.memory_space<vmem>>
    %dma_start3A_438 = tpu.memref_slice %arg2[%multiple_of3A_432, %multiple_of3A_427] : memref<1024x100000xf32, #tpu.memory_space<hbm>> -> memref<8x128xf32, #tpu.memory_space<hbm>>
    %dma_start3A_439 = arith.constant 0 : i32
    %dma_start3A_440 = arith.constant 0 : i32
    %dma_start3A_441 = tpu.memref_slice %arg6[%dma_start3A_433, %dma_start3A_439, %dma_start3A_440] : memref<32x8x128xf32, #tpu.memory_space<vmem>> -> memref<1x8x128xf32, #tpu.memory_space<vmem>>
    %dma_start3A_442 = tpu.memref_squeeze %dma_start3A_441 : memref<1x8x128xf32, #tpu.memory_space<vmem>> -> memref<8x128xf32, #tpu.memory_space<vmem>>
    %dma_start3A_443 = tpu.memref_slice %arg2[%multiple_of3A_432, %multiple_of3A_427] : memref<1024x100000xf32, #tpu.memory_space<hbm>> -> memref<8x128xf32, #tpu.memory_space<hbm>>
    tpu.enqueue_dma source(%dma_start3A_443 : memref<8x128xf32, #tpu.memory_space<hbm>>) target(%dma_start3A_442 : memref<8x128xf32, #tpu.memory_space<vmem>>) target_semaphore(%arg8 : memref<!tpu.dma_semaphore, #tpu.memory_space<semaphore_mem>>)
    %slice3A_444 = vector.extract_strided_slice %get3A_338 {offsets = [5], sizes = [1], strides = [1]} : vector<16xi32> to vector<1xi32>
    %squeeze3A_445 = vector.extract %slice3A_444[0] : i32 from vector<1xi32>
    %and3A_446 = arith.constant -128 : i32
    %and3A_447 = arith.andi %squeeze3A_445, %and3A_446 : i32
    %multiple_of3A_448 = tpu.assume_multiple %and3A_447, 128 : i32
    %add3A_449 = arith.constant 21 : i32
    %add3A_450 = arith.addi %mul3A_2, %add3A_449 : i32
    %and3A_451 = arith.constant -8 : i32
    %and3A_452 = arith.andi %add3A_450, %and3A_451 : i32
    %multiple_of3A_453 = tpu.assume_multiple %and3A_452, 8 : i32
    %dma_start3A_454 = arith.constant 21 : i32
    %dma_start3A_455 = arith.constant 0 : i32
    %dma_start3A_456 = arith.constant 0 : i32
    %dma_start3A_457 = tpu.memref_slice %arg6[%dma_start3A_454, %dma_start3A_455, %dma_start3A_456] : memref<32x8x128xf32, #tpu.memory_space<vmem>> -> memref<1x8x128xf32, #tpu.memory_space<vmem>>
    %dma_start3A_458 = tpu.memref_squeeze %dma_start3A_457 : memref<1x8x128xf32, #tpu.memory_space<vmem>> -> memref<8x128xf32, #tpu.memory_space<vmem>>
    %dma_start3A_459 = tpu.memref_slice %arg2[%multiple_of3A_453, %multiple_of3A_448] : memref<1024x100000xf32, #tpu.memory_space<hbm>> -> memref<8x128xf32, #tpu.memory_space<hbm>>
    %dma_start3A_460 = arith.constant 0 : i32
    %dma_start3A_461 = arith.constant 0 : i32
    %dma_start3A_462 = tpu.memref_slice %arg6[%dma_start3A_454, %dma_start3A_460, %dma_start3A_461] : memref<32x8x128xf32, #tpu.memory_space<vmem>> -> memref<1x8x128xf32, #tpu.memory_space<vmem>>
    %dma_start3A_463 = tpu.memref_squeeze %dma_start3A_462 : memref<1x8x128xf32, #tpu.memory_space<vmem>> -> memref<8x128xf32, #tpu.memory_space<vmem>>
    %dma_start3A_464 = tpu.memref_slice %arg2[%multiple_of3A_453, %multiple_of3A_448] : memref<1024x100000xf32, #tpu.memory_space<hbm>> -> memref<8x128xf32, #tpu.memory_space<hbm>>
    tpu.enqueue_dma source(%dma_start3A_464 : memref<8x128xf32, #tpu.memory_space<hbm>>) target(%dma_start3A_463 : memref<8x128xf32, #tpu.memory_space<vmem>>) target_semaphore(%arg8 : memref<!tpu.dma_semaphore, #tpu.memory_space<semaphore_mem>>)
    %slice3A_465 = vector.extract_strided_slice %get3A_338 {offsets = [6], sizes = [1], strides = [1]} : vector<16xi32> to vector<1xi32>
    %squeeze3A_466 = vector.extract %slice3A_465[0] : i32 from vector<1xi32>
    %and3A_467 = arith.constant -128 : i32
    %and3A_468 = arith.andi %squeeze3A_466, %and3A_467 : i32
    %multiple_of3A_469 = tpu.assume_multiple %and3A_468, 128 : i32
    %add3A_470 = arith.constant 22 : i32
    %add3A_471 = arith.addi %mul3A_2, %add3A_470 : i32
    %and3A_472 = arith.constant -8 : i32
    %and3A_473 = arith.andi %add3A_471, %and3A_472 : i32
    %multiple_of3A_474 = tpu.assume_multiple %and3A_473, 8 : i32
    %dma_start3A_475 = arith.constant 22 : i32
    %dma_start3A_476 = arith.constant 0 : i32
    %dma_start3A_477 = arith.constant 0 : i32
    %dma_start3A_478 = tpu.memref_slice %arg6[%dma_start3A_475, %dma_start3A_476, %dma_start3A_477] : memref<32x8x128xf32, #tpu.memory_space<vmem>> -> memref<1x8x128xf32, #tpu.memory_space<vmem>>
    %dma_start3A_479 = tpu.memref_squeeze %dma_start3A_478 : memref<1x8x128xf32, #tpu.memory_space<vmem>> -> memref<8x128xf32, #tpu.memory_space<vmem>>
    %dma_start3A_480 = tpu.memref_slice %arg2[%multiple_of3A_474, %multiple_of3A_469] : memref<1024x100000xf32, #tpu.memory_space<hbm>> -> memref<8x128xf32, #tpu.memory_space<hbm>>
    %dma_start3A_481 = arith.constant 0 : i32
    %dma_start3A_482 = arith.constant 0 : i32
    %dma_start3A_483 = tpu.memref_slice %arg6[%dma_start3A_475, %dma_start3A_481, %dma_start3A_482] : memref<32x8x128xf32, #tpu.memory_space<vmem>> -> memref<1x8x128xf32, #tpu.memory_space<vmem>>
    %dma_start3A_484 = tpu.memref_squeeze %dma_start3A_483 : memref<1x8x128xf32, #tpu.memory_space<vmem>> -> memref<8x128xf32, #tpu.memory_space<vmem>>
    %dma_start3A_485 = tpu.memref_slice %arg2[%multiple_of3A_474, %multiple_of3A_469] : memref<1024x100000xf32, #tpu.memory_space<hbm>> -> memref<8x128xf32, #tpu.memory_space<hbm>>
    tpu.enqueue_dma source(%dma_start3A_485 : memref<8x128xf32, #tpu.memory_space<hbm>>) target(%dma_start3A_484 : memref<8x128xf32, #tpu.memory_space<vmem>>) target_semaphore(%arg8 : memref<!tpu.dma_semaphore, #tpu.memory_space<semaphore_mem>>)
    %slice3A_486 = vector.extract_strided_slice %get3A_338 {offsets = [7], sizes = [1], strides = [1]} : vector<16xi32> to vector<1xi32>
    %squeeze3A_487 = vector.extract %slice3A_486[0] : i32 from vector<1xi32>
    %and3A_488 = arith.constant -128 : i32
    %and3A_489 = arith.andi %squeeze3A_487, %and3A_488 : i32
    %multiple_of3A_490 = tpu.assume_multiple %and3A_489, 128 : i32
    %add3A_491 = arith.constant 23 : i32
    %add3A_492 = arith.addi %mul3A_2, %add3A_491 : i32
    %and3A_493 = arith.constant -8 : i32
    %and3A_494 = arith.andi %add3A_492, %and3A_493 : i32
    %multiple_of3A_495 = tpu.assume_multiple %and3A_494, 8 : i32
    %dma_start3A_496 = arith.constant 23 : i32
    %dma_start3A_497 = arith.constant 0 : i32
    %dma_start3A_498 = arith.constant 0 : i32
    %dma_start3A_499 = tpu.memref_slice %arg6[%dma_start3A_496, %dma_start3A_497, %dma_start3A_498] : memref<32x8x128xf32, #tpu.memory_space<vmem>> -> memref<1x8x128xf32, #tpu.memory_space<vmem>>
    %dma_start3A_500 = tpu.memref_squeeze %dma_start3A_499 : memref<1x8x128xf32, #tpu.memory_space<vmem>> -> memref<8x128xf32, #tpu.memory_space<vmem>>
    %dma_start3A_501 = tpu.memref_slice %arg2[%multiple_of3A_495, %multiple_of3A_490] : memref<1024x100000xf32, #tpu.memory_space<hbm>> -> memref<8x128xf32, #tpu.memory_space<hbm>>
    %dma_start3A_502 = arith.constant 0 : i32
    %dma_start3A_503 = arith.constant 0 : i32
    %dma_start3A_504 = tpu.memref_slice %arg6[%dma_start3A_496, %dma_start3A_502, %dma_start3A_503] : memref<32x8x128xf32, #tpu.memory_space<vmem>> -> memref<1x8x128xf32, #tpu.memory_space<vmem>>
    %dma_start3A_505 = tpu.memref_squeeze %dma_start3A_504 : memref<1x8x128xf32, #tpu.memory_space<vmem>> -> memref<8x128xf32, #tpu.memory_space<vmem>>
    %dma_start3A_506 = tpu.memref_slice %arg2[%multiple_of3A_495, %multiple_of3A_490] : memref<1024x100000xf32, #tpu.memory_space<hbm>> -> memref<8x128xf32, #tpu.memory_space<hbm>>
    tpu.enqueue_dma source(%dma_start3A_506 : memref<8x128xf32, #tpu.memory_space<hbm>>) target(%dma_start3A_505 : memref<8x128xf32, #tpu.memory_space<vmem>>) target_semaphore(%arg8 : memref<!tpu.dma_semaphore, #tpu.memory_space<semaphore_mem>>)
    %slice3A_507 = vector.extract_strided_slice %get3A_338 {offsets = [8], sizes = [1], strides = [1]} : vector<16xi32> to vector<1xi32>
    %squeeze3A_508 = vector.extract %slice3A_507[0] : i32 from vector<1xi32>
    %and3A_509 = arith.constant -128 : i32
    %and3A_510 = arith.andi %squeeze3A_508, %and3A_509 : i32
    %multiple_of3A_511 = tpu.assume_multiple %and3A_510, 128 : i32
    %add3A_512 = arith.constant 24 : i32
    %add3A_513 = arith.addi %mul3A_2, %add3A_512 : i32
    %and3A_514 = arith.constant -8 : i32
    %and3A_515 = arith.andi %add3A_513, %and3A_514 : i32
    %multiple_of3A_516 = tpu.assume_multiple %and3A_515, 8 : i32
    %dma_start3A_517 = arith.constant 24 : i32
    %dma_start3A_518 = arith.constant 0 : i32
    %dma_start3A_519 = arith.constant 0 : i32
    %dma_start3A_520 = tpu.memref_slice %arg6[%dma_start3A_517, %dma_start3A_518, %dma_start3A_519] : memref<32x8x128xf32, #tpu.memory_space<vmem>> -> memref<1x8x128xf32, #tpu.memory_space<vmem>>
    %dma_start3A_521 = tpu.memref_squeeze %dma_start3A_520 : memref<1x8x128xf32, #tpu.memory_space<vmem>> -> memref<8x128xf32, #tpu.memory_space<vmem>>
    %dma_start3A_522 = tpu.memref_slice %arg2[%multiple_of3A_516, %multiple_of3A_511] : memref<1024x100000xf32, #tpu.memory_space<hbm>> -> memref<8x128xf32, #tpu.memory_space<hbm>>
    %dma_start3A_523 = arith.constant 0 : i32
    %dma_start3A_524 = arith.constant 0 : i32
    %dma_start3A_525 = tpu.memref_slice %arg6[%dma_start3A_517, %dma_start3A_523, %dma_start3A_524] : memref<32x8x128xf32, #tpu.memory_space<vmem>> -> memref<1x8x128xf32, #tpu.memory_space<vmem>>
    %dma_start3A_526 = tpu.memref_squeeze %dma_start3A_525 : memref<1x8x128xf32, #tpu.memory_space<vmem>> -> memref<8x128xf32, #tpu.memory_space<vmem>>
    %dma_start3A_527 = tpu.memref_slice %arg2[%multiple_of3A_516, %multiple_of3A_511] : memref<1024x100000xf32, #tpu.memory_space<hbm>> -> memref<8x128xf32, #tpu.memory_space<hbm>>
    tpu.enqueue_dma source(%dma_start3A_527 : memref<8x128xf32, #tpu.memory_space<hbm>>) target(%dma_start3A_526 : memref<8x128xf32, #tpu.memory_space<vmem>>) target_semaphore(%arg8 : memref<!tpu.dma_semaphore, #tpu.memory_space<semaphore_mem>>)
    %slice3A_528 = vector.extract_strided_slice %get3A_338 {offsets = [9], sizes = [1], strides = [1]} : vector<16xi32> to vector<1xi32>
    %squeeze3A_529 = vector.extract %slice3A_528[0] : i32 from vector<1xi32>
    %and3A_530 = arith.constant -128 : i32
    %and3A_531 = arith.andi %squeeze3A_529, %and3A_530 : i32
    %multiple_of3A_532 = tpu.assume_multiple %and3A_531, 128 : i32
    %add3A_533 = arith.constant 25 : i32
    %add3A_534 = arith.addi %mul3A_2, %add3A_533 : i32
    %and3A_535 = arith.constant -8 : i32
    %and3A_536 = arith.andi %add3A_534, %and3A_535 : i32
    %multiple_of3A_537 = tpu.assume_multiple %and3A_536, 8 : i32
    %dma_start3A_538 = arith.constant 25 : i32
    %dma_start3A_539 = arith.constant 0 : i32
    %dma_start3A_540 = arith.constant 0 : i32
    %dma_start3A_541 = tpu.memref_slice %arg6[%dma_start3A_538, %dma_start3A_539, %dma_start3A_540] : memref<32x8x128xf32, #tpu.memory_space<vmem>> -> memref<1x8x128xf32, #tpu.memory_space<vmem>>
    %dma_start3A_542 = tpu.memref_squeeze %dma_start3A_541 : memref<1x8x128xf32, #tpu.memory_space<vmem>> -> memref<8x128xf32, #tpu.memory_space<vmem>>
    %dma_start3A_543 = tpu.memref_slice %arg2[%multiple_of3A_537, %multiple_of3A_532] : memref<1024x100000xf32, #tpu.memory_space<hbm>> -> memref<8x128xf32, #tpu.memory_space<hbm>>
    %dma_start3A_544 = arith.constant 0 : i32
    %dma_start3A_545 = arith.constant 0 : i32
    %dma_start3A_546 = tpu.memref_slice %arg6[%dma_start3A_538, %dma_start3A_544, %dma_start3A_545] : memref<32x8x128xf32, #tpu.memory_space<vmem>> -> memref<1x8x128xf32, #tpu.memory_space<vmem>>
    %dma_start3A_547 = tpu.memref_squeeze %dma_start3A_546 : memref<1x8x128xf32, #tpu.memory_space<vmem>> -> memref<8x128xf32, #tpu.memory_space<vmem>>
    %dma_start3A_548 = tpu.memref_slice %arg2[%multiple_of3A_537, %multiple_of3A_532] : memref<1024x100000xf32, #tpu.memory_space<hbm>> -> memref<8x128xf32, #tpu.memory_space<hbm>>
    tpu.enqueue_dma source(%dma_start3A_548 : memref<8x128xf32, #tpu.memory_space<hbm>>) target(%dma_start3A_547 : memref<8x128xf32, #tpu.memory_space<vmem>>) target_semaphore(%arg8 : memref<!tpu.dma_semaphore, #tpu.memory_space<semaphore_mem>>)
    %slice3A_549 = vector.extract_strided_slice %get3A_338 {offsets = [10], sizes = [1], strides = [1]} : vector<16xi32> to vector<1xi32>
    %squeeze3A_550 = vector.extract %slice3A_549[0] : i32 from vector<1xi32>
    %and3A_551 = arith.constant -128 : i32
    %and3A_552 = arith.andi %squeeze3A_550, %and3A_551 : i32
    %multiple_of3A_553 = tpu.assume_multiple %and3A_552, 128 : i32
    %add3A_554 = arith.constant 26 : i32
    %add3A_555 = arith.addi %mul3A_2, %add3A_554 : i32
    %and3A_556 = arith.constant -8 : i32
    %and3A_557 = arith.andi %add3A_555, %and3A_556 : i32
    %multiple_of3A_558 = tpu.assume_multiple %and3A_557, 8 : i32
    %dma_start3A_559 = arith.constant 26 : i32
    %dma_start3A_560 = arith.constant 0 : i32
    %dma_start3A_561 = arith.constant 0 : i32
    %dma_start3A_562 = tpu.memref_slice %arg6[%dma_start3A_559, %dma_start3A_560, %dma_start3A_561] : memref<32x8x128xf32, #tpu.memory_space<vmem>> -> memref<1x8x128xf32, #tpu.memory_space<vmem>>
    %dma_start3A_563 = tpu.memref_squeeze %dma_start3A_562 : memref<1x8x128xf32, #tpu.memory_space<vmem>> -> memref<8x128xf32, #tpu.memory_space<vmem>>
    %dma_start3A_564 = tpu.memref_slice %arg2[%multiple_of3A_558, %multiple_of3A_553] : memref<1024x100000xf32, #tpu.memory_space<hbm>> -> memref<8x128xf32, #tpu.memory_space<hbm>>
    %dma_start3A_565 = arith.constant 0 : i32
    %dma_start3A_566 = arith.constant 0 : i32
    %dma_start3A_567 = tpu.memref_slice %arg6[%dma_start3A_559, %dma_start3A_565, %dma_start3A_566] : memref<32x8x128xf32, #tpu.memory_space<vmem>> -> memref<1x8x128xf32, #tpu.memory_space<vmem>>
    %dma_start3A_568 = tpu.memref_squeeze %dma_start3A_567 : memref<1x8x128xf32, #tpu.memory_space<vmem>> -> memref<8x128xf32, #tpu.memory_space<vmem>>
    %dma_start3A_569 = tpu.memref_slice %arg2[%multiple_of3A_558, %multiple_of3A_553] : memref<1024x100000xf32, #tpu.memory_space<hbm>> -> memref<8x128xf32, #tpu.memory_space<hbm>>
    tpu.enqueue_dma source(%dma_start3A_569 : memref<8x128xf32, #tpu.memory_space<hbm>>) target(%dma_start3A_568 : memref<8x128xf32, #tpu.memory_space<vmem>>) target_semaphore(%arg8 : memref<!tpu.dma_semaphore, #tpu.memory_space<semaphore_mem>>)
    %slice3A_570 = vector.extract_strided_slice %get3A_338 {offsets = [11], sizes = [1], strides = [1]} : vector<16xi32> to vector<1xi32>
    %squeeze3A_571 = vector.extract %slice3A_570[0] : i32 from vector<1xi32>
    %and3A_572 = arith.constant -128 : i32
    %and3A_573 = arith.andi %squeeze3A_571, %and3A_572 : i32
    %multiple_of3A_574 = tpu.assume_multiple %and3A_573, 128 : i32
    %add3A_575 = arith.constant 27 : i32
    %add3A_576 = arith.addi %mul3A_2, %add3A_575 : i32
    %and3A_577 = arith.constant -8 : i32
    %and3A_578 = arith.andi %add3A_576, %and3A_577 : i32
    %multiple_of3A_579 = tpu.assume_multiple %and3A_578, 8 : i32
    %dma_start3A_580 = arith.constant 27 : i32
    %dma_start3A_581 = arith.constant 0 : i32
    %dma_start3A_582 = arith.constant 0 : i32
    %dma_start3A_583 = tpu.memref_slice %arg6[%dma_start3A_580, %dma_start3A_581, %dma_start3A_582] : memref<32x8x128xf32, #tpu.memory_space<vmem>> -> memref<1x8x128xf32, #tpu.memory_space<vmem>>
    %dma_start3A_584 = tpu.memref_squeeze %dma_start3A_583 : memref<1x8x128xf32, #tpu.memory_space<vmem>> -> memref<8x128xf32, #tpu.memory_space<vmem>>
    %dma_start3A_585 = tpu.memref_slice %arg2[%multiple_of3A_579, %multiple_of3A_574] : memref<1024x100000xf32, #tpu.memory_space<hbm>> -> memref<8x128xf32, #tpu.memory_space<hbm>>
    %dma_start3A_586 = arith.constant 0 : i32
    %dma_start3A_587 = arith.constant 0 : i32
    %dma_start3A_588 = tpu.memref_slice %arg6[%dma_start3A_580, %dma_start3A_586, %dma_start3A_587] : memref<32x8x128xf32, #tpu.memory_space<vmem>> -> memref<1x8x128xf32, #tpu.memory_space<vmem>>
    %dma_start3A_589 = tpu.memref_squeeze %dma_start3A_588 : memref<1x8x128xf32, #tpu.memory_space<vmem>> -> memref<8x128xf32, #tpu.memory_space<vmem>>
    %dma_start3A_590 = tpu.memref_slice %arg2[%multiple_of3A_579, %multiple_of3A_574] : memref<1024x100000xf32, #tpu.memory_space<hbm>> -> memref<8x128xf32, #tpu.memory_space<hbm>>
    tpu.enqueue_dma source(%dma_start3A_590 : memref<8x128xf32, #tpu.memory_space<hbm>>) target(%dma_start3A_589 : memref<8x128xf32, #tpu.memory_space<vmem>>) target_semaphore(%arg8 : memref<!tpu.dma_semaphore, #tpu.memory_space<semaphore_mem>>)
    %slice3A_591 = vector.extract_strided_slice %get3A_338 {offsets = [12], sizes = [1], strides = [1]} : vector<16xi32> to vector<1xi32>
    %squeeze3A_592 = vector.extract %slice3A_591[0] : i32 from vector<1xi32>
    %and3A_593 = arith.constant -128 : i32
    %and3A_594 = arith.andi %squeeze3A_592, %and3A_593 : i32
    %multiple_of3A_595 = tpu.assume_multiple %and3A_594, 128 : i32
    %add3A_596 = arith.constant 28 : i32
    %add3A_597 = arith.addi %mul3A_2, %add3A_596 : i32
    %and3A_598 = arith.constant -8 : i32
    %and3A_599 = arith.andi %add3A_597, %and3A_598 : i32
    %multiple_of3A_600 = tpu.assume_multiple %and3A_599, 8 : i32
    %dma_start3A_601 = arith.constant 28 : i32
    %dma_start3A_602 = arith.constant 0 : i32
    %dma_start3A_603 = arith.constant 0 : i32
    %dma_start3A_604 = tpu.memref_slice %arg6[%dma_start3A_601, %dma_start3A_602, %dma_start3A_603] : memref<32x8x128xf32, #tpu.memory_space<vmem>> -> memref<1x8x128xf32, #tpu.memory_space<vmem>>
    %dma_start3A_605 = tpu.memref_squeeze %dma_start3A_604 : memref<1x8x128xf32, #tpu.memory_space<vmem>> -> memref<8x128xf32, #tpu.memory_space<vmem>>
    %dma_start3A_606 = tpu.memref_slice %arg2[%multiple_of3A_600, %multiple_of3A_595] : memref<1024x100000xf32, #tpu.memory_space<hbm>> -> memref<8x128xf32, #tpu.memory_space<hbm>>
    %dma_start3A_607 = arith.constant 0 : i32
    %dma_start3A_608 = arith.constant 0 : i32
    %dma_start3A_609 = tpu.memref_slice %arg6[%dma_start3A_601, %dma_start3A_607, %dma_start3A_608] : memref<32x8x128xf32, #tpu.memory_space<vmem>> -> memref<1x8x128xf32, #tpu.memory_space<vmem>>
    %dma_start3A_610 = tpu.memref_squeeze %dma_start3A_609 : memref<1x8x128xf32, #tpu.memory_space<vmem>> -> memref<8x128xf32, #tpu.memory_space<vmem>>
    %dma_start3A_611 = tpu.memref_slice %arg2[%multiple_of3A_600, %multiple_of3A_595] : memref<1024x100000xf32, #tpu.memory_space<hbm>> -> memref<8x128xf32, #tpu.memory_space<hbm>>
    tpu.enqueue_dma source(%dma_start3A_611 : memref<8x128xf32, #tpu.memory_space<hbm>>) target(%dma_start3A_610 : memref<8x128xf32, #tpu.memory_space<vmem>>) target_semaphore(%arg8 : memref<!tpu.dma_semaphore, #tpu.memory_space<semaphore_mem>>)
    %slice3A_612 = vector.extract_strided_slice %get3A_338 {offsets = [13], sizes = [1], strides = [1]} : vector<16xi32> to vector<1xi32>
    %squeeze3A_613 = vector.extract %slice3A_612[0] : i32 from vector<1xi32>
    %and3A_614 = arith.constant -128 : i32
    %and3A_615 = arith.andi %squeeze3A_613, %and3A_614 : i32
    %multiple_of3A_616 = tpu.assume_multiple %and3A_615, 128 : i32
    %add3A_617 = arith.constant 29 : i32
    %add3A_618 = arith.addi %mul3A_2, %add3A_617 : i32
    %and3A_619 = arith.constant -8 : i32
    %and3A_620 = arith.andi %add3A_618, %and3A_619 : i32
    %multiple_of3A_621 = tpu.assume_multiple %and3A_620, 8 : i32
    %dma_start3A_622 = arith.constant 29 : i32
    %dma_start3A_623 = arith.constant 0 : i32
    %dma_start3A_624 = arith.constant 0 : i32
    %dma_start3A_625 = tpu.memref_slice %arg6[%dma_start3A_622, %dma_start3A_623, %dma_start3A_624] : memref<32x8x128xf32, #tpu.memory_space<vmem>> -> memref<1x8x128xf32, #tpu.memory_space<vmem>>
    %dma_start3A_626 = tpu.memref_squeeze %dma_start3A_625 : memref<1x8x128xf32, #tpu.memory_space<vmem>> -> memref<8x128xf32, #tpu.memory_space<vmem>>
    %dma_start3A_627 = tpu.memref_slice %arg2[%multiple_of3A_621, %multiple_of3A_616] : memref<1024x100000xf32, #tpu.memory_space<hbm>> -> memref<8x128xf32, #tpu.memory_space<hbm>>
    %dma_start3A_628 = arith.constant 0 : i32
    %dma_start3A_629 = arith.constant 0 : i32
    %dma_start3A_630 = tpu.memref_slice %arg6[%dma_start3A_622, %dma_start3A_628, %dma_start3A_629] : memref<32x8x128xf32, #tpu.memory_space<vmem>> -> memref<1x8x128xf32, #tpu.memory_space<vmem>>
    %dma_start3A_631 = tpu.memref_squeeze %dma_start3A_630 : memref<1x8x128xf32, #tpu.memory_space<vmem>> -> memref<8x128xf32, #tpu.memory_space<vmem>>
    %dma_start3A_632 = tpu.memref_slice %arg2[%multiple_of3A_621, %multiple_of3A_616] : memref<1024x100000xf32, #tpu.memory_space<hbm>> -> memref<8x128xf32, #tpu.memory_space<hbm>>
    tpu.enqueue_dma source(%dma_start3A_632 : memref<8x128xf32, #tpu.memory_space<hbm>>) target(%dma_start3A_631 : memref<8x128xf32, #tpu.memory_space<vmem>>) target_semaphore(%arg8 : memref<!tpu.dma_semaphore, #tpu.memory_space<semaphore_mem>>)
    %slice3A_633 = vector.extract_strided_slice %get3A_338 {offsets = [14], sizes = [1], strides = [1]} : vector<16xi32> to vector<1xi32>
    %squeeze3A_634 = vector.extract %slice3A_633[0] : i32 from vector<1xi32>
    %and3A_635 = arith.constant -128 : i32
    %and3A_636 = arith.andi %squeeze3A_634, %and3A_635 : i32
    %multiple_of3A_637 = tpu.assume_multiple %and3A_636, 128 : i32
    %add3A_638 = arith.constant 30 : i32
    %add3A_639 = arith.addi %mul3A_2, %add3A_638 : i32
    %and3A_640 = arith.constant -8 : i32
    %and3A_641 = arith.andi %add3A_639, %and3A_640 : i32
    %multiple_of3A_642 = tpu.assume_multiple %and3A_641, 8 : i32
    %dma_start3A_643 = arith.constant 30 : i32
    %dma_start3A_644 = arith.constant 0 : i32
    %dma_start3A_645 = arith.constant 0 : i32
    %dma_start3A_646 = tpu.memref_slice %arg6[%dma_start3A_643, %dma_start3A_644, %dma_start3A_645] : memref<32x8x128xf32, #tpu.memory_space<vmem>> -> memref<1x8x128xf32, #tpu.memory_space<vmem>>
    %dma_start3A_647 = tpu.memref_squeeze %dma_start3A_646 : memref<1x8x128xf32, #tpu.memory_space<vmem>> -> memref<8x128xf32, #tpu.memory_space<vmem>>
    %dma_start3A_648 = tpu.memref_slice %arg2[%multiple_of3A_642, %multiple_of3A_637] : memref<1024x100000xf32, #tpu.memory_space<hbm>> -> memref<8x128xf32, #tpu.memory_space<hbm>>
    %dma_start3A_649 = arith.constant 0 : i32
    %dma_start3A_650 = arith.constant 0 : i32
    %dma_start3A_651 = tpu.memref_slice %arg6[%dma_start3A_643, %dma_start3A_649, %dma_start3A_650] : memref<32x8x128xf32, #tpu.memory_space<vmem>> -> memref<1x8x128xf32, #tpu.memory_space<vmem>>
    %dma_start3A_652 = tpu.memref_squeeze %dma_start3A_651 : memref<1x8x128xf32, #tpu.memory_space<vmem>> -> memref<8x128xf32, #tpu.memory_space<vmem>>
    %dma_start3A_653 = tpu.memref_slice %arg2[%multiple_of3A_642, %multiple_of3A_637] : memref<1024x100000xf32, #tpu.memory_space<hbm>> -> memref<8x128xf32, #tpu.memory_space<hbm>>
    tpu.enqueue_dma source(%dma_start3A_653 : memref<8x128xf32, #tpu.memory_space<hbm>>) target(%dma_start3A_652 : memref<8x128xf32, #tpu.memory_space<vmem>>) target_semaphore(%arg8 : memref<!tpu.dma_semaphore, #tpu.memory_space<semaphore_mem>>)
    %slice3A_654 = vector.extract_strided_slice %get3A_338 {offsets = [15], sizes = [1], strides = [1]} : vector<16xi32> to vector<1xi32>
    %squeeze3A_655 = vector.extract %slice3A_654[0] : i32 from vector<1xi32>
    %and3A_656 = arith.constant -128 : i32
    %and3A_657 = arith.andi %squeeze3A_655, %and3A_656 : i32
    %multiple_of3A_658 = tpu.assume_multiple %and3A_657, 128 : i32
    %add3A_659 = arith.constant 31 : i32
    %add3A_660 = arith.addi %mul3A_2, %add3A_659 : i32
    %and3A_661 = arith.constant -8 : i32
    %and3A_662 = arith.andi %add3A_660, %and3A_661 : i32
    %multiple_of3A_663 = tpu.assume_multiple %and3A_662, 8 : i32
    %dma_start3A_664 = arith.constant 31 : i32
    %dma_start3A_665 = arith.constant 0 : i32
    %dma_start3A_666 = arith.constant 0 : i32
    %dma_start3A_667 = tpu.memref_slice %arg6[%dma_start3A_664, %dma_start3A_665, %dma_start3A_666] : memref<32x8x128xf32, #tpu.memory_space<vmem>> -> memref<1x8x128xf32, #tpu.memory_space<vmem>>
    %dma_start3A_668 = tpu.memref_squeeze %dma_start3A_667 : memref<1x8x128xf32, #tpu.memory_space<vmem>> -> memref<8x128xf32, #tpu.memory_space<vmem>>
    %dma_start3A_669 = tpu.memref_slice %arg2[%multiple_of3A_663, %multiple_of3A_658] : memref<1024x100000xf32, #tpu.memory_space<hbm>> -> memref<8x128xf32, #tpu.memory_space<hbm>>
    %dma_start3A_670 = arith.constant 0 : i32
    %dma_start3A_671 = arith.constant 0 : i32
    %dma_start3A_672 = tpu.memref_slice %arg6[%dma_start3A_664, %dma_start3A_670, %dma_start3A_671] : memref<32x8x128xf32, #tpu.memory_space<vmem>> -> memref<1x8x128xf32, #tpu.memory_space<vmem>>
    %dma_start3A_673 = tpu.memref_squeeze %dma_start3A_672 : memref<1x8x128xf32, #tpu.memory_space<vmem>> -> memref<8x128xf32, #tpu.memory_space<vmem>>
    %dma_start3A_674 = tpu.memref_slice %arg2[%multiple_of3A_663, %multiple_of3A_658] : memref<1024x100000xf32, #tpu.memory_space<hbm>> -> memref<8x128xf32, #tpu.memory_space<hbm>>
    tpu.enqueue_dma source(%dma_start3A_674 : memref<8x128xf32, #tpu.memory_space<hbm>>) target(%dma_start3A_673 : memref<8x128xf32, #tpu.memory_space<vmem>>) target_semaphore(%arg8 : memref<!tpu.dma_semaphore, #tpu.memory_space<semaphore_mem>>)
    %dma_wait3A = arith.constant 0 : i32
    %dma_wait3A_675 = arith.constant 0 : i32
    %dma_wait3A_676 = arith.constant 0 : i32
    %dma_wait3A_677 = tpu.memref_slice %arg6[%dma_wait3A, %dma_wait3A_675, %dma_wait3A_676] : memref<32x8x128xf32, #tpu.memory_space<vmem>> -> memref<1x8x128xf32, #tpu.memory_space<vmem>>
    %dma_wait3A_678 = tpu.memref_squeeze %dma_wait3A_677 : memref<1x8x128xf32, #tpu.memory_space<vmem>> -> memref<8x128xf32, #tpu.memory_space<vmem>>
    %dma_wait3A_679 = tpu.memref_slice %arg2[%multiple_of3A_10, %multiple_of3A] : memref<1024x100000xf32, #tpu.memory_space<hbm>> -> memref<8x128xf32, #tpu.memory_space<hbm>>
    %dma_wait3A_680 = arith.constant 0 : i32
    %dma_wait3A_681 = arith.constant 0 : i32
    %dma_wait3A_682 = tpu.memref_slice %arg6[%dma_wait3A, %dma_wait3A_680, %dma_wait3A_681] : memref<32x8x128xf32, #tpu.memory_space<vmem>> -> memref<1x8x128xf32, #tpu.memory_space<vmem>>
    %dma_wait3A_683 = tpu.memref_squeeze %dma_wait3A_682 : memref<1x8x128xf32, #tpu.memory_space<vmem>> -> memref<8x128xf32, #tpu.memory_space<vmem>>
    %dma_wait3A_684 = tpu.memref_slice %arg2[%multiple_of3A_10, %multiple_of3A] : memref<1024x100000xf32, #tpu.memory_space<hbm>> -> memref<8x128xf32, #tpu.memory_space<hbm>>
    tpu.wait_dma2 semaphore(%arg8 : memref<!tpu.dma_semaphore, #tpu.memory_space<semaphore_mem>>) src(%dma_wait3A_684 : memref<8x128xf32, #tpu.memory_space<hbm>>) dst(%dma_wait3A_683 : memref<8x128xf32, #tpu.memory_space<vmem>>)
    %dma_wait3A_685 = arith.constant 1 : i32
    %dma_wait3A_686 = arith.constant 0 : i32
    %dma_wait3A_687 = arith.constant 0 : i32
    %dma_wait3A_688 = tpu.memref_slice %arg6[%dma_wait3A_685, %dma_wait3A_686, %dma_wait3A_687] : memref<32x8x128xf32, #tpu.memory_space<vmem>> -> memref<1x8x128xf32, #tpu.memory_space<vmem>>
    %dma_wait3A_689 = tpu.memref_squeeze %dma_wait3A_688 : memref<1x8x128xf32, #tpu.memory_space<vmem>> -> memref<8x128xf32, #tpu.memory_space<vmem>>
    %dma_wait3A_690 = tpu.memref_slice %arg2[%multiple_of3A_30, %multiple_of3A_25] : memref<1024x100000xf32, #tpu.memory_space<hbm>> -> memref<8x128xf32, #tpu.memory_space<hbm>>
    %dma_wait3A_691 = arith.constant 0 : i32
    %dma_wait3A_692 = arith.constant 0 : i32
    %dma_wait3A_693 = tpu.memref_slice %arg6[%dma_wait3A_685, %dma_wait3A_691, %dma_wait3A_692] : memref<32x8x128xf32, #tpu.memory_space<vmem>> -> memref<1x8x128xf32, #tpu.memory_space<vmem>>
    %dma_wait3A_694 = tpu.memref_squeeze %dma_wait3A_693 : memref<1x8x128xf32, #tpu.memory_space<vmem>> -> memref<8x128xf32, #tpu.memory_space<vmem>>
    %dma_wait3A_695 = tpu.memref_slice %arg2[%multiple_of3A_30, %multiple_of3A_25] : memref<1024x100000xf32, #tpu.memory_space<hbm>> -> memref<8x128xf32, #tpu.memory_space<hbm>>
    tpu.wait_dma2 semaphore(%arg8 : memref<!tpu.dma_semaphore, #tpu.memory_space<semaphore_mem>>) src(%dma_wait3A_695 : memref<8x128xf32, #tpu.memory_space<hbm>>) dst(%dma_wait3A_694 : memref<8x128xf32, #tpu.memory_space<vmem>>)
    %dma_wait3A_696 = arith.constant 2 : i32
    %dma_wait3A_697 = arith.constant 0 : i32
    %dma_wait3A_698 = arith.constant 0 : i32
    %dma_wait3A_699 = tpu.memref_slice %arg6[%dma_wait3A_696, %dma_wait3A_697, %dma_wait3A_698] : memref<32x8x128xf32, #tpu.memory_space<vmem>> -> memref<1x8x128xf32, #tpu.memory_space<vmem>>
    %dma_wait3A_700 = tpu.memref_squeeze %dma_wait3A_699 : memref<1x8x128xf32, #tpu.memory_space<vmem>> -> memref<8x128xf32, #tpu.memory_space<vmem>>
    %dma_wait3A_701 = tpu.memref_slice %arg2[%multiple_of3A_51, %multiple_of3A_46] : memref<1024x100000xf32, #tpu.memory_space<hbm>> -> memref<8x128xf32, #tpu.memory_space<hbm>>
    %dma_wait3A_702 = arith.constant 0 : i32
    %dma_wait3A_703 = arith.constant 0 : i32
    %dma_wait3A_704 = tpu.memref_slice %arg6[%dma_wait3A_696, %dma_wait3A_702, %dma_wait3A_703] : memref<32x8x128xf32, #tpu.memory_space<vmem>> -> memref<1x8x128xf32, #tpu.memory_space<vmem>>
    %dma_wait3A_705 = tpu.memref_squeeze %dma_wait3A_704 : memref<1x8x128xf32, #tpu.memory_space<vmem>> -> memref<8x128xf32, #tpu.memory_space<vmem>>
    %dma_wait3A_706 = tpu.memref_slice %arg2[%multiple_of3A_51, %multiple_of3A_46] : memref<1024x100000xf32, #tpu.memory_space<hbm>> -> memref<8x128xf32, #tpu.memory_space<hbm>>
    tpu.wait_dma2 semaphore(%arg8 : memref<!tpu.dma_semaphore, #tpu.memory_space<semaphore_mem>>) src(%dma_wait3A_706 : memref<8x128xf32, #tpu.memory_space<hbm>>) dst(%dma_wait3A_705 : memref<8x128xf32, #tpu.memory_space<vmem>>)
    %dma_wait3A_707 = arith.constant 3 : i32
    %dma_wait3A_708 = arith.constant 0 : i32
    %dma_wait3A_709 = arith.constant 0 : i32
    %dma_wait3A_710 = tpu.memref_slice %arg6[%dma_wait3A_707, %dma_wait3A_708, %dma_wait3A_709] : memref<32x8x128xf32, #tpu.memory_space<vmem>> -> memref<1x8x128xf32, #tpu.memory_space<vmem>>
    %dma_wait3A_711 = tpu.memref_squeeze %dma_wait3A_710 : memref<1x8x128xf32, #tpu.memory_space<vmem>> -> memref<8x128xf32, #tpu.memory_space<vmem>>
    %dma_wait3A_712 = tpu.memref_slice %arg2[%multiple_of3A_72, %multiple_of3A_67] : memref<1024x100000xf32, #tpu.memory_space<hbm>> -> memref<8x128xf32, #tpu.memory_space<hbm>>
    %dma_wait3A_713 = arith.constant 0 : i32
    %dma_wait3A_714 = arith.constant 0 : i32
    %dma_wait3A_715 = tpu.memref_slice %arg6[%dma_wait3A_707, %dma_wait3A_713, %dma_wait3A_714] : memref<32x8x128xf32, #tpu.memory_space<vmem>> -> memref<1x8x128xf32, #tpu.memory_space<vmem>>
    %dma_wait3A_716 = tpu.memref_squeeze %dma_wait3A_715 : memref<1x8x128xf32, #tpu.memory_space<vmem>> -> memref<8x128xf32, #tpu.memory_space<vmem>>
    %dma_wait3A_717 = tpu.memref_slice %arg2[%multiple_of3A_72, %multiple_of3A_67] : memref<1024x100000xf32, #tpu.memory_space<hbm>> -> memref<8x128xf32, #tpu.memory_space<hbm>>
    tpu.wait_dma2 semaphore(%arg8 : memref<!tpu.dma_semaphore, #tpu.memory_space<semaphore_mem>>) src(%dma_wait3A_717 : memref<8x128xf32, #tpu.memory_space<hbm>>) dst(%dma_wait3A_716 : memref<8x128xf32, #tpu.memory_space<vmem>>)
    %dma_wait3A_718 = arith.constant 4 : i32
    %dma_wait3A_719 = arith.constant 0 : i32
    %dma_wait3A_720 = arith.constant 0 : i32
    %dma_wait3A_721 = tpu.memref_slice %arg6[%dma_wait3A_718, %dma_wait3A_719, %dma_wait3A_720] : memref<32x8x128xf32, #tpu.memory_space<vmem>> -> memref<1x8x128xf32, #tpu.memory_space<vmem>>
    %dma_wait3A_722 = tpu.memref_squeeze %dma_wait3A_721 : memref<1x8x128xf32, #tpu.memory_space<vmem>> -> memref<8x128xf32, #tpu.memory_space<vmem>>
    %dma_wait3A_723 = tpu.memref_slice %arg2[%multiple_of3A_93, %multiple_of3A_88] : memref<1024x100000xf32, #tpu.memory_space<hbm>> -> memref<8x128xf32, #tpu.memory_space<hbm>>
    %dma_wait3A_724 = arith.constant 0 : i32
    %dma_wait3A_725 = arith.constant 0 : i32
    %dma_wait3A_726 = tpu.memref_slice %arg6[%dma_wait3A_718, %dma_wait3A_724, %dma_wait3A_725] : memref<32x8x128xf32, #tpu.memory_space<vmem>> -> memref<1x8x128xf32, #tpu.memory_space<vmem>>
    %dma_wait3A_727 = tpu.memref_squeeze %dma_wait3A_726 : memref<1x8x128xf32, #tpu.memory_space<vmem>> -> memref<8x128xf32, #tpu.memory_space<vmem>>
    %dma_wait3A_728 = tpu.memref_slice %arg2[%multiple_of3A_93, %multiple_of3A_88] : memref<1024x100000xf32, #tpu.memory_space<hbm>> -> memref<8x128xf32, #tpu.memory_space<hbm>>
    tpu.wait_dma2 semaphore(%arg8 : memref<!tpu.dma_semaphore, #tpu.memory_space<semaphore_mem>>) src(%dma_wait3A_728 : memref<8x128xf32, #tpu.memory_space<hbm>>) dst(%dma_wait3A_727 : memref<8x128xf32, #tpu.memory_space<vmem>>)
    %dma_wait3A_729 = arith.constant 5 : i32
    %dma_wait3A_730 = arith.constant 0 : i32
    %dma_wait3A_731 = arith.constant 0 : i32
    %dma_wait3A_732 = tpu.memref_slice %arg6[%dma_wait3A_729, %dma_wait3A_730, %dma_wait3A_731] : memref<32x8x128xf32, #tpu.memory_space<vmem>> -> memref<1x8x128xf32, #tpu.memory_space<vmem>>
    %dma_wait3A_733 = tpu.memref_squeeze %dma_wait3A_732 : memref<1x8x128xf32, #tpu.memory_space<vmem>> -> memref<8x128xf32, #tpu.memory_space<vmem>>
    %dma_wait3A_734 = tpu.memref_slice %arg2[%multiple_of3A_114, %multiple_of3A_109] : memref<1024x100000xf32, #tpu.memory_space<hbm>> -> memref<8x128xf32, #tpu.memory_space<hbm>>
    %dma_wait3A_735 = arith.constant 0 : i32
    %dma_wait3A_736 = arith.constant 0 : i32
    %dma_wait3A_737 = tpu.memref_slice %arg6[%dma_wait3A_729, %dma_wait3A_735, %dma_wait3A_736] : memref<32x8x128xf32, #tpu.memory_space<vmem>> -> memref<1x8x128xf32, #tpu.memory_space<vmem>>
    %dma_wait3A_738 = tpu.memref_squeeze %dma_wait3A_737 : memref<1x8x128xf32, #tpu.memory_space<vmem>> -> memref<8x128xf32, #tpu.memory_space<vmem>>
    %dma_wait3A_739 = tpu.memref_slice %arg2[%multiple_of3A_114, %multiple_of3A_109] : memref<1024x100000xf32, #tpu.memory_space<hbm>> -> memref<8x128xf32, #tpu.memory_space<hbm>>
    tpu.wait_dma2 semaphore(%arg8 : memref<!tpu.dma_semaphore, #tpu.memory_space<semaphore_mem>>) src(%dma_wait3A_739 : memref<8x128xf32, #tpu.memory_space<hbm>>) dst(%dma_wait3A_738 : memref<8x128xf32, #tpu.memory_space<vmem>>)
    %dma_wait3A_740 = arith.constant 6 : i32
    %dma_wait3A_741 = arith.constant 0 : i32
    %dma_wait3A_742 = arith.constant 0 : i32
    %dma_wait3A_743 = tpu.memref_slice %arg6[%dma_wait3A_740, %dma_wait3A_741, %dma_wait3A_742] : memref<32x8x128xf32, #tpu.memory_space<vmem>> -> memref<1x8x128xf32, #tpu.memory_space<vmem>>
    %dma_wait3A_744 = tpu.memref_squeeze %dma_wait3A_743 : memref<1x8x128xf32, #tpu.memory_space<vmem>> -> memref<8x128xf32, #tpu.memory_space<vmem>>
    %dma_wait3A_745 = tpu.memref_slice %arg2[%multiple_of3A_135, %multiple_of3A_130] : memref<1024x100000xf32, #tpu.memory_space<hbm>> -> memref<8x128xf32, #tpu.memory_space<hbm>>
    %dma_wait3A_746 = arith.constant 0 : i32
    %dma_wait3A_747 = arith.constant 0 : i32
    %dma_wait3A_748 = tpu.memref_slice %arg6[%dma_wait3A_740, %dma_wait3A_746, %dma_wait3A_747] : memref<32x8x128xf32, #tpu.memory_space<vmem>> -> memref<1x8x128xf32, #tpu.memory_space<vmem>>
    %dma_wait3A_749 = tpu.memref_squeeze %dma_wait3A_748 : memref<1x8x128xf32, #tpu.memory_space<vmem>> -> memref<8x128xf32, #tpu.memory_space<vmem>>
    %dma_wait3A_750 = tpu.memref_slice %arg2[%multiple_of3A_135, %multiple_of3A_130] : memref<1024x100000xf32, #tpu.memory_space<hbm>> -> memref<8x128xf32, #tpu.memory_space<hbm>>
    tpu.wait_dma2 semaphore(%arg8 : memref<!tpu.dma_semaphore, #tpu.memory_space<semaphore_mem>>) src(%dma_wait3A_750 : memref<8x128xf32, #tpu.memory_space<hbm>>) dst(%dma_wait3A_749 : memref<8x128xf32, #tpu.memory_space<vmem>>)
    %dma_wait3A_751 = arith.constant 7 : i32
    %dma_wait3A_752 = arith.constant 0 : i32
    %dma_wait3A_753 = arith.constant 0 : i32
    %dma_wait3A_754 = tpu.memref_slice %arg6[%dma_wait3A_751, %dma_wait3A_752, %dma_wait3A_753] : memref<32x8x128xf32, #tpu.memory_space<vmem>> -> memref<1x8x128xf32, #tpu.memory_space<vmem>>
    %dma_wait3A_755 = tpu.memref_squeeze %dma_wait3A_754 : memref<1x8x128xf32, #tpu.memory_space<vmem>> -> memref<8x128xf32, #tpu.memory_space<vmem>>
    %dma_wait3A_756 = tpu.memref_slice %arg2[%multiple_of3A_156, %multiple_of3A_151] : memref<1024x100000xf32, #tpu.memory_space<hbm>> -> memref<8x128xf32, #tpu.memory_space<hbm>>
    %dma_wait3A_757 = arith.constant 0 : i32
    %dma_wait3A_758 = arith.constant 0 : i32
    %dma_wait3A_759 = tpu.memref_slice %arg6[%dma_wait3A_751, %dma_wait3A_757, %dma_wait3A_758] : memref<32x8x128xf32, #tpu.memory_space<vmem>> -> memref<1x8x128xf32, #tpu.memory_space<vmem>>
    %dma_wait3A_760 = tpu.memref_squeeze %dma_wait3A_759 : memref<1x8x128xf32, #tpu.memory_space<vmem>> -> memref<8x128xf32, #tpu.memory_space<vmem>>
    %dma_wait3A_761 = tpu.memref_slice %arg2[%multiple_of3A_156, %multiple_of3A_151] : memref<1024x100000xf32, #tpu.memory_space<hbm>> -> memref<8x128xf32, #tpu.memory_space<hbm>>
    tpu.wait_dma2 semaphore(%arg8 : memref<!tpu.dma_semaphore, #tpu.memory_space<semaphore_mem>>) src(%dma_wait3A_761 : memref<8x128xf32, #tpu.memory_space<hbm>>) dst(%dma_wait3A_760 : memref<8x128xf32, #tpu.memory_space<vmem>>)
    %dma_wait3A_762 = arith.constant 8 : i32
    %dma_wait3A_763 = arith.constant 0 : i32
    %dma_wait3A_764 = arith.constant 0 : i32
    %dma_wait3A_765 = tpu.memref_slice %arg6[%dma_wait3A_762, %dma_wait3A_763, %dma_wait3A_764] : memref<32x8x128xf32, #tpu.memory_space<vmem>> -> memref<1x8x128xf32, #tpu.memory_space<vmem>>
    %dma_wait3A_766 = tpu.memref_squeeze %dma_wait3A_765 : memref<1x8x128xf32, #tpu.memory_space<vmem>> -> memref<8x128xf32, #tpu.memory_space<vmem>>
    %dma_wait3A_767 = tpu.memref_slice %arg2[%multiple_of3A_177, %multiple_of3A_172] : memref<1024x100000xf32, #tpu.memory_space<hbm>> -> memref<8x128xf32, #tpu.memory_space<hbm>>
    %dma_wait3A_768 = arith.constant 0 : i32
    %dma_wait3A_769 = arith.constant 0 : i32
    %dma_wait3A_770 = tpu.memref_slice %arg6[%dma_wait3A_762, %dma_wait3A_768, %dma_wait3A_769] : memref<32x8x128xf32, #tpu.memory_space<vmem>> -> memref<1x8x128xf32, #tpu.memory_space<vmem>>
    %dma_wait3A_771 = tpu.memref_squeeze %dma_wait3A_770 : memref<1x8x128xf32, #tpu.memory_space<vmem>> -> memref<8x128xf32, #tpu.memory_space<vmem>>
    %dma_wait3A_772 = tpu.memref_slice %arg2[%multiple_of3A_177, %multiple_of3A_172] : memref<1024x100000xf32, #tpu.memory_space<hbm>> -> memref<8x128xf32, #tpu.memory_space<hbm>>
    tpu.wait_dma2 semaphore(%arg8 : memref<!tpu.dma_semaphore, #tpu.memory_space<semaphore_mem>>) src(%dma_wait3A_772 : memref<8x128xf32, #tpu.memory_space<hbm>>) dst(%dma_wait3A_771 : memref<8x128xf32, #tpu.memory_space<vmem>>)
    %dma_wait3A_773 = arith.constant 9 : i32
    %dma_wait3A_774 = arith.constant 0 : i32
    %dma_wait3A_775 = arith.constant 0 : i32
    %dma_wait3A_776 = tpu.memref_slice %arg6[%dma_wait3A_773, %dma_wait3A_774, %dma_wait3A_775] : memref<32x8x128xf32, #tpu.memory_space<vmem>> -> memref<1x8x128xf32, #tpu.memory_space<vmem>>
    %dma_wait3A_777 = tpu.memref_squeeze %dma_wait3A_776 : memref<1x8x128xf32, #tpu.memory_space<vmem>> -> memref<8x128xf32, #tpu.memory_space<vmem>>
    %dma_wait3A_778 = tpu.memref_slice %arg2[%multiple_of3A_198, %multiple_of3A_193] : memref<1024x100000xf32, #tpu.memory_space<hbm>> -> memref<8x128xf32, #tpu.memory_space<hbm>>
    %dma_wait3A_779 = arith.constant 0 : i32
    %dma_wait3A_780 = arith.constant 0 : i32
    %dma_wait3A_781 = tpu.memref_slice %arg6[%dma_wait3A_773, %dma_wait3A_779, %dma_wait3A_780] : memref<32x8x128xf32, #tpu.memory_space<vmem>> -> memref<1x8x128xf32, #tpu.memory_space<vmem>>
    %dma_wait3A_782 = tpu.memref_squeeze %dma_wait3A_781 : memref<1x8x128xf32, #tpu.memory_space<vmem>> -> memref<8x128xf32, #tpu.memory_space<vmem>>
    %dma_wait3A_783 = tpu.memref_slice %arg2[%multiple_of3A_198, %multiple_of3A_193] : memref<1024x100000xf32, #tpu.memory_space<hbm>> -> memref<8x128xf32, #tpu.memory_space<hbm>>
    tpu.wait_dma2 semaphore(%arg8 : memref<!tpu.dma_semaphore, #tpu.memory_space<semaphore_mem>>) src(%dma_wait3A_783 : memref<8x128xf32, #tpu.memory_space<hbm>>) dst(%dma_wait3A_782 : memref<8x128xf32, #tpu.memory_space<vmem>>)
    %dma_wait3A_784 = arith.constant 10 : i32
    %dma_wait3A_785 = arith.constant 0 : i32
    %dma_wait3A_786 = arith.constant 0 : i32
    %dma_wait3A_787 = tpu.memref_slice %arg6[%dma_wait3A_784, %dma_wait3A_785, %dma_wait3A_786] : memref<32x8x128xf32, #tpu.memory_space<vmem>> -> memref<1x8x128xf32, #tpu.memory_space<vmem>>
    %dma_wait3A_788 = tpu.memref_squeeze %dma_wait3A_787 : memref<1x8x128xf32, #tpu.memory_space<vmem>> -> memref<8x128xf32, #tpu.memory_space<vmem>>
    %dma_wait3A_789 = tpu.memref_slice %arg2[%multiple_of3A_219, %multiple_of3A_214] : memref<1024x100000xf32, #tpu.memory_space<hbm>> -> memref<8x128xf32, #tpu.memory_space<hbm>>
    %dma_wait3A_790 = arith.constant 0 : i32
    %dma_wait3A_791 = arith.constant 0 : i32
    %dma_wait3A_792 = tpu.memref_slice %arg6[%dma_wait3A_784, %dma_wait3A_790, %dma_wait3A_791] : memref<32x8x128xf32, #tpu.memory_space<vmem>> -> memref<1x8x128xf32, #tpu.memory_space<vmem>>
    %dma_wait3A_793 = tpu.memref_squeeze %dma_wait3A_792 : memref<1x8x128xf32, #tpu.memory_space<vmem>> -> memref<8x128xf32, #tpu.memory_space<vmem>>
    %dma_wait3A_794 = tpu.memref_slice %arg2[%multiple_of3A_219, %multiple_of3A_214] : memref<1024x100000xf32, #tpu.memory_space<hbm>> -> memref<8x128xf32, #tpu.memory_space<hbm>>
    tpu.wait_dma2 semaphore(%arg8 : memref<!tpu.dma_semaphore, #tpu.memory_space<semaphore_mem>>) src(%dma_wait3A_794 : memref<8x128xf32, #tpu.memory_space<hbm>>) dst(%dma_wait3A_793 : memref<8x128xf32, #tpu.memory_space<vmem>>)
    %dma_wait3A_795 = arith.constant 11 : i32
    %dma_wait3A_796 = arith.constant 0 : i32
    %dma_wait3A_797 = arith.constant 0 : i32
    %dma_wait3A_798 = tpu.memref_slice %arg6[%dma_wait3A_795, %dma_wait3A_796, %dma_wait3A_797] : memref<32x8x128xf32, #tpu.memory_space<vmem>> -> memref<1x8x128xf32, #tpu.memory_space<vmem>>
    %dma_wait3A_799 = tpu.memref_squeeze %dma_wait3A_798 : memref<1x8x128xf32, #tpu.memory_space<vmem>> -> memref<8x128xf32, #tpu.memory_space<vmem>>
    %dma_wait3A_800 = tpu.memref_slice %arg2[%multiple_of3A_240, %multiple_of3A_235] : memref<1024x100000xf32, #tpu.memory_space<hbm>> -> memref<8x128xf32, #tpu.memory_space<hbm>>
    %dma_wait3A_801 = arith.constant 0 : i32
    %dma_wait3A_802 = arith.constant 0 : i32
    %dma_wait3A_803 = tpu.memref_slice %arg6[%dma_wait3A_795, %dma_wait3A_801, %dma_wait3A_802] : memref<32x8x128xf32, #tpu.memory_space<vmem>> -> memref<1x8x128xf32, #tpu.memory_space<vmem>>
    %dma_wait3A_804 = tpu.memref_squeeze %dma_wait3A_803 : memref<1x8x128xf32, #tpu.memory_space<vmem>> -> memref<8x128xf32, #tpu.memory_space<vmem>>
    %dma_wait3A_805 = tpu.memref_slice %arg2[%multiple_of3A_240, %multiple_of3A_235] : memref<1024x100000xf32, #tpu.memory_space<hbm>> -> memref<8x128xf32, #tpu.memory_space<hbm>>
    tpu.wait_dma2 semaphore(%arg8 : memref<!tpu.dma_semaphore, #tpu.memory_space<semaphore_mem>>) src(%dma_wait3A_805 : memref<8x128xf32, #tpu.memory_space<hbm>>) dst(%dma_wait3A_804 : memref<8x128xf32, #tpu.memory_space<vmem>>)
    %dma_wait3A_806 = arith.constant 12 : i32
    %dma_wait3A_807 = arith.constant 0 : i32
    %dma_wait3A_808 = arith.constant 0 : i32
    %dma_wait3A_809 = tpu.memref_slice %arg6[%dma_wait3A_806, %dma_wait3A_807, %dma_wait3A_808] : memref<32x8x128xf32, #tpu.memory_space<vmem>> -> memref<1x8x128xf32, #tpu.memory_space<vmem>>
    %dma_wait3A_810 = tpu.memref_squeeze %dma_wait3A_809 : memref<1x8x128xf32, #tpu.memory_space<vmem>> -> memref<8x128xf32, #tpu.memory_space<vmem>>
    %dma_wait3A_811 = tpu.memref_slice %arg2[%multiple_of3A_261, %multiple_of3A_256] : memref<1024x100000xf32, #tpu.memory_space<hbm>> -> memref<8x128xf32, #tpu.memory_space<hbm>>
    %dma_wait3A_812 = arith.constant 0 : i32
    %dma_wait3A_813 = arith.constant 0 : i32
    %dma_wait3A_814 = tpu.memref_slice %arg6[%dma_wait3A_806, %dma_wait3A_812, %dma_wait3A_813] : memref<32x8x128xf32, #tpu.memory_space<vmem>> -> memref<1x8x128xf32, #tpu.memory_space<vmem>>
    %dma_wait3A_815 = tpu.memref_squeeze %dma_wait3A_814 : memref<1x8x128xf32, #tpu.memory_space<vmem>> -> memref<8x128xf32, #tpu.memory_space<vmem>>
    %dma_wait3A_816 = tpu.memref_slice %arg2[%multiple_of3A_261, %multiple_of3A_256] : memref<1024x100000xf32, #tpu.memory_space<hbm>> -> memref<8x128xf32, #tpu.memory_space<hbm>>
    tpu.wait_dma2 semaphore(%arg8 : memref<!tpu.dma_semaphore, #tpu.memory_space<semaphore_mem>>) src(%dma_wait3A_816 : memref<8x128xf32, #tpu.memory_space<hbm>>) dst(%dma_wait3A_815 : memref<8x128xf32, #tpu.memory_space<vmem>>)
    %dma_wait3A_817 = arith.constant 13 : i32
    %dma_wait3A_818 = arith.constant 0 : i32
    %dma_wait3A_819 = arith.constant 0 : i32
    %dma_wait3A_820 = tpu.memref_slice %arg6[%dma_wait3A_817, %dma_wait3A_818, %dma_wait3A_819] : memref<32x8x128xf32, #tpu.memory_space<vmem>> -> memref<1x8x128xf32, #tpu.memory_space<vmem>>
    %dma_wait3A_821 = tpu.memref_squeeze %dma_wait3A_820 : memref<1x8x128xf32, #tpu.memory_space<vmem>> -> memref<8x128xf32, #tpu.memory_space<vmem>>
    %dma_wait3A_822 = tpu.memref_slice %arg2[%multiple_of3A_282, %multiple_of3A_277] : memref<1024x100000xf32, #tpu.memory_space<hbm>> -> memref<8x128xf32, #tpu.memory_space<hbm>>
    %dma_wait3A_823 = arith.constant 0 : i32
    %dma_wait3A_824 = arith.constant 0 : i32
    %dma_wait3A_825 = tpu.memref_slice %arg6[%dma_wait3A_817, %dma_wait3A_823, %dma_wait3A_824] : memref<32x8x128xf32, #tpu.memory_space<vmem>> -> memref<1x8x128xf32, #tpu.memory_space<vmem>>
    %dma_wait3A_826 = tpu.memref_squeeze %dma_wait3A_825 : memref<1x8x128xf32, #tpu.memory_space<vmem>> -> memref<8x128xf32, #tpu.memory_space<vmem>>
    %dma_wait3A_827 = tpu.memref_slice %arg2[%multiple_of3A_282, %multiple_of3A_277] : memref<1024x100000xf32, #tpu.memory_space<hbm>> -> memref<8x128xf32, #tpu.memory_space<hbm>>
    tpu.wait_dma2 semaphore(%arg8 : memref<!tpu.dma_semaphore, #tpu.memory_space<semaphore_mem>>) src(%dma_wait3A_827 : memref<8x128xf32, #tpu.memory_space<hbm>>) dst(%dma_wait3A_826 : memref<8x128xf32, #tpu.memory_space<vmem>>)
    %dma_wait3A_828 = arith.constant 14 : i32
    %dma_wait3A_829 = arith.constant 0 : i32
    %dma_wait3A_830 = arith.constant 0 : i32
    %dma_wait3A_831 = tpu.memref_slice %arg6[%dma_wait3A_828, %dma_wait3A_829, %dma_wait3A_830] : memref<32x8x128xf32, #tpu.memory_space<vmem>> -> memref<1x8x128xf32, #tpu.memory_space<vmem>>
    %dma_wait3A_832 = tpu.memref_squeeze %dma_wait3A_831 : memref<1x8x128xf32, #tpu.memory_space<vmem>> -> memref<8x128xf32, #tpu.memory_space<vmem>>
    %dma_wait3A_833 = tpu.memref_slice %arg2[%multiple_of3A_303, %multiple_of3A_298] : memref<1024x100000xf32, #tpu.memory_space<hbm>> -> memref<8x128xf32, #tpu.memory_space<hbm>>
    %dma_wait3A_834 = arith.constant 0 : i32
    %dma_wait3A_835 = arith.constant 0 : i32
    %dma_wait3A_836 = tpu.memref_slice %arg6[%dma_wait3A_828, %dma_wait3A_834, %dma_wait3A_835] : memref<32x8x128xf32, #tpu.memory_space<vmem>> -> memref<1x8x128xf32, #tpu.memory_space<vmem>>
    %dma_wait3A_837 = tpu.memref_squeeze %dma_wait3A_836 : memref<1x8x128xf32, #tpu.memory_space<vmem>> -> memref<8x128xf32, #tpu.memory_space<vmem>>
    %dma_wait3A_838 = tpu.memref_slice %arg2[%multiple_of3A_303, %multiple_of3A_298] : memref<1024x100000xf32, #tpu.memory_space<hbm>> -> memref<8x128xf32, #tpu.memory_space<hbm>>
    tpu.wait_dma2 semaphore(%arg8 : memref<!tpu.dma_semaphore, #tpu.memory_space<semaphore_mem>>) src(%dma_wait3A_838 : memref<8x128xf32, #tpu.memory_space<hbm>>) dst(%dma_wait3A_837 : memref<8x128xf32, #tpu.memory_space<vmem>>)
    %dma_wait3A_839 = arith.constant 15 : i32
    %dma_wait3A_840 = arith.constant 0 : i32
    %dma_wait3A_841 = arith.constant 0 : i32
    %dma_wait3A_842 = tpu.memref_slice %arg6[%dma_wait3A_839, %dma_wait3A_840, %dma_wait3A_841] : memref<32x8x128xf32, #tpu.memory_space<vmem>> -> memref<1x8x128xf32, #tpu.memory_space<vmem>>
    %dma_wait3A_843 = tpu.memref_squeeze %dma_wait3A_842 : memref<1x8x128xf32, #tpu.memory_space<vmem>> -> memref<8x128xf32, #tpu.memory_space<vmem>>
    %dma_wait3A_844 = tpu.memref_slice %arg2[%multiple_of3A_324, %multiple_of3A_319] : memref<1024x100000xf32, #tpu.memory_space<hbm>> -> memref<8x128xf32, #tpu.memory_space<hbm>>
    %dma_wait3A_845 = arith.constant 0 : i32
    %dma_wait3A_846 = arith.constant 0 : i32
    %dma_wait3A_847 = tpu.memref_slice %arg6[%dma_wait3A_839, %dma_wait3A_845, %dma_wait3A_846] : memref<32x8x128xf32, #tpu.memory_space<vmem>> -> memref<1x8x128xf32, #tpu.memory_space<vmem>>
    %dma_wait3A_848 = tpu.memref_squeeze %dma_wait3A_847 : memref<1x8x128xf32, #tpu.memory_space<vmem>> -> memref<8x128xf32, #tpu.memory_space<vmem>>
    %dma_wait3A_849 = tpu.memref_slice %arg2[%multiple_of3A_324, %multiple_of3A_319] : memref<1024x100000xf32, #tpu.memory_space<hbm>> -> memref<8x128xf32, #tpu.memory_space<hbm>>
    tpu.wait_dma2 semaphore(%arg8 : memref<!tpu.dma_semaphore, #tpu.memory_space<semaphore_mem>>) src(%dma_wait3A_849 : memref<8x128xf32, #tpu.memory_space<hbm>>) dst(%dma_wait3A_848 : memref<8x128xf32, #tpu.memory_space<vmem>>)
    %dma_wait3A_850 = arith.constant 16 : i32
    %dma_wait3A_851 = arith.constant 0 : i32
    %dma_wait3A_852 = arith.constant 0 : i32
    %dma_wait3A_853 = tpu.memref_slice %arg6[%dma_wait3A_850, %dma_wait3A_851, %dma_wait3A_852] : memref<32x8x128xf32, #tpu.memory_space<vmem>> -> memref<1x8x128xf32, #tpu.memory_space<vmem>>
    %dma_wait3A_854 = tpu.memref_squeeze %dma_wait3A_853 : memref<1x8x128xf32, #tpu.memory_space<vmem>> -> memref<8x128xf32, #tpu.memory_space<vmem>>
    %dma_wait3A_855 = tpu.memref_slice %arg2[%multiple_of3A_348, %multiple_of3A_343] : memref<1024x100000xf32, #tpu.memory_space<hbm>> -> memref<8x128xf32, #tpu.memory_space<hbm>>
    %dma_wait3A_856 = arith.constant 0 : i32
    %dma_wait3A_857 = arith.constant 0 : i32
    %dma_wait3A_858 = tpu.memref_slice %arg6[%dma_wait3A_850, %dma_wait3A_856, %dma_wait3A_857] : memref<32x8x128xf32, #tpu.memory_space<vmem>> -> memref<1x8x128xf32, #tpu.memory_space<vmem>>
    %dma_wait3A_859 = tpu.memref_squeeze %dma_wait3A_858 : memref<1x8x128xf32, #tpu.memory_space<vmem>> -> memref<8x128xf32, #tpu.memory_space<vmem>>
    %dma_wait3A_860 = tpu.memref_slice %arg2[%multiple_of3A_348, %multiple_of3A_343] : memref<1024x100000xf32, #tpu.memory_space<hbm>> -> memref<8x128xf32, #tpu.memory_space<hbm>>
    tpu.wait_dma2 semaphore(%arg8 : memref<!tpu.dma_semaphore, #tpu.memory_space<semaphore_mem>>) src(%dma_wait3A_860 : memref<8x128xf32, #tpu.memory_space<hbm>>) dst(%dma_wait3A_859 : memref<8x128xf32, #tpu.memory_space<vmem>>)
    %dma_wait3A_861 = arith.constant 17 : i32
    %dma_wait3A_862 = arith.constant 0 : i32
    %dma_wait3A_863 = arith.constant 0 : i32
    %dma_wait3A_864 = tpu.memref_slice %arg6[%dma_wait3A_861, %dma_wait3A_862, %dma_wait3A_863] : memref<32x8x128xf32, #tpu.memory_space<vmem>> -> memref<1x8x128xf32, #tpu.memory_space<vmem>>
    %dma_wait3A_865 = tpu.memref_squeeze %dma_wait3A_864 : memref<1x8x128xf32, #tpu.memory_space<vmem>> -> memref<8x128xf32, #tpu.memory_space<vmem>>
    %dma_wait3A_866 = tpu.memref_slice %arg2[%multiple_of3A_369, %multiple_of3A_364] : memref<1024x100000xf32, #tpu.memory_space<hbm>> -> memref<8x128xf32, #tpu.memory_space<hbm>>
    %dma_wait3A_867 = arith.constant 0 : i32
    %dma_wait3A_868 = arith.constant 0 : i32
    %dma_wait3A_869 = tpu.memref_slice %arg6[%dma_wait3A_861, %dma_wait3A_867, %dma_wait3A_868] : memref<32x8x128xf32, #tpu.memory_space<vmem>> -> memref<1x8x128xf32, #tpu.memory_space<vmem>>
    %dma_wait3A_870 = tpu.memref_squeeze %dma_wait3A_869 : memref<1x8x128xf32, #tpu.memory_space<vmem>> -> memref<8x128xf32, #tpu.memory_space<vmem>>
    %dma_wait3A_871 = tpu.memref_slice %arg2[%multiple_of3A_369, %multiple_of3A_364] : memref<1024x100000xf32, #tpu.memory_space<hbm>> -> memref<8x128xf32, #tpu.memory_space<hbm>>
    tpu.wait_dma2 semaphore(%arg8 : memref<!tpu.dma_semaphore, #tpu.memory_space<semaphore_mem>>) src(%dma_wait3A_871 : memref<8x128xf32, #tpu.memory_space<hbm>>) dst(%dma_wait3A_870 : memref<8x128xf32, #tpu.memory_space<vmem>>)
    %dma_wait3A_872 = arith.constant 18 : i32
    %dma_wait3A_873 = arith.constant 0 : i32
    %dma_wait3A_874 = arith.constant 0 : i32
    %dma_wait3A_875 = tpu.memref_slice %arg6[%dma_wait3A_872, %dma_wait3A_873, %dma_wait3A_874] : memref<32x8x128xf32, #tpu.memory_space<vmem>> -> memref<1x8x128xf32, #tpu.memory_space<vmem>>
    %dma_wait3A_876 = tpu.memref_squeeze %dma_wait3A_875 : memref<1x8x128xf32, #tpu.memory_space<vmem>> -> memref<8x128xf32, #tpu.memory_space<vmem>>
    %dma_wait3A_877 = tpu.memref_slice %arg2[%multiple_of3A_390, %multiple_of3A_385] : memref<1024x100000xf32, #tpu.memory_space<hbm>> -> memref<8x128xf32, #tpu.memory_space<hbm>>
    %dma_wait3A_878 = arith.constant 0 : i32
    %dma_wait3A_879 = arith.constant 0 : i32
    %dma_wait3A_880 = tpu.memref_slice %arg6[%dma_wait3A_872, %dma_wait3A_878, %dma_wait3A_879] : memref<32x8x128xf32, #tpu.memory_space<vmem>> -> memref<1x8x128xf32, #tpu.memory_space<vmem>>
    %dma_wait3A_881 = tpu.memref_squeeze %dma_wait3A_880 : memref<1x8x128xf32, #tpu.memory_space<vmem>> -> memref<8x128xf32, #tpu.memory_space<vmem>>
    %dma_wait3A_882 = tpu.memref_slice %arg2[%multiple_of3A_390, %multiple_of3A_385] : memref<1024x100000xf32, #tpu.memory_space<hbm>> -> memref<8x128xf32, #tpu.memory_space<hbm>>
    tpu.wait_dma2 semaphore(%arg8 : memref<!tpu.dma_semaphore, #tpu.memory_space<semaphore_mem>>) src(%dma_wait3A_882 : memref<8x128xf32, #tpu.memory_space<hbm>>) dst(%dma_wait3A_881 : memref<8x128xf32, #tpu.memory_space<vmem>>)
    %dma_wait3A_883 = arith.constant 19 : i32
    %dma_wait3A_884 = arith.constant 0 : i32
    %dma_wait3A_885 = arith.constant 0 : i32
    %dma_wait3A_886 = tpu.memref_slice %arg6[%dma_wait3A_883, %dma_wait3A_884, %dma_wait3A_885] : memref<32x8x128xf32, #tpu.memory_space<vmem>> -> memref<1x8x128xf32, #tpu.memory_space<vmem>>
    %dma_wait3A_887 = tpu.memref_squeeze %dma_wait3A_886 : memref<1x8x128xf32, #tpu.memory_space<vmem>> -> memref<8x128xf32, #tpu.memory_space<vmem>>
    %dma_wait3A_888 = tpu.memref_slice %arg2[%multiple_of3A_411, %multiple_of3A_406] : memref<1024x100000xf32, #tpu.memory_space<hbm>> -> memref<8x128xf32, #tpu.memory_space<hbm>>
    %dma_wait3A_889 = arith.constant 0 : i32
    %dma_wait3A_890 = arith.constant 0 : i32
    %dma_wait3A_891 = tpu.memref_slice %arg6[%dma_wait3A_883, %dma_wait3A_889, %dma_wait3A_890] : memref<32x8x128xf32, #tpu.memory_space<vmem>> -> memref<1x8x128xf32, #tpu.memory_space<vmem>>
    %dma_wait3A_892 = tpu.memref_squeeze %dma_wait3A_891 : memref<1x8x128xf32, #tpu.memory_space<vmem>> -> memref<8x128xf32, #tpu.memory_space<vmem>>
    %dma_wait3A_893 = tpu.memref_slice %arg2[%multiple_of3A_411, %multiple_of3A_406] : memref<1024x100000xf32, #tpu.memory_space<hbm>> -> memref<8x128xf32, #tpu.memory_space<hbm>>
    tpu.wait_dma2 semaphore(%arg8 : memref<!tpu.dma_semaphore, #tpu.memory_space<semaphore_mem>>) src(%dma_wait3A_893 : memref<8x128xf32, #tpu.memory_space<hbm>>) dst(%dma_wait3A_892 : memref<8x128xf32, #tpu.memory_space<vmem>>)
    %dma_wait3A_894 = arith.constant 20 : i32
    %dma_wait3A_895 = arith.constant 0 : i32
    %dma_wait3A_896 = arith.constant 0 : i32
    %dma_wait3A_897 = tpu.memref_slice %arg6[%dma_wait3A_894, %dma_wait3A_895, %dma_wait3A_896] : memref<32x8x128xf32, #tpu.memory_space<vmem>> -> memref<1x8x128xf32, #tpu.memory_space<vmem>>
    %dma_wait3A_898 = tpu.memref_squeeze %dma_wait3A_897 : memref<1x8x128xf32, #tpu.memory_space<vmem>> -> memref<8x128xf32, #tpu.memory_space<vmem>>
    %dma_wait3A_899 = tpu.memref_slice %arg2[%multiple_of3A_432, %multiple_of3A_427] : memref<1024x100000xf32, #tpu.memory_space<hbm>> -> memref<8x128xf32, #tpu.memory_space<hbm>>
    %dma_wait3A_900 = arith.constant 0 : i32
    %dma_wait3A_901 = arith.constant 0 : i32
    %dma_wait3A_902 = tpu.memref_slice %arg6[%dma_wait3A_894, %dma_wait3A_900, %dma_wait3A_901] : memref<32x8x128xf32, #tpu.memory_space<vmem>> -> memref<1x8x128xf32, #tpu.memory_space<vmem>>
    %dma_wait3A_903 = tpu.memref_squeeze %dma_wait3A_902 : memref<1x8x128xf32, #tpu.memory_space<vmem>> -> memref<8x128xf32, #tpu.memory_space<vmem>>
    %dma_wait3A_904 = tpu.memref_slice %arg2[%multiple_of3A_432, %multiple_of3A_427] : memref<1024x100000xf32, #tpu.memory_space<hbm>> -> memref<8x128xf32, #tpu.memory_space<hbm>>
    tpu.wait_dma2 semaphore(%arg8 : memref<!tpu.dma_semaphore, #tpu.memory_space<semaphore_mem>>) src(%dma_wait3A_904 : memref<8x128xf32, #tpu.memory_space<hbm>>) dst(%dma_wait3A_903 : memref<8x128xf32, #tpu.memory_space<vmem>>)
    %dma_wait3A_905 = arith.constant 21 : i32
    %dma_wait3A_906 = arith.constant 0 : i32
    %dma_wait3A_907 = arith.constant 0 : i32
    %dma_wait3A_908 = tpu.memref_slice %arg6[%dma_wait3A_905, %dma_wait3A_906, %dma_wait3A_907] : memref<32x8x128xf32, #tpu.memory_space<vmem>> -> memref<1x8x128xf32, #tpu.memory_space<vmem>>
    %dma_wait3A_909 = tpu.memref_squeeze %dma_wait3A_908 : memref<1x8x128xf32, #tpu.memory_space<vmem>> -> memref<8x128xf32, #tpu.memory_space<vmem>>
    %dma_wait3A_910 = tpu.memref_slice %arg2[%multiple_of3A_453, %multiple_of3A_448] : memref<1024x100000xf32, #tpu.memory_space<hbm>> -> memref<8x128xf32, #tpu.memory_space<hbm>>
    %dma_wait3A_911 = arith.constant 0 : i32
    %dma_wait3A_912 = arith.constant 0 : i32
    %dma_wait3A_913 = tpu.memref_slice %arg6[%dma_wait3A_905, %dma_wait3A_911, %dma_wait3A_912] : memref<32x8x128xf32, #tpu.memory_space<vmem>> -> memref<1x8x128xf32, #tpu.memory_space<vmem>>
    %dma_wait3A_914 = tpu.memref_squeeze %dma_wait3A_913 : memref<1x8x128xf32, #tpu.memory_space<vmem>> -> memref<8x128xf32, #tpu.memory_space<vmem>>
    %dma_wait3A_915 = tpu.memref_slice %arg2[%multiple_of3A_453, %multiple_of3A_448] : memref<1024x100000xf32, #tpu.memory_space<hbm>> -> memref<8x128xf32, #tpu.memory_space<hbm>>
    tpu.wait_dma2 semaphore(%arg8 : memref<!tpu.dma_semaphore, #tpu.memory_space<semaphore_mem>>) src(%dma_wait3A_915 : memref<8x128xf32, #tpu.memory_space<hbm>>) dst(%dma_wait3A_914 : memref<8x128xf32, #tpu.memory_space<vmem>>)
    %dma_wait3A_916 = arith.constant 22 : i32
    %dma_wait3A_917 = arith.constant 0 : i32
    %dma_wait3A_918 = arith.constant 0 : i32
    %dma_wait3A_919 = tpu.memref_slice %arg6[%dma_wait3A_916, %dma_wait3A_917, %dma_wait3A_918] : memref<32x8x128xf32, #tpu.memory_space<vmem>> -> memref<1x8x128xf32, #tpu.memory_space<vmem>>
    %dma_wait3A_920 = tpu.memref_squeeze %dma_wait3A_919 : memref<1x8x128xf32, #tpu.memory_space<vmem>> -> memref<8x128xf32, #tpu.memory_space<vmem>>
    %dma_wait3A_921 = tpu.memref_slice %arg2[%multiple_of3A_474, %multiple_of3A_469] : memref<1024x100000xf32, #tpu.memory_space<hbm>> -> memref<8x128xf32, #tpu.memory_space<hbm>>
    %dma_wait3A_922 = arith.constant 0 : i32
    %dma_wait3A_923 = arith.constant 0 : i32
    %dma_wait3A_924 = tpu.memref_slice %arg6[%dma_wait3A_916, %dma_wait3A_922, %dma_wait3A_923] : memref<32x8x128xf32, #tpu.memory_space<vmem>> -> memref<1x8x128xf32, #tpu.memory_space<vmem>>
    %dma_wait3A_925 = tpu.memref_squeeze %dma_wait3A_924 : memref<1x8x128xf32, #tpu.memory_space<vmem>> -> memref<8x128xf32, #tpu.memory_space<vmem>>
    %dma_wait3A_926 = tpu.memref_slice %arg2[%multiple_of3A_474, %multiple_of3A_469] : memref<1024x100000xf32, #tpu.memory_space<hbm>> -> memref<8x128xf32, #tpu.memory_space<hbm>>
    tpu.wait_dma2 semaphore(%arg8 : memref<!tpu.dma_semaphore, #tpu.memory_space<semaphore_mem>>) src(%dma_wait3A_926 : memref<8x128xf32, #tpu.memory_space<hbm>>) dst(%dma_wait3A_925 : memref<8x128xf32, #tpu.memory_space<vmem>>)
    %dma_wait3A_927 = arith.constant 23 : i32
    %dma_wait3A_928 = arith.constant 0 : i32
    %dma_wait3A_929 = arith.constant 0 : i32
    %dma_wait3A_930 = tpu.memref_slice %arg6[%dma_wait3A_927, %dma_wait3A_928, %dma_wait3A_929] : memref<32x8x128xf32, #tpu.memory_space<vmem>> -> memref<1x8x128xf32, #tpu.memory_space<vmem>>
    %dma_wait3A_931 = tpu.memref_squeeze %dma_wait3A_930 : memref<1x8x128xf32, #tpu.memory_space<vmem>> -> memref<8x128xf32, #tpu.memory_space<vmem>>
    %dma_wait3A_932 = tpu.memref_slice %arg2[%multiple_of3A_495, %multiple_of3A_490] : memref<1024x100000xf32, #tpu.memory_space<hbm>> -> memref<8x128xf32, #tpu.memory_space<hbm>>
    %dma_wait3A_933 = arith.constant 0 : i32
    %dma_wait3A_934 = arith.constant 0 : i32
    %dma_wait3A_935 = tpu.memref_slice %arg6[%dma_wait3A_927, %dma_wait3A_933, %dma_wait3A_934] : memref<32x8x128xf32, #tpu.memory_space<vmem>> -> memref<1x8x128xf32, #tpu.memory_space<vmem>>
    %dma_wait3A_936 = tpu.memref_squeeze %dma_wait3A_935 : memref<1x8x128xf32, #tpu.memory_space<vmem>> -> memref<8x128xf32, #tpu.memory_space<vmem>>
    %dma_wait3A_937 = tpu.memref_slice %arg2[%multiple_of3A_495, %multiple_of3A_490] : memref<1024x100000xf32, #tpu.memory_space<hbm>> -> memref<8x128xf32, #tpu.memory_space<hbm>>
    tpu.wait_dma2 semaphore(%arg8 : memref<!tpu.dma_semaphore, #tpu.memory_space<semaphore_mem>>) src(%dma_wait3A_937 : memref<8x128xf32, #tpu.memory_space<hbm>>) dst(%dma_wait3A_936 : memref<8x128xf32, #tpu.memory_space<vmem>>)
    %dma_wait3A_938 = arith.constant 24 : i32
    %dma_wait3A_939 = arith.constant 0 : i32
    %dma_wait3A_940 = arith.constant 0 : i32
    %dma_wait3A_941 = tpu.memref_slice %arg6[%dma_wait3A_938, %dma_wait3A_939, %dma_wait3A_940] : memref<32x8x128xf32, #tpu.memory_space<vmem>> -> memref<1x8x128xf32, #tpu.memory_space<vmem>>
    %dma_wait3A_942 = tpu.memref_squeeze %dma_wait3A_941 : memref<1x8x128xf32, #tpu.memory_space<vmem>> -> memref<8x128xf32, #tpu.memory_space<vmem>>
    %dma_wait3A_943 = tpu.memref_slice %arg2[%multiple_of3A_516, %multiple_of3A_511] : memref<1024x100000xf32, #tpu.memory_space<hbm>> -> memref<8x128xf32, #tpu.memory_space<hbm>>
    %dma_wait3A_944 = arith.constant 0 : i32
    %dma_wait3A_945 = arith.constant 0 : i32
    %dma_wait3A_946 = tpu.memref_slice %arg6[%dma_wait3A_938, %dma_wait3A_944, %dma_wait3A_945] : memref<32x8x128xf32, #tpu.memory_space<vmem>> -> memref<1x8x128xf32, #tpu.memory_space<vmem>>
    %dma_wait3A_947 = tpu.memref_squeeze %dma_wait3A_946 : memref<1x8x128xf32, #tpu.memory_space<vmem>> -> memref<8x128xf32, #tpu.memory_space<vmem>>
    %dma_wait3A_948 = tpu.memref_slice %arg2[%multiple_of3A_516, %multiple_of3A_511] : memref<1024x100000xf32, #tpu.memory_space<hbm>> -> memref<8x128xf32, #tpu.memory_space<hbm>>
    tpu.wait_dma2 semaphore(%arg8 : memref<!tpu.dma_semaphore, #tpu.memory_space<semaphore_mem>>) src(%dma_wait3A_948 : memref<8x128xf32, #tpu.memory_space<hbm>>) dst(%dma_wait3A_947 : memref<8x128xf32, #tpu.memory_space<vmem>>)
    %dma_wait3A_949 = arith.constant 25 : i32
    %dma_wait3A_950 = arith.constant 0 : i32
    %dma_wait3A_951 = arith.constant 0 : i32
    %dma_wait3A_952 = tpu.memref_slice %arg6[%dma_wait3A_949, %dma_wait3A_950, %dma_wait3A_951] : memref<32x8x128xf32, #tpu.memory_space<vmem>> -> memref<1x8x128xf32, #tpu.memory_space<vmem>>
    %dma_wait3A_953 = tpu.memref_squeeze %dma_wait3A_952 : memref<1x8x128xf32, #tpu.memory_space<vmem>> -> memref<8x128xf32, #tpu.memory_space<vmem>>
    %dma_wait3A_954 = tpu.memref_slice %arg2[%multiple_of3A_537, %multiple_of3A_532] : memref<1024x100000xf32, #tpu.memory_space<hbm>> -> memref<8x128xf32, #tpu.memory_space<hbm>>
    %dma_wait3A_955 = arith.constant 0 : i32
    %dma_wait3A_956 = arith.constant 0 : i32
    %dma_wait3A_957 = tpu.memref_slice %arg6[%dma_wait3A_949, %dma_wait3A_955, %dma_wait3A_956] : memref<32x8x128xf32, #tpu.memory_space<vmem>> -> memref<1x8x128xf32, #tpu.memory_space<vmem>>
    %dma_wait3A_958 = tpu.memref_squeeze %dma_wait3A_957 : memref<1x8x128xf32, #tpu.memory_space<vmem>> -> memref<8x128xf32, #tpu.memory_space<vmem>>
    %dma_wait3A_959 = tpu.memref_slice %arg2[%multiple_of3A_537, %multiple_of3A_532] : memref<1024x100000xf32, #tpu.memory_space<hbm>> -> memref<8x128xf32, #tpu.memory_space<hbm>>
    tpu.wait_dma2 semaphore(%arg8 : memref<!tpu.dma_semaphore, #tpu.memory_space<semaphore_mem>>) src(%dma_wait3A_959 : memref<8x128xf32, #tpu.memory_space<hbm>>) dst(%dma_wait3A_958 : memref<8x128xf32, #tpu.memory_space<vmem>>)
    %dma_wait3A_960 = arith.constant 26 : i32
    %dma_wait3A_961 = arith.constant 0 : i32
    %dma_wait3A_962 = arith.constant 0 : i32
    %dma_wait3A_963 = tpu.memref_slice %arg6[%dma_wait3A_960, %dma_wait3A_961, %dma_wait3A_962] : memref<32x8x128xf32, #tpu.memory_space<vmem>> -> memref<1x8x128xf32, #tpu.memory_space<vmem>>
    %dma_wait3A_964 = tpu.memref_squeeze %dma_wait3A_963 : memref<1x8x128xf32, #tpu.memory_space<vmem>> -> memref<8x128xf32, #tpu.memory_space<vmem>>
    %dma_wait3A_965 = tpu.memref_slice %arg2[%multiple_of3A_558, %multiple_of3A_553] : memref<1024x100000xf32, #tpu.memory_space<hbm>> -> memref<8x128xf32, #tpu.memory_space<hbm>>
    %dma_wait3A_966 = arith.constant 0 : i32
    %dma_wait3A_967 = arith.constant 0 : i32
    %dma_wait3A_968 = tpu.memref_slice %arg6[%dma_wait3A_960, %dma_wait3A_966, %dma_wait3A_967] : memref<32x8x128xf32, #tpu.memory_space<vmem>> -> memref<1x8x128xf32, #tpu.memory_space<vmem>>
    %dma_wait3A_969 = tpu.memref_squeeze %dma_wait3A_968 : memref<1x8x128xf32, #tpu.memory_space<vmem>> -> memref<8x128xf32, #tpu.memory_space<vmem>>
    %dma_wait3A_970 = tpu.memref_slice %arg2[%multiple_of3A_558, %multiple_of3A_553] : memref<1024x100000xf32, #tpu.memory_space<hbm>> -> memref<8x128xf32, #tpu.memory_space<hbm>>
    tpu.wait_dma2 semaphore(%arg8 : memref<!tpu.dma_semaphore, #tpu.memory_space<semaphore_mem>>) src(%dma_wait3A_970 : memref<8x128xf32, #tpu.memory_space<hbm>>) dst(%dma_wait3A_969 : memref<8x128xf32, #tpu.memory_space<vmem>>)
    %dma_wait3A_971 = arith.constant 27 : i32
    %dma_wait3A_972 = arith.constant 0 : i32
    %dma_wait3A_973 = arith.constant 0 : i32
    %dma_wait3A_974 = tpu.memref_slice %arg6[%dma_wait3A_971, %dma_wait3A_972, %dma_wait3A_973] : memref<32x8x128xf32, #tpu.memory_space<vmem>> -> memref<1x8x128xf32, #tpu.memory_space<vmem>>
    %dma_wait3A_975 = tpu.memref_squeeze %dma_wait3A_974 : memref<1x8x128xf32, #tpu.memory_space<vmem>> -> memref<8x128xf32, #tpu.memory_space<vmem>>
    %dma_wait3A_976 = tpu.memref_slice %arg2[%multiple_of3A_579, %multiple_of3A_574] : memref<1024x100000xf32, #tpu.memory_space<hbm>> -> memref<8x128xf32, #tpu.memory_space<hbm>>
    %dma_wait3A_977 = arith.constant 0 : i32
    %dma_wait3A_978 = arith.constant 0 : i32
    %dma_wait3A_979 = tpu.memref_slice %arg6[%dma_wait3A_971, %dma_wait3A_977, %dma_wait3A_978] : memref<32x8x128xf32, #tpu.memory_space<vmem>> -> memref<1x8x128xf32, #tpu.memory_space<vmem>>
    %dma_wait3A_980 = tpu.memref_squeeze %dma_wait3A_979 : memref<1x8x128xf32, #tpu.memory_space<vmem>> -> memref<8x128xf32, #tpu.memory_space<vmem>>
    %dma_wait3A_981 = tpu.memref_slice %arg2[%multiple_of3A_579, %multiple_of3A_574] : memref<1024x100000xf32, #tpu.memory_space<hbm>> -> memref<8x128xf32, #tpu.memory_space<hbm>>
    tpu.wait_dma2 semaphore(%arg8 : memref<!tpu.dma_semaphore, #tpu.memory_space<semaphore_mem>>) src(%dma_wait3A_981 : memref<8x128xf32, #tpu.memory_space<hbm>>) dst(%dma_wait3A_980 : memref<8x128xf32, #tpu.memory_space<vmem>>)
    %dma_wait3A_982 = arith.constant 28 : i32
    %dma_wait3A_983 = arith.constant 0 : i32
    %dma_wait3A_984 = arith.constant 0 : i32
    %dma_wait3A_985 = tpu.memref_slice %arg6[%dma_wait3A_982, %dma_wait3A_983, %dma_wait3A_984] : memref<32x8x128xf32, #tpu.memory_space<vmem>> -> memref<1x8x128xf32, #tpu.memory_space<vmem>>
    %dma_wait3A_986 = tpu.memref_squeeze %dma_wait3A_985 : memref<1x8x128xf32, #tpu.memory_space<vmem>> -> memref<8x128xf32, #tpu.memory_space<vmem>>
    %dma_wait3A_987 = tpu.memref_slice %arg2[%multiple_of3A_600, %multiple_of3A_595] : memref<1024x100000xf32, #tpu.memory_space<hbm>> -> memref<8x128xf32, #tpu.memory_space<hbm>>
    %dma_wait3A_988 = arith.constant 0 : i32
    %dma_wait3A_989 = arith.constant 0 : i32
    %dma_wait3A_990 = tpu.memref_slice %arg6[%dma_wait3A_982, %dma_wait3A_988, %dma_wait3A_989] : memref<32x8x128xf32, #tpu.memory_space<vmem>> -> memref<1x8x128xf32, #tpu.memory_space<vmem>>
    %dma_wait3A_991 = tpu.memref_squeeze %dma_wait3A_990 : memref<1x8x128xf32, #tpu.memory_space<vmem>> -> memref<8x128xf32, #tpu.memory_space<vmem>>
    %dma_wait3A_992 = tpu.memref_slice %arg2[%multiple_of3A_600, %multiple_of3A_595] : memref<1024x100000xf32, #tpu.memory_space<hbm>> -> memref<8x128xf32, #tpu.memory_space<hbm>>
    tpu.wait_dma2 semaphore(%arg8 : memref<!tpu.dma_semaphore, #tpu.memory_space<semaphore_mem>>) src(%dma_wait3A_992 : memref<8x128xf32, #tpu.memory_space<hbm>>) dst(%dma_wait3A_991 : memref<8x128xf32, #tpu.memory_space<vmem>>)
    %dma_wait3A_993 = arith.constant 29 : i32
    %dma_wait3A_994 = arith.constant 0 : i32
    %dma_wait3A_995 = arith.constant 0 : i32
    %dma_wait3A_996 = tpu.memref_slice %arg6[%dma_wait3A_993, %dma_wait3A_994, %dma_wait3A_995] : memref<32x8x128xf32, #tpu.memory_space<vmem>> -> memref<1x8x128xf32, #tpu.memory_space<vmem>>
    %dma_wait3A_997 = tpu.memref_squeeze %dma_wait3A_996 : memref<1x8x128xf32, #tpu.memory_space<vmem>> -> memref<8x128xf32, #tpu.memory_space<vmem>>
    %dma_wait3A_998 = tpu.memref_slice %arg2[%multiple_of3A_621, %multiple_of3A_616] : memref<1024x100000xf32, #tpu.memory_space<hbm>> -> memref<8x128xf32, #tpu.memory_space<hbm>>
    %dma_wait3A_999 = arith.constant 0 : i32
    %dma_wait3A_1000 = arith.constant 0 : i32
    %dma_wait3A_1001 = tpu.memref_slice %arg6[%dma_wait3A_993, %dma_wait3A_999, %dma_wait3A_1000] : memref<32x8x128xf32, #tpu.memory_space<vmem>> -> memref<1x8x128xf32, #tpu.memory_space<vmem>>
    %dma_wait3A_1002 = tpu.memref_squeeze %dma_wait3A_1001 : memref<1x8x128xf32, #tpu.memory_space<vmem>> -> memref<8x128xf32, #tpu.memory_space<vmem>>
    %dma_wait3A_1003 = tpu.memref_slice %arg2[%multiple_of3A_621, %multiple_of3A_616] : memref<1024x100000xf32, #tpu.memory_space<hbm>> -> memref<8x128xf32, #tpu.memory_space<hbm>>
    tpu.wait_dma2 semaphore(%arg8 : memref<!tpu.dma_semaphore, #tpu.memory_space<semaphore_mem>>) src(%dma_wait3A_1003 : memref<8x128xf32, #tpu.memory_space<hbm>>) dst(%dma_wait3A_1002 : memref<8x128xf32, #tpu.memory_space<vmem>>)
    %dma_wait3A_1004 = arith.constant 30 : i32
    %dma_wait3A_1005 = arith.constant 0 : i32
    %dma_wait3A_1006 = arith.constant 0 : i32
    %dma_wait3A_1007 = tpu.memref_slice %arg6[%dma_wait3A_1004, %dma_wait3A_1005, %dma_wait3A_1006] : memref<32x8x128xf32, #tpu.memory_space<vmem>> -> memref<1x8x128xf32, #tpu.memory_space<vmem>>
    %dma_wait3A_1008 = tpu.memref_squeeze %dma_wait3A_1007 : memref<1x8x128xf32, #tpu.memory_space<vmem>> -> memref<8x128xf32, #tpu.memory_space<vmem>>
    %dma_wait3A_1009 = tpu.memref_slice %arg2[%multiple_of3A_642, %multiple_of3A_637] : memref<1024x100000xf32, #tpu.memory_space<hbm>> -> memref<8x128xf32, #tpu.memory_space<hbm>>
    %dma_wait3A_1010 = arith.constant 0 : i32
    %dma_wait3A_1011 = arith.constant 0 : i32
    %dma_wait3A_1012 = tpu.memref_slice %arg6[%dma_wait3A_1004, %dma_wait3A_1010, %dma_wait3A_1011] : memref<32x8x128xf32, #tpu.memory_space<vmem>> -> memref<1x8x128xf32, #tpu.memory_space<vmem>>
    %dma_wait3A_1013 = tpu.memref_squeeze %dma_wait3A_1012 : memref<1x8x128xf32, #tpu.memory_space<vmem>> -> memref<8x128xf32, #tpu.memory_space<vmem>>
    %dma_wait3A_1014 = tpu.memref_slice %arg2[%multiple_of3A_642, %multiple_of3A_637] : memref<1024x100000xf32, #tpu.memory_space<hbm>> -> memref<8x128xf32, #tpu.memory_space<hbm>>
    tpu.wait_dma2 semaphore(%arg8 : memref<!tpu.dma_semaphore, #tpu.memory_space<semaphore_mem>>) src(%dma_wait3A_1014 : memref<8x128xf32, #tpu.memory_space<hbm>>) dst(%dma_wait3A_1013 : memref<8x128xf32, #tpu.memory_space<vmem>>)
    %dma_wait3A_1015 = arith.constant 31 : i32
    %dma_wait3A_1016 = arith.constant 0 : i32
    %dma_wait3A_1017 = arith.constant 0 : i32
    %dma_wait3A_1018 = tpu.memref_slice %arg6[%dma_wait3A_1015, %dma_wait3A_1016, %dma_wait3A_1017] : memref<32x8x128xf32, #tpu.memory_space<vmem>> -> memref<1x8x128xf32, #tpu.memory_space<vmem>>
    %dma_wait3A_1019 = tpu.memref_squeeze %dma_wait3A_1018 : memref<1x8x128xf32, #tpu.memory_space<vmem>> -> memref<8x128xf32, #tpu.memory_space<vmem>>
    %dma_wait3A_1020 = tpu.memref_slice %arg2[%multiple_of3A_663, %multiple_of3A_658] : memref<1024x100000xf32, #tpu.memory_space<hbm>> -> memref<8x128xf32, #tpu.memory_space<hbm>>
    %dma_wait3A_1021 = arith.constant 0 : i32
    %dma_wait3A_1022 = arith.constant 0 : i32
    %dma_wait3A_1023 = tpu.memref_slice %arg6[%dma_wait3A_1015, %dma_wait3A_1021, %dma_wait3A_1022] : memref<32x8x128xf32, #tpu.memory_space<vmem>> -> memref<1x8x128xf32, #tpu.memory_space<vmem>>
    %dma_wait3A_1024 = tpu.memref_squeeze %dma_wait3A_1023 : memref<1x8x128xf32, #tpu.memory_space<vmem>> -> memref<8x128xf32, #tpu.memory_space<vmem>>
    %dma_wait3A_1025 = tpu.memref_slice %arg2[%multiple_of3A_663, %multiple_of3A_658] : memref<1024x100000xf32, #tpu.memory_space<hbm>> -> memref<8x128xf32, #tpu.memory_space<hbm>>
    tpu.wait_dma2 semaphore(%arg8 : memref<!tpu.dma_semaphore, #tpu.memory_space<semaphore_mem>>) src(%dma_wait3A_1025 : memref<8x128xf32, #tpu.memory_space<hbm>>) dst(%dma_wait3A_1024 : memref<8x128xf32, #tpu.memory_space<vmem>>)
    %get3A_1026 = arith.constant 0 : i32
    %get3A_1027 = arith.constant 0 : i32
    %get3A_1028 = arith.index_cast %get3A_1026 : i32 to index
    %get3A_1029 = arith.index_cast %get3A_1027 : i32 to index
    %get3A_1030 = arith.constant 0 : index
    %get3A_1031 = tpu.vector_load %arg6[%get3A_1028, %get3A_1029, %get3A_1030] {strides = array<i32>} : memref<32x8x128xf32, #tpu.memory_space<vmem>>, vector<1x1x16xf32>,
    %get3A_1032 = vector.shape_cast %get3A_1031 : vector<1x1x16xf32> to vector<16xf32>
    %swap3A = arith.constant 0 : i32
    %swap3A_1033 = arith.index_cast %swap3A : i32 to index
    %swap3A_1034 = arith.constant 0 : index
    %swap3A_1035 = tpu.vector_load %arg7[%swap3A_1033, %swap3A_1034] {strides = array<i32>} : memref<32x128xf32, #tpu.memory_space<vmem>>, vector<1x16xf32>,
    %swap3A_1036 = vector.shape_cast %swap3A_1035 : vector<1x16xf32> to vector<16xf32>
    %swap3A_1037 = vector.shape_cast %get3A_1032 : vector<16xf32> to vector<1x16xf32>
    tpu.vector_store %arg7[%swap3A_1033, %swap3A_1034], %swap3A_1037 {strides = array<i32>} : memref<32x128xf32, #tpu.memory_space<vmem>>, vector<1x16xf32>,
    %get3A_1038 = arith.constant 0 : i32
    %get3A_1039 = arith.constant 0 : i32
    %get3A_1040 = arith.index_cast %get3A_1038 : i32 to index
    %get3A_1041 = arith.index_cast %get3A_1039 : i32 to index
    %get3A_1042 = arith.constant 16 : index
    %get3A_1043 = tpu.vector_load %arg6[%get3A_1040, %get3A_1041, %get3A_1042] {strides = array<i32>} : memref<32x8x128xf32, #tpu.memory_space<vmem>>, vector<1x1x16xf32>,
    %get3A_1044 = vector.shape_cast %get3A_1043 : vector<1x1x16xf32> to vector<16xf32>
    %swap3A_1045 = arith.constant 0 : i32
    %swap3A_1046 = arith.index_cast %swap3A_1045 : i32 to index
    %swap3A_1047 = arith.constant 16 : index
    %swap3A_1048 = tpu.vector_load %arg7[%swap3A_1046, %swap3A_1047] {strides = array<i32>} : memref<32x128xf32, #tpu.memory_space<vmem>>, vector<1x16xf32>,
    %swap3A_1049 = vector.shape_cast %swap3A_1048 : vector<1x16xf32> to vector<16xf32>
    %swap3A_1050 = vector.shape_cast %get3A_1044 : vector<16xf32> to vector<1x16xf32>
    tpu.vector_store %arg7[%swap3A_1046, %swap3A_1047], %swap3A_1050 {strides = array<i32>} : memref<32x128xf32, #tpu.memory_space<vmem>>, vector<1x16xf32>,
    %get3A_1051 = arith.constant 0 : i32
    %get3A_1052 = arith.constant 0 : i32
    %get3A_1053 = arith.index_cast %get3A_1051 : i32 to index
    %get3A_1054 = arith.index_cast %get3A_1052 : i32 to index
    %get3A_1055 = arith.constant 32 : index
    %get3A_1056 = tpu.vector_load %arg6[%get3A_1053, %get3A_1054, %get3A_1055] {strides = array<i32>} : memref<32x8x128xf32, #tpu.memory_space<vmem>>, vector<1x1x16xf32>,
    %get3A_1057 = vector.shape_cast %get3A_1056 : vector<1x1x16xf32> to vector<16xf32>
    %swap3A_1058 = arith.constant 0 : i32
    %swap3A_1059 = arith.index_cast %swap3A_1058 : i32 to index
    %swap3A_1060 = arith.constant 32 : index
    %swap3A_1061 = tpu.vector_load %arg7[%swap3A_1059, %swap3A_1060] {strides = array<i32>} : memref<32x128xf32, #tpu.memory_space<vmem>>, vector<1x16xf32>,
    %swap3A_1062 = vector.shape_cast %swap3A_1061 : vector<1x16xf32> to vector<16xf32>
    %swap3A_1063 = vector.shape_cast %get3A_1057 : vector<16xf32> to vector<1x16xf32>
    tpu.vector_store %arg7[%swap3A_1059, %swap3A_1060], %swap3A_1063 {strides = array<i32>} : memref<32x128xf32, #tpu.memory_space<vmem>>, vector<1x16xf32>,
    %get3A_1064 = arith.constant 0 : i32
    %get3A_1065 = arith.constant 0 : i32
    %get3A_1066 = arith.index_cast %get3A_1064 : i32 to index
    %get3A_1067 = arith.index_cast %get3A_1065 : i32 to index
    %get3A_1068 = arith.constant 48 : index
    %get3A_1069 = tpu.vector_load %arg6[%get3A_1066, %get3A_1067, %get3A_1068] {strides = array<i32>} : memref<32x8x128xf32, #tpu.memory_space<vmem>>, vector<1x1x16xf32>,
    %get3A_1070 = vector.shape_cast %get3A_1069 : vector<1x1x16xf32> to vector<16xf32>
    %swap3A_1071 = arith.constant 0 : i32
    %swap3A_1072 = arith.index_cast %swap3A_1071 : i32 to index
    %swap3A_1073 = arith.constant 48 : index
    %swap3A_1074 = tpu.vector_load %arg7[%swap3A_1072, %swap3A_1073] {strides = array<i32>} : memref<32x128xf32, #tpu.memory_space<vmem>>, vector<1x16xf32>,
    %swap3A_1075 = vector.shape_cast %swap3A_1074 : vector<1x16xf32> to vector<16xf32>
    %swap3A_1076 = vector.shape_cast %get3A_1070 : vector<16xf32> to vector<1x16xf32>
    tpu.vector_store %arg7[%swap3A_1072, %swap3A_1073], %swap3A_1076 {strides = array<i32>} : memref<32x128xf32, #tpu.memory_space<vmem>>, vector<1x16xf32>,
    %get3A_1077 = arith.constant 0 : i32
    %get3A_1078 = arith.constant 0 : i32
    %get3A_1079 = arith.index_cast %get3A_1077 : i32 to index
    %get3A_1080 = arith.index_cast %get3A_1078 : i32 to index
    %get3A_1081 = arith.constant 64 : index
    %get3A_1082 = tpu.vector_load %arg6[%get3A_1079, %get3A_1080, %get3A_1081] {strides = array<i32>} : memref<32x8x128xf32, #tpu.memory_space<vmem>>, vector<1x1x16xf32>,
    %get3A_1083 = vector.shape_cast %get3A_1082 : vector<1x1x16xf32> to vector<16xf32>
    %swap3A_1084 = arith.constant 0 : i32
    %swap3A_1085 = arith.index_cast %swap3A_1084 : i32 to index
    %swap3A_1086 = arith.constant 64 : index
    %swap3A_1087 = tpu.vector_load %arg7[%swap3A_1085, %swap3A_1086] {strides = array<i32>} : memref<32x128xf32, #tpu.memory_space<vmem>>, vector<1x16xf32>,
    %swap3A_1088 = vector.shape_cast %swap3A_1087 : vector<1x16xf32> to vector<16xf32>
    %swap3A_1089 = vector.shape_cast %get3A_1083 : vector<16xf32> to vector<1x16xf32>
    tpu.vector_store %arg7[%swap3A_1085, %swap3A_1086], %swap3A_1089 {strides = array<i32>} : memref<32x128xf32, #tpu.memory_space<vmem>>, vector<1x16xf32>,
    %get3A_1090 = arith.constant 0 : i32
    %get3A_1091 = arith.constant 0 : i32
    %get3A_1092 = arith.index_cast %get3A_1090 : i32 to index
    %get3A_1093 = arith.index_cast %get3A_1091 : i32 to index
    %get3A_1094 = arith.constant 80 : index
    %get3A_1095 = tpu.vector_load %arg6[%get3A_1092, %get3A_1093, %get3A_1094] {strides = array<i32>} : memref<32x8x128xf32, #tpu.memory_space<vmem>>, vector<1x1x16xf32>,
    %get3A_1096 = vector.shape_cast %get3A_1095 : vector<1x1x16xf32> to vector<16xf32>
    %swap3A_1097 = arith.constant 0 : i32
    %swap3A_1098 = arith.index_cast %swap3A_1097 : i32 to index
    %swap3A_1099 = arith.constant 80 : index
    %swap3A_1100 = tpu.vector_load %arg7[%swap3A_1098, %swap3A_1099] {strides = array<i32>} : memref<32x128xf32, #tpu.memory_space<vmem>>, vector<1x16xf32>,
    %swap3A_1101 = vector.shape_cast %swap3A_1100 : vector<1x16xf32> to vector<16xf32>
    %swap3A_1102 = vector.shape_cast %get3A_1096 : vector<16xf32> to vector<1x16xf32>
    tpu.vector_store %arg7[%swap3A_1098, %swap3A_1099], %swap3A_1102 {strides = array<i32>} : memref<32x128xf32, #tpu.memory_space<vmem>>, vector<1x16xf32>,
    %get3A_1103 = arith.constant 0 : i32
    %get3A_1104 = arith.constant 0 : i32
    %get3A_1105 = arith.index_cast %get3A_1103 : i32 to index
    %get3A_1106 = arith.index_cast %get3A_1104 : i32 to index
    %get3A_1107 = arith.constant 96 : index
    %get3A_1108 = tpu.vector_load %arg6[%get3A_1105, %get3A_1106, %get3A_1107] {strides = array<i32>} : memref<32x8x128xf32, #tpu.memory_space<vmem>>, vector<1x1x16xf32>,
    %get3A_1109 = vector.shape_cast %get3A_1108 : vector<1x1x16xf32> to vector<16xf32>
    %swap3A_1110 = arith.constant 0 : i32
    %swap3A_1111 = arith.index_cast %swap3A_1110 : i32 to index
    %swap3A_1112 = arith.constant 96 : index
    %swap3A_1113 = tpu.vector_load %arg7[%swap3A_1111, %swap3A_1112] {strides = array<i32>} : memref<32x128xf32, #tpu.memory_space<vmem>>, vector<1x16xf32>,
    %swap3A_1114 = vector.shape_cast %swap3A_1113 : vector<1x16xf32> to vector<16xf32>
    %swap3A_1115 = vector.shape_cast %get3A_1109 : vector<16xf32> to vector<1x16xf32>
    tpu.vector_store %arg7[%swap3A_1111, %swap3A_1112], %swap3A_1115 {strides = array<i32>} : memref<32x128xf32, #tpu.memory_space<vmem>>, vector<1x16xf32>,
    %get3A_1116 = arith.constant 0 : i32
    %get3A_1117 = arith.constant 0 : i32
    %get3A_1118 = arith.index_cast %get3A_1116 : i32 to index
    %get3A_1119 = arith.index_cast %get3A_1117 : i32 to index
    %get3A_1120 = arith.constant 112 : index
    %get3A_1121 = tpu.vector_load %arg6[%get3A_1118, %get3A_1119, %get3A_1120] {strides = array<i32>} : memref<32x8x128xf32, #tpu.memory_space<vmem>>, vector<1x1x16xf32>,
    %get3A_1122 = vector.shape_cast %get3A_1121 : vector<1x1x16xf32> to vector<16xf32>
    %swap3A_1123 = arith.constant 0 : i32
    %swap3A_1124 = arith.index_cast %swap3A_1123 : i32 to index
    %swap3A_1125 = arith.constant 112 : index
    %swap3A_1126 = tpu.vector_load %arg7[%swap3A_1124, %swap3A_1125] {strides = array<i32>} : memref<32x128xf32, #tpu.memory_space<vmem>>, vector<1x16xf32>,
    %swap3A_1127 = vector.shape_cast %swap3A_1126 : vector<1x16xf32> to vector<16xf32>
    %swap3A_1128 = vector.shape_cast %get3A_1122 : vector<16xf32> to vector<1x16xf32>
    tpu.vector_store %arg7[%swap3A_1124, %swap3A_1125], %swap3A_1128 {strides = array<i32>} : memref<32x128xf32, #tpu.memory_space<vmem>>, vector<1x16xf32>,
    %get3A_1129 = arith.constant 1 : i32
    %get3A_1130 = arith.constant 1 : i32
    %get3A_1131 = arith.index_cast %get3A_1129 : i32 to index
    %get3A_1132 = arith.index_cast %get3A_1130 : i32 to index
    %get3A_1133 = arith.constant 0 : index
    %get3A_1134 = tpu.vector_load %arg6[%get3A_1131, %get3A_1132, %get3A_1133] {strides = array<i32>} : memref<32x8x128xf32, #tpu.memory_space<vmem>>, vector<1x1x16xf32>,
    %get3A_1135 = vector.shape_cast %get3A_1134 : vector<1x1x16xf32> to vector<16xf32>
    %swap3A_1136 = arith.constant 1 : i32
    %swap3A_1137 = arith.index_cast %swap3A_1136 : i32 to index
    %swap3A_1138 = arith.constant 0 : index
    %swap3A_1139 = tpu.vector_load %arg7[%swap3A_1137, %swap3A_1138] {strides = array<i32>} : memref<32x128xf32, #tpu.memory_space<vmem>>, vector<1x16xf32>,
    %swap3A_1140 = vector.shape_cast %swap3A_1139 : vector<1x16xf32> to vector<16xf32>
    %swap3A_1141 = vector.shape_cast %get3A_1135 : vector<16xf32> to vector<1x16xf32>
    tpu.vector_store %arg7[%swap3A_1137, %swap3A_1138], %swap3A_1141 {strides = array<i32>} : memref<32x128xf32, #tpu.memory_space<vmem>>, vector<1x16xf32>,
    %get3A_1142 = arith.constant 1 : i32
    %get3A_1143 = arith.constant 1 : i32
    %get3A_1144 = arith.index_cast %get3A_1142 : i32 to index
    %get3A_1145 = arith.index_cast %get3A_1143 : i32 to index
    %get3A_1146 = arith.constant 16 : index
    %get3A_1147 = tpu.vector_load %arg6[%get3A_1144, %get3A_1145, %get3A_1146] {strides = array<i32>} : memref<32x8x128xf32, #tpu.memory_space<vmem>>, vector<1x1x16xf32>,
    %get3A_1148 = vector.shape_cast %get3A_1147 : vector<1x1x16xf32> to vector<16xf32>
    %swap3A_1149 = arith.constant 1 : i32
    %swap3A_1150 = arith.index_cast %swap3A_1149 : i32 to index
    %swap3A_1151 = arith.constant 16 : index
    %swap3A_1152 = tpu.vector_load %arg7[%swap3A_1150, %swap3A_1151] {strides = array<i32>} : memref<32x128xf32, #tpu.memory_space<vmem>>, vector<1x16xf32>,
    %swap3A_1153 = vector.shape_cast %swap3A_1152 : vector<1x16xf32> to vector<16xf32>
    %swap3A_1154 = vector.shape_cast %get3A_1148 : vector<16xf32> to vector<1x16xf32>
    tpu.vector_store %arg7[%swap3A_1150, %swap3A_1151], %swap3A_1154 {strides = array<i32>} : memref<32x128xf32, #tpu.memory_space<vmem>>, vector<1x16xf32>,
    %get3A_1155 = arith.constant 1 : i32
    %get3A_1156 = arith.constant 1 : i32
    %get3A_1157 = arith.index_cast %get3A_1155 : i32 to index
    %get3A_1158 = arith.index_cast %get3A_1156 : i32 to index
    %get3A_1159 = arith.constant 32 : index
    %get3A_1160 = tpu.vector_load %arg6[%get3A_1157, %get3A_1158, %get3A_1159] {strides = array<i32>} : memref<32x8x128xf32, #tpu.memory_space<vmem>>, vector<1x1x16xf32>,
    %get3A_1161 = vector.shape_cast %get3A_1160 : vector<1x1x16xf32> to vector<16xf32>
    %swap3A_1162 = arith.constant 1 : i32
    %swap3A_1163 = arith.index_cast %swap3A_1162 : i32 to index
    %swap3A_1164 = arith.constant 32 : index
    %swap3A_1165 = tpu.vector_load %arg7[%swap3A_1163, %swap3A_1164] {strides = array<i32>} : memref<32x128xf32, #tpu.memory_space<vmem>>, vector<1x16xf32>,
    %swap3A_1166 = vector.shape_cast %swap3A_1165 : vector<1x16xf32> to vector<16xf32>
    %swap3A_1167 = vector.shape_cast %get3A_1161 : vector<16xf32> to vector<1x16xf32>
    tpu.vector_store %arg7[%swap3A_1163, %swap3A_1164], %swap3A_1167 {strides = array<i32>} : memref<32x128xf32, #tpu.memory_space<vmem>>, vector<1x16xf32>,
    %get3A_1168 = arith.constant 1 : i32
    %get3A_1169 = arith.constant 1 : i32
    %get3A_1170 = arith.index_cast %get3A_1168 : i32 to index
    %get3A_1171 = arith.index_cast %get3A_1169 : i32 to index
    %get3A_1172 = arith.constant 48 : index
    %get3A_1173 = tpu.vector_load %arg6[%get3A_1170, %get3A_1171, %get3A_1172] {strides = array<i32>} : memref<32x8x128xf32, #tpu.memory_space<vmem>>, vector<1x1x16xf32>,
    %get3A_1174 = vector.shape_cast %get3A_1173 : vector<1x1x16xf32> to vector<16xf32>
    %swap3A_1175 = arith.constant 1 : i32
    %swap3A_1176 = arith.index_cast %swap3A_1175 : i32 to index
    %swap3A_1177 = arith.constant 48 : index
    %swap3A_1178 = tpu.vector_load %arg7[%swap3A_1176, %swap3A_1177] {strides = array<i32>} : memref<32x128xf32, #tpu.memory_space<vmem>>, vector<1x16xf32>,
    %swap3A_1179 = vector.shape_cast %swap3A_1178 : vector<1x16xf32> to vector<16xf32>
    %swap3A_1180 = vector.shape_cast %get3A_1174 : vector<16xf32> to vector<1x16xf32>
    tpu.vector_store %arg7[%swap3A_1176, %swap3A_1177], %swap3A_1180 {strides = array<i32>} : memref<32x128xf32, #tpu.memory_space<vmem>>, vector<1x16xf32>,
    %get3A_1181 = arith.constant 1 : i32
    %get3A_1182 = arith.constant 1 : i32
    %get3A_1183 = arith.index_cast %get3A_1181 : i32 to index
    %get3A_1184 = arith.index_cast %get3A_1182 : i32 to index
    %get3A_1185 = arith.constant 64 : index
    %get3A_1186 = tpu.vector_load %arg6[%get3A_1183, %get3A_1184, %get3A_1185] {strides = array<i32>} : memref<32x8x128xf32, #tpu.memory_space<vmem>>, vector<1x1x16xf32>,
    %get3A_1187 = vector.shape_cast %get3A_1186 : vector<1x1x16xf32> to vector<16xf32>
    %swap3A_1188 = arith.constant 1 : i32
    %swap3A_1189 = arith.index_cast %swap3A_1188 : i32 to index
    %swap3A_1190 = arith.constant 64 : index
    %swap3A_1191 = tpu.vector_load %arg7[%swap3A_1189, %swap3A_1190] {strides = array<i32>} : memref<32x128xf32, #tpu.memory_space<vmem>>, vector<1x16xf32>,
    %swap3A_1192 = vector.shape_cast %swap3A_1191 : vector<1x16xf32> to vector<16xf32>
    %swap3A_1193 = vector.shape_cast %get3A_1187 : vector<16xf32> to vector<1x16xf32>
    tpu.vector_store %arg7[%swap3A_1189, %swap3A_1190], %swap3A_1193 {strides = array<i32>} : memref<32x128xf32, #tpu.memory_space<vmem>>, vector<1x16xf32>,
    %get3A_1194 = arith.constant 1 : i32
    %get3A_1195 = arith.constant 1 : i32
    %get3A_1196 = arith.index_cast %get3A_1194 : i32 to index
    %get3A_1197 = arith.index_cast %get3A_1195 : i32 to index
    %get3A_1198 = arith.constant 80 : index
    %get3A_1199 = tpu.vector_load %arg6[%get3A_1196, %get3A_1197, %get3A_1198] {strides = array<i32>} : memref<32x8x128xf32, #tpu.memory_space<vmem>>, vector<1x1x16xf32>,
    %get3A_1200 = vector.shape_cast %get3A_1199 : vector<1x1x16xf32> to vector<16xf32>
    %swap3A_1201 = arith.constant 1 : i32
    %swap3A_1202 = arith.index_cast %swap3A_1201 : i32 to index
    %swap3A_1203 = arith.constant 80 : index
    %swap3A_1204 = tpu.vector_load %arg7[%swap3A_1202, %swap3A_1203] {strides = array<i32>} : memref<32x128xf32, #tpu.memory_space<vmem>>, vector<1x16xf32>,
    %swap3A_1205 = vector.shape_cast %swap3A_1204 : vector<1x16xf32> to vector<16xf32>
    %swap3A_1206 = vector.shape_cast %get3A_1200 : vector<16xf32> to vector<1x16xf32>
    tpu.vector_store %arg7[%swap3A_1202, %swap3A_1203], %swap3A_1206 {strides = array<i32>} : memref<32x128xf32, #tpu.memory_space<vmem>>, vector<1x16xf32>,
    %get3A_1207 = arith.constant 1 : i32
    %get3A_1208 = arith.constant 1 : i32
    %get3A_1209 = arith.index_cast %get3A_1207 : i32 to index
    %get3A_1210 = arith.index_cast %get3A_1208 : i32 to index
    %get3A_1211 = arith.constant 96 : index
    %get3A_1212 = tpu.vector_load %arg6[%get3A_1209, %get3A_1210, %get3A_1211] {strides = array<i32>} : memref<32x8x128xf32, #tpu.memory_space<vmem>>, vector<1x1x16xf32>,
    %get3A_1213 = vector.shape_cast %get3A_1212 : vector<1x1x16xf32> to vector<16xf32>
    %swap3A_1214 = arith.constant 1 : i32
    %swap3A_1215 = arith.index_cast %swap3A_1214 : i32 to index
    %swap3A_1216 = arith.constant 96 : index
    %swap3A_1217 = tpu.vector_load %arg7[%swap3A_1215, %swap3A_1216] {strides = array<i32>} : memref<32x128xf32, #tpu.memory_space<vmem>>, vector<1x16xf32>,
    %swap3A_1218 = vector.shape_cast %swap3A_1217 : vector<1x16xf32> to vector<16xf32>
    %swap3A_1219 = vector.shape_cast %get3A_1213 : vector<16xf32> to vector<1x16xf32>
    tpu.vector_store %arg7[%swap3A_1215, %swap3A_1216], %swap3A_1219 {strides = array<i32>} : memref<32x128xf32, #tpu.memory_space<vmem>>, vector<1x16xf32>,
    %get3A_1220 = arith.constant 1 : i32
    %get3A_1221 = arith.constant 1 : i32
    %get3A_1222 = arith.index_cast %get3A_1220 : i32 to index
    %get3A_1223 = arith.index_cast %get3A_1221 : i32 to index
    %get3A_1224 = arith.constant 112 : index
    %get3A_1225 = tpu.vector_load %arg6[%get3A_1222, %get3A_1223, %get3A_1224] {strides = array<i32>} : memref<32x8x128xf32, #tpu.memory_space<vmem>>, vector<1x1x16xf32>,
    %get3A_1226 = vector.shape_cast %get3A_1225 : vector<1x1x16xf32> to vector<16xf32>
    %swap3A_1227 = arith.constant 1 : i32
    %swap3A_1228 = arith.index_cast %swap3A_1227 : i32 to index
    %swap3A_1229 = arith.constant 112 : index
    %swap3A_1230 = tpu.vector_load %arg7[%swap3A_1228, %swap3A_1229] {strides = array<i32>} : memref<32x128xf32, #tpu.memory_space<vmem>>, vector<1x16xf32>,
    %swap3A_1231 = vector.shape_cast %swap3A_1230 : vector<1x16xf32> to vector<16xf32>
    %swap3A_1232 = vector.shape_cast %get3A_1226 : vector<16xf32> to vector<1x16xf32>
    tpu.vector_store %arg7[%swap3A_1228, %swap3A_1229], %swap3A_1232 {strides = array<i32>} : memref<32x128xf32, #tpu.memory_space<vmem>>, vector<1x16xf32>,
    %get3A_1233 = arith.constant 2 : i32
    %get3A_1234 = arith.constant 2 : i32
    %get3A_1235 = arith.index_cast %get3A_1233 : i32 to index
    %get3A_1236 = arith.index_cast %get3A_1234 : i32 to index
    %get3A_1237 = arith.constant 0 : index
    %get3A_1238 = tpu.vector_load %arg6[%get3A_1235, %get3A_1236, %get3A_1237] {strides = array<i32>} : memref<32x8x128xf32, #tpu.memory_space<vmem>>, vector<1x1x16xf32>,
    %get3A_1239 = vector.shape_cast %get3A_1238 : vector<1x1x16xf32> to vector<16xf32>
    %swap3A_1240 = arith.constant 2 : i32
    %swap3A_1241 = arith.index_cast %swap3A_1240 : i32 to index
    %swap3A_1242 = arith.constant 0 : index
    %swap3A_1243 = tpu.vector_load %arg7[%swap3A_1241, %swap3A_1242] {strides = array<i32>} : memref<32x128xf32, #tpu.memory_space<vmem>>, vector<1x16xf32>,
    %swap3A_1244 = vector.shape_cast %swap3A_1243 : vector<1x16xf32> to vector<16xf32>
    %swap3A_1245 = vector.shape_cast %get3A_1239 : vector<16xf32> to vector<1x16xf32>
    tpu.vector_store %arg7[%swap3A_1241, %swap3A_1242], %swap3A_1245 {strides = array<i32>} : memref<32x128xf32, #tpu.memory_space<vmem>>, vector<1x16xf32>,
    %get3A_1246 = arith.constant 2 : i32
    %get3A_1247 = arith.constant 2 : i32
    %get3A_1248 = arith.index_cast %get3A_1246 : i32 to index
    %get3A_1249 = arith.index_cast %get3A_1247 : i32 to index
    %get3A_1250 = arith.constant 16 : index
    %get3A_1251 = tpu.vector_load %arg6[%get3A_1248, %get3A_1249, %get3A_1250] {strides = array<i32>} : memref<32x8x128xf32, #tpu.memory_space<vmem>>, vector<1x1x16xf32>,
    %get3A_1252 = vector.shape_cast %get3A_1251 : vector<1x1x16xf32> to vector<16xf32>
    %swap3A_1253 = arith.constant 2 : i32
    %swap3A_1254 = arith.index_cast %swap3A_1253 : i32 to index
    %swap3A_1255 = arith.constant 16 : index
    %swap3A_1256 = tpu.vector_load %arg7[%swap3A_1254, %swap3A_1255] {strides = array<i32>} : memref<32x128xf32, #tpu.memory_space<vmem>>, vector<1x16xf32>,
    %swap3A_1257 = vector.shape_cast %swap3A_1256 : vector<1x16xf32> to vector<16xf32>
    %swap3A_1258 = vector.shape_cast %get3A_1252 : vector<16xf32> to vector<1x16xf32>
    tpu.vector_store %arg7[%swap3A_1254, %swap3A_1255], %swap3A_1258 {strides = array<i32>} : memref<32x128xf32, #tpu.memory_space<vmem>>, vector<1x16xf32>,
    %get3A_1259 = arith.constant 2 : i32
    %get3A_1260 = arith.constant 2 : i32
    %get3A_1261 = arith.index_cast %get3A_1259 : i32 to index
    %get3A_1262 = arith.index_cast %get3A_1260 : i32 to index
    %get3A_1263 = arith.constant 32 : index
    %get3A_1264 = tpu.vector_load %arg6[%get3A_1261, %get3A_1262, %get3A_1263] {strides = array<i32>} : memref<32x8x128xf32, #tpu.memory_space<vmem>>, vector<1x1x16xf32>,
    %get3A_1265 = vector.shape_cast %get3A_1264 : vector<1x1x16xf32> to vector<16xf32>
    %swap3A_1266 = arith.constant 2 : i32
    %swap3A_1267 = arith.index_cast %swap3A_1266 : i32 to index
    %swap3A_1268 = arith.constant 32 : index
    %swap3A_1269 = tpu.vector_load %arg7[%swap3A_1267, %swap3A_1268] {strides = array<i32>} : memref<32x128xf32, #tpu.memory_space<vmem>>, vector<1x16xf32>,
    %swap3A_1270 = vector.shape_cast %swap3A_1269 : vector<1x16xf32> to vector<16xf32>
    %swap3A_1271 = vector.shape_cast %get3A_1265 : vector<16xf32> to vector<1x16xf32>
    tpu.vector_store %arg7[%swap3A_1267, %swap3A_1268], %swap3A_1271 {strides = array<i32>} : memref<32x128xf32, #tpu.memory_space<vmem>>, vector<1x16xf32>,
    %get3A_1272 = arith.constant 2 : i32
    %get3A_1273 = arith.constant 2 : i32
    %get3A_1274 = arith.index_cast %get3A_1272 : i32 to index
    %get3A_1275 = arith.index_cast %get3A_1273 : i32 to index
    %get3A_1276 = arith.constant 48 : index
    %get3A_1277 = tpu.vector_load %arg6[%get3A_1274, %get3A_1275, %get3A_1276] {strides = array<i32>} : memref<32x8x128xf32, #tpu.memory_space<vmem>>, vector<1x1x16xf32>,
    %get3A_1278 = vector.shape_cast %get3A_1277 : vector<1x1x16xf32> to vector<16xf32>
    %swap3A_1279 = arith.constant 2 : i32
    %swap3A_1280 = arith.index_cast %swap3A_1279 : i32 to index
    %swap3A_1281 = arith.constant 48 : index
    %swap3A_1282 = tpu.vector_load %arg7[%swap3A_1280, %swap3A_1281] {strides = array<i32>} : memref<32x128xf32, #tpu.memory_space<vmem>>, vector<1x16xf32>,
    %swap3A_1283 = vector.shape_cast %swap3A_1282 : vector<1x16xf32> to vector<16xf32>
    %swap3A_1284 = vector.shape_cast %get3A_1278 : vector<16xf32> to vector<1x16xf32>
    tpu.vector_store %arg7[%swap3A_1280, %swap3A_1281], %swap3A_1284 {strides = array<i32>} : memref<32x128xf32, #tpu.memory_space<vmem>>, vector<1x16xf32>,
    %get3A_1285 = arith.constant 2 : i32
    %get3A_1286 = arith.constant 2 : i32
    %get3A_1287 = arith.index_cast %get3A_1285 : i32 to index
    %get3A_1288 = arith.index_cast %get3A_1286 : i32 to index
    %get3A_1289 = arith.constant 64 : index
    %get3A_1290 = tpu.vector_load %arg6[%get3A_1287, %get3A_1288, %get3A_1289] {strides = array<i32>} : memref<32x8x128xf32, #tpu.memory_space<vmem>>, vector<1x1x16xf32>,
    %get3A_1291 = vector.shape_cast %get3A_1290 : vector<1x1x16xf32> to vector<16xf32>
    %swap3A_1292 = arith.constant 2 : i32
    %swap3A_1293 = arith.index_cast %swap3A_1292 : i32 to index
    %swap3A_1294 = arith.constant 64 : index
    %swap3A_1295 = tpu.vector_load %arg7[%swap3A_1293, %swap3A_1294] {strides = array<i32>} : memref<32x128xf32, #tpu.memory_space<vmem>>, vector<1x16xf32>,
    %swap3A_1296 = vector.shape_cast %swap3A_1295 : vector<1x16xf32> to vector<16xf32>
    %swap3A_1297 = vector.shape_cast %get3A_1291 : vector<16xf32> to vector<1x16xf32>
    tpu.vector_store %arg7[%swap3A_1293, %swap3A_1294], %swap3A_1297 {strides = array<i32>} : memref<32x128xf32, #tpu.memory_space<vmem>>, vector<1x16xf32>,
    %get3A_1298 = arith.constant 2 : i32
    %get3A_1299 = arith.constant 2 : i32
    %get3A_1300 = arith.index_cast %get3A_1298 : i32 to index
    %get3A_1301 = arith.index_cast %get3A_1299 : i32 to index
    %get3A_1302 = arith.constant 80 : index
    %get3A_1303 = tpu.vector_load %arg6[%get3A_1300, %get3A_1301, %get3A_1302] {strides = array<i32>} : memref<32x8x128xf32, #tpu.memory_space<vmem>>, vector<1x1x16xf32>,
    %get3A_1304 = vector.shape_cast %get3A_1303 : vector<1x1x16xf32> to vector<16xf32>
    %swap3A_1305 = arith.constant 2 : i32
    %swap3A_1306 = arith.index_cast %swap3A_1305 : i32 to index
    %swap3A_1307 = arith.constant 80 : index
    %swap3A_1308 = tpu.vector_load %arg7[%swap3A_1306, %swap3A_1307] {strides = array<i32>} : memref<32x128xf32, #tpu.memory_space<vmem>>, vector<1x16xf32>,
    %swap3A_1309 = vector.shape_cast %swap3A_1308 : vector<1x16xf32> to vector<16xf32>
    %swap3A_1310 = vector.shape_cast %get3A_1304 : vector<16xf32> to vector<1x16xf32>
    tpu.vector_store %arg7[%swap3A_1306, %swap3A_1307], %swap3A_1310 {strides = array<i32>} : memref<32x128xf32, #tpu.memory_space<vmem>>, vector<1x16xf32>,
    %get3A_1311 = arith.constant 2 : i32
    %get3A_1312 = arith.constant 2 : i32
    %get3A_1313 = arith.index_cast %get3A_1311 : i32 to index
    %get3A_1314 = arith.index_cast %get3A_1312 : i32 to index
    %get3A_1315 = arith.constant 96 : index
    %get3A_1316 = tpu.vector_load %arg6[%get3A_1313, %get3A_1314, %get3A_1315] {strides = array<i32>} : memref<32x8x128xf32, #tpu.memory_space<vmem>>, vector<1x1x16xf32>,
    %get3A_1317 = vector.shape_cast %get3A_1316 : vector<1x1x16xf32> to vector<16xf32>
    %swap3A_1318 = arith.constant 2 : i32
    %swap3A_1319 = arith.index_cast %swap3A_1318 : i32 to index
    %swap3A_1320 = arith.constant 96 : index
    %swap3A_1321 = tpu.vector_load %arg7[%swap3A_1319, %swap3A_1320] {strides = array<i32>} : memref<32x128xf32, #tpu.memory_space<vmem>>, vector<1x16xf32>,
    %swap3A_1322 = vector.shape_cast %swap3A_1321 : vector<1x16xf32> to vector<16xf32>
    %swap3A_1323 = vector.shape_cast %get3A_1317 : vector<16xf32> to vector<1x16xf32>
    tpu.vector_store %arg7[%swap3A_1319, %swap3A_1320], %swap3A_1323 {strides = array<i32>} : memref<32x128xf32, #tpu.memory_space<vmem>>, vector<1x16xf32>,
    %get3A_1324 = arith.constant 2 : i32
    %get3A_1325 = arith.constant 2 : i32
    %get3A_1326 = arith.index_cast %get3A_1324 : i32 to index
    %get3A_1327 = arith.index_cast %get3A_1325 : i32 to index
    %get3A_1328 = arith.constant 112 : index
    %get3A_1329 = tpu.vector_load %arg6[%get3A_1326, %get3A_1327, %get3A_1328] {strides = array<i32>} : memref<32x8x128xf32, #tpu.memory_space<vmem>>, vector<1x1x16xf32>,
    %get3A_1330 = vector.shape_cast %get3A_1329 : vector<1x1x16xf32> to vector<16xf32>
    %swap3A_1331 = arith.constant 2 : i32
    %swap3A_1332 = arith.index_cast %swap3A_1331 : i32 to index
    %swap3A_1333 = arith.constant 112 : index
    %swap3A_1334 = tpu.vector_load %arg7[%swap3A_1332, %swap3A_1333] {strides = array<i32>} : memref<32x128xf32, #tpu.memory_space<vmem>>, vector<1x16xf32>,
    %swap3A_1335 = vector.shape_cast %swap3A_1334 : vector<1x16xf32> to vector<16xf32>
    %swap3A_1336 = vector.shape_cast %get3A_1330 : vector<16xf32> to vector<1x16xf32>
    tpu.vector_store %arg7[%swap3A_1332, %swap3A_1333], %swap3A_1336 {strides = array<i32>} : memref<32x128xf32, #tpu.memory_space<vmem>>, vector<1x16xf32>,
    %get3A_1337 = arith.constant 3 : i32
    %get3A_1338 = arith.constant 3 : i32
    %get3A_1339 = arith.index_cast %get3A_1337 : i32 to index
    %get3A_1340 = arith.index_cast %get3A_1338 : i32 to index
    %get3A_1341 = arith.constant 0 : index
    %get3A_1342 = tpu.vector_load %arg6[%get3A_1339, %get3A_1340, %get3A_1341] {strides = array<i32>} : memref<32x8x128xf32, #tpu.memory_space<vmem>>, vector<1x1x16xf32>,
    %get3A_1343 = vector.shape_cast %get3A_1342 : vector<1x1x16xf32> to vector<16xf32>
    %swap3A_1344 = arith.constant 3 : i32
    %swap3A_1345 = arith.index_cast %swap3A_1344 : i32 to index
    %swap3A_1346 = arith.constant 0 : index
    %swap3A_1347 = tpu.vector_load %arg7[%swap3A_1345, %swap3A_1346] {strides = array<i32>} : memref<32x128xf32, #tpu.memory_space<vmem>>, vector<1x16xf32>,
    %swap3A_1348 = vector.shape_cast %swap3A_1347 : vector<1x16xf32> to vector<16xf32>
    %swap3A_1349 = vector.shape_cast %get3A_1343 : vector<16xf32> to vector<1x16xf32>
    tpu.vector_store %arg7[%swap3A_1345, %swap3A_1346], %swap3A_1349 {strides = array<i32>} : memref<32x128xf32, #tpu.memory_space<vmem>>, vector<1x16xf32>,
    %get3A_1350 = arith.constant 3 : i32
    %get3A_1351 = arith.constant 3 : i32
    %get3A_1352 = arith.index_cast %get3A_1350 : i32 to index
    %get3A_1353 = arith.index_cast %get3A_1351 : i32 to index
    %get3A_1354 = arith.constant 16 : index
    %get3A_1355 = tpu.vector_load %arg6[%get3A_1352, %get3A_1353, %get3A_1354] {strides = array<i32>} : memref<32x8x128xf32, #tpu.memory_space<vmem>>, vector<1x1x16xf32>,
    %get3A_1356 = vector.shape_cast %get3A_1355 : vector<1x1x16xf32> to vector<16xf32>
    %swap3A_1357 = arith.constant 3 : i32
    %swap3A_1358 = arith.index_cast %swap3A_1357 : i32 to index
    %swap3A_1359 = arith.constant 16 : index
    %swap3A_1360 = tpu.vector_load %arg7[%swap3A_1358, %swap3A_1359] {strides = array<i32>} : memref<32x128xf32, #tpu.memory_space<vmem>>, vector<1x16xf32>,
    %swap3A_1361 = vector.shape_cast %swap3A_1360 : vector<1x16xf32> to vector<16xf32>
    %swap3A_1362 = vector.shape_cast %get3A_1356 : vector<16xf32> to vector<1x16xf32>
    tpu.vector_store %arg7[%swap3A_1358, %swap3A_1359], %swap3A_1362 {strides = array<i32>} : memref<32x128xf32, #tpu.memory_space<vmem>>, vector<1x16xf32>,
    %get3A_1363 = arith.constant 3 : i32
    %get3A_1364 = arith.constant 3 : i32
    %get3A_1365 = arith.index_cast %get3A_1363 : i32 to index
    %get3A_1366 = arith.index_cast %get3A_1364 : i32 to index
    %get3A_1367 = arith.constant 32 : index
    %get3A_1368 = tpu.vector_load %arg6[%get3A_1365, %get3A_1366, %get3A_1367] {strides = array<i32>} : memref<32x8x128xf32, #tpu.memory_space<vmem>>, vector<1x1x16xf32>,
    %get3A_1369 = vector.shape_cast %get3A_1368 : vector<1x1x16xf32> to vector<16xf32>
    %swap3A_1370 = arith.constant 3 : i32
    %swap3A_1371 = arith.index_cast %swap3A_1370 : i32 to index
    %swap3A_1372 = arith.constant 32 : index
    %swap3A_1373 = tpu.vector_load %arg7[%swap3A_1371, %swap3A_1372] {strides = array<i32>} : memref<32x128xf32, #tpu.memory_space<vmem>>, vector<1x16xf32>,
    %swap3A_1374 = vector.shape_cast %swap3A_1373 : vector<1x16xf32> to vector<16xf32>
    %swap3A_1375 = vector.shape_cast %get3A_1369 : vector<16xf32> to vector<1x16xf32>
    tpu.vector_store %arg7[%swap3A_1371, %swap3A_1372], %swap3A_1375 {strides = array<i32>} : memref<32x128xf32, #tpu.memory_space<vmem>>, vector<1x16xf32>,
    %get3A_1376 = arith.constant 3 : i32
    %get3A_1377 = arith.constant 3 : i32
    %get3A_1378 = arith.index_cast %get3A_1376 : i32 to index
    %get3A_1379 = arith.index_cast %get3A_1377 : i32 to index
    %get3A_1380 = arith.constant 48 : index
    %get3A_1381 = tpu.vector_load %arg6[%get3A_1378, %get3A_1379, %get3A_1380] {strides = array<i32>} : memref<32x8x128xf32, #tpu.memory_space<vmem>>, vector<1x1x16xf32>,
    %get3A_1382 = vector.shape_cast %get3A_1381 : vector<1x1x16xf32> to vector<16xf32>
    %swap3A_1383 = arith.constant 3 : i32
    %swap3A_1384 = arith.index_cast %swap3A_1383 : i32 to index
    %swap3A_1385 = arith.constant 48 : index
    %swap3A_1386 = tpu.vector_load %arg7[%swap3A_1384, %swap3A_1385] {strides = array<i32>} : memref<32x128xf32, #tpu.memory_space<vmem>>, vector<1x16xf32>,
    %swap3A_1387 = vector.shape_cast %swap3A_1386 : vector<1x16xf32> to vector<16xf32>
    %swap3A_1388 = vector.shape_cast %get3A_1382 : vector<16xf32> to vector<1x16xf32>
    tpu.vector_store %arg7[%swap3A_1384, %swap3A_1385], %swap3A_1388 {strides = array<i32>} : memref<32x128xf32, #tpu.memory_space<vmem>>, vector<1x16xf32>,
    %get3A_1389 = arith.constant 3 : i32
    %get3A_1390 = arith.constant 3 : i32
    %get3A_1391 = arith.index_cast %get3A_1389 : i32 to index
    %get3A_1392 = arith.index_cast %get3A_1390 : i32 to index
    %get3A_1393 = arith.constant 64 : index
    %get3A_1394 = tpu.vector_load %arg6[%get3A_1391, %get3A_1392, %get3A_1393] {strides = array<i32>} : memref<32x8x128xf32, #tpu.memory_space<vmem>>, vector<1x1x16xf32>,
    %get3A_1395 = vector.shape_cast %get3A_1394 : vector<1x1x16xf32> to vector<16xf32>
    %swap3A_1396 = arith.constant 3 : i32
    %swap3A_1397 = arith.index_cast %swap3A_1396 : i32 to index
    %swap3A_1398 = arith.constant 64 : index
    %swap3A_1399 = tpu.vector_load %arg7[%swap3A_1397, %swap3A_1398] {strides = array<i32>} : memref<32x128xf32, #tpu.memory_space<vmem>>, vector<1x16xf32>,
    %swap3A_1400 = vector.shape_cast %swap3A_1399 : vector<1x16xf32> to vector<16xf32>
    %swap3A_1401 = vector.shape_cast %get3A_1395 : vector<16xf32> to vector<1x16xf32>
    tpu.vector_store %arg7[%swap3A_1397, %swap3A_1398], %swap3A_1401 {strides = array<i32>} : memref<32x128xf32, #tpu.memory_space<vmem>>, vector<1x16xf32>,
    %get3A_1402 = arith.constant 3 : i32
    %get3A_1403 = arith.constant 3 : i32
    %get3A_1404 = arith.index_cast %get3A_1402 : i32 to index
    %get3A_1405 = arith.index_cast %get3A_1403 : i32 to index
    %get3A_1406 = arith.constant 80 : index
    %get3A_1407 = tpu.vector_load %arg6[%get3A_1404, %get3A_1405, %get3A_1406] {strides = array<i32>} : memref<32x8x128xf32, #tpu.memory_space<vmem>>, vector<1x1x16xf32>,
    %get3A_1408 = vector.shape_cast %get3A_1407 : vector<1x1x16xf32> to vector<16xf32>
    %swap3A_1409 = arith.constant 3 : i32
    %swap3A_1410 = arith.index_cast %swap3A_1409 : i32 to index
    %swap3A_1411 = arith.constant 80 : index
    %swap3A_1412 = tpu.vector_load %arg7[%swap3A_1410, %swap3A_1411] {strides = array<i32>} : memref<32x128xf32, #tpu.memory_space<vmem>>, vector<1x16xf32>,
    %swap3A_1413 = vector.shape_cast %swap3A_1412 : vector<1x16xf32> to vector<16xf32>
    %swap3A_1414 = vector.shape_cast %get3A_1408 : vector<16xf32> to vector<1x16xf32>
    tpu.vector_store %arg7[%swap3A_1410, %swap3A_1411], %swap3A_1414 {strides = array<i32>} : memref<32x128xf32, #tpu.memory_space<vmem>>, vector<1x16xf32>,
    %get3A_1415 = arith.constant 3 : i32
    %get3A_1416 = arith.constant 3 : i32
    %get3A_1417 = arith.index_cast %get3A_1415 : i32 to index
    %get3A_1418 = arith.index_cast %get3A_1416 : i32 to index
    %get3A_1419 = arith.constant 96 : index
    %get3A_1420 = tpu.vector_load %arg6[%get3A_1417, %get3A_1418, %get3A_1419] {strides = array<i32>} : memref<32x8x128xf32, #tpu.memory_space<vmem>>, vector<1x1x16xf32>,
    %get3A_1421 = vector.shape_cast %get3A_1420 : vector<1x1x16xf32> to vector<16xf32>
    %swap3A_1422 = arith.constant 3 : i32
    %swap3A_1423 = arith.index_cast %swap3A_1422 : i32 to index
    %swap3A_1424 = arith.constant 96 : index
    %swap3A_1425 = tpu.vector_load %arg7[%swap3A_1423, %swap3A_1424] {strides = array<i32>} : memref<32x128xf32, #tpu.memory_space<vmem>>, vector<1x16xf32>,
    %swap3A_1426 = vector.shape_cast %swap3A_1425 : vector<1x16xf32> to vector<16xf32>
    %swap3A_1427 = vector.shape_cast %get3A_1421 : vector<16xf32> to vector<1x16xf32>
    tpu.vector_store %arg7[%swap3A_1423, %swap3A_1424], %swap3A_1427 {strides = array<i32>} : memref<32x128xf32, #tpu.memory_space<vmem>>, vector<1x16xf32>,
    %get3A_1428 = arith.constant 3 : i32
    %get3A_1429 = arith.constant 3 : i32
    %get3A_1430 = arith.index_cast %get3A_1428 : i32 to index
    %get3A_1431 = arith.index_cast %get3A_1429 : i32 to index
    %get3A_1432 = arith.constant 112 : index
    %get3A_1433 = tpu.vector_load %arg6[%get3A_1430, %get3A_1431, %get3A_1432] {strides = array<i32>} : memref<32x8x128xf32, #tpu.memory_space<vmem>>, vector<1x1x16xf32>,
    %get3A_1434 = vector.shape_cast %get3A_1433 : vector<1x1x16xf32> to vector<16xf32>
    %swap3A_1435 = arith.constant 3 : i32
    %swap3A_1436 = arith.index_cast %swap3A_1435 : i32 to index
    %swap3A_1437 = arith.constant 112 : index
    %swap3A_1438 = tpu.vector_load %arg7[%swap3A_1436, %swap3A_1437] {strides = array<i32>} : memref<32x128xf32, #tpu.memory_space<vmem>>, vector<1x16xf32>,
    %swap3A_1439 = vector.shape_cast %swap3A_1438 : vector<1x16xf32> to vector<16xf32>
    %swap3A_1440 = vector.shape_cast %get3A_1434 : vector<16xf32> to vector<1x16xf32>
    tpu.vector_store %arg7[%swap3A_1436, %swap3A_1437], %swap3A_1440 {strides = array<i32>} : memref<32x128xf32, #tpu.memory_space<vmem>>, vector<1x16xf32>,
    %get3A_1441 = arith.constant 4 : i32
    %get3A_1442 = arith.constant 4 : i32
    %get3A_1443 = arith.index_cast %get3A_1441 : i32 to index
    %get3A_1444 = arith.index_cast %get3A_1442 : i32 to index
    %get3A_1445 = arith.constant 0 : index
    %get3A_1446 = tpu.vector_load %arg6[%get3A_1443, %get3A_1444, %get3A_1445] {strides = array<i32>} : memref<32x8x128xf32, #tpu.memory_space<vmem>>, vector<1x1x16xf32>,
    %get3A_1447 = vector.shape_cast %get3A_1446 : vector<1x1x16xf32> to vector<16xf32>
    %swap3A_1448 = arith.constant 4 : i32
    %swap3A_1449 = arith.index_cast %swap3A_1448 : i32 to index
    %swap3A_1450 = arith.constant 0 : index
    %swap3A_1451 = tpu.vector_load %arg7[%swap3A_1449, %swap3A_1450] {strides = array<i32>} : memref<32x128xf32, #tpu.memory_space<vmem>>, vector<1x16xf32>,
    %swap3A_1452 = vector.shape_cast %swap3A_1451 : vector<1x16xf32> to vector<16xf32>
    %swap3A_1453 = vector.shape_cast %get3A_1447 : vector<16xf32> to vector<1x16xf32>
    tpu.vector_store %arg7[%swap3A_1449, %swap3A_1450], %swap3A_1453 {strides = array<i32>} : memref<32x128xf32, #tpu.memory_space<vmem>>, vector<1x16xf32>,
    %get3A_1454 = arith.constant 4 : i32
    %get3A_1455 = arith.constant 4 : i32
    %get3A_1456 = arith.index_cast %get3A_1454 : i32 to index
    %get3A_1457 = arith.index_cast %get3A_1455 : i32 to index
    %get3A_1458 = arith.constant 16 : index
    %get3A_1459 = tpu.vector_load %arg6[%get3A_1456, %get3A_1457, %get3A_1458] {strides = array<i32>} : memref<32x8x128xf32, #tpu.memory_space<vmem>>, vector<1x1x16xf32>,
    %get3A_1460 = vector.shape_cast %get3A_1459 : vector<1x1x16xf32> to vector<16xf32>
    %swap3A_1461 = arith.constant 4 : i32
    %swap3A_1462 = arith.index_cast %swap3A_1461 : i32 to index
    %swap3A_1463 = arith.constant 16 : index
    %swap3A_1464 = tpu.vector_load %arg7[%swap3A_1462, %swap3A_1463] {strides = array<i32>} : memref<32x128xf32, #tpu.memory_space<vmem>>, vector<1x16xf32>,
    %swap3A_1465 = vector.shape_cast %swap3A_1464 : vector<1x16xf32> to vector<16xf32>
    %swap3A_1466 = vector.shape_cast %get3A_1460 : vector<16xf32> to vector<1x16xf32>
    tpu.vector_store %arg7[%swap3A_1462, %swap3A_1463], %swap3A_1466 {strides = array<i32>} : memref<32x128xf32, #tpu.memory_space<vmem>>, vector<1x16xf32>,
    %get3A_1467 = arith.constant 4 : i32
    %get3A_1468 = arith.constant 4 : i32
    %get3A_1469 = arith.index_cast %get3A_1467 : i32 to index
    %get3A_1470 = arith.index_cast %get3A_1468 : i32 to index
    %get3A_1471 = arith.constant 32 : index
    %get3A_1472 = tpu.vector_load %arg6[%get3A_1469, %get3A_1470, %get3A_1471] {strides = array<i32>} : memref<32x8x128xf32, #tpu.memory_space<vmem>>, vector<1x1x16xf32>,
    %get3A_1473 = vector.shape_cast %get3A_1472 : vector<1x1x16xf32> to vector<16xf32>
    %swap3A_1474 = arith.constant 4 : i32
    %swap3A_1475 = arith.index_cast %swap3A_1474 : i32 to index
    %swap3A_1476 = arith.constant 32 : index
    %swap3A_1477 = tpu.vector_load %arg7[%swap3A_1475, %swap3A_1476] {strides = array<i32>} : memref<32x128xf32, #tpu.memory_space<vmem>>, vector<1x16xf32>,
    %swap3A_1478 = vector.shape_cast %swap3A_1477 : vector<1x16xf32> to vector<16xf32>
    %swap3A_1479 = vector.shape_cast %get3A_1473 : vector<16xf32> to vector<1x16xf32>
    tpu.vector_store %arg7[%swap3A_1475, %swap3A_1476], %swap3A_1479 {strides = array<i32>} : memref<32x128xf32, #tpu.memory_space<vmem>>, vector<1x16xf32>,
    %get3A_1480 = arith.constant 4 : i32
    %get3A_1481 = arith.constant 4 : i32
    %get3A_1482 = arith.index_cast %get3A_1480 : i32 to index
    %get3A_1483 = arith.index_cast %get3A_1481 : i32 to index
    %get3A_1484 = arith.constant 48 : index
    %get3A_1485 = tpu.vector_load %arg6[%get3A_1482, %get3A_1483, %get3A_1484] {strides = array<i32>} : memref<32x8x128xf32, #tpu.memory_space<vmem>>, vector<1x1x16xf32>,
    %get3A_1486 = vector.shape_cast %get3A_1485 : vector<1x1x16xf32> to vector<16xf32>
    %swap3A_1487 = arith.constant 4 : i32
    %swap3A_1488 = arith.index_cast %swap3A_1487 : i32 to index
    %swap3A_1489 = arith.constant 48 : index
    %swap3A_1490 = tpu.vector_load %arg7[%swap3A_1488, %swap3A_1489] {strides = array<i32>} : memref<32x128xf32, #tpu.memory_space<vmem>>, vector<1x16xf32>,
    %swap3A_1491 = vector.shape_cast %swap3A_1490 : vector<1x16xf32> to vector<16xf32>
    %swap3A_1492 = vector.shape_cast %get3A_1486 : vector<16xf32> to vector<1x16xf32>
    tpu.vector_store %arg7[%swap3A_1488, %swap3A_1489], %swap3A_1492 {strides = array<i32>} : memref<32x128xf32, #tpu.memory_space<vmem>>, vector<1x16xf32>,
    %get3A_1493 = arith.constant 4 : i32
    %get3A_1494 = arith.constant 4 : i32
    %get3A_1495 = arith.index_cast %get3A_1493 : i32 to index
    %get3A_1496 = arith.index_cast %get3A_1494 : i32 to index
    %get3A_1497 = arith.constant 64 : index
    %get3A_1498 = tpu.vector_load %arg6[%get3A_1495, %get3A_1496, %get3A_1497] {strides = array<i32>} : memref<32x8x128xf32, #tpu.memory_space<vmem>>, vector<1x1x16xf32>,
    %get3A_1499 = vector.shape_cast %get3A_1498 : vector<1x1x16xf32> to vector<16xf32>
    %swap3A_1500 = arith.constant 4 : i32
    %swap3A_1501 = arith.index_cast %swap3A_1500 : i32 to index
    %swap3A_1502 = arith.constant 64 : index
    %swap3A_1503 = tpu.vector_load %arg7[%swap3A_1501, %swap3A_1502] {strides = array<i32>} : memref<32x128xf32, #tpu.memory_space<vmem>>, vector<1x16xf32>,
    %swap3A_1504 = vector.shape_cast %swap3A_1503 : vector<1x16xf32> to vector<16xf32>
    %swap3A_1505 = vector.shape_cast %get3A_1499 : vector<16xf32> to vector<1x16xf32>
    tpu.vector_store %arg7[%swap3A_1501, %swap3A_1502], %swap3A_1505 {strides = array<i32>} : memref<32x128xf32, #tpu.memory_space<vmem>>, vector<1x16xf32>,
    %get3A_1506 = arith.constant 4 : i32
    %get3A_1507 = arith.constant 4 : i32
    %get3A_1508 = arith.index_cast %get3A_1506 : i32 to index
    %get3A_1509 = arith.index_cast %get3A_1507 : i32 to index
    %get3A_1510 = arith.constant 80 : index
    %get3A_1511 = tpu.vector_load %arg6[%get3A_1508, %get3A_1509, %get3A_1510] {strides = array<i32>} : memref<32x8x128xf32, #tpu.memory_space<vmem>>, vector<1x1x16xf32>,
    %get3A_1512 = vector.shape_cast %get3A_1511 : vector<1x1x16xf32> to vector<16xf32>
    %swap3A_1513 = arith.constant 4 : i32
    %swap3A_1514 = arith.index_cast %swap3A_1513 : i32 to index
    %swap3A_1515 = arith.constant 80 : index
    %swap3A_1516 = tpu.vector_load %arg7[%swap3A_1514, %swap3A_1515] {strides = array<i32>} : memref<32x128xf32, #tpu.memory_space<vmem>>, vector<1x16xf32>,
    %swap3A_1517 = vector.shape_cast %swap3A_1516 : vector<1x16xf32> to vector<16xf32>
    %swap3A_1518 = vector.shape_cast %get3A_1512 : vector<16xf32> to vector<1x16xf32>
    tpu.vector_store %arg7[%swap3A_1514, %swap3A_1515], %swap3A_1518 {strides = array<i32>} : memref<32x128xf32, #tpu.memory_space<vmem>>, vector<1x16xf32>,
    %get3A_1519 = arith.constant 4 : i32
    %get3A_1520 = arith.constant 4 : i32
    %get3A_1521 = arith.index_cast %get3A_1519 : i32 to index
    %get3A_1522 = arith.index_cast %get3A_1520 : i32 to index
    %get3A_1523 = arith.constant 96 : index
    %get3A_1524 = tpu.vector_load %arg6[%get3A_1521, %get3A_1522, %get3A_1523] {strides = array<i32>} : memref<32x8x128xf32, #tpu.memory_space<vmem>>, vector<1x1x16xf32>,
    %get3A_1525 = vector.shape_cast %get3A_1524 : vector<1x1x16xf32> to vector<16xf32>
    %swap3A_1526 = arith.constant 4 : i32
    %swap3A_1527 = arith.index_cast %swap3A_1526 : i32 to index
    %swap3A_1528 = arith.constant 96 : index
    %swap3A_1529 = tpu.vector_load %arg7[%swap3A_1527, %swap3A_1528] {strides = array<i32>} : memref<32x128xf32, #tpu.memory_space<vmem>>, vector<1x16xf32>,
    %swap3A_1530 = vector.shape_cast %swap3A_1529 : vector<1x16xf32> to vector<16xf32>
    %swap3A_1531 = vector.shape_cast %get3A_1525 : vector<16xf32> to vector<1x16xf32>
    tpu.vector_store %arg7[%swap3A_1527, %swap3A_1528], %swap3A_1531 {strides = array<i32>} : memref<32x128xf32, #tpu.memory_space<vmem>>, vector<1x16xf32>,
    %get3A_1532 = arith.constant 4 : i32
    %get3A_1533 = arith.constant 4 : i32
    %get3A_1534 = arith.index_cast %get3A_1532 : i32 to index
    %get3A_1535 = arith.index_cast %get3A_1533 : i32 to index
    %get3A_1536 = arith.constant 112 : index
    %get3A_1537 = tpu.vector_load %arg6[%get3A_1534, %get3A_1535, %get3A_1536] {strides = array<i32>} : memref<32x8x128xf32, #tpu.memory_space<vmem>>, vector<1x1x16xf32>,
    %get3A_1538 = vector.shape_cast %get3A_1537 : vector<1x1x16xf32> to vector<16xf32>
    %swap3A_1539 = arith.constant 4 : i32
    %swap3A_1540 = arith.index_cast %swap3A_1539 : i32 to index
    %swap3A_1541 = arith.constant 112 : index
    %swap3A_1542 = tpu.vector_load %arg7[%swap3A_1540, %swap3A_1541] {strides = array<i32>} : memref<32x128xf32, #tpu.memory_space<vmem>>, vector<1x16xf32>,
    %swap3A_1543 = vector.shape_cast %swap3A_1542 : vector<1x16xf32> to vector<16xf32>
    %swap3A_1544 = vector.shape_cast %get3A_1538 : vector<16xf32> to vector<1x16xf32>
    tpu.vector_store %arg7[%swap3A_1540, %swap3A_1541], %swap3A_1544 {strides = array<i32>} : memref<32x128xf32, #tpu.memory_space<vmem>>, vector<1x16xf32>,
    %get3A_1545 = arith.constant 5 : i32
    %get3A_1546 = arith.constant 5 : i32
    %get3A_1547 = arith.index_cast %get3A_1545 : i32 to index
    %get3A_1548 = arith.index_cast %get3A_1546 : i32 to index
    %get3A_1549 = arith.constant 0 : index
    %get3A_1550 = tpu.vector_load %arg6[%get3A_1547, %get3A_1548, %get3A_1549] {strides = array<i32>} : memref<32x8x128xf32, #tpu.memory_space<vmem>>, vector<1x1x16xf32>,
    %get3A_1551 = vector.shape_cast %get3A_1550 : vector<1x1x16xf32> to vector<16xf32>
    %swap3A_1552 = arith.constant 5 : i32
    %swap3A_1553 = arith.index_cast %swap3A_1552 : i32 to index
    %swap3A_1554 = arith.constant 0 : index
    %swap3A_1555 = tpu.vector_load %arg7[%swap3A_1553, %swap3A_1554] {strides = array<i32>} : memref<32x128xf32, #tpu.memory_space<vmem>>, vector<1x16xf32>,
    %swap3A_1556 = vector.shape_cast %swap3A_1555 : vector<1x16xf32> to vector<16xf32>
    %swap3A_1557 = vector.shape_cast %get3A_1551 : vector<16xf32> to vector<1x16xf32>
    tpu.vector_store %arg7[%swap3A_1553, %swap3A_1554], %swap3A_1557 {strides = array<i32>} : memref<32x128xf32, #tpu.memory_space<vmem>>, vector<1x16xf32>,
    %get3A_1558 = arith.constant 5 : i32
    %get3A_1559 = arith.constant 5 : i32
    %get3A_1560 = arith.index_cast %get3A_1558 : i32 to index
    %get3A_1561 = arith.index_cast %get3A_1559 : i32 to index
    %get3A_1562 = arith.constant 16 : index
    %get3A_1563 = tpu.vector_load %arg6[%get3A_1560, %get3A_1561, %get3A_1562] {strides = array<i32>} : memref<32x8x128xf32, #tpu.memory_space<vmem>>, vector<1x1x16xf32>,
    %get3A_1564 = vector.shape_cast %get3A_1563 : vector<1x1x16xf32> to vector<16xf32>
    %swap3A_1565 = arith.constant 5 : i32
    %swap3A_1566 = arith.index_cast %swap3A_1565 : i32 to index
    %swap3A_1567 = arith.constant 16 : index
    %swap3A_1568 = tpu.vector_load %arg7[%swap3A_1566, %swap3A_1567] {strides = array<i32>} : memref<32x128xf32, #tpu.memory_space<vmem>>, vector<1x16xf32>,
    %swap3A_1569 = vector.shape_cast %swap3A_1568 : vector<1x16xf32> to vector<16xf32>
    %swap3A_1570 = vector.shape_cast %get3A_1564 : vector<16xf32> to vector<1x16xf32>
    tpu.vector_store %arg7[%swap3A_1566, %swap3A_1567], %swap3A_1570 {strides = array<i32>} : memref<32x128xf32, #tpu.memory_space<vmem>>, vector<1x16xf32>,
    %get3A_1571 = arith.constant 5 : i32
    %get3A_1572 = arith.constant 5 : i32
    %get3A_1573 = arith.index_cast %get3A_1571 : i32 to index
    %get3A_1574 = arith.index_cast %get3A_1572 : i32 to index
    %get3A_1575 = arith.constant 32 : index
    %get3A_1576 = tpu.vector_load %arg6[%get3A_1573, %get3A_1574, %get3A_1575] {strides = array<i32>} : memref<32x8x128xf32, #tpu.memory_space<vmem>>, vector<1x1x16xf32>,
    %get3A_1577 = vector.shape_cast %get3A_1576 : vector<1x1x16xf32> to vector<16xf32>
    %swap3A_1578 = arith.constant 5 : i32
    %swap3A_1579 = arith.index_cast %swap3A_1578 : i32 to index
    %swap3A_1580 = arith.constant 32 : index
    %swap3A_1581 = tpu.vector_load %arg7[%swap3A_1579, %swap3A_1580] {strides = array<i32>} : memref<32x128xf32, #tpu.memory_space<vmem>>, vector<1x16xf32>,
    %swap3A_1582 = vector.shape_cast %swap3A_1581 : vector<1x16xf32> to vector<16xf32>
    %swap3A_1583 = vector.shape_cast %get3A_1577 : vector<16xf32> to vector<1x16xf32>
    tpu.vector_store %arg7[%swap3A_1579, %swap3A_1580], %swap3A_1583 {strides = array<i32>} : memref<32x128xf32, #tpu.memory_space<vmem>>, vector<1x16xf32>,
    %get3A_1584 = arith.constant 5 : i32
    %get3A_1585 = arith.constant 5 : i32
    %get3A_1586 = arith.index_cast %get3A_1584 : i32 to index
    %get3A_1587 = arith.index_cast %get3A_1585 : i32 to index
    %get3A_1588 = arith.constant 48 : index
    %get3A_1589 = tpu.vector_load %arg6[%get3A_1586, %get3A_1587, %get3A_1588] {strides = array<i32>} : memref<32x8x128xf32, #tpu.memory_space<vmem>>, vector<1x1x16xf32>,
    %get3A_1590 = vector.shape_cast %get3A_1589 : vector<1x1x16xf32> to vector<16xf32>
    %swap3A_1591 = arith.constant 5 : i32
    %swap3A_1592 = arith.index_cast %swap3A_1591 : i32 to index
    %swap3A_1593 = arith.constant 48 : index
    %swap3A_1594 = tpu.vector_load %arg7[%swap3A_1592, %swap3A_1593] {strides = array<i32>} : memref<32x128xf32, #tpu.memory_space<vmem>>, vector<1x16xf32>,
    %swap3A_1595 = vector.shape_cast %swap3A_1594 : vector<1x16xf32> to vector<16xf32>
    %swap3A_1596 = vector.shape_cast %get3A_1590 : vector<16xf32> to vector<1x16xf32>
    tpu.vector_store %arg7[%swap3A_1592, %swap3A_1593], %swap3A_1596 {strides = array<i32>} : memref<32x128xf32, #tpu.memory_space<vmem>>, vector<1x16xf32>,
    %get3A_1597 = arith.constant 5 : i32
    %get3A_1598 = arith.constant 5 : i32
    %get3A_1599 = arith.index_cast %get3A_1597 : i32 to index
    %get3A_1600 = arith.index_cast %get3A_1598 : i32 to index
    %get3A_1601 = arith.constant 64 : index
    %get3A_1602 = tpu.vector_load %arg6[%get3A_1599, %get3A_1600, %get3A_1601] {strides = array<i32>} : memref<32x8x128xf32, #tpu.memory_space<vmem>>, vector<1x1x16xf32>,
    %get3A_1603 = vector.shape_cast %get3A_1602 : vector<1x1x16xf32> to vector<16xf32>
    %swap3A_1604 = arith.constant 5 : i32
    %swap3A_1605 = arith.index_cast %swap3A_1604 : i32 to index
    %swap3A_1606 = arith.constant 64 : index
    %swap3A_1607 = tpu.vector_load %arg7[%swap3A_1605, %swap3A_1606] {strides = array<i32>} : memref<32x128xf32, #tpu.memory_space<vmem>>, vector<1x16xf32>,
    %swap3A_1608 = vector.shape_cast %swap3A_1607 : vector<1x16xf32> to vector<16xf32>
    %swap3A_1609 = vector.shape_cast %get3A_1603 : vector<16xf32> to vector<1x16xf32>
    tpu.vector_store %arg7[%swap3A_1605, %swap3A_1606], %swap3A_1609 {strides = array<i32>} : memref<32x128xf32, #tpu.memory_space<vmem>>, vector<1x16xf32>,
    %get3A_1610 = arith.constant 5 : i32
    %get3A_1611 = arith.constant 5 : i32
    %get3A_1612 = arith.index_cast %get3A_1610 : i32 to index
    %get3A_1613 = arith.index_cast %get3A_1611 : i32 to index
    %get3A_1614 = arith.constant 80 : index
    %get3A_1615 = tpu.vector_load %arg6[%get3A_1612, %get3A_1613, %get3A_1614] {strides = array<i32>} : memref<32x8x128xf32, #tpu.memory_space<vmem>>, vector<1x1x16xf32>,
    %get3A_1616 = vector.shape_cast %get3A_1615 : vector<1x1x16xf32> to vector<16xf32>
    %swap3A_1617 = arith.constant 5 : i32
    %swap3A_1618 = arith.index_cast %swap3A_1617 : i32 to index
    %swap3A_1619 = arith.constant 80 : index
    %swap3A_1620 = tpu.vector_load %arg7[%swap3A_1618, %swap3A_1619] {strides = array<i32>} : memref<32x128xf32, #tpu.memory_space<vmem>>, vector<1x16xf32>,
    %swap3A_1621 = vector.shape_cast %swap3A_1620 : vector<1x16xf32> to vector<16xf32>
    %swap3A_1622 = vector.shape_cast %get3A_1616 : vector<16xf32> to vector<1x16xf32>
    tpu.vector_store %arg7[%swap3A_1618, %swap3A_1619], %swap3A_1622 {strides = array<i32>} : memref<32x128xf32, #tpu.memory_space<vmem>>, vector<1x16xf32>,
    %get3A_1623 = arith.constant 5 : i32
    %get3A_1624 = arith.constant 5 : i32
    %get3A_1625 = arith.index_cast %get3A_1623 : i32 to index
    %get3A_1626 = arith.index_cast %get3A_1624 : i32 to index
    %get3A_1627 = arith.constant 96 : index
    %get3A_1628 = tpu.vector_load %arg6[%get3A_1625, %get3A_1626, %get3A_1627] {strides = array<i32>} : memref<32x8x128xf32, #tpu.memory_space<vmem>>, vector<1x1x16xf32>,
    %get3A_1629 = vector.shape_cast %get3A_1628 : vector<1x1x16xf32> to vector<16xf32>
    %swap3A_1630 = arith.constant 5 : i32
    %swap3A_1631 = arith.index_cast %swap3A_1630 : i32 to index
    %swap3A_1632 = arith.constant 96 : index
    %swap3A_1633 = tpu.vector_load %arg7[%swap3A_1631, %swap3A_1632] {strides = array<i32>} : memref<32x128xf32, #tpu.memory_space<vmem>>, vector<1x16xf32>,
    %swap3A_1634 = vector.shape_cast %swap3A_1633 : vector<1x16xf32> to vector<16xf32>
    %swap3A_1635 = vector.shape_cast %get3A_1629 : vector<16xf32> to vector<1x16xf32>
    tpu.vector_store %arg7[%swap3A_1631, %swap3A_1632], %swap3A_1635 {strides = array<i32>} : memref<32x128xf32, #tpu.memory_space<vmem>>, vector<1x16xf32>,
    %get3A_1636 = arith.constant 5 : i32
    %get3A_1637 = arith.constant 5 : i32
    %get3A_1638 = arith.index_cast %get3A_1636 : i32 to index
    %get3A_1639 = arith.index_cast %get3A_1637 : i32 to index
    %get3A_1640 = arith.constant 112 : index
    %get3A_1641 = tpu.vector_load %arg6[%get3A_1638, %get3A_1639, %get3A_1640] {strides = array<i32>} : memref<32x8x128xf32, #tpu.memory_space<vmem>>, vector<1x1x16xf32>,
    %get3A_1642 = vector.shape_cast %get3A_1641 : vector<1x1x16xf32> to vector<16xf32>
    %swap3A_1643 = arith.constant 5 : i32
    %swap3A_1644 = arith.index_cast %swap3A_1643 : i32 to index
    %swap3A_1645 = arith.constant 112 : index
    %swap3A_1646 = tpu.vector_load %arg7[%swap3A_1644, %swap3A_1645] {strides = array<i32>} : memref<32x128xf32, #tpu.memory_space<vmem>>, vector<1x16xf32>,
    %swap3A_1647 = vector.shape_cast %swap3A_1646 : vector<1x16xf32> to vector<16xf32>
    %swap3A_1648 = vector.shape_cast %get3A_1642 : vector<16xf32> to vector<1x16xf32>
    tpu.vector_store %arg7[%swap3A_1644, %swap3A_1645], %swap3A_1648 {strides = array<i32>} : memref<32x128xf32, #tpu.memory_space<vmem>>, vector<1x16xf32>,
    %get3A_1649 = arith.constant 6 : i32
    %get3A_1650 = arith.constant 6 : i32
    %get3A_1651 = arith.index_cast %get3A_1649 : i32 to index
    %get3A_1652 = arith.index_cast %get3A_1650 : i32 to index
    %get3A_1653 = arith.constant 0 : index
    %get3A_1654 = tpu.vector_load %arg6[%get3A_1651, %get3A_1652, %get3A_1653] {strides = array<i32>} : memref<32x8x128xf32, #tpu.memory_space<vmem>>, vector<1x1x16xf32>,
    %get3A_1655 = vector.shape_cast %get3A_1654 : vector<1x1x16xf32> to vector<16xf32>
    %swap3A_1656 = arith.constant 6 : i32
    %swap3A_1657 = arith.index_cast %swap3A_1656 : i32 to index
    %swap3A_1658 = arith.constant 0 : index
    %swap3A_1659 = tpu.vector_load %arg7[%swap3A_1657, %swap3A_1658] {strides = array<i32>} : memref<32x128xf32, #tpu.memory_space<vmem>>, vector<1x16xf32>,
    %swap3A_1660 = vector.shape_cast %swap3A_1659 : vector<1x16xf32> to vector<16xf32>
    %swap3A_1661 = vector.shape_cast %get3A_1655 : vector<16xf32> to vector<1x16xf32>
    tpu.vector_store %arg7[%swap3A_1657, %swap3A_1658], %swap3A_1661 {strides = array<i32>} : memref<32x128xf32, #tpu.memory_space<vmem>>, vector<1x16xf32>,
    %get3A_1662 = arith.constant 6 : i32
    %get3A_1663 = arith.constant 6 : i32
    %get3A_1664 = arith.index_cast %get3A_1662 : i32 to index
    %get3A_1665 = arith.index_cast %get3A_1663 : i32 to index
    %get3A_1666 = arith.constant 16 : index
    %get3A_1667 = tpu.vector_load %arg6[%get3A_1664, %get3A_1665, %get3A_1666] {strides = array<i32>} : memref<32x8x128xf32, #tpu.memory_space<vmem>>, vector<1x1x16xf32>,
    %get3A_1668 = vector.shape_cast %get3A_1667 : vector<1x1x16xf32> to vector<16xf32>
    %swap3A_1669 = arith.constant 6 : i32
    %swap3A_1670 = arith.index_cast %swap3A_1669 : i32 to index
    %swap3A_1671 = arith.constant 16 : index
    %swap3A_1672 = tpu.vector_load %arg7[%swap3A_1670, %swap3A_1671] {strides = array<i32>} : memref<32x128xf32, #tpu.memory_space<vmem>>, vector<1x16xf32>,
    %swap3A_1673 = vector.shape_cast %swap3A_1672 : vector<1x16xf32> to vector<16xf32>
    %swap3A_1674 = vector.shape_cast %get3A_1668 : vector<16xf32> to vector<1x16xf32>
    tpu.vector_store %arg7[%swap3A_1670, %swap3A_1671], %swap3A_1674 {strides = array<i32>} : memref<32x128xf32, #tpu.memory_space<vmem>>, vector<1x16xf32>,
    %get3A_1675 = arith.constant 6 : i32
    %get3A_1676 = arith.constant 6 : i32
    %get3A_1677 = arith.index_cast %get3A_1675 : i32 to index
    %get3A_1678 = arith.index_cast %get3A_1676 : i32 to index
    %get3A_1679 = arith.constant 32 : index
    %get3A_1680 = tpu.vector_load %arg6[%get3A_1677, %get3A_1678, %get3A_1679] {strides = array<i32>} : memref<32x8x128xf32, #tpu.memory_space<vmem>>, vector<1x1x16xf32>,
    %get3A_1681 = vector.shape_cast %get3A_1680 : vector<1x1x16xf32> to vector<16xf32>
    %swap3A_1682 = arith.constant 6 : i32
    %swap3A_1683 = arith.index_cast %swap3A_1682 : i32 to index
    %swap3A_1684 = arith.constant 32 : index
    %swap3A_1685 = tpu.vector_load %arg7[%swap3A_1683, %swap3A_1684] {strides = array<i32>} : memref<32x128xf32, #tpu.memory_space<vmem>>, vector<1x16xf32>,
    %swap3A_1686 = vector.shape_cast %swap3A_1685 : vector<1x16xf32> to vector<16xf32>
    %swap3A_1687 = vector.shape_cast %get3A_1681 : vector<16xf32> to vector<1x16xf32>
    tpu.vector_store %arg7[%swap3A_1683, %swap3A_1684], %swap3A_1687 {strides = array<i32>} : memref<32x128xf32, #tpu.memory_space<vmem>>, vector<1x16xf32>,
    %get3A_1688 = arith.constant 6 : i32
    %get3A_1689 = arith.constant 6 : i32
    %get3A_1690 = arith.index_cast %get3A_1688 : i32 to index
    %get3A_1691 = arith.index_cast %get3A_1689 : i32 to index
    %get3A_1692 = arith.constant 48 : index
    %get3A_1693 = tpu.vector_load %arg6[%get3A_1690, %get3A_1691, %get3A_1692] {strides = array<i32>} : memref<32x8x128xf32, #tpu.memory_space<vmem>>, vector<1x1x16xf32>,
    %get3A_1694 = vector.shape_cast %get3A_1693 : vector<1x1x16xf32> to vector<16xf32>
    %swap3A_1695 = arith.constant 6 : i32
    %swap3A_1696 = arith.index_cast %swap3A_1695 : i32 to index
    %swap3A_1697 = arith.constant 48 : index
    %swap3A_1698 = tpu.vector_load %arg7[%swap3A_1696, %swap3A_1697] {strides = array<i32>} : memref<32x128xf32, #tpu.memory_space<vmem>>, vector<1x16xf32>,
    %swap3A_1699 = vector.shape_cast %swap3A_1698 : vector<1x16xf32> to vector<16xf32>
    %swap3A_1700 = vector.shape_cast %get3A_1694 : vector<16xf32> to vector<1x16xf32>
    tpu.vector_store %arg7[%swap3A_1696, %swap3A_1697], %swap3A_1700 {strides = array<i32>} : memref<32x128xf32, #tpu.memory_space<vmem>>, vector<1x16xf32>,
    %get3A_1701 = arith.constant 6 : i32
    %get3A_1702 = arith.constant 6 : i32
    %get3A_1703 = arith.index_cast %get3A_1701 : i32 to index
    %get3A_1704 = arith.index_cast %get3A_1702 : i32 to index
    %get3A_1705 = arith.constant 64 : index
    %get3A_1706 = tpu.vector_load %arg6[%get3A_1703, %get3A_1704, %get3A_1705] {strides = array<i32>} : memref<32x8x128xf32, #tpu.memory_space<vmem>>, vector<1x1x16xf32>,
    %get3A_1707 = vector.shape_cast %get3A_1706 : vector<1x1x16xf32> to vector<16xf32>
    %swap3A_1708 = arith.constant 6 : i32
    %swap3A_1709 = arith.index_cast %swap3A_1708 : i32 to index
    %swap3A_1710 = arith.constant 64 : index
    %swap3A_1711 = tpu.vector_load %arg7[%swap3A_1709, %swap3A_1710] {strides = array<i32>} : memref<32x128xf32, #tpu.memory_space<vmem>>, vector<1x16xf32>,
    %swap3A_1712 = vector.shape_cast %swap3A_1711 : vector<1x16xf32> to vector<16xf32>
    %swap3A_1713 = vector.shape_cast %get3A_1707 : vector<16xf32> to vector<1x16xf32>
    tpu.vector_store %arg7[%swap3A_1709, %swap3A_1710], %swap3A_1713 {strides = array<i32>} : memref<32x128xf32, #tpu.memory_space<vmem>>, vector<1x16xf32>,
    %get3A_1714 = arith.constant 6 : i32
    %get3A_1715 = arith.constant 6 : i32
    %get3A_1716 = arith.index_cast %get3A_1714 : i32 to index
    %get3A_1717 = arith.index_cast %get3A_1715 : i32 to index
    %get3A_1718 = arith.constant 80 : index
    %get3A_1719 = tpu.vector_load %arg6[%get3A_1716, %get3A_1717, %get3A_1718] {strides = array<i32>} : memref<32x8x128xf32, #tpu.memory_space<vmem>>, vector<1x1x16xf32>,
    %get3A_1720 = vector.shape_cast %get3A_1719 : vector<1x1x16xf32> to vector<16xf32>
    %swap3A_1721 = arith.constant 6 : i32
    %swap3A_1722 = arith.index_cast %swap3A_1721 : i32 to index
    %swap3A_1723 = arith.constant 80 : index
    %swap3A_1724 = tpu.vector_load %arg7[%swap3A_1722, %swap3A_1723] {strides = array<i32>} : memref<32x128xf32, #tpu.memory_space<vmem>>, vector<1x16xf32>,
    %swap3A_1725 = vector.shape_cast %swap3A_1724 : vector<1x16xf32> to vector<16xf32>
    %swap3A_1726 = vector.shape_cast %get3A_1720 : vector<16xf32> to vector<1x16xf32>
    tpu.vector_store %arg7[%swap3A_1722, %swap3A_1723], %swap3A_1726 {strides = array<i32>} : memref<32x128xf32, #tpu.memory_space<vmem>>, vector<1x16xf32>,
    %get3A_1727 = arith.constant 6 : i32
    %get3A_1728 = arith.constant 6 : i32
    %get3A_1729 = arith.index_cast %get3A_1727 : i32 to index
    %get3A_1730 = arith.index_cast %get3A_1728 : i32 to index
    %get3A_1731 = arith.constant 96 : index
    %get3A_1732 = tpu.vector_load %arg6[%get3A_1729, %get3A_1730, %get3A_1731] {strides = array<i32>} : memref<32x8x128xf32, #tpu.memory_space<vmem>>, vector<1x1x16xf32>,
    %get3A_1733 = vector.shape_cast %get3A_1732 : vector<1x1x16xf32> to vector<16xf32>
    %swap3A_1734 = arith.constant 6 : i32
    %swap3A_1735 = arith.index_cast %swap3A_1734 : i32 to index
    %swap3A_1736 = arith.constant 96 : index
    %swap3A_1737 = tpu.vector_load %arg7[%swap3A_1735, %swap3A_1736] {strides = array<i32>} : memref<32x128xf32, #tpu.memory_space<vmem>>, vector<1x16xf32>,
    %swap3A_1738 = vector.shape_cast %swap3A_1737 : vector<1x16xf32> to vector<16xf32>
    %swap3A_1739 = vector.shape_cast %get3A_1733 : vector<16xf32> to vector<1x16xf32>
    tpu.vector_store %arg7[%swap3A_1735, %swap3A_1736], %swap3A_1739 {strides = array<i32>} : memref<32x128xf32, #tpu.memory_space<vmem>>, vector<1x16xf32>,
    %get3A_1740 = arith.constant 6 : i32
    %get3A_1741 = arith.constant 6 : i32
    %get3A_1742 = arith.index_cast %get3A_1740 : i32 to index
    %get3A_1743 = arith.index_cast %get3A_1741 : i32 to index
    %get3A_1744 = arith.constant 112 : index
    %get3A_1745 = tpu.vector_load %arg6[%get3A_1742, %get3A_1743, %get3A_1744] {strides = array<i32>} : memref<32x8x128xf32, #tpu.memory_space<vmem>>, vector<1x1x16xf32>,
    %get3A_1746 = vector.shape_cast %get3A_1745 : vector<1x1x16xf32> to vector<16xf32>
    %swap3A_1747 = arith.constant 6 : i32
    %swap3A_1748 = arith.index_cast %swap3A_1747 : i32 to index
    %swap3A_1749 = arith.constant 112 : index
    %swap3A_1750 = tpu.vector_load %arg7[%swap3A_1748, %swap3A_1749] {strides = array<i32>} : memref<32x128xf32, #tpu.memory_space<vmem>>, vector<1x16xf32>,
    %swap3A_1751 = vector.shape_cast %swap3A_1750 : vector<1x16xf32> to vector<16xf32>
    %swap3A_1752 = vector.shape_cast %get3A_1746 : vector<16xf32> to vector<1x16xf32>
    tpu.vector_store %arg7[%swap3A_1748, %swap3A_1749], %swap3A_1752 {strides = array<i32>} : memref<32x128xf32, #tpu.memory_space<vmem>>, vector<1x16xf32>,
    %get3A_1753 = arith.constant 7 : i32
    %get3A_1754 = arith.constant 7 : i32
    %get3A_1755 = arith.index_cast %get3A_1753 : i32 to index
    %get3A_1756 = arith.index_cast %get3A_1754 : i32 to index
    %get3A_1757 = arith.constant 0 : index
    %get3A_1758 = tpu.vector_load %arg6[%get3A_1755, %get3A_1756, %get3A_1757] {strides = array<i32>} : memref<32x8x128xf32, #tpu.memory_space<vmem>>, vector<1x1x16xf32>,
    %get3A_1759 = vector.shape_cast %get3A_1758 : vector<1x1x16xf32> to vector<16xf32>
    %swap3A_1760 = arith.constant 7 : i32
    %swap3A_1761 = arith.index_cast %swap3A_1760 : i32 to index
    %swap3A_1762 = arith.constant 0 : index
    %swap3A_1763 = tpu.vector_load %arg7[%swap3A_1761, %swap3A_1762] {strides = array<i32>} : memref<32x128xf32, #tpu.memory_space<vmem>>, vector<1x16xf32>,
    %swap3A_1764 = vector.shape_cast %swap3A_1763 : vector<1x16xf32> to vector<16xf32>
    %swap3A_1765 = vector.shape_cast %get3A_1759 : vector<16xf32> to vector<1x16xf32>
    tpu.vector_store %arg7[%swap3A_1761, %swap3A_1762], %swap3A_1765 {strides = array<i32>} : memref<32x128xf32, #tpu.memory_space<vmem>>, vector<1x16xf32>,
    %get3A_1766 = arith.constant 7 : i32
    %get3A_1767 = arith.constant 7 : i32
    %get3A_1768 = arith.index_cast %get3A_1766 : i32 to index
    %get3A_1769 = arith.index_cast %get3A_1767 : i32 to index
    %get3A_1770 = arith.constant 16 : index
    %get3A_1771 = tpu.vector_load %arg6[%get3A_1768, %get3A_1769, %get3A_1770] {strides = array<i32>} : memref<32x8x128xf32, #tpu.memory_space<vmem>>, vector<1x1x16xf32>,
    %get3A_1772 = vector.shape_cast %get3A_1771 : vector<1x1x16xf32> to vector<16xf32>
    %swap3A_1773 = arith.constant 7 : i32
    %swap3A_1774 = arith.index_cast %swap3A_1773 : i32 to index
    %swap3A_1775 = arith.constant 16 : index
    %swap3A_1776 = tpu.vector_load %arg7[%swap3A_1774, %swap3A_1775] {strides = array<i32>} : memref<32x128xf32, #tpu.memory_space<vmem>>, vector<1x16xf32>,
    %swap3A_1777 = vector.shape_cast %swap3A_1776 : vector<1x16xf32> to vector<16xf32>
    %swap3A_1778 = vector.shape_cast %get3A_1772 : vector<16xf32> to vector<1x16xf32>
    tpu.vector_store %arg7[%swap3A_1774, %swap3A_1775], %swap3A_1778 {strides = array<i32>} : memref<32x128xf32, #tpu.memory_space<vmem>>, vector<1x16xf32>,
    %get3A_1779 = arith.constant 7 : i32
    %get3A_1780 = arith.constant 7 : i32
    %get3A_1781 = arith.index_cast %get3A_1779 : i32 to index
    %get3A_1782 = arith.index_cast %get3A_1780 : i32 to index
    %get3A_1783 = arith.constant 32 : index
    %get3A_1784 = tpu.vector_load %arg6[%get3A_1781, %get3A_1782, %get3A_1783] {strides = array<i32>} : memref<32x8x128xf32, #tpu.memory_space<vmem>>, vector<1x1x16xf32>,
    %get3A_1785 = vector.shape_cast %get3A_1784 : vector<1x1x16xf32> to vector<16xf32>
    %swap3A_1786 = arith.constant 7 : i32
    %swap3A_1787 = arith.index_cast %swap3A_1786 : i32 to index
    %swap3A_1788 = arith.constant 32 : index
    %swap3A_1789 = tpu.vector_load %arg7[%swap3A_1787, %swap3A_1788] {strides = array<i32>} : memref<32x128xf32, #tpu.memory_space<vmem>>, vector<1x16xf32>,
    %swap3A_1790 = vector.shape_cast %swap3A_1789 : vector<1x16xf32> to vector<16xf32>
    %swap3A_1791 = vector.shape_cast %get3A_1785 : vector<16xf32> to vector<1x16xf32>
    tpu.vector_store %arg7[%swap3A_1787, %swap3A_1788], %swap3A_1791 {strides = array<i32>} : memref<32x128xf32, #tpu.memory_space<vmem>>, vector<1x16xf32>,
    %get3A_1792 = arith.constant 7 : i32
    %get3A_1793 = arith.constant 7 : i32
    %get3A_1794 = arith.index_cast %get3A_1792 : i32 to index
    %get3A_1795 = arith.index_cast %get3A_1793 : i32 to index
    %get3A_1796 = arith.constant 48 : index
    %get3A_1797 = tpu.vector_load %arg6[%get3A_1794, %get3A_1795, %get3A_1796] {strides = array<i32>} : memref<32x8x128xf32, #tpu.memory_space<vmem>>, vector<1x1x16xf32>,
    %get3A_1798 = vector.shape_cast %get3A_1797 : vector<1x1x16xf32> to vector<16xf32>
    %swap3A_1799 = arith.constant 7 : i32
    %swap3A_1800 = arith.index_cast %swap3A_1799 : i32 to index
    %swap3A_1801 = arith.constant 48 : index
    %swap3A_1802 = tpu.vector_load %arg7[%swap3A_1800, %swap3A_1801] {strides = array<i32>} : memref<32x128xf32, #tpu.memory_space<vmem>>, vector<1x16xf32>,
    %swap3A_1803 = vector.shape_cast %swap3A_1802 : vector<1x16xf32> to vector<16xf32>
    %swap3A_1804 = vector.shape_cast %get3A_1798 : vector<16xf32> to vector<1x16xf32>
    tpu.vector_store %arg7[%swap3A_1800, %swap3A_1801], %swap3A_1804 {strides = array<i32>} : memref<32x128xf32, #tpu.memory_space<vmem>>, vector<1x16xf32>,
    %get3A_1805 = arith.constant 7 : i32
    %get3A_1806 = arith.constant 7 : i32
    %get3A_1807 = arith.index_cast %get3A_1805 : i32 to index
    %get3A_1808 = arith.index_cast %get3A_1806 : i32 to index
    %get3A_1809 = arith.constant 64 : index
    %get3A_1810 = tpu.vector_load %arg6[%get3A_1807, %get3A_1808, %get3A_1809] {strides = array<i32>} : memref<32x8x128xf32, #tpu.memory_space<vmem>>, vector<1x1x16xf32>,
    %get3A_1811 = vector.shape_cast %get3A_1810 : vector<1x1x16xf32> to vector<16xf32>
    %swap3A_1812 = arith.constant 7 : i32
    %swap3A_1813 = arith.index_cast %swap3A_1812 : i32 to index
    %swap3A_1814 = arith.constant 64 : index
    %swap3A_1815 = tpu.vector_load %arg7[%swap3A_1813, %swap3A_1814] {strides = array<i32>} : memref<32x128xf32, #tpu.memory_space<vmem>>, vector<1x16xf32>,
    %swap3A_1816 = vector.shape_cast %swap3A_1815 : vector<1x16xf32> to vector<16xf32>
    %swap3A_1817 = vector.shape_cast %get3A_1811 : vector<16xf32> to vector<1x16xf32>
    tpu.vector_store %arg7[%swap3A_1813, %swap3A_1814], %swap3A_1817 {strides = array<i32>} : memref<32x128xf32, #tpu.memory_space<vmem>>, vector<1x16xf32>,
    %get3A_1818 = arith.constant 7 : i32
    %get3A_1819 = arith.constant 7 : i32
    %get3A_1820 = arith.index_cast %get3A_1818 : i32 to index
    %get3A_1821 = arith.index_cast %get3A_1819 : i32 to index
    %get3A_1822 = arith.constant 80 : index
    %get3A_1823 = tpu.vector_load %arg6[%get3A_1820, %get3A_1821, %get3A_1822] {strides = array<i32>} : memref<32x8x128xf32, #tpu.memory_space<vmem>>, vector<1x1x16xf32>,
    %get3A_1824 = vector.shape_cast %get3A_1823 : vector<1x1x16xf32> to vector<16xf32>
    %swap3A_1825 = arith.constant 7 : i32
    %swap3A_1826 = arith.index_cast %swap3A_1825 : i32 to index
    %swap3A_1827 = arith.constant 80 : index
    %swap3A_1828 = tpu.vector_load %arg7[%swap3A_1826, %swap3A_1827] {strides = array<i32>} : memref<32x128xf32, #tpu.memory_space<vmem>>, vector<1x16xf32>,
    %swap3A_1829 = vector.shape_cast %swap3A_1828 : vector<1x16xf32> to vector<16xf32>
    %swap3A_1830 = vector.shape_cast %get3A_1824 : vector<16xf32> to vector<1x16xf32>
    tpu.vector_store %arg7[%swap3A_1826, %swap3A_1827], %swap3A_1830 {strides = array<i32>} : memref<32x128xf32, #tpu.memory_space<vmem>>, vector<1x16xf32>,
    %get3A_1831 = arith.constant 7 : i32
    %get3A_1832 = arith.constant 7 : i32
    %get3A_1833 = arith.index_cast %get3A_1831 : i32 to index
    %get3A_1834 = arith.index_cast %get3A_1832 : i32 to index
    %get3A_1835 = arith.constant 96 : index
    %get3A_1836 = tpu.vector_load %arg6[%get3A_1833, %get3A_1834, %get3A_1835] {strides = array<i32>} : memref<32x8x128xf32, #tpu.memory_space<vmem>>, vector<1x1x16xf32>,
    %get3A_1837 = vector.shape_cast %get3A_1836 : vector<1x1x16xf32> to vector<16xf32>
    %swap3A_1838 = arith.constant 7 : i32
    %swap3A_1839 = arith.index_cast %swap3A_1838 : i32 to index
    %swap3A_1840 = arith.constant 96 : index
    %swap3A_1841 = tpu.vector_load %arg7[%swap3A_1839, %swap3A_1840] {strides = array<i32>} : memref<32x128xf32, #tpu.memory_space<vmem>>, vector<1x16xf32>,
    %swap3A_1842 = vector.shape_cast %swap3A_1841 : vector<1x16xf32> to vector<16xf32>
    %swap3A_1843 = vector.shape_cast %get3A_1837 : vector<16xf32> to vector<1x16xf32>
    tpu.vector_store %arg7[%swap3A_1839, %swap3A_1840], %swap3A_1843 {strides = array<i32>} : memref<32x128xf32, #tpu.memory_space<vmem>>, vector<1x16xf32>,
    %get3A_1844 = arith.constant 7 : i32
    %get3A_1845 = arith.constant 7 : i32
    %get3A_1846 = arith.index_cast %get3A_1844 : i32 to index
    %get3A_1847 = arith.index_cast %get3A_1845 : i32 to index
    %get3A_1848 = arith.constant 112 : index
    %get3A_1849 = tpu.vector_load %arg6[%get3A_1846, %get3A_1847, %get3A_1848] {strides = array<i32>} : memref<32x8x128xf32, #tpu.memory_space<vmem>>, vector<1x1x16xf32>,
    %get3A_1850 = vector.shape_cast %get3A_1849 : vector<1x1x16xf32> to vector<16xf32>
    %swap3A_1851 = arith.constant 7 : i32
    %swap3A_1852 = arith.index_cast %swap3A_1851 : i32 to index
    %swap3A_1853 = arith.constant 112 : index
    %swap3A_1854 = tpu.vector_load %arg7[%swap3A_1852, %swap3A_1853] {strides = array<i32>} : memref<32x128xf32, #tpu.memory_space<vmem>>, vector<1x16xf32>,
    %swap3A_1855 = vector.shape_cast %swap3A_1854 : vector<1x16xf32> to vector<16xf32>
    %swap3A_1856 = vector.shape_cast %get3A_1850 : vector<16xf32> to vector<1x16xf32>
    tpu.vector_store %arg7[%swap3A_1852, %swap3A_1853], %swap3A_1856 {strides = array<i32>} : memref<32x128xf32, #tpu.memory_space<vmem>>, vector<1x16xf32>,
    %get3A_1857 = arith.constant 8 : i32
    %get3A_1858 = arith.constant 0 : i32
    %get3A_1859 = arith.index_cast %get3A_1857 : i32 to index
    %get3A_1860 = arith.index_cast %get3A_1858 : i32 to index
    %get3A_1861 = arith.constant 0 : index
    %get3A_1862 = tpu.vector_load %arg6[%get3A_1859, %get3A_1860, %get3A_1861] {strides = array<i32>} : memref<32x8x128xf32, #tpu.memory_space<vmem>>, vector<1x1x16xf32>,
    %get3A_1863 = vector.shape_cast %get3A_1862 : vector<1x1x16xf32> to vector<16xf32>
    %swap3A_1864 = arith.constant 8 : i32
    %swap3A_1865 = arith.index_cast %swap3A_1864 : i32 to index
    %swap3A_1866 = arith.constant 0 : index
    %swap3A_1867 = tpu.vector_load %arg7[%swap3A_1865, %swap3A_1866] {strides = array<i32>} : memref<32x128xf32, #tpu.memory_space<vmem>>, vector<1x16xf32>,
    %swap3A_1868 = vector.shape_cast %swap3A_1867 : vector<1x16xf32> to vector<16xf32>
    %swap3A_1869 = vector.shape_cast %get3A_1863 : vector<16xf32> to vector<1x16xf32>
    tpu.vector_store %arg7[%swap3A_1865, %swap3A_1866], %swap3A_1869 {strides = array<i32>} : memref<32x128xf32, #tpu.memory_space<vmem>>, vector<1x16xf32>,
    %get3A_1870 = arith.constant 8 : i32
    %get3A_1871 = arith.constant 0 : i32
    %get3A_1872 = arith.index_cast %get3A_1870 : i32 to index
    %get3A_1873 = arith.index_cast %get3A_1871 : i32 to index
    %get3A_1874 = arith.constant 16 : index
    %get3A_1875 = tpu.vector_load %arg6[%get3A_1872, %get3A_1873, %get3A_1874] {strides = array<i32>} : memref<32x8x128xf32, #tpu.memory_space<vmem>>, vector<1x1x16xf32>,
    %get3A_1876 = vector.shape_cast %get3A_1875 : vector<1x1x16xf32> to vector<16xf32>
    %swap3A_1877 = arith.constant 8 : i32
    %swap3A_1878 = arith.index_cast %swap3A_1877 : i32 to index
    %swap3A_1879 = arith.constant 16 : index
    %swap3A_1880 = tpu.vector_load %arg7[%swap3A_1878, %swap3A_1879] {strides = array<i32>} : memref<32x128xf32, #tpu.memory_space<vmem>>, vector<1x16xf32>,
    %swap3A_1881 = vector.shape_cast %swap3A_1880 : vector<1x16xf32> to vector<16xf32>
    %swap3A_1882 = vector.shape_cast %get3A_1876 : vector<16xf32> to vector<1x16xf32>
    tpu.vector_store %arg7[%swap3A_1878, %swap3A_1879], %swap3A_1882 {strides = array<i32>} : memref<32x128xf32, #tpu.memory_space<vmem>>, vector<1x16xf32>,
    %get3A_1883 = arith.constant 8 : i32
    %get3A_1884 = arith.constant 0 : i32
    %get3A_1885 = arith.index_cast %get3A_1883 : i32 to index
    %get3A_1886 = arith.index_cast %get3A_1884 : i32 to index
    %get3A_1887 = arith.constant 32 : index
    %get3A_1888 = tpu.vector_load %arg6[%get3A_1885, %get3A_1886, %get3A_1887] {strides = array<i32>} : memref<32x8x128xf32, #tpu.memory_space<vmem>>, vector<1x1x16xf32>,
    %get3A_1889 = vector.shape_cast %get3A_1888 : vector<1x1x16xf32> to vector<16xf32>
    %swap3A_1890 = arith.constant 8 : i32
    %swap3A_1891 = arith.index_cast %swap3A_1890 : i32 to index
    %swap3A_1892 = arith.constant 32 : index
    %swap3A_1893 = tpu.vector_load %arg7[%swap3A_1891, %swap3A_1892] {strides = array<i32>} : memref<32x128xf32, #tpu.memory_space<vmem>>, vector<1x16xf32>,
    %swap3A_1894 = vector.shape_cast %swap3A_1893 : vector<1x16xf32> to vector<16xf32>
    %swap3A_1895 = vector.shape_cast %get3A_1889 : vector<16xf32> to vector<1x16xf32>
    tpu.vector_store %arg7[%swap3A_1891, %swap3A_1892], %swap3A_1895 {strides = array<i32>} : memref<32x128xf32, #tpu.memory_space<vmem>>, vector<1x16xf32>,
    %get3A_1896 = arith.constant 8 : i32
    %get3A_1897 = arith.constant 0 : i32
    %get3A_1898 = arith.index_cast %get3A_1896 : i32 to index
    %get3A_1899 = arith.index_cast %get3A_1897 : i32 to index
    %get3A_1900 = arith.constant 48 : index
    %get3A_1901 = tpu.vector_load %arg6[%get3A_1898, %get3A_1899, %get3A_1900] {strides = array<i32>} : memref<32x8x128xf32, #tpu.memory_space<vmem>>, vector<1x1x16xf32>,
    %get3A_1902 = vector.shape_cast %get3A_1901 : vector<1x1x16xf32> to vector<16xf32>
    %swap3A_1903 = arith.constant 8 : i32
    %swap3A_1904 = arith.index_cast %swap3A_1903 : i32 to index
    %swap3A_1905 = arith.constant 48 : index
    %swap3A_1906 = tpu.vector_load %arg7[%swap3A_1904, %swap3A_1905] {strides = array<i32>} : memref<32x128xf32, #tpu.memory_space<vmem>>, vector<1x16xf32>,
    %swap3A_1907 = vector.shape_cast %swap3A_1906 : vector<1x16xf32> to vector<16xf32>
    %swap3A_1908 = vector.shape_cast %get3A_1902 : vector<16xf32> to vector<1x16xf32>
    tpu.vector_store %arg7[%swap3A_1904, %swap3A_1905], %swap3A_1908 {strides = array<i32>} : memref<32x128xf32, #tpu.memory_space<vmem>>, vector<1x16xf32>,
    %get3A_1909 = arith.constant 8 : i32
    %get3A_1910 = arith.constant 0 : i32
    %get3A_1911 = arith.index_cast %get3A_1909 : i32 to index
    %get3A_1912 = arith.index_cast %get3A_1910 : i32 to index
    %get3A_1913 = arith.constant 64 : index
    %get3A_1914 = tpu.vector_load %arg6[%get3A_1911, %get3A_1912, %get3A_1913] {strides = array<i32>} : memref<32x8x128xf32, #tpu.memory_space<vmem>>, vector<1x1x16xf32>,
    %get3A_1915 = vector.shape_cast %get3A_1914 : vector<1x1x16xf32> to vector<16xf32>
    %swap3A_1916 = arith.constant 8 : i32
    %swap3A_1917 = arith.index_cast %swap3A_1916 : i32 to index
    %swap3A_1918 = arith.constant 64 : index
    %swap3A_1919 = tpu.vector_load %arg7[%swap3A_1917, %swap3A_1918] {strides = array<i32>} : memref<32x128xf32, #tpu.memory_space<vmem>>, vector<1x16xf32>,
    %swap3A_1920 = vector.shape_cast %swap3A_1919 : vector<1x16xf32> to vector<16xf32>
    %swap3A_1921 = vector.shape_cast %get3A_1915 : vector<16xf32> to vector<1x16xf32>
    tpu.vector_store %arg7[%swap3A_1917, %swap3A_1918], %swap3A_1921 {strides = array<i32>} : memref<32x128xf32, #tpu.memory_space<vmem>>, vector<1x16xf32>,
    %get3A_1922 = arith.constant 8 : i32
    %get3A_1923 = arith.constant 0 : i32
    %get3A_1924 = arith.index_cast %get3A_1922 : i32 to index
    %get3A_1925 = arith.index_cast %get3A_1923 : i32 to index
    %get3A_1926 = arith.constant 80 : index
    %get3A_1927 = tpu.vector_load %arg6[%get3A_1924, %get3A_1925, %get3A_1926] {strides = array<i32>} : memref<32x8x128xf32, #tpu.memory_space<vmem>>, vector<1x1x16xf32>,
    %get3A_1928 = vector.shape_cast %get3A_1927 : vector<1x1x16xf32> to vector<16xf32>
    %swap3A_1929 = arith.constant 8 : i32
    %swap3A_1930 = arith.index_cast %swap3A_1929 : i32 to index
    %swap3A_1931 = arith.constant 80 : index
    %swap3A_1932 = tpu.vector_load %arg7[%swap3A_1930, %swap3A_1931] {strides = array<i32>} : memref<32x128xf32, #tpu.memory_space<vmem>>, vector<1x16xf32>,
    %swap3A_1933 = vector.shape_cast %swap3A_1932 : vector<1x16xf32> to vector<16xf32>
    %swap3A_1934 = vector.shape_cast %get3A_1928 : vector<16xf32> to vector<1x16xf32>
    tpu.vector_store %arg7[%swap3A_1930, %swap3A_1931], %swap3A_1934 {strides = array<i32>} : memref<32x128xf32, #tpu.memory_space<vmem>>, vector<1x16xf32>,
    %get3A_1935 = arith.constant 8 : i32
    %get3A_1936 = arith.constant 0 : i32
    %get3A_1937 = arith.index_cast %get3A_1935 : i32 to index
    %get3A_1938 = arith.index_cast %get3A_1936 : i32 to index
    %get3A_1939 = arith.constant 96 : index
    %get3A_1940 = tpu.vector_load %arg6[%get3A_1937, %get3A_1938, %get3A_1939] {strides = array<i32>} : memref<32x8x128xf32, #tpu.memory_space<vmem>>, vector<1x1x16xf32>,
    %get3A_1941 = vector.shape_cast %get3A_1940 : vector<1x1x16xf32> to vector<16xf32>
    %swap3A_1942 = arith.constant 8 : i32
    %swap3A_1943 = arith.index_cast %swap3A_1942 : i32 to index
    %swap3A_1944 = arith.constant 96 : index
    %swap3A_1945 = tpu.vector_load %arg7[%swap3A_1943, %swap3A_1944] {strides = array<i32>} : memref<32x128xf32, #tpu.memory_space<vmem>>, vector<1x16xf32>,
    %swap3A_1946 = vector.shape_cast %swap3A_1945 : vector<1x16xf32> to vector<16xf32>
    %swap3A_1947 = vector.shape_cast %get3A_1941 : vector<16xf32> to vector<1x16xf32>
    tpu.vector_store %arg7[%swap3A_1943, %swap3A_1944], %swap3A_1947 {strides = array<i32>} : memref<32x128xf32, #tpu.memory_space<vmem>>, vector<1x16xf32>,
    %get3A_1948 = arith.constant 8 : i32
    %get3A_1949 = arith.constant 0 : i32
    %get3A_1950 = arith.index_cast %get3A_1948 : i32 to index
    %get3A_1951 = arith.index_cast %get3A_1949 : i32 to index
    %get3A_1952 = arith.constant 112 : index
    %get3A_1953 = tpu.vector_load %arg6[%get3A_1950, %get3A_1951, %get3A_1952] {strides = array<i32>} : memref<32x8x128xf32, #tpu.memory_space<vmem>>, vector<1x1x16xf32>,
    %get3A_1954 = vector.shape_cast %get3A_1953 : vector<1x1x16xf32> to vector<16xf32>
    %swap3A_1955 = arith.constant 8 : i32
    %swap3A_1956 = arith.index_cast %swap3A_1955 : i32 to index
    %swap3A_1957 = arith.constant 112 : index
    %swap3A_1958 = tpu.vector_load %arg7[%swap3A_1956, %swap3A_1957] {strides = array<i32>} : memref<32x128xf32, #tpu.memory_space<vmem>>, vector<1x16xf32>,
    %swap3A_1959 = vector.shape_cast %swap3A_1958 : vector<1x16xf32> to vector<16xf32>
    %swap3A_1960 = vector.shape_cast %get3A_1954 : vector<16xf32> to vector<1x16xf32>
    tpu.vector_store %arg7[%swap3A_1956, %swap3A_1957], %swap3A_1960 {strides = array<i32>} : memref<32x128xf32, #tpu.memory_space<vmem>>, vector<1x16xf32>,
    %get3A_1961 = arith.constant 9 : i32
    %get3A_1962 = arith.constant 1 : i32
    %get3A_1963 = arith.index_cast %get3A_1961 : i32 to index
    %get3A_1964 = arith.index_cast %get3A_1962 : i32 to index
    %get3A_1965 = arith.constant 0 : index
    %get3A_1966 = tpu.vector_load %arg6[%get3A_1963, %get3A_1964, %get3A_1965] {strides = array<i32>} : memref<32x8x128xf32, #tpu.memory_space<vmem>>, vector<1x1x16xf32>,
    %get3A_1967 = vector.shape_cast %get3A_1966 : vector<1x1x16xf32> to vector<16xf32>
    %swap3A_1968 = arith.constant 9 : i32
    %swap3A_1969 = arith.index_cast %swap3A_1968 : i32 to index
    %swap3A_1970 = arith.constant 0 : index
    %swap3A_1971 = tpu.vector_load %arg7[%swap3A_1969, %swap3A_1970] {strides = array<i32>} : memref<32x128xf32, #tpu.memory_space<vmem>>, vector<1x16xf32>,
    %swap3A_1972 = vector.shape_cast %swap3A_1971 : vector<1x16xf32> to vector<16xf32>
    %swap3A_1973 = vector.shape_cast %get3A_1967 : vector<16xf32> to vector<1x16xf32>
    tpu.vector_store %arg7[%swap3A_1969, %swap3A_1970], %swap3A_1973 {strides = array<i32>} : memref<32x128xf32, #tpu.memory_space<vmem>>, vector<1x16xf32>,
    %get3A_1974 = arith.constant 9 : i32
    %get3A_1975 = arith.constant 1 : i32
    %get3A_1976 = arith.index_cast %get3A_1974 : i32 to index
    %get3A_1977 = arith.index_cast %get3A_1975 : i32 to index
    %get3A_1978 = arith.constant 16 : index
    %get3A_1979 = tpu.vector_load %arg6[%get3A_1976, %get3A_1977, %get3A_1978] {strides = array<i32>} : memref<32x8x128xf32, #tpu.memory_space<vmem>>, vector<1x1x16xf32>,
    %get3A_1980 = vector.shape_cast %get3A_1979 : vector<1x1x16xf32> to vector<16xf32>
    %swap3A_1981 = arith.constant 9 : i32
    %swap3A_1982 = arith.index_cast %swap3A_1981 : i32 to index
    %swap3A_1983 = arith.constant 16 : index
    %swap3A_1984 = tpu.vector_load %arg7[%swap3A_1982, %swap3A_1983] {strides = array<i32>} : memref<32x128xf32, #tpu.memory_space<vmem>>, vector<1x16xf32>,
    %swap3A_1985 = vector.shape_cast %swap3A_1984 : vector<1x16xf32> to vector<16xf32>
    %swap3A_1986 = vector.shape_cast %get3A_1980 : vector<16xf32> to vector<1x16xf32>
    tpu.vector_store %arg7[%swap3A_1982, %swap3A_1983], %swap3A_1986 {strides = array<i32>} : memref<32x128xf32, #tpu.memory_space<vmem>>, vector<1x16xf32>,
    %get3A_1987 = arith.constant 9 : i32
    %get3A_1988 = arith.constant 1 : i32
    %get3A_1989 = arith.index_cast %get3A_1987 : i32 to index
    %get3A_1990 = arith.index_cast %get3A_1988 : i32 to index
    %get3A_1991 = arith.constant 32 : index
    %get3A_1992 = tpu.vector_load %arg6[%get3A_1989, %get3A_1990, %get3A_1991] {strides = array<i32>} : memref<32x8x128xf32, #tpu.memory_space<vmem>>, vector<1x1x16xf32>,
    %get3A_1993 = vector.shape_cast %get3A_1992 : vector<1x1x16xf32> to vector<16xf32>
    %swap3A_1994 = arith.constant 9 : i32
    %swap3A_1995 = arith.index_cast %swap3A_1994 : i32 to index
    %swap3A_1996 = arith.constant 32 : index
    %swap3A_1997 = tpu.vector_load %arg7[%swap3A_1995, %swap3A_1996] {strides = array<i32>} : memref<32x128xf32, #tpu.memory_space<vmem>>, vector<1x16xf32>,
    %swap3A_1998 = vector.shape_cast %swap3A_1997 : vector<1x16xf32> to vector<16xf32>
    %swap3A_1999 = vector.shape_cast %get3A_1993 : vector<16xf32> to vector<1x16xf32>
    tpu.vector_store %arg7[%swap3A_1995, %swap3A_1996], %swap3A_1999 {strides = array<i32>} : memref<32x128xf32, #tpu.memory_space<vmem>>, vector<1x16xf32>,
    %get3A_2000 = arith.constant 9 : i32
    %get3A_2001 = arith.constant 1 : i32
    %get3A_2002 = arith.index_cast %get3A_2000 : i32 to index
    %get3A_2003 = arith.index_cast %get3A_2001 : i32 to index
    %get3A_2004 = arith.constant 48 : index
    %get3A_2005 = tpu.vector_load %arg6[%get3A_2002, %get3A_2003, %get3A_2004] {strides = array<i32>} : memref<32x8x128xf32, #tpu.memory_space<vmem>>, vector<1x1x16xf32>,
    %get3A_2006 = vector.shape_cast %get3A_2005 : vector<1x1x16xf32> to vector<16xf32>
    %swap3A_2007 = arith.constant 9 : i32
    %swap3A_2008 = arith.index_cast %swap3A_2007 : i32 to index
    %swap3A_2009 = arith.constant 48 : index
    %swap3A_2010 = tpu.vector_load %arg7[%swap3A_2008, %swap3A_2009] {strides = array<i32>} : memref<32x128xf32, #tpu.memory_space<vmem>>, vector<1x16xf32>,
    %swap3A_2011 = vector.shape_cast %swap3A_2010 : vector<1x16xf32> to vector<16xf32>
    %swap3A_2012 = vector.shape_cast %get3A_2006 : vector<16xf32> to vector<1x16xf32>
    tpu.vector_store %arg7[%swap3A_2008, %swap3A_2009], %swap3A_2012 {strides = array<i32>} : memref<32x128xf32, #tpu.memory_space<vmem>>, vector<1x16xf32>,
    %get3A_2013 = arith.constant 9 : i32
    %get3A_2014 = arith.constant 1 : i32
    %get3A_2015 = arith.index_cast %get3A_2013 : i32 to index
    %get3A_2016 = arith.index_cast %get3A_2014 : i32 to index
    %get3A_2017 = arith.constant 64 : index
    %get3A_2018 = tpu.vector_load %arg6[%get3A_2015, %get3A_2016, %get3A_2017] {strides = array<i32>} : memref<32x8x128xf32, #tpu.memory_space<vmem>>, vector<1x1x16xf32>,
    %get3A_2019 = vector.shape_cast %get3A_2018 : vector<1x1x16xf32> to vector<16xf32>
    %swap3A_2020 = arith.constant 9 : i32
    %swap3A_2021 = arith.index_cast %swap3A_2020 : i32 to index
    %swap3A_2022 = arith.constant 64 : index
    %swap3A_2023 = tpu.vector_load %arg7[%swap3A_2021, %swap3A_2022] {strides = array<i32>} : memref<32x128xf32, #tpu.memory_space<vmem>>, vector<1x16xf32>,
    %swap3A_2024 = vector.shape_cast %swap3A_2023 : vector<1x16xf32> to vector<16xf32>
    %swap3A_2025 = vector.shape_cast %get3A_2019 : vector<16xf32> to vector<1x16xf32>
    tpu.vector_store %arg7[%swap3A_2021, %swap3A_2022], %swap3A_2025 {strides = array<i32>} : memref<32x128xf32, #tpu.memory_space<vmem>>, vector<1x16xf32>,
    %get3A_2026 = arith.constant 9 : i32
    %get3A_2027 = arith.constant 1 : i32
    %get3A_2028 = arith.index_cast %get3A_2026 : i32 to index
    %get3A_2029 = arith.index_cast %get3A_2027 : i32 to index
    %get3A_2030 = arith.constant 80 : index
    %get3A_2031 = tpu.vector_load %arg6[%get3A_2028, %get3A_2029, %get3A_2030] {strides = array<i32>} : memref<32x8x128xf32, #tpu.memory_space<vmem>>, vector<1x1x16xf32>,
    %get3A_2032 = vector.shape_cast %get3A_2031 : vector<1x1x16xf32> to vector<16xf32>
    %swap3A_2033 = arith.constant 9 : i32
    %swap3A_2034 = arith.index_cast %swap3A_2033 : i32 to index
    %swap3A_2035 = arith.constant 80 : index
    %swap3A_2036 = tpu.vector_load %arg7[%swap3A_2034, %swap3A_2035] {strides = array<i32>} : memref<32x128xf32, #tpu.memory_space<vmem>>, vector<1x16xf32>,
    %swap3A_2037 = vector.shape_cast %swap3A_2036 : vector<1x16xf32> to vector<16xf32>
    %swap3A_2038 = vector.shape_cast %get3A_2032 : vector<16xf32> to vector<1x16xf32>
    tpu.vector_store %arg7[%swap3A_2034, %swap3A_2035], %swap3A_2038 {strides = array<i32>} : memref<32x128xf32, #tpu.memory_space<vmem>>, vector<1x16xf32>,
    %get3A_2039 = arith.constant 9 : i32
    %get3A_2040 = arith.constant 1 : i32
    %get3A_2041 = arith.index_cast %get3A_2039 : i32 to index
    %get3A_2042 = arith.index_cast %get3A_2040 : i32 to index
    %get3A_2043 = arith.constant 96 : index
    %get3A_2044 = tpu.vector_load %arg6[%get3A_2041, %get3A_2042, %get3A_2043] {strides = array<i32>} : memref<32x8x128xf32, #tpu.memory_space<vmem>>, vector<1x1x16xf32>,
    %get3A_2045 = vector.shape_cast %get3A_2044 : vector<1x1x16xf32> to vector<16xf32>
    %swap3A_2046 = arith.constant 9 : i32
    %swap3A_2047 = arith.index_cast %swap3A_2046 : i32 to index
    %swap3A_2048 = arith.constant 96 : index
    %swap3A_2049 = tpu.vector_load %arg7[%swap3A_2047, %swap3A_2048] {strides = array<i32>} : memref<32x128xf32, #tpu.memory_space<vmem>>, vector<1x16xf32>,
    %swap3A_2050 = vector.shape_cast %swap3A_2049 : vector<1x16xf32> to vector<16xf32>
    %swap3A_2051 = vector.shape_cast %get3A_2045 : vector<16xf32> to vector<1x16xf32>
    tpu.vector_store %arg7[%swap3A_2047, %swap3A_2048], %swap3A_2051 {strides = array<i32>} : memref<32x128xf32, #tpu.memory_space<vmem>>, vector<1x16xf32>,
    %get3A_2052 = arith.constant 9 : i32
    %get3A_2053 = arith.constant 1 : i32
    %get3A_2054 = arith.index_cast %get3A_2052 : i32 to index
    %get3A_2055 = arith.index_cast %get3A_2053 : i32 to index
    %get3A_2056 = arith.constant 112 : index
    %get3A_2057 = tpu.vector_load %arg6[%get3A_2054, %get3A_2055, %get3A_2056] {strides = array<i32>} : memref<32x8x128xf32, #tpu.memory_space<vmem>>, vector<1x1x16xf32>,
    %get3A_2058 = vector.shape_cast %get3A_2057 : vector<1x1x16xf32> to vector<16xf32>
    %swap3A_2059 = arith.constant 9 : i32
    %swap3A_2060 = arith.index_cast %swap3A_2059 : i32 to index
    %swap3A_2061 = arith.constant 112 : index
    %swap3A_2062 = tpu.vector_load %arg7[%swap3A_2060, %swap3A_2061] {strides = array<i32>} : memref<32x128xf32, #tpu.memory_space<vmem>>, vector<1x16xf32>,
    %swap3A_2063 = vector.shape_cast %swap3A_2062 : vector<1x16xf32> to vector<16xf32>
    %swap3A_2064 = vector.shape_cast %get3A_2058 : vector<16xf32> to vector<1x16xf32>
    tpu.vector_store %arg7[%swap3A_2060, %swap3A_2061], %swap3A_2064 {strides = array<i32>} : memref<32x128xf32, #tpu.memory_space<vmem>>, vector<1x16xf32>,
    %get3A_2065 = arith.constant 10 : i32
    %get3A_2066 = arith.constant 2 : i32
    %get3A_2067 = arith.index_cast %get3A_2065 : i32 to index
    %get3A_2068 = arith.index_cast %get3A_2066 : i32 to index
    %get3A_2069 = arith.constant 0 : index
    %get3A_2070 = tpu.vector_load %arg6[%get3A_2067, %get3A_2068, %get3A_2069] {strides = array<i32>} : memref<32x8x128xf32, #tpu.memory_space<vmem>>, vector<1x1x16xf32>,
    %get3A_2071 = vector.shape_cast %get3A_2070 : vector<1x1x16xf32> to vector<16xf32>
    %swap3A_2072 = arith.constant 10 : i32
    %swap3A_2073 = arith.index_cast %swap3A_2072 : i32 to index
    %swap3A_2074 = arith.constant 0 : index
    %swap3A_2075 = tpu.vector_load %arg7[%swap3A_2073, %swap3A_2074] {strides = array<i32>} : memref<32x128xf32, #tpu.memory_space<vmem>>, vector<1x16xf32>,
    %swap3A_2076 = vector.shape_cast %swap3A_2075 : vector<1x16xf32> to vector<16xf32>
    %swap3A_2077 = vector.shape_cast %get3A_2071 : vector<16xf32> to vector<1x16xf32>
    tpu.vector_store %arg7[%swap3A_2073, %swap3A_2074], %swap3A_2077 {strides = array<i32>} : memref<32x128xf32, #tpu.memory_space<vmem>>, vector<1x16xf32>,
    %get3A_2078 = arith.constant 10 : i32
    %get3A_2079 = arith.constant 2 : i32
    %get3A_2080 = arith.index_cast %get3A_2078 : i32 to index
    %get3A_2081 = arith.index_cast %get3A_2079 : i32 to index
    %get3A_2082 = arith.constant 16 : index
    %get3A_2083 = tpu.vector_load %arg6[%get3A_2080, %get3A_2081, %get3A_2082] {strides = array<i32>} : memref<32x8x128xf32, #tpu.memory_space<vmem>>, vector<1x1x16xf32>,
    %get3A_2084 = vector.shape_cast %get3A_2083 : vector<1x1x16xf32> to vector<16xf32>
    %swap3A_2085 = arith.constant 10 : i32
    %swap3A_2086 = arith.index_cast %swap3A_2085 : i32 to index
    %swap3A_2087 = arith.constant 16 : index
    %swap3A_2088 = tpu.vector_load %arg7[%swap3A_2086, %swap3A_2087] {strides = array<i32>} : memref<32x128xf32, #tpu.memory_space<vmem>>, vector<1x16xf32>,
    %swap3A_2089 = vector.shape_cast %swap3A_2088 : vector<1x16xf32> to vector<16xf32>
    %swap3A_2090 = vector.shape_cast %get3A_2084 : vector<16xf32> to vector<1x16xf32>
    tpu.vector_store %arg7[%swap3A_2086, %swap3A_2087], %swap3A_2090 {strides = array<i32>} : memref<32x128xf32, #tpu.memory_space<vmem>>, vector<1x16xf32>,
    %get3A_2091 = arith.constant 10 : i32
    %get3A_2092 = arith.constant 2 : i32
    %get3A_2093 = arith.index_cast %get3A_2091 : i32 to index
    %get3A_2094 = arith.index_cast %get3A_2092 : i32 to index
    %get3A_2095 = arith.constant 32 : index
    %get3A_2096 = tpu.vector_load %arg6[%get3A_2093, %get3A_2094, %get3A_2095] {strides = array<i32>} : memref<32x8x128xf32, #tpu.memory_space<vmem>>, vector<1x1x16xf32>,
    %get3A_2097 = vector.shape_cast %get3A_2096 : vector<1x1x16xf32> to vector<16xf32>
    %swap3A_2098 = arith.constant 10 : i32
    %swap3A_2099 = arith.index_cast %swap3A_2098 : i32 to index
    %swap3A_2100 = arith.constant 32 : index
    %swap3A_2101 = tpu.vector_load %arg7[%swap3A_2099, %swap3A_2100] {strides = array<i32>} : memref<32x128xf32, #tpu.memory_space<vmem>>, vector<1x16xf32>,
    %swap3A_2102 = vector.shape_cast %swap3A_2101 : vector<1x16xf32> to vector<16xf32>
    %swap3A_2103 = vector.shape_cast %get3A_2097 : vector<16xf32> to vector<1x16xf32>
    tpu.vector_store %arg7[%swap3A_2099, %swap3A_2100], %swap3A_2103 {strides = array<i32>} : memref<32x128xf32, #tpu.memory_space<vmem>>, vector<1x16xf32>,
    %get3A_2104 = arith.constant 10 : i32
    %get3A_2105 = arith.constant 2 : i32
    %get3A_2106 = arith.index_cast %get3A_2104 : i32 to index
    %get3A_2107 = arith.index_cast %get3A_2105 : i32 to index
    %get3A_2108 = arith.constant 48 : index
    %get3A_2109 = tpu.vector_load %arg6[%get3A_2106, %get3A_2107, %get3A_2108] {strides = array<i32>} : memref<32x8x128xf32, #tpu.memory_space<vmem>>, vector<1x1x16xf32>,
    %get3A_2110 = vector.shape_cast %get3A_2109 : vector<1x1x16xf32> to vector<16xf32>
    %swap3A_2111 = arith.constant 10 : i32
    %swap3A_2112 = arith.index_cast %swap3A_2111 : i32 to index
    %swap3A_2113 = arith.constant 48 : index
    %swap3A_2114 = tpu.vector_load %arg7[%swap3A_2112, %swap3A_2113] {strides = array<i32>} : memref<32x128xf32, #tpu.memory_space<vmem>>, vector<1x16xf32>,
    %swap3A_2115 = vector.shape_cast %swap3A_2114 : vector<1x16xf32> to vector<16xf32>
    %swap3A_2116 = vector.shape_cast %get3A_2110 : vector<16xf32> to vector<1x16xf32>
    tpu.vector_store %arg7[%swap3A_2112, %swap3A_2113], %swap3A_2116 {strides = array<i32>} : memref<32x128xf32, #tpu.memory_space<vmem>>, vector<1x16xf32>,
    %get3A_2117 = arith.constant 10 : i32
    %get3A_2118 = arith.constant 2 : i32
    %get3A_2119 = arith.index_cast %get3A_2117 : i32 to index
    %get3A_2120 = arith.index_cast %get3A_2118 : i32 to index
    %get3A_2121 = arith.constant 64 : index
    %get3A_2122 = tpu.vector_load %arg6[%get3A_2119, %get3A_2120, %get3A_2121] {strides = array<i32>} : memref<32x8x128xf32, #tpu.memory_space<vmem>>, vector<1x1x16xf32>,
    %get3A_2123 = vector.shape_cast %get3A_2122 : vector<1x1x16xf32> to vector<16xf32>
    %swap3A_2124 = arith.constant 10 : i32
    %swap3A_2125 = arith.index_cast %swap3A_2124 : i32 to index
    %swap3A_2126 = arith.constant 64 : index
    %swap3A_2127 = tpu.vector_load %arg7[%swap3A_2125, %swap3A_2126] {strides = array<i32>} : memref<32x128xf32, #tpu.memory_space<vmem>>, vector<1x16xf32>,
    %swap3A_2128 = vector.shape_cast %swap3A_2127 : vector<1x16xf32> to vector<16xf32>
    %swap3A_2129 = vector.shape_cast %get3A_2123 : vector<16xf32> to vector<1x16xf32>
    tpu.vector_store %arg7[%swap3A_2125, %swap3A_2126], %swap3A_2129 {strides = array<i32>} : memref<32x128xf32, #tpu.memory_space<vmem>>, vector<1x16xf32>,
    %get3A_2130 = arith.constant 10 : i32
    %get3A_2131 = arith.constant 2 : i32
    %get3A_2132 = arith.index_cast %get3A_2130 : i32 to index
    %get3A_2133 = arith.index_cast %get3A_2131 : i32 to index
    %get3A_2134 = arith.constant 80 : index
    %get3A_2135 = tpu.vector_load %arg6[%get3A_2132, %get3A_2133, %get3A_2134] {strides = array<i32>} : memref<32x8x128xf32, #tpu.memory_space<vmem>>, vector<1x1x16xf32>,
    %get3A_2136 = vector.shape_cast %get3A_2135 : vector<1x1x16xf32> to vector<16xf32>
    %swap3A_2137 = arith.constant 10 : i32
    %swap3A_2138 = arith.index_cast %swap3A_2137 : i32 to index
    %swap3A_2139 = arith.constant 80 : index
    %swap3A_2140 = tpu.vector_load %arg7[%swap3A_2138, %swap3A_2139] {strides = array<i32>} : memref<32x128xf32, #tpu.memory_space<vmem>>, vector<1x16xf32>,
    %swap3A_2141 = vector.shape_cast %swap3A_2140 : vector<1x16xf32> to vector<16xf32>
    %swap3A_2142 = vector.shape_cast %get3A_2136 : vector<16xf32> to vector<1x16xf32>
    tpu.vector_store %arg7[%swap3A_2138, %swap3A_2139], %swap3A_2142 {strides = array<i32>} : memref<32x128xf32, #tpu.memory_space<vmem>>, vector<1x16xf32>,
    %get3A_2143 = arith.constant 10 : i32
    %get3A_2144 = arith.constant 2 : i32
    %get3A_2145 = arith.index_cast %get3A_2143 : i32 to index
    %get3A_2146 = arith.index_cast %get3A_2144 : i32 to index
    %get3A_2147 = arith.constant 96 : index
    %get3A_2148 = tpu.vector_load %arg6[%get3A_2145, %get3A_2146, %get3A_2147] {strides = array<i32>} : memref<32x8x128xf32, #tpu.memory_space<vmem>>, vector<1x1x16xf32>,
    %get3A_2149 = vector.shape_cast %get3A_2148 : vector<1x1x16xf32> to vector<16xf32>
    %swap3A_2150 = arith.constant 10 : i32
    %swap3A_2151 = arith.index_cast %swap3A_2150 : i32 to index
    %swap3A_2152 = arith.constant 96 : index
    %swap3A_2153 = tpu.vector_load %arg7[%swap3A_2151, %swap3A_2152] {strides = array<i32>} : memref<32x128xf32, #tpu.memory_space<vmem>>, vector<1x16xf32>,
    %swap3A_2154 = vector.shape_cast %swap3A_2153 : vector<1x16xf32> to vector<16xf32>
    %swap3A_2155 = vector.shape_cast %get3A_2149 : vector<16xf32> to vector<1x16xf32>
    tpu.vector_store %arg7[%swap3A_2151, %swap3A_2152], %swap3A_2155 {strides = array<i32>} : memref<32x128xf32, #tpu.memory_space<vmem>>, vector<1x16xf32>,
    %get3A_2156 = arith.constant 10 : i32
    %get3A_2157 = arith.constant 2 : i32
    %get3A_2158 = arith.index_cast %get3A_2156 : i32 to index
    %get3A_2159 = arith.index_cast %get3A_2157 : i32 to index
    %get3A_2160 = arith.constant 112 : index
    %get3A_2161 = tpu.vector_load %arg6[%get3A_2158, %get3A_2159, %get3A_2160] {strides = array<i32>} : memref<32x8x128xf32, #tpu.memory_space<vmem>>, vector<1x1x16xf32>,
    %get3A_2162 = vector.shape_cast %get3A_2161 : vector<1x1x16xf32> to vector<16xf32>
    %swap3A_2163 = arith.constant 10 : i32
    %swap3A_2164 = arith.index_cast %swap3A_2163 : i32 to index
    %swap3A_2165 = arith.constant 112 : index
    %swap3A_2166 = tpu.vector_load %arg7[%swap3A_2164, %swap3A_2165] {strides = array<i32>} : memref<32x128xf32, #tpu.memory_space<vmem>>, vector<1x16xf32>,
    %swap3A_2167 = vector.shape_cast %swap3A_2166 : vector<1x16xf32> to vector<16xf32>
    %swap3A_2168 = vector.shape_cast %get3A_2162 : vector<16xf32> to vector<1x16xf32>
    tpu.vector_store %arg7[%swap3A_2164, %swap3A_2165], %swap3A_2168 {strides = array<i32>} : memref<32x128xf32, #tpu.memory_space<vmem>>, vector<1x16xf32>,
    %get3A_2169 = arith.constant 11 : i32
    %get3A_2170 = arith.constant 3 : i32
    %get3A_2171 = arith.index_cast %get3A_2169 : i32 to index
    %get3A_2172 = arith.index_cast %get3A_2170 : i32 to index
    %get3A_2173 = arith.constant 0 : index
    %get3A_2174 = tpu.vector_load %arg6[%get3A_2171, %get3A_2172, %get3A_2173] {strides = array<i32>} : memref<32x8x128xf32, #tpu.memory_space<vmem>>, vector<1x1x16xf32>,
    %get3A_2175 = vector.shape_cast %get3A_2174 : vector<1x1x16xf32> to vector<16xf32>
    %swap3A_2176 = arith.constant 11 : i32
    %swap3A_2177 = arith.index_cast %swap3A_2176 : i32 to index
    %swap3A_2178 = arith.constant 0 : index
    %swap3A_2179 = tpu.vector_load %arg7[%swap3A_2177, %swap3A_2178] {strides = array<i32>} : memref<32x128xf32, #tpu.memory_space<vmem>>, vector<1x16xf32>,
    %swap3A_2180 = vector.shape_cast %swap3A_2179 : vector<1x16xf32> to vector<16xf32>
    %swap3A_2181 = vector.shape_cast %get3A_2175 : vector<16xf32> to vector<1x16xf32>
    tpu.vector_store %arg7[%swap3A_2177, %swap3A_2178], %swap3A_2181 {strides = array<i32>} : memref<32x128xf32, #tpu.memory_space<vmem>>, vector<1x16xf32>,
    %get3A_2182 = arith.constant 11 : i32
    %get3A_2183 = arith.constant 3 : i32
    %get3A_2184 = arith.index_cast %get3A_2182 : i32 to index
    %get3A_2185 = arith.index_cast %get3A_2183 : i32 to index
    %get3A_2186 = arith.constant 16 : index
    %get3A_2187 = tpu.vector_load %arg6[%get3A_2184, %get3A_2185, %get3A_2186] {strides = array<i32>} : memref<32x8x128xf32, #tpu.memory_space<vmem>>, vector<1x1x16xf32>,
    %get3A_2188 = vector.shape_cast %get3A_2187 : vector<1x1x16xf32> to vector<16xf32>
    %swap3A_2189 = arith.constant 11 : i32
    %swap3A_2190 = arith.index_cast %swap3A_2189 : i32 to index
    %swap3A_2191 = arith.constant 16 : index
    %swap3A_2192 = tpu.vector_load %arg7[%swap3A_2190, %swap3A_2191] {strides = array<i32>} : memref<32x128xf32, #tpu.memory_space<vmem>>, vector<1x16xf32>,
    %swap3A_2193 = vector.shape_cast %swap3A_2192 : vector<1x16xf32> to vector<16xf32>
    %swap3A_2194 = vector.shape_cast %get3A_2188 : vector<16xf32> to vector<1x16xf32>
    tpu.vector_store %arg7[%swap3A_2190, %swap3A_2191], %swap3A_2194 {strides = array<i32>} : memref<32x128xf32, #tpu.memory_space<vmem>>, vector<1x16xf32>,
    %get3A_2195 = arith.constant 11 : i32
    %get3A_2196 = arith.constant 3 : i32
    %get3A_2197 = arith.index_cast %get3A_2195 : i32 to index
    %get3A_2198 = arith.index_cast %get3A_2196 : i32 to index
    %get3A_2199 = arith.constant 32 : index
    %get3A_2200 = tpu.vector_load %arg6[%get3A_2197, %get3A_2198, %get3A_2199] {strides = array<i32>} : memref<32x8x128xf32, #tpu.memory_space<vmem>>, vector<1x1x16xf32>,
    %get3A_2201 = vector.shape_cast %get3A_2200 : vector<1x1x16xf32> to vector<16xf32>
    %swap3A_2202 = arith.constant 11 : i32
    %swap3A_2203 = arith.index_cast %swap3A_2202 : i32 to index
    %swap3A_2204 = arith.constant 32 : index
    %swap3A_2205 = tpu.vector_load %arg7[%swap3A_2203, %swap3A_2204] {strides = array<i32>} : memref<32x128xf32, #tpu.memory_space<vmem>>, vector<1x16xf32>,
    %swap3A_2206 = vector.shape_cast %swap3A_2205 : vector<1x16xf32> to vector<16xf32>
    %swap3A_2207 = vector.shape_cast %get3A_2201 : vector<16xf32> to vector<1x16xf32>
    tpu.vector_store %arg7[%swap3A_2203, %swap3A_2204], %swap3A_2207 {strides = array<i32>} : memref<32x128xf32, #tpu.memory_space<vmem>>, vector<1x16xf32>,
    %get3A_2208 = arith.constant 11 : i32
    %get3A_2209 = arith.constant 3 : i32
    %get3A_2210 = arith.index_cast %get3A_2208 : i32 to index
    %get3A_2211 = arith.index_cast %get3A_2209 : i32 to index
    %get3A_2212 = arith.constant 48 : index
    %get3A_2213 = tpu.vector_load %arg6[%get3A_2210, %get3A_2211, %get3A_2212] {strides = array<i32>} : memref<32x8x128xf32, #tpu.memory_space<vmem>>, vector<1x1x16xf32>,
    %get3A_2214 = vector.shape_cast %get3A_2213 : vector<1x1x16xf32> to vector<16xf32>
    %swap3A_2215 = arith.constant 11 : i32
    %swap3A_2216 = arith.index_cast %swap3A_2215 : i32 to index
    %swap3A_2217 = arith.constant 48 : index
    %swap3A_2218 = tpu.vector_load %arg7[%swap3A_2216, %swap3A_2217] {strides = array<i32>} : memref<32x128xf32, #tpu.memory_space<vmem>>, vector<1x16xf32>,
    %swap3A_2219 = vector.shape_cast %swap3A_2218 : vector<1x16xf32> to vector<16xf32>
    %swap3A_2220 = vector.shape_cast %get3A_2214 : vector<16xf32> to vector<1x16xf32>
    tpu.vector_store %arg7[%swap3A_2216, %swap3A_2217], %swap3A_2220 {strides = array<i32>} : memref<32x128xf32, #tpu.memory_space<vmem>>, vector<1x16xf32>,
    %get3A_2221 = arith.constant 11 : i32
    %get3A_2222 = arith.constant 3 : i32
    %get3A_2223 = arith.index_cast %get3A_2221 : i32 to index
    %get3A_2224 = arith.index_cast %get3A_2222 : i32 to index
    %get3A_2225 = arith.constant 64 : index
    %get3A_2226 = tpu.vector_load %arg6[%get3A_2223, %get3A_2224, %get3A_2225] {strides = array<i32>} : memref<32x8x128xf32, #tpu.memory_space<vmem>>, vector<1x1x16xf32>,
    %get3A_2227 = vector.shape_cast %get3A_2226 : vector<1x1x16xf32> to vector<16xf32>
    %swap3A_2228 = arith.constant 11 : i32
    %swap3A_2229 = arith.index_cast %swap3A_2228 : i32 to index
    %swap3A_2230 = arith.constant 64 : index
    %swap3A_2231 = tpu.vector_load %arg7[%swap3A_2229, %swap3A_2230] {strides = array<i32>} : memref<32x128xf32, #tpu.memory_space<vmem>>, vector<1x16xf32>,
    %swap3A_2232 = vector.shape_cast %swap3A_2231 : vector<1x16xf32> to vector<16xf32>
    %swap3A_2233 = vector.shape_cast %get3A_2227 : vector<16xf32> to vector<1x16xf32>
    tpu.vector_store %arg7[%swap3A_2229, %swap3A_2230], %swap3A_2233 {strides = array<i32>} : memref<32x128xf32, #tpu.memory_space<vmem>>, vector<1x16xf32>,
    %get3A_2234 = arith.constant 11 : i32
    %get3A_2235 = arith.constant 3 : i32
    %get3A_2236 = arith.index_cast %get3A_2234 : i32 to index
    %get3A_2237 = arith.index_cast %get3A_2235 : i32 to index
    %get3A_2238 = arith.constant 80 : index
    %get3A_2239 = tpu.vector_load %arg6[%get3A_2236, %get3A_2237, %get3A_2238] {strides = array<i32>} : memref<32x8x128xf32, #tpu.memory_space<vmem>>, vector<1x1x16xf32>,
    %get3A_2240 = vector.shape_cast %get3A_2239 : vector<1x1x16xf32> to vector<16xf32>
    %swap3A_2241 = arith.constant 11 : i32
    %swap3A_2242 = arith.index_cast %swap3A_2241 : i32 to index
    %swap3A_2243 = arith.constant 80 : index
    %swap3A_2244 = tpu.vector_load %arg7[%swap3A_2242, %swap3A_2243] {strides = array<i32>} : memref<32x128xf32, #tpu.memory_space<vmem>>, vector<1x16xf32>,
    %swap3A_2245 = vector.shape_cast %swap3A_2244 : vector<1x16xf32> to vector<16xf32>
    %swap3A_2246 = vector.shape_cast %get3A_2240 : vector<16xf32> to vector<1x16xf32>
    tpu.vector_store %arg7[%swap3A_2242, %swap3A_2243], %swap3A_2246 {strides = array<i32>} : memref<32x128xf32, #tpu.memory_space<vmem>>, vector<1x16xf32>,
    %get3A_2247 = arith.constant 11 : i32
    %get3A_2248 = arith.constant 3 : i32
    %get3A_2249 = arith.index_cast %get3A_2247 : i32 to index
    %get3A_2250 = arith.index_cast %get3A_2248 : i32 to index
    %get3A_2251 = arith.constant 96 : index
    %get3A_2252 = tpu.vector_load %arg6[%get3A_2249, %get3A_2250, %get3A_2251] {strides = array<i32>} : memref<32x8x128xf32, #tpu.memory_space<vmem>>, vector<1x1x16xf32>,
    %get3A_2253 = vector.shape_cast %get3A_2252 : vector<1x1x16xf32> to vector<16xf32>
    %swap3A_2254 = arith.constant 11 : i32
    %swap3A_2255 = arith.index_cast %swap3A_2254 : i32 to index
    %swap3A_2256 = arith.constant 96 : index
    %swap3A_2257 = tpu.vector_load %arg7[%swap3A_2255, %swap3A_2256] {strides = array<i32>} : memref<32x128xf32, #tpu.memory_space<vmem>>, vector<1x16xf32>,
    %swap3A_2258 = vector.shape_cast %swap3A_2257 : vector<1x16xf32> to vector<16xf32>
    %swap3A_2259 = vector.shape_cast %get3A_2253 : vector<16xf32> to vector<1x16xf32>
    tpu.vector_store %arg7[%swap3A_2255, %swap3A_2256], %swap3A_2259 {strides = array<i32>} : memref<32x128xf32, #tpu.memory_space<vmem>>, vector<1x16xf32>,
    %get3A_2260 = arith.constant 11 : i32
    %get3A_2261 = arith.constant 3 : i32
    %get3A_2262 = arith.index_cast %get3A_2260 : i32 to index
    %get3A_2263 = arith.index_cast %get3A_2261 : i32 to index
    %get3A_2264 = arith.constant 112 : index
    %get3A_2265 = tpu.vector_load %arg6[%get3A_2262, %get3A_2263, %get3A_2264] {strides = array<i32>} : memref<32x8x128xf32, #tpu.memory_space<vmem>>, vector<1x1x16xf32>,
    %get3A_2266 = vector.shape_cast %get3A_2265 : vector<1x1x16xf32> to vector<16xf32>
    %swap3A_2267 = arith.constant 11 : i32
    %swap3A_2268 = arith.index_cast %swap3A_2267 : i32 to index
    %swap3A_2269 = arith.constant 112 : index
    %swap3A_2270 = tpu.vector_load %arg7[%swap3A_2268, %swap3A_2269] {strides = array<i32>} : memref<32x128xf32, #tpu.memory_space<vmem>>, vector<1x16xf32>,
    %swap3A_2271 = vector.shape_cast %swap3A_2270 : vector<1x16xf32> to vector<16xf32>
    %swap3A_2272 = vector.shape_cast %get3A_2266 : vector<16xf32> to vector<1x16xf32>
    tpu.vector_store %arg7[%swap3A_2268, %swap3A_2269], %swap3A_2272 {strides = array<i32>} : memref<32x128xf32, #tpu.memory_space<vmem>>, vector<1x16xf32>,
    %get3A_2273 = arith.constant 12 : i32
    %get3A_2274 = arith.constant 4 : i32
    %get3A_2275 = arith.index_cast %get3A_2273 : i32 to index
    %get3A_2276 = arith.index_cast %get3A_2274 : i32 to index
    %get3A_2277 = arith.constant 0 : index
    %get3A_2278 = tpu.vector_load %arg6[%get3A_2275, %get3A_2276, %get3A_2277] {strides = array<i32>} : memref<32x8x128xf32, #tpu.memory_space<vmem>>, vector<1x1x16xf32>,
    %get3A_2279 = vector.shape_cast %get3A_2278 : vector<1x1x16xf32> to vector<16xf32>
    %swap3A_2280 = arith.constant 12 : i32
    %swap3A_2281 = arith.index_cast %swap3A_2280 : i32 to index
    %swap3A_2282 = arith.constant 0 : index
    %swap3A_2283 = tpu.vector_load %arg7[%swap3A_2281, %swap3A_2282] {strides = array<i32>} : memref<32x128xf32, #tpu.memory_space<vmem>>, vector<1x16xf32>,
    %swap3A_2284 = vector.shape_cast %swap3A_2283 : vector<1x16xf32> to vector<16xf32>
    %swap3A_2285 = vector.shape_cast %get3A_2279 : vector<16xf32> to vector<1x16xf32>
    tpu.vector_store %arg7[%swap3A_2281, %swap3A_2282], %swap3A_2285 {strides = array<i32>} : memref<32x128xf32, #tpu.memory_space<vmem>>, vector<1x16xf32>,
    %get3A_2286 = arith.constant 12 : i32
    %get3A_2287 = arith.constant 4 : i32
    %get3A_2288 = arith.index_cast %get3A_2286 : i32 to index
    %get3A_2289 = arith.index_cast %get3A_2287 : i32 to index
    %get3A_2290 = arith.constant 16 : index
    %get3A_2291 = tpu.vector_load %arg6[%get3A_2288, %get3A_2289, %get3A_2290] {strides = array<i32>} : memref<32x8x128xf32, #tpu.memory_space<vmem>>, vector<1x1x16xf32>,
    %get3A_2292 = vector.shape_cast %get3A_2291 : vector<1x1x16xf32> to vector<16xf32>
    %swap3A_2293 = arith.constant 12 : i32
    %swap3A_2294 = arith.index_cast %swap3A_2293 : i32 to index
    %swap3A_2295 = arith.constant 16 : index
    %swap3A_2296 = tpu.vector_load %arg7[%swap3A_2294, %swap3A_2295] {strides = array<i32>} : memref<32x128xf32, #tpu.memory_space<vmem>>, vector<1x16xf32>,
    %swap3A_2297 = vector.shape_cast %swap3A_2296 : vector<1x16xf32> to vector<16xf32>
    %swap3A_2298 = vector.shape_cast %get3A_2292 : vector<16xf32> to vector<1x16xf32>
    tpu.vector_store %arg7[%swap3A_2294, %swap3A_2295], %swap3A_2298 {strides = array<i32>} : memref<32x128xf32, #tpu.memory_space<vmem>>, vector<1x16xf32>,
    %get3A_2299 = arith.constant 12 : i32
    %get3A_2300 = arith.constant 4 : i32
    %get3A_2301 = arith.index_cast %get3A_2299 : i32 to index
    %get3A_2302 = arith.index_cast %get3A_2300 : i32 to index
    %get3A_2303 = arith.constant 32 : index
    %get3A_2304 = tpu.vector_load %arg6[%get3A_2301, %get3A_2302, %get3A_2303] {strides = array<i32>} : memref<32x8x128xf32, #tpu.memory_space<vmem>>, vector<1x1x16xf32>,
    %get3A_2305 = vector.shape_cast %get3A_2304 : vector<1x1x16xf32> to vector<16xf32>
    %swap3A_2306 = arith.constant 12 : i32
    %swap3A_2307 = arith.index_cast %swap3A_2306 : i32 to index
    %swap3A_2308 = arith.constant 32 : index
    %swap3A_2309 = tpu.vector_load %arg7[%swap3A_2307, %swap3A_2308] {strides = array<i32>} : memref<32x128xf32, #tpu.memory_space<vmem>>, vector<1x16xf32>,
    %swap3A_2310 = vector.shape_cast %swap3A_2309 : vector<1x16xf32> to vector<16xf32>
    %swap3A_2311 = vector.shape_cast %get3A_2305 : vector<16xf32> to vector<1x16xf32>
    tpu.vector_store %arg7[%swap3A_2307, %swap3A_2308], %swap3A_2311 {strides = array<i32>} : memref<32x128xf32, #tpu.memory_space<vmem>>, vector<1x16xf32>,
    %get3A_2312 = arith.constant 12 : i32
    %get3A_2313 = arith.constant 4 : i32
    %get3A_2314 = arith.index_cast %get3A_2312 : i32 to index
    %get3A_2315 = arith.index_cast %get3A_2313 : i32 to index
    %get3A_2316 = arith.constant 48 : index
    %get3A_2317 = tpu.vector_load %arg6[%get3A_2314, %get3A_2315, %get3A_2316] {strides = array<i32>} : memref<32x8x128xf32, #tpu.memory_space<vmem>>, vector<1x1x16xf32>,
    %get3A_2318 = vector.shape_cast %get3A_2317 : vector<1x1x16xf32> to vector<16xf32>
    %swap3A_2319 = arith.constant 12 : i32
    %swap3A_2320 = arith.index_cast %swap3A_2319 : i32 to index
    %swap3A_2321 = arith.constant 48 : index
    %swap3A_2322 = tpu.vector_load %arg7[%swap3A_2320, %swap3A_2321] {strides = array<i32>} : memref<32x128xf32, #tpu.memory_space<vmem>>, vector<1x16xf32>,
    %swap3A_2323 = vector.shape_cast %swap3A_2322 : vector<1x16xf32> to vector<16xf32>
    %swap3A_2324 = vector.shape_cast %get3A_2318 : vector<16xf32> to vector<1x16xf32>
    tpu.vector_store %arg7[%swap3A_2320, %swap3A_2321], %swap3A_2324 {strides = array<i32>} : memref<32x128xf32, #tpu.memory_space<vmem>>, vector<1x16xf32>,
    %get3A_2325 = arith.constant 12 : i32
    %get3A_2326 = arith.constant 4 : i32
    %get3A_2327 = arith.index_cast %get3A_2325 : i32 to index
    %get3A_2328 = arith.index_cast %get3A_2326 : i32 to index
    %get3A_2329 = arith.constant 64 : index
    %get3A_2330 = tpu.vector_load %arg6[%get3A_2327, %get3A_2328, %get3A_2329] {strides = array<i32>} : memref<32x8x128xf32, #tpu.memory_space<vmem>>, vector<1x1x16xf32>,
    %get3A_2331 = vector.shape_cast %get3A_2330 : vector<1x1x16xf32> to vector<16xf32>
    %swap3A_2332 = arith.constant 12 : i32
    %swap3A_2333 = arith.index_cast %swap3A_2332 : i32 to index
    %swap3A_2334 = arith.constant 64 : index
    %swap3A_2335 = tpu.vector_load %arg7[%swap3A_2333, %swap3A_2334] {strides = array<i32>} : memref<32x128xf32, #tpu.memory_space<vmem>>, vector<1x16xf32>,
    %swap3A_2336 = vector.shape_cast %swap3A_2335 : vector<1x16xf32> to vector<16xf32>
    %swap3A_2337 = vector.shape_cast %get3A_2331 : vector<16xf32> to vector<1x16xf32>
    tpu.vector_store %arg7[%swap3A_2333, %swap3A_2334], %swap3A_2337 {strides = array<i32>} : memref<32x128xf32, #tpu.memory_space<vmem>>, vector<1x16xf32>,
    %get3A_2338 = arith.constant 12 : i32
    %get3A_2339 = arith.constant 4 : i32
    %get3A_2340 = arith.index_cast %get3A_2338 : i32 to index
    %get3A_2341 = arith.index_cast %get3A_2339 : i32 to index
    %get3A_2342 = arith.constant 80 : index
    %get3A_2343 = tpu.vector_load %arg6[%get3A_2340, %get3A_2341, %get3A_2342] {strides = array<i32>} : memref<32x8x128xf32, #tpu.memory_space<vmem>>, vector<1x1x16xf32>,
    %get3A_2344 = vector.shape_cast %get3A_2343 : vector<1x1x16xf32> to vector<16xf32>
    %swap3A_2345 = arith.constant 12 : i32
    %swap3A_2346 = arith.index_cast %swap3A_2345 : i32 to index
    %swap3A_2347 = arith.constant 80 : index
    %swap3A_2348 = tpu.vector_load %arg7[%swap3A_2346, %swap3A_2347] {strides = array<i32>} : memref<32x128xf32, #tpu.memory_space<vmem>>, vector<1x16xf32>,
    %swap3A_2349 = vector.shape_cast %swap3A_2348 : vector<1x16xf32> to vector<16xf32>
    %swap3A_2350 = vector.shape_cast %get3A_2344 : vector<16xf32> to vector<1x16xf32>
    tpu.vector_store %arg7[%swap3A_2346, %swap3A_2347], %swap3A_2350 {strides = array<i32>} : memref<32x128xf32, #tpu.memory_space<vmem>>, vector<1x16xf32>,
    %get3A_2351 = arith.constant 12 : i32
    %get3A_2352 = arith.constant 4 : i32
    %get3A_2353 = arith.index_cast %get3A_2351 : i32 to index
    %get3A_2354 = arith.index_cast %get3A_2352 : i32 to index
    %get3A_2355 = arith.constant 96 : index
    %get3A_2356 = tpu.vector_load %arg6[%get3A_2353, %get3A_2354, %get3A_2355] {strides = array<i32>} : memref<32x8x128xf32, #tpu.memory_space<vmem>>, vector<1x1x16xf32>,
    %get3A_2357 = vector.shape_cast %get3A_2356 : vector<1x1x16xf32> to vector<16xf32>
    %swap3A_2358 = arith.constant 12 : i32
    %swap3A_2359 = arith.index_cast %swap3A_2358 : i32 to index
    %swap3A_2360 = arith.constant 96 : index
    %swap3A_2361 = tpu.vector_load %arg7[%swap3A_2359, %swap3A_2360] {strides = array<i32>} : memref<32x128xf32, #tpu.memory_space<vmem>>, vector<1x16xf32>,
    %swap3A_2362 = vector.shape_cast %swap3A_2361 : vector<1x16xf32> to vector<16xf32>
    %swap3A_2363 = vector.shape_cast %get3A_2357 : vector<16xf32> to vector<1x16xf32>
    tpu.vector_store %arg7[%swap3A_2359, %swap3A_2360], %swap3A_2363 {strides = array<i32>} : memref<32x128xf32, #tpu.memory_space<vmem>>, vector<1x16xf32>,
    %get3A_2364 = arith.constant 12 : i32
    %get3A_2365 = arith.constant 4 : i32
    %get3A_2366 = arith.index_cast %get3A_2364 : i32 to index
    %get3A_2367 = arith.index_cast %get3A_2365 : i32 to index
    %get3A_2368 = arith.constant 112 : index
    %get3A_2369 = tpu.vector_load %arg6[%get3A_2366, %get3A_2367, %get3A_2368] {strides = array<i32>} : memref<32x8x128xf32, #tpu.memory_space<vmem>>, vector<1x1x16xf32>,
    %get3A_2370 = vector.shape_cast %get3A_2369 : vector<1x1x16xf32> to vector<16xf32>
    %swap3A_2371 = arith.constant 12 : i32
    %swap3A_2372 = arith.index_cast %swap3A_2371 : i32 to index
    %swap3A_2373 = arith.constant 112 : index
    %swap3A_2374 = tpu.vector_load %arg7[%swap3A_2372, %swap3A_2373] {strides = array<i32>} : memref<32x128xf32, #tpu.memory_space<vmem>>, vector<1x16xf32>,
    %swap3A_2375 = vector.shape_cast %swap3A_2374 : vector<1x16xf32> to vector<16xf32>
    %swap3A_2376 = vector.shape_cast %get3A_2370 : vector<16xf32> to vector<1x16xf32>
    tpu.vector_store %arg7[%swap3A_2372, %swap3A_2373], %swap3A_2376 {strides = array<i32>} : memref<32x128xf32, #tpu.memory_space<vmem>>, vector<1x16xf32>,
    %get3A_2377 = arith.constant 13 : i32
    %get3A_2378 = arith.constant 5 : i32
    %get3A_2379 = arith.index_cast %get3A_2377 : i32 to index
    %get3A_2380 = arith.index_cast %get3A_2378 : i32 to index
    %get3A_2381 = arith.constant 0 : index
    %get3A_2382 = tpu.vector_load %arg6[%get3A_2379, %get3A_2380, %get3A_2381] {strides = array<i32>} : memref<32x8x128xf32, #tpu.memory_space<vmem>>, vector<1x1x16xf32>,
    %get3A_2383 = vector.shape_cast %get3A_2382 : vector<1x1x16xf32> to vector<16xf32>
    %swap3A_2384 = arith.constant 13 : i32
    %swap3A_2385 = arith.index_cast %swap3A_2384 : i32 to index
    %swap3A_2386 = arith.constant 0 : index
    %swap3A_2387 = tpu.vector_load %arg7[%swap3A_2385, %swap3A_2386] {strides = array<i32>} : memref<32x128xf32, #tpu.memory_space<vmem>>, vector<1x16xf32>,
    %swap3A_2388 = vector.shape_cast %swap3A_2387 : vector<1x16xf32> to vector<16xf32>
    %swap3A_2389 = vector.shape_cast %get3A_2383 : vector<16xf32> to vector<1x16xf32>
    tpu.vector_store %arg7[%swap3A_2385, %swap3A_2386], %swap3A_2389 {strides = array<i32>} : memref<32x128xf32, #tpu.memory_space<vmem>>, vector<1x16xf32>,
    %get3A_2390 = arith.constant 13 : i32
    %get3A_2391 = arith.constant 5 : i32
    %get3A_2392 = arith.index_cast %get3A_2390 : i32 to index
    %get3A_2393 = arith.index_cast %get3A_2391 : i32 to index
    %get3A_2394 = arith.constant 16 : index
    %get3A_2395 = tpu.vector_load %arg6[%get3A_2392, %get3A_2393, %get3A_2394] {strides = array<i32>} : memref<32x8x128xf32, #tpu.memory_space<vmem>>, vector<1x1x16xf32>,
    %get3A_2396 = vector.shape_cast %get3A_2395 : vector<1x1x16xf32> to vector<16xf32>
    %swap3A_2397 = arith.constant 13 : i32
    %swap3A_2398 = arith.index_cast %swap3A_2397 : i32 to index
    %swap3A_2399 = arith.constant 16 : index
    %swap3A_2400 = tpu.vector_load %arg7[%swap3A_2398, %swap3A_2399] {strides = array<i32>} : memref<32x128xf32, #tpu.memory_space<vmem>>, vector<1x16xf32>,
    %swap3A_2401 = vector.shape_cast %swap3A_2400 : vector<1x16xf32> to vector<16xf32>
    %swap3A_2402 = vector.shape_cast %get3A_2396 : vector<16xf32> to vector<1x16xf32>
    tpu.vector_store %arg7[%swap3A_2398, %swap3A_2399], %swap3A_2402 {strides = array<i32>} : memref<32x128xf32, #tpu.memory_space<vmem>>, vector<1x16xf32>,
    %get3A_2403 = arith.constant 13 : i32
    %get3A_2404 = arith.constant 5 : i32
    %get3A_2405 = arith.index_cast %get3A_2403 : i32 to index
    %get3A_2406 = arith.index_cast %get3A_2404 : i32 to index
    %get3A_2407 = arith.constant 32 : index
    %get3A_2408 = tpu.vector_load %arg6[%get3A_2405, %get3A_2406, %get3A_2407] {strides = array<i32>} : memref<32x8x128xf32, #tpu.memory_space<vmem>>, vector<1x1x16xf32>,
    %get3A_2409 = vector.shape_cast %get3A_2408 : vector<1x1x16xf32> to vector<16xf32>
    %swap3A_2410 = arith.constant 13 : i32
    %swap3A_2411 = arith.index_cast %swap3A_2410 : i32 to index
    %swap3A_2412 = arith.constant 32 : index
    %swap3A_2413 = tpu.vector_load %arg7[%swap3A_2411, %swap3A_2412] {strides = array<i32>} : memref<32x128xf32, #tpu.memory_space<vmem>>, vector<1x16xf32>,
    %swap3A_2414 = vector.shape_cast %swap3A_2413 : vector<1x16xf32> to vector<16xf32>
    %swap3A_2415 = vector.shape_cast %get3A_2409 : vector<16xf32> to vector<1x16xf32>
    tpu.vector_store %arg7[%swap3A_2411, %swap3A_2412], %swap3A_2415 {strides = array<i32>} : memref<32x128xf32, #tpu.memory_space<vmem>>, vector<1x16xf32>,
    %get3A_2416 = arith.constant 13 : i32
    %get3A_2417 = arith.constant 5 : i32
    %get3A_2418 = arith.index_cast %get3A_2416 : i32 to index
    %get3A_2419 = arith.index_cast %get3A_2417 : i32 to index
    %get3A_2420 = arith.constant 48 : index
    %get3A_2421 = tpu.vector_load %arg6[%get3A_2418, %get3A_2419, %get3A_2420] {strides = array<i32>} : memref<32x8x128xf32, #tpu.memory_space<vmem>>, vector<1x1x16xf32>,
    %get3A_2422 = vector.shape_cast %get3A_2421 : vector<1x1x16xf32> to vector<16xf32>
    %swap3A_2423 = arith.constant 13 : i32
    %swap3A_2424 = arith.index_cast %swap3A_2423 : i32 to index
    %swap3A_2425 = arith.constant 48 : index
    %swap3A_2426 = tpu.vector_load %arg7[%swap3A_2424, %swap3A_2425] {strides = array<i32>} : memref<32x128xf32, #tpu.memory_space<vmem>>, vector<1x16xf32>,
    %swap3A_2427 = vector.shape_cast %swap3A_2426 : vector<1x16xf32> to vector<16xf32>
    %swap3A_2428 = vector.shape_cast %get3A_2422 : vector<16xf32> to vector<1x16xf32>
    tpu.vector_store %arg7[%swap3A_2424, %swap3A_2425], %swap3A_2428 {strides = array<i32>} : memref<32x128xf32, #tpu.memory_space<vmem>>, vector<1x16xf32>,
    %get3A_2429 = arith.constant 13 : i32
    %get3A_2430 = arith.constant 5 : i32
    %get3A_2431 = arith.index_cast %get3A_2429 : i32 to index
    %get3A_2432 = arith.index_cast %get3A_2430 : i32 to index
    %get3A_2433 = arith.constant 64 : index
    %get3A_2434 = tpu.vector_load %arg6[%get3A_2431, %get3A_2432, %get3A_2433] {strides = array<i32>} : memref<32x8x128xf32, #tpu.memory_space<vmem>>, vector<1x1x16xf32>,
    %get3A_2435 = vector.shape_cast %get3A_2434 : vector<1x1x16xf32> to vector<16xf32>
    %swap3A_2436 = arith.constant 13 : i32
    %swap3A_2437 = arith.index_cast %swap3A_2436 : i32 to index
    %swap3A_2438 = arith.constant 64 : index
    %swap3A_2439 = tpu.vector_load %arg7[%swap3A_2437, %swap3A_2438] {strides = array<i32>} : memref<32x128xf32, #tpu.memory_space<vmem>>, vector<1x16xf32>,
    %swap3A_2440 = vector.shape_cast %swap3A_2439 : vector<1x16xf32> to vector<16xf32>
    %swap3A_2441 = vector.shape_cast %get3A_2435 : vector<16xf32> to vector<1x16xf32>
    tpu.vector_store %arg7[%swap3A_2437, %swap3A_2438], %swap3A_2441 {strides = array<i32>} : memref<32x128xf32, #tpu.memory_space<vmem>>, vector<1x16xf32>,
    %get3A_2442 = arith.constant 13 : i32
    %get3A_2443 = arith.constant 5 : i32
    %get3A_2444 = arith.index_cast %get3A_2442 : i32 to index
    %get3A_2445 = arith.index_cast %get3A_2443 : i32 to index
    %get3A_2446 = arith.constant 80 : index
    %get3A_2447 = tpu.vector_load %arg6[%get3A_2444, %get3A_2445, %get3A_2446] {strides = array<i32>} : memref<32x8x128xf32, #tpu.memory_space<vmem>>, vector<1x1x16xf32>,
    %get3A_2448 = vector.shape_cast %get3A_2447 : vector<1x1x16xf32> to vector<16xf32>
    %swap3A_2449 = arith.constant 13 : i32
    %swap3A_2450 = arith.index_cast %swap3A_2449 : i32 to index
    %swap3A_2451 = arith.constant 80 : index
    %swap3A_2452 = tpu.vector_load %arg7[%swap3A_2450, %swap3A_2451] {strides = array<i32>} : memref<32x128xf32, #tpu.memory_space<vmem>>, vector<1x16xf32>,
    %swap3A_2453 = vector.shape_cast %swap3A_2452 : vector<1x16xf32> to vector<16xf32>
    %swap3A_2454 = vector.shape_cast %get3A_2448 : vector<16xf32> to vector<1x16xf32>
    tpu.vector_store %arg7[%swap3A_2450, %swap3A_2451], %swap3A_2454 {strides = array<i32>} : memref<32x128xf32, #tpu.memory_space<vmem>>, vector<1x16xf32>,
    %get3A_2455 = arith.constant 13 : i32
    %get3A_2456 = arith.constant 5 : i32
    %get3A_2457 = arith.index_cast %get3A_2455 : i32 to index
    %get3A_2458 = arith.index_cast %get3A_2456 : i32 to index
    %get3A_2459 = arith.constant 96 : index
    %get3A_2460 = tpu.vector_load %arg6[%get3A_2457, %get3A_2458, %get3A_2459] {strides = array<i32>} : memref<32x8x128xf32, #tpu.memory_space<vmem>>, vector<1x1x16xf32>,
    %get3A_2461 = vector.shape_cast %get3A_2460 : vector<1x1x16xf32> to vector<16xf32>
    %swap3A_2462 = arith.constant 13 : i32
    %swap3A_2463 = arith.index_cast %swap3A_2462 : i32 to index
    %swap3A_2464 = arith.constant 96 : index
    %swap3A_2465 = tpu.vector_load %arg7[%swap3A_2463, %swap3A_2464] {strides = array<i32>} : memref<32x128xf32, #tpu.memory_space<vmem>>, vector<1x16xf32>,
    %swap3A_2466 = vector.shape_cast %swap3A_2465 : vector<1x16xf32> to vector<16xf32>
    %swap3A_2467 = vector.shape_cast %get3A_2461 : vector<16xf32> to vector<1x16xf32>
    tpu.vector_store %arg7[%swap3A_2463, %swap3A_2464], %swap3A_2467 {strides = array<i32>} : memref<32x128xf32, #tpu.memory_space<vmem>>, vector<1x16xf32>,
    %get3A_2468 = arith.constant 13 : i32
    %get3A_2469 = arith.constant 5 : i32
    %get3A_2470 = arith.index_cast %get3A_2468 : i32 to index
    %get3A_2471 = arith.index_cast %get3A_2469 : i32 to index
    %get3A_2472 = arith.constant 112 : index
    %get3A_2473 = tpu.vector_load %arg6[%get3A_2470, %get3A_2471, %get3A_2472] {strides = array<i32>} : memref<32x8x128xf32, #tpu.memory_space<vmem>>, vector<1x1x16xf32>,
    %get3A_2474 = vector.shape_cast %get3A_2473 : vector<1x1x16xf32> to vector<16xf32>
    %swap3A_2475 = arith.constant 13 : i32
    %swap3A_2476 = arith.index_cast %swap3A_2475 : i32 to index
    %swap3A_2477 = arith.constant 112 : index
    %swap3A_2478 = tpu.vector_load %arg7[%swap3A_2476, %swap3A_2477] {strides = array<i32>} : memref<32x128xf32, #tpu.memory_space<vmem>>, vector<1x16xf32>,
    %swap3A_2479 = vector.shape_cast %swap3A_2478 : vector<1x16xf32> to vector<16xf32>
    %swap3A_2480 = vector.shape_cast %get3A_2474 : vector<16xf32> to vector<1x16xf32>
    tpu.vector_store %arg7[%swap3A_2476, %swap3A_2477], %swap3A_2480 {strides = array<i32>} : memref<32x128xf32, #tpu.memory_space<vmem>>, vector<1x16xf32>,
    %get3A_2481 = arith.constant 14 : i32
    %get3A_2482 = arith.constant 6 : i32
    %get3A_2483 = arith.index_cast %get3A_2481 : i32 to index
    %get3A_2484 = arith.index_cast %get3A_2482 : i32 to index
    %get3A_2485 = arith.constant 0 : index
    %get3A_2486 = tpu.vector_load %arg6[%get3A_2483, %get3A_2484, %get3A_2485] {strides = array<i32>} : memref<32x8x128xf32, #tpu.memory_space<vmem>>, vector<1x1x16xf32>,
    %get3A_2487 = vector.shape_cast %get3A_2486 : vector<1x1x16xf32> to vector<16xf32>
    %swap3A_2488 = arith.constant 14 : i32
    %swap3A_2489 = arith.index_cast %swap3A_2488 : i32 to index
    %swap3A_2490 = arith.constant 0 : index
    %swap3A_2491 = tpu.vector_load %arg7[%swap3A_2489, %swap3A_2490] {strides = array<i32>} : memref<32x128xf32, #tpu.memory_space<vmem>>, vector<1x16xf32>,
    %swap3A_2492 = vector.shape_cast %swap3A_2491 : vector<1x16xf32> to vector<16xf32>
    %swap3A_2493 = vector.shape_cast %get3A_2487 : vector<16xf32> to vector<1x16xf32>
    tpu.vector_store %arg7[%swap3A_2489, %swap3A_2490], %swap3A_2493 {strides = array<i32>} : memref<32x128xf32, #tpu.memory_space<vmem>>, vector<1x16xf32>,
    %get3A_2494 = arith.constant 14 : i32
    %get3A_2495 = arith.constant 6 : i32
    %get3A_2496 = arith.index_cast %get3A_2494 : i32 to index
    %get3A_2497 = arith.index_cast %get3A_2495 : i32 to index
    %get3A_2498 = arith.constant 16 : index
    %get3A_2499 = tpu.vector_load %arg6[%get3A_2496, %get3A_2497, %get3A_2498] {strides = array<i32>} : memref<32x8x128xf32, #tpu.memory_space<vmem>>, vector<1x1x16xf32>,
    %get3A_2500 = vector.shape_cast %get3A_2499 : vector<1x1x16xf32> to vector<16xf32>
    %swap3A_2501 = arith.constant 14 : i32
    %swap3A_2502 = arith.index_cast %swap3A_2501 : i32 to index
    %swap3A_2503 = arith.constant 16 : index
    %swap3A_2504 = tpu.vector_load %arg7[%swap3A_2502, %swap3A_2503] {strides = array<i32>} : memref<32x128xf32, #tpu.memory_space<vmem>>, vector<1x16xf32>,
    %swap3A_2505 = vector.shape_cast %swap3A_2504 : vector<1x16xf32> to vector<16xf32>
    %swap3A_2506 = vector.shape_cast %get3A_2500 : vector<16xf32> to vector<1x16xf32>
    tpu.vector_store %arg7[%swap3A_2502, %swap3A_2503], %swap3A_2506 {strides = array<i32>} : memref<32x128xf32, #tpu.memory_space<vmem>>, vector<1x16xf32>,
    %get3A_2507 = arith.constant 14 : i32
    %get3A_2508 = arith.constant 6 : i32
    %get3A_2509 = arith.index_cast %get3A_2507 : i32 to index
    %get3A_2510 = arith.index_cast %get3A_2508 : i32 to index
    %get3A_2511 = arith.constant 32 : index
    %get3A_2512 = tpu.vector_load %arg6[%get3A_2509, %get3A_2510, %get3A_2511] {strides = array<i32>} : memref<32x8x128xf32, #tpu.memory_space<vmem>>, vector<1x1x16xf32>,
    %get3A_2513 = vector.shape_cast %get3A_2512 : vector<1x1x16xf32> to vector<16xf32>
    %swap3A_2514 = arith.constant 14 : i32
    %swap3A_2515 = arith.index_cast %swap3A_2514 : i32 to index
    %swap3A_2516 = arith.constant 32 : index
    %swap3A_2517 = tpu.vector_load %arg7[%swap3A_2515, %swap3A_2516] {strides = array<i32>} : memref<32x128xf32, #tpu.memory_space<vmem>>, vector<1x16xf32>,
    %swap3A_2518 = vector.shape_cast %swap3A_2517 : vector<1x16xf32> to vector<16xf32>
    %swap3A_2519 = vector.shape_cast %get3A_2513 : vector<16xf32> to vector<1x16xf32>
    tpu.vector_store %arg7[%swap3A_2515, %swap3A_2516], %swap3A_2519 {strides = array<i32>} : memref<32x128xf32, #tpu.memory_space<vmem>>, vector<1x16xf32>,
    %get3A_2520 = arith.constant 14 : i32
    %get3A_2521 = arith.constant 6 : i32
    %get3A_2522 = arith.index_cast %get3A_2520 : i32 to index
    %get3A_2523 = arith.index_cast %get3A_2521 : i32 to index
    %get3A_2524 = arith.constant 48 : index
    %get3A_2525 = tpu.vector_load %arg6[%get3A_2522, %get3A_2523, %get3A_2524] {strides = array<i32>} : memref<32x8x128xf32, #tpu.memory_space<vmem>>, vector<1x1x16xf32>,
    %get3A_2526 = vector.shape_cast %get3A_2525 : vector<1x1x16xf32> to vector<16xf32>
    %swap3A_2527 = arith.constant 14 : i32
    %swap3A_2528 = arith.index_cast %swap3A_2527 : i32 to index
    %swap3A_2529 = arith.constant 48 : index
    %swap3A_2530 = tpu.vector_load %arg7[%swap3A_2528, %swap3A_2529] {strides = array<i32>} : memref<32x128xf32, #tpu.memory_space<vmem>>, vector<1x16xf32>,
    %swap3A_2531 = vector.shape_cast %swap3A_2530 : vector<1x16xf32> to vector<16xf32>
    %swap3A_2532 = vector.shape_cast %get3A_2526 : vector<16xf32> to vector<1x16xf32>
    tpu.vector_store %arg7[%swap3A_2528, %swap3A_2529], %swap3A_2532 {strides = array<i32>} : memref<32x128xf32, #tpu.memory_space<vmem>>, vector<1x16xf32>,
    %get3A_2533 = arith.constant 14 : i32
    %get3A_2534 = arith.constant 6 : i32
    %get3A_2535 = arith.index_cast %get3A_2533 : i32 to index
    %get3A_2536 = arith.index_cast %get3A_2534 : i32 to index
    %get3A_2537 = arith.constant 64 : index
    %get3A_2538 = tpu.vector_load %arg6[%get3A_2535, %get3A_2536, %get3A_2537] {strides = array<i32>} : memref<32x8x128xf32, #tpu.memory_space<vmem>>, vector<1x1x16xf32>,
    %get3A_2539 = vector.shape_cast %get3A_2538 : vector<1x1x16xf32> to vector<16xf32>
    %swap3A_2540 = arith.constant 14 : i32
    %swap3A_2541 = arith.index_cast %swap3A_2540 : i32 to index
    %swap3A_2542 = arith.constant 64 : index
    %swap3A_2543 = tpu.vector_load %arg7[%swap3A_2541, %swap3A_2542] {strides = array<i32>} : memref<32x128xf32, #tpu.memory_space<vmem>>, vector<1x16xf32>,
    %swap3A_2544 = vector.shape_cast %swap3A_2543 : vector<1x16xf32> to vector<16xf32>
    %swap3A_2545 = vector.shape_cast %get3A_2539 : vector<16xf32> to vector<1x16xf32>
    tpu.vector_store %arg7[%swap3A_2541, %swap3A_2542], %swap3A_2545 {strides = array<i32>} : memref<32x128xf32, #tpu.memory_space<vmem>>, vector<1x16xf32>,
    %get3A_2546 = arith.constant 14 : i32
    %get3A_2547 = arith.constant 6 : i32
    %get3A_2548 = arith.index_cast %get3A_2546 : i32 to index
    %get3A_2549 = arith.index_cast %get3A_2547 : i32 to index
    %get3A_2550 = arith.constant 80 : index
    %get3A_2551 = tpu.vector_load %arg6[%get3A_2548, %get3A_2549, %get3A_2550] {strides = array<i32>} : memref<32x8x128xf32, #tpu.memory_space<vmem>>, vector<1x1x16xf32>,
    %get3A_2552 = vector.shape_cast %get3A_2551 : vector<1x1x16xf32> to vector<16xf32>
    %swap3A_2553 = arith.constant 14 : i32
    %swap3A_2554 = arith.index_cast %swap3A_2553 : i32 to index
    %swap3A_2555 = arith.constant 80 : index
    %swap3A_2556 = tpu.vector_load %arg7[%swap3A_2554, %swap3A_2555] {strides = array<i32>} : memref<32x128xf32, #tpu.memory_space<vmem>>, vector<1x16xf32>,
    %swap3A_2557 = vector.shape_cast %swap3A_2556 : vector<1x16xf32> to vector<16xf32>
    %swap3A_2558 = vector.shape_cast %get3A_2552 : vector<16xf32> to vector<1x16xf32>
    tpu.vector_store %arg7[%swap3A_2554, %swap3A_2555], %swap3A_2558 {strides = array<i32>} : memref<32x128xf32, #tpu.memory_space<vmem>>, vector<1x16xf32>,
    %get3A_2559 = arith.constant 14 : i32
    %get3A_2560 = arith.constant 6 : i32
    %get3A_2561 = arith.index_cast %get3A_2559 : i32 to index
    %get3A_2562 = arith.index_cast %get3A_2560 : i32 to index
    %get3A_2563 = arith.constant 96 : index
    %get3A_2564 = tpu.vector_load %arg6[%get3A_2561, %get3A_2562, %get3A_2563] {strides = array<i32>} : memref<32x8x128xf32, #tpu.memory_space<vmem>>, vector<1x1x16xf32>,
    %get3A_2565 = vector.shape_cast %get3A_2564 : vector<1x1x16xf32> to vector<16xf32>
    %swap3A_2566 = arith.constant 14 : i32
    %swap3A_2567 = arith.index_cast %swap3A_2566 : i32 to index
    %swap3A_2568 = arith.constant 96 : index
    %swap3A_2569 = tpu.vector_load %arg7[%swap3A_2567, %swap3A_2568] {strides = array<i32>} : memref<32x128xf32, #tpu.memory_space<vmem>>, vector<1x16xf32>,
    %swap3A_2570 = vector.shape_cast %swap3A_2569 : vector<1x16xf32> to vector<16xf32>
    %swap3A_2571 = vector.shape_cast %get3A_2565 : vector<16xf32> to vector<1x16xf32>
    tpu.vector_store %arg7[%swap3A_2567, %swap3A_2568], %swap3A_2571 {strides = array<i32>} : memref<32x128xf32, #tpu.memory_space<vmem>>, vector<1x16xf32>,
    %get3A_2572 = arith.constant 14 : i32
    %get3A_2573 = arith.constant 6 : i32
    %get3A_2574 = arith.index_cast %get3A_2572 : i32 to index
    %get3A_2575 = arith.index_cast %get3A_2573 : i32 to index
    %get3A_2576 = arith.constant 112 : index
    %get3A_2577 = tpu.vector_load %arg6[%get3A_2574, %get3A_2575, %get3A_2576] {strides = array<i32>} : memref<32x8x128xf32, #tpu.memory_space<vmem>>, vector<1x1x16xf32>,
    %get3A_2578 = vector.shape_cast %get3A_2577 : vector<1x1x16xf32> to vector<16xf32>
    %swap3A_2579 = arith.constant 14 : i32
    %swap3A_2580 = arith.index_cast %swap3A_2579 : i32 to index
    %swap3A_2581 = arith.constant 112 : index
    %swap3A_2582 = tpu.vector_load %arg7[%swap3A_2580, %swap3A_2581] {strides = array<i32>} : memref<32x128xf32, #tpu.memory_space<vmem>>, vector<1x16xf32>,
    %swap3A_2583 = vector.shape_cast %swap3A_2582 : vector<1x16xf32> to vector<16xf32>
    %swap3A_2584 = vector.shape_cast %get3A_2578 : vector<16xf32> to vector<1x16xf32>
    tpu.vector_store %arg7[%swap3A_2580, %swap3A_2581], %swap3A_2584 {strides = array<i32>} : memref<32x128xf32, #tpu.memory_space<vmem>>, vector<1x16xf32>,
    %get3A_2585 = arith.constant 15 : i32
    %get3A_2586 = arith.constant 7 : i32
    %get3A_2587 = arith.index_cast %get3A_2585 : i32 to index
    %get3A_2588 = arith.index_cast %get3A_2586 : i32 to index
    %get3A_2589 = arith.constant 0 : index
    %get3A_2590 = tpu.vector_load %arg6[%get3A_2587, %get3A_2588, %get3A_2589] {strides = array<i32>} : memref<32x8x128xf32, #tpu.memory_space<vmem>>, vector<1x1x16xf32>,
    %get3A_2591 = vector.shape_cast %get3A_2590 : vector<1x1x16xf32> to vector<16xf32>
    %swap3A_2592 = arith.constant 15 : i32
    %swap3A_2593 = arith.index_cast %swap3A_2592 : i32 to index
    %swap3A_2594 = arith.constant 0 : index
    %swap3A_2595 = tpu.vector_load %arg7[%swap3A_2593, %swap3A_2594] {strides = array<i32>} : memref<32x128xf32, #tpu.memory_space<vmem>>, vector<1x16xf32>,
    %swap3A_2596 = vector.shape_cast %swap3A_2595 : vector<1x16xf32> to vector<16xf32>
    %swap3A_2597 = vector.shape_cast %get3A_2591 : vector<16xf32> to vector<1x16xf32>
    tpu.vector_store %arg7[%swap3A_2593, %swap3A_2594], %swap3A_2597 {strides = array<i32>} : memref<32x128xf32, #tpu.memory_space<vmem>>, vector<1x16xf32>,
    %get3A_2598 = arith.constant 15 : i32
    %get3A_2599 = arith.constant 7 : i32
    %get3A_2600 = arith.index_cast %get3A_2598 : i32 to index
    %get3A_2601 = arith.index_cast %get3A_2599 : i32 to index
    %get3A_2602 = arith.constant 16 : index
    %get3A_2603 = tpu.vector_load %arg6[%get3A_2600, %get3A_2601, %get3A_2602] {strides = array<i32>} : memref<32x8x128xf32, #tpu.memory_space<vmem>>, vector<1x1x16xf32>,
    %get3A_2604 = vector.shape_cast %get3A_2603 : vector<1x1x16xf32> to vector<16xf32>
    %swap3A_2605 = arith.constant 15 : i32
    %swap3A_2606 = arith.index_cast %swap3A_2605 : i32 to index
    %swap3A_2607 = arith.constant 16 : index
    %swap3A_2608 = tpu.vector_load %arg7[%swap3A_2606, %swap3A_2607] {strides = array<i32>} : memref<32x128xf32, #tpu.memory_space<vmem>>, vector<1x16xf32>,
    %swap3A_2609 = vector.shape_cast %swap3A_2608 : vector<1x16xf32> to vector<16xf32>
    %swap3A_2610 = vector.shape_cast %get3A_2604 : vector<16xf32> to vector<1x16xf32>
    tpu.vector_store %arg7[%swap3A_2606, %swap3A_2607], %swap3A_2610 {strides = array<i32>} : memref<32x128xf32, #tpu.memory_space<vmem>>, vector<1x16xf32>,
    %get3A_2611 = arith.constant 15 : i32
    %get3A_2612 = arith.constant 7 : i32
    %get3A_2613 = arith.index_cast %get3A_2611 : i32 to index
    %get3A_2614 = arith.index_cast %get3A_2612 : i32 to index
    %get3A_2615 = arith.constant 32 : index
    %get3A_2616 = tpu.vector_load %arg6[%get3A_2613, %get3A_2614, %get3A_2615] {strides = array<i32>} : memref<32x8x128xf32, #tpu.memory_space<vmem>>, vector<1x1x16xf32>,
    %get3A_2617 = vector.shape_cast %get3A_2616 : vector<1x1x16xf32> to vector<16xf32>
    %swap3A_2618 = arith.constant 15 : i32
    %swap3A_2619 = arith.index_cast %swap3A_2618 : i32 to index
    %swap3A_2620 = arith.constant 32 : index
    %swap3A_2621 = tpu.vector_load %arg7[%swap3A_2619, %swap3A_2620] {strides = array<i32>} : memref<32x128xf32, #tpu.memory_space<vmem>>, vector<1x16xf32>,
    %swap3A_2622 = vector.shape_cast %swap3A_2621 : vector<1x16xf32> to vector<16xf32>
    %swap3A_2623 = vector.shape_cast %get3A_2617 : vector<16xf32> to vector<1x16xf32>
    tpu.vector_store %arg7[%swap3A_2619, %swap3A_2620], %swap3A_2623 {strides = array<i32>} : memref<32x128xf32, #tpu.memory_space<vmem>>, vector<1x16xf32>,
    %get3A_2624 = arith.constant 15 : i32
    %get3A_2625 = arith.constant 7 : i32
    %get3A_2626 = arith.index_cast %get3A_2624 : i32 to index
    %get3A_2627 = arith.index_cast %get3A_2625 : i32 to index
    %get3A_2628 = arith.constant 48 : index
    %get3A_2629 = tpu.vector_load %arg6[%get3A_2626, %get3A_2627, %get3A_2628] {strides = array<i32>} : memref<32x8x128xf32, #tpu.memory_space<vmem>>, vector<1x1x16xf32>,
    %get3A_2630 = vector.shape_cast %get3A_2629 : vector<1x1x16xf32> to vector<16xf32>
    %swap3A_2631 = arith.constant 15 : i32
    %swap3A_2632 = arith.index_cast %swap3A_2631 : i32 to index
    %swap3A_2633 = arith.constant 48 : index
    %swap3A_2634 = tpu.vector_load %arg7[%swap3A_2632, %swap3A_2633] {strides = array<i32>} : memref<32x128xf32, #tpu.memory_space<vmem>>, vector<1x16xf32>,
    %swap3A_2635 = vector.shape_cast %swap3A_2634 : vector<1x16xf32> to vector<16xf32>
    %swap3A_2636 = vector.shape_cast %get3A_2630 : vector<16xf32> to vector<1x16xf32>
    tpu.vector_store %arg7[%swap3A_2632, %swap3A_2633], %swap3A_2636 {strides = array<i32>} : memref<32x128xf32, #tpu.memory_space<vmem>>, vector<1x16xf32>,
    %get3A_2637 = arith.constant 15 : i32
    %get3A_2638 = arith.constant 7 : i32
    %get3A_2639 = arith.index_cast %get3A_2637 : i32 to index
    %get3A_2640 = arith.index_cast %get3A_2638 : i32 to index
    %get3A_2641 = arith.constant 64 : index
    %get3A_2642 = tpu.vector_load %arg6[%get3A_2639, %get3A_2640, %get3A_2641] {strides = array<i32>} : memref<32x8x128xf32, #tpu.memory_space<vmem>>, vector<1x1x16xf32>,
    %get3A_2643 = vector.shape_cast %get3A_2642 : vector<1x1x16xf32> to vector<16xf32>
    %swap3A_2644 = arith.constant 15 : i32
    %swap3A_2645 = arith.index_cast %swap3A_2644 : i32 to index
    %swap3A_2646 = arith.constant 64 : index
    %swap3A_2647 = tpu.vector_load %arg7[%swap3A_2645, %swap3A_2646] {strides = array<i32>} : memref<32x128xf32, #tpu.memory_space<vmem>>, vector<1x16xf32>,
    %swap3A_2648 = vector.shape_cast %swap3A_2647 : vector<1x16xf32> to vector<16xf32>
    %swap3A_2649 = vector.shape_cast %get3A_2643 : vector<16xf32> to vector<1x16xf32>
    tpu.vector_store %arg7[%swap3A_2645, %swap3A_2646], %swap3A_2649 {strides = array<i32>} : memref<32x128xf32, #tpu.memory_space<vmem>>, vector<1x16xf32>,
    %get3A_2650 = arith.constant 15 : i32
    %get3A_2651 = arith.constant 7 : i32
    %get3A_2652 = arith.index_cast %get3A_2650 : i32 to index
    %get3A_2653 = arith.index_cast %get3A_2651 : i32 to index
    %get3A_2654 = arith.constant 80 : index
    %get3A_2655 = tpu.vector_load %arg6[%get3A_2652, %get3A_2653, %get3A_2654] {strides = array<i32>} : memref<32x8x128xf32, #tpu.memory_space<vmem>>, vector<1x1x16xf32>,
    %get3A_2656 = vector.shape_cast %get3A_2655 : vector<1x1x16xf32> to vector<16xf32>
    %swap3A_2657 = arith.constant 15 : i32
    %swap3A_2658 = arith.index_cast %swap3A_2657 : i32 to index
    %swap3A_2659 = arith.constant 80 : index
    %swap3A_2660 = tpu.vector_load %arg7[%swap3A_2658, %swap3A_2659] {strides = array<i32>} : memref<32x128xf32, #tpu.memory_space<vmem>>, vector<1x16xf32>,
    %swap3A_2661 = vector.shape_cast %swap3A_2660 : vector<1x16xf32> to vector<16xf32>
    %swap3A_2662 = vector.shape_cast %get3A_2656 : vector<16xf32> to vector<1x16xf32>
    tpu.vector_store %arg7[%swap3A_2658, %swap3A_2659], %swap3A_2662 {strides = array<i32>} : memref<32x128xf32, #tpu.memory_space<vmem>>, vector<1x16xf32>,
    %get3A_2663 = arith.constant 15 : i32
    %get3A_2664 = arith.constant 7 : i32
    %get3A_2665 = arith.index_cast %get3A_2663 : i32 to index
    %get3A_2666 = arith.index_cast %get3A_2664 : i32 to index
    %get3A_2667 = arith.constant 96 : index
    %get3A_2668 = tpu.vector_load %arg6[%get3A_2665, %get3A_2666, %get3A_2667] {strides = array<i32>} : memref<32x8x128xf32, #tpu.memory_space<vmem>>, vector<1x1x16xf32>,
    %get3A_2669 = vector.shape_cast %get3A_2668 : vector<1x1x16xf32> to vector<16xf32>
    %swap3A_2670 = arith.constant 15 : i32
    %swap3A_2671 = arith.index_cast %swap3A_2670 : i32 to index
    %swap3A_2672 = arith.constant 96 : index
    %swap3A_2673 = tpu.vector_load %arg7[%swap3A_2671, %swap3A_2672] {strides = array<i32>} : memref<32x128xf32, #tpu.memory_space<vmem>>, vector<1x16xf32>,
    %swap3A_2674 = vector.shape_cast %swap3A_2673 : vector<1x16xf32> to vector<16xf32>
    %swap3A_2675 = vector.shape_cast %get3A_2669 : vector<16xf32> to vector<1x16xf32>
    tpu.vector_store %arg7[%swap3A_2671, %swap3A_2672], %swap3A_2675 {strides = array<i32>} : memref<32x128xf32, #tpu.memory_space<vmem>>, vector<1x16xf32>,
    %get3A_2676 = arith.constant 15 : i32
    %get3A_2677 = arith.constant 7 : i32
    %get3A_2678 = arith.index_cast %get3A_2676 : i32 to index
    %get3A_2679 = arith.index_cast %get3A_2677 : i32 to index
    %get3A_2680 = arith.constant 112 : index
    %get3A_2681 = tpu.vector_load %arg6[%get3A_2678, %get3A_2679, %get3A_2680] {strides = array<i32>} : memref<32x8x128xf32, #tpu.memory_space<vmem>>, vector<1x1x16xf32>,
    %get3A_2682 = vector.shape_cast %get3A_2681 : vector<1x1x16xf32> to vector<16xf32>
    %swap3A_2683 = arith.constant 15 : i32
    %swap3A_2684 = arith.index_cast %swap3A_2683 : i32 to index
    %swap3A_2685 = arith.constant 112 : index
    %swap3A_2686 = tpu.vector_load %arg7[%swap3A_2684, %swap3A_2685] {strides = array<i32>} : memref<32x128xf32, #tpu.memory_space<vmem>>, vector<1x16xf32>,
    %swap3A_2687 = vector.shape_cast %swap3A_2686 : vector<1x16xf32> to vector<16xf32>
    %swap3A_2688 = vector.shape_cast %get3A_2682 : vector<16xf32> to vector<1x16xf32>
    tpu.vector_store %arg7[%swap3A_2684, %swap3A_2685], %swap3A_2688 {strides = array<i32>} : memref<32x128xf32, #tpu.memory_space<vmem>>, vector<1x16xf32>,
    %get3A_2689 = arith.constant 16 : i32
    %get3A_2690 = arith.constant 0 : i32
    %get3A_2691 = arith.index_cast %get3A_2689 : i32 to index
    %get3A_2692 = arith.index_cast %get3A_2690 : i32 to index
    %get3A_2693 = arith.constant 0 : index
    %get3A_2694 = tpu.vector_load %arg6[%get3A_2691, %get3A_2692, %get3A_2693] {strides = array<i32>} : memref<32x8x128xf32, #tpu.memory_space<vmem>>, vector<1x1x16xf32>,
    %get3A_2695 = vector.shape_cast %get3A_2694 : vector<1x1x16xf32> to vector<16xf32>
    %swap3A_2696 = arith.constant 16 : i32
    %swap3A_2697 = arith.index_cast %swap3A_2696 : i32 to index
    %swap3A_2698 = arith.constant 0 : index
    %swap3A_2699 = tpu.vector_load %arg7[%swap3A_2697, %swap3A_2698] {strides = array<i32>} : memref<32x128xf32, #tpu.memory_space<vmem>>, vector<1x16xf32>,
    %swap3A_2700 = vector.shape_cast %swap3A_2699 : vector<1x16xf32> to vector<16xf32>
    %swap3A_2701 = vector.shape_cast %get3A_2695 : vector<16xf32> to vector<1x16xf32>
    tpu.vector_store %arg7[%swap3A_2697, %swap3A_2698], %swap3A_2701 {strides = array<i32>} : memref<32x128xf32, #tpu.memory_space<vmem>>, vector<1x16xf32>,
    %get3A_2702 = arith.constant 16 : i32
    %get3A_2703 = arith.constant 0 : i32
    %get3A_2704 = arith.index_cast %get3A_2702 : i32 to index
    %get3A_2705 = arith.index_cast %get3A_2703 : i32 to index
    %get3A_2706 = arith.constant 16 : index
    %get3A_2707 = tpu.vector_load %arg6[%get3A_2704, %get3A_2705, %get3A_2706] {strides = array<i32>} : memref<32x8x128xf32, #tpu.memory_space<vmem>>, vector<1x1x16xf32>,
    %get3A_2708 = vector.shape_cast %get3A_2707 : vector<1x1x16xf32> to vector<16xf32>
    %swap3A_2709 = arith.constant 16 : i32
    %swap3A_2710 = arith.index_cast %swap3A_2709 : i32 to index
    %swap3A_2711 = arith.constant 16 : index
    %swap3A_2712 = tpu.vector_load %arg7[%swap3A_2710, %swap3A_2711] {strides = array<i32>} : memref<32x128xf32, #tpu.memory_space<vmem>>, vector<1x16xf32>,
    %swap3A_2713 = vector.shape_cast %swap3A_2712 : vector<1x16xf32> to vector<16xf32>
    %swap3A_2714 = vector.shape_cast %get3A_2708 : vector<16xf32> to vector<1x16xf32>
    tpu.vector_store %arg7[%swap3A_2710, %swap3A_2711], %swap3A_2714 {strides = array<i32>} : memref<32x128xf32, #tpu.memory_space<vmem>>, vector<1x16xf32>,
    %get3A_2715 = arith.constant 16 : i32
    %get3A_2716 = arith.constant 0 : i32
    %get3A_2717 = arith.index_cast %get3A_2715 : i32 to index
    %get3A_2718 = arith.index_cast %get3A_2716 : i32 to index
    %get3A_2719 = arith.constant 32 : index
    %get3A_2720 = tpu.vector_load %arg6[%get3A_2717, %get3A_2718, %get3A_2719] {strides = array<i32>} : memref<32x8x128xf32, #tpu.memory_space<vmem>>, vector<1x1x16xf32>,
    %get3A_2721 = vector.shape_cast %get3A_2720 : vector<1x1x16xf32> to vector<16xf32>
    %swap3A_2722 = arith.constant 16 : i32
    %swap3A_2723 = arith.index_cast %swap3A_2722 : i32 to index
    %swap3A_2724 = arith.constant 32 : index
    %swap3A_2725 = tpu.vector_load %arg7[%swap3A_2723, %swap3A_2724] {strides = array<i32>} : memref<32x128xf32, #tpu.memory_space<vmem>>, vector<1x16xf32>,
    %swap3A_2726 = vector.shape_cast %swap3A_2725 : vector<1x16xf32> to vector<16xf32>
    %swap3A_2727 = vector.shape_cast %get3A_2721 : vector<16xf32> to vector<1x16xf32>
    tpu.vector_store %arg7[%swap3A_2723, %swap3A_2724], %swap3A_2727 {strides = array<i32>} : memref<32x128xf32, #tpu.memory_space<vmem>>, vector<1x16xf32>,
    %get3A_2728 = arith.constant 16 : i32
    %get3A_2729 = arith.constant 0 : i32
    %get3A_2730 = arith.index_cast %get3A_2728 : i32 to index
    %get3A_2731 = arith.index_cast %get3A_2729 : i32 to index
    %get3A_2732 = arith.constant 48 : index
    %get3A_2733 = tpu.vector_load %arg6[%get3A_2730, %get3A_2731, %get3A_2732] {strides = array<i32>} : memref<32x8x128xf32, #tpu.memory_space<vmem>>, vector<1x1x16xf32>,
    %get3A_2734 = vector.shape_cast %get3A_2733 : vector<1x1x16xf32> to vector<16xf32>
    %swap3A_2735 = arith.constant 16 : i32
    %swap3A_2736 = arith.index_cast %swap3A_2735 : i32 to index
    %swap3A_2737 = arith.constant 48 : index
    %swap3A_2738 = tpu.vector_load %arg7[%swap3A_2736, %swap3A_2737] {strides = array<i32>} : memref<32x128xf32, #tpu.memory_space<vmem>>, vector<1x16xf32>,
    %swap3A_2739 = vector.shape_cast %swap3A_2738 : vector<1x16xf32> to vector<16xf32>
    %swap3A_2740 = vector.shape_cast %get3A_2734 : vector<16xf32> to vector<1x16xf32>
    tpu.vector_store %arg7[%swap3A_2736, %swap3A_2737], %swap3A_2740 {strides = array<i32>} : memref<32x128xf32, #tpu.memory_space<vmem>>, vector<1x16xf32>,
    %get3A_2741 = arith.constant 16 : i32
    %get3A_2742 = arith.constant 0 : i32
    %get3A_2743 = arith.index_cast %get3A_2741 : i32 to index
    %get3A_2744 = arith.index_cast %get3A_2742 : i32 to index
    %get3A_2745 = arith.constant 64 : index
    %get3A_2746 = tpu.vector_load %arg6[%get3A_2743, %get3A_2744, %get3A_2745] {strides = array<i32>} : memref<32x8x128xf32, #tpu.memory_space<vmem>>, vector<1x1x16xf32>,
    %get3A_2747 = vector.shape_cast %get3A_2746 : vector<1x1x16xf32> to vector<16xf32>
    %swap3A_2748 = arith.constant 16 : i32
    %swap3A_2749 = arith.index_cast %swap3A_2748 : i32 to index
    %swap3A_2750 = arith.constant 64 : index
    %swap3A_2751 = tpu.vector_load %arg7[%swap3A_2749, %swap3A_2750] {strides = array<i32>} : memref<32x128xf32, #tpu.memory_space<vmem>>, vector<1x16xf32>,
    %swap3A_2752 = vector.shape_cast %swap3A_2751 : vector<1x16xf32> to vector<16xf32>
    %swap3A_2753 = vector.shape_cast %get3A_2747 : vector<16xf32> to vector<1x16xf32>
    tpu.vector_store %arg7[%swap3A_2749, %swap3A_2750], %swap3A_2753 {strides = array<i32>} : memref<32x128xf32, #tpu.memory_space<vmem>>, vector<1x16xf32>,
    %get3A_2754 = arith.constant 16 : i32
    %get3A_2755 = arith.constant 0 : i32
    %get3A_2756 = arith.index_cast %get3A_2754 : i32 to index
    %get3A_2757 = arith.index_cast %get3A_2755 : i32 to index
    %get3A_2758 = arith.constant 80 : index
    %get3A_2759 = tpu.vector_load %arg6[%get3A_2756, %get3A_2757, %get3A_2758] {strides = array<i32>} : memref<32x8x128xf32, #tpu.memory_space<vmem>>, vector<1x1x16xf32>,
    %get3A_2760 = vector.shape_cast %get3A_2759 : vector<1x1x16xf32> to vector<16xf32>
    %swap3A_2761 = arith.constant 16 : i32
    %swap3A_2762 = arith.index_cast %swap3A_2761 : i32 to index
    %swap3A_2763 = arith.constant 80 : index
    %swap3A_2764 = tpu.vector_load %arg7[%swap3A_2762, %swap3A_2763] {strides = array<i32>} : memref<32x128xf32, #tpu.memory_space<vmem>>, vector<1x16xf32>,
    %swap3A_2765 = vector.shape_cast %swap3A_2764 : vector<1x16xf32> to vector<16xf32>
    %swap3A_2766 = vector.shape_cast %get3A_2760 : vector<16xf32> to vector<1x16xf32>
    tpu.vector_store %arg7[%swap3A_2762, %swap3A_2763], %swap3A_2766 {strides = array<i32>} : memref<32x128xf32, #tpu.memory_space<vmem>>, vector<1x16xf32>,
    %get3A_2767 = arith.constant 16 : i32
    %get3A_2768 = arith.constant 0 : i32
    %get3A_2769 = arith.index_cast %get3A_2767 : i32 to index
    %get3A_2770 = arith.index_cast %get3A_2768 : i32 to index
    %get3A_2771 = arith.constant 96 : index
    %get3A_2772 = tpu.vector_load %arg6[%get3A_2769, %get3A_2770, %get3A_2771] {strides = array<i32>} : memref<32x8x128xf32, #tpu.memory_space<vmem>>, vector<1x1x16xf32>,
    %get3A_2773 = vector.shape_cast %get3A_2772 : vector<1x1x16xf32> to vector<16xf32>
    %swap3A_2774 = arith.constant 16 : i32
    %swap3A_2775 = arith.index_cast %swap3A_2774 : i32 to index
    %swap3A_2776 = arith.constant 96 : index
    %swap3A_2777 = tpu.vector_load %arg7[%swap3A_2775, %swap3A_2776] {strides = array<i32>} : memref<32x128xf32, #tpu.memory_space<vmem>>, vector<1x16xf32>,
    %swap3A_2778 = vector.shape_cast %swap3A_2777 : vector<1x16xf32> to vector<16xf32>
    %swap3A_2779 = vector.shape_cast %get3A_2773 : vector<16xf32> to vector<1x16xf32>
    tpu.vector_store %arg7[%swap3A_2775, %swap3A_2776], %swap3A_2779 {strides = array<i32>} : memref<32x128xf32, #tpu.memory_space<vmem>>, vector<1x16xf32>,
    %get3A_2780 = arith.constant 16 : i32
    %get3A_2781 = arith.constant 0 : i32
    %get3A_2782 = arith.index_cast %get3A_2780 : i32 to index
    %get3A_2783 = arith.index_cast %get3A_2781 : i32 to index
    %get3A_2784 = arith.constant 112 : index
    %get3A_2785 = tpu.vector_load %arg6[%get3A_2782, %get3A_2783, %get3A_2784] {strides = array<i32>} : memref<32x8x128xf32, #tpu.memory_space<vmem>>, vector<1x1x16xf32>,
    %get3A_2786 = vector.shape_cast %get3A_2785 : vector<1x1x16xf32> to vector<16xf32>
    %swap3A_2787 = arith.constant 16 : i32
    %swap3A_2788 = arith.index_cast %swap3A_2787 : i32 to index
    %swap3A_2789 = arith.constant 112 : index
    %swap3A_2790 = tpu.vector_load %arg7[%swap3A_2788, %swap3A_2789] {strides = array<i32>} : memref<32x128xf32, #tpu.memory_space<vmem>>, vector<1x16xf32>,
    %swap3A_2791 = vector.shape_cast %swap3A_2790 : vector<1x16xf32> to vector<16xf32>
    %swap3A_2792 = vector.shape_cast %get3A_2786 : vector<16xf32> to vector<1x16xf32>
    tpu.vector_store %arg7[%swap3A_2788, %swap3A_2789], %swap3A_2792 {strides = array<i32>} : memref<32x128xf32, #tpu.memory_space<vmem>>, vector<1x16xf32>,
    %get3A_2793 = arith.constant 17 : i32
    %get3A_2794 = arith.constant 1 : i32
    %get3A_2795 = arith.index_cast %get3A_2793 : i32 to index
    %get3A_2796 = arith.index_cast %get3A_2794 : i32 to index
    %get3A_2797 = arith.constant 0 : index
    %get3A_2798 = tpu.vector_load %arg6[%get3A_2795, %get3A_2796, %get3A_2797] {strides = array<i32>} : memref<32x8x128xf32, #tpu.memory_space<vmem>>, vector<1x1x16xf32>,
    %get3A_2799 = vector.shape_cast %get3A_2798 : vector<1x1x16xf32> to vector<16xf32>
    %swap3A_2800 = arith.constant 17 : i32
    %swap3A_2801 = arith.index_cast %swap3A_2800 : i32 to index
    %swap3A_2802 = arith.constant 0 : index
    %swap3A_2803 = tpu.vector_load %arg7[%swap3A_2801, %swap3A_2802] {strides = array<i32>} : memref<32x128xf32, #tpu.memory_space<vmem>>, vector<1x16xf32>,
    %swap3A_2804 = vector.shape_cast %swap3A_2803 : vector<1x16xf32> to vector<16xf32>
    %swap3A_2805 = vector.shape_cast %get3A_2799 : vector<16xf32> to vector<1x16xf32>
    tpu.vector_store %arg7[%swap3A_2801, %swap3A_2802], %swap3A_2805 {strides = array<i32>} : memref<32x128xf32, #tpu.memory_space<vmem>>, vector<1x16xf32>,
    %get3A_2806 = arith.constant 17 : i32
    %get3A_2807 = arith.constant 1 : i32
    %get3A_2808 = arith.index_cast %get3A_2806 : i32 to index
    %get3A_2809 = arith.index_cast %get3A_2807 : i32 to index
    %get3A_2810 = arith.constant 16 : index
    %get3A_2811 = tpu.vector_load %arg6[%get3A_2808, %get3A_2809, %get3A_2810] {strides = array<i32>} : memref<32x8x128xf32, #tpu.memory_space<vmem>>, vector<1x1x16xf32>,
    %get3A_2812 = vector.shape_cast %get3A_2811 : vector<1x1x16xf32> to vector<16xf32>
    %swap3A_2813 = arith.constant 17 : i32
    %swap3A_2814 = arith.index_cast %swap3A_2813 : i32 to index
    %swap3A_2815 = arith.constant 16 : index
    %swap3A_2816 = tpu.vector_load %arg7[%swap3A_2814, %swap3A_2815] {strides = array<i32>} : memref<32x128xf32, #tpu.memory_space<vmem>>, vector<1x16xf32>,
    %swap3A_2817 = vector.shape_cast %swap3A_2816 : vector<1x16xf32> to vector<16xf32>
    %swap3A_2818 = vector.shape_cast %get3A_2812 : vector<16xf32> to vector<1x16xf32>
    tpu.vector_store %arg7[%swap3A_2814, %swap3A_2815], %swap3A_2818 {strides = array<i32>} : memref<32x128xf32, #tpu.memory_space<vmem>>, vector<1x16xf32>,
    %get3A_2819 = arith.constant 17 : i32
    %get3A_2820 = arith.constant 1 : i32
    %get3A_2821 = arith.index_cast %get3A_2819 : i32 to index
    %get3A_2822 = arith.index_cast %get3A_2820 : i32 to index
    %get3A_2823 = arith.constant 32 : index
    %get3A_2824 = tpu.vector_load %arg6[%get3A_2821, %get3A_2822, %get3A_2823] {strides = array<i32>} : memref<32x8x128xf32, #tpu.memory_space<vmem>>, vector<1x1x16xf32>,
    %get3A_2825 = vector.shape_cast %get3A_2824 : vector<1x1x16xf32> to vector<16xf32>
    %swap3A_2826 = arith.constant 17 : i32
    %swap3A_2827 = arith.index_cast %swap3A_2826 : i32 to index
    %swap3A_2828 = arith.constant 32 : index
    %swap3A_2829 = tpu.vector_load %arg7[%swap3A_2827, %swap3A_2828] {strides = array<i32>} : memref<32x128xf32, #tpu.memory_space<vmem>>, vector<1x16xf32>,
    %swap3A_2830 = vector.shape_cast %swap3A_2829 : vector<1x16xf32> to vector<16xf32>
    %swap3A_2831 = vector.shape_cast %get3A_2825 : vector<16xf32> to vector<1x16xf32>
    tpu.vector_store %arg7[%swap3A_2827, %swap3A_2828], %swap3A_2831 {strides = array<i32>} : memref<32x128xf32, #tpu.memory_space<vmem>>, vector<1x16xf32>,
    %get3A_2832 = arith.constant 17 : i32
    %get3A_2833 = arith.constant 1 : i32
    %get3A_2834 = arith.index_cast %get3A_2832 : i32 to index
    %get3A_2835 = arith.index_cast %get3A_2833 : i32 to index
    %get3A_2836 = arith.constant 48 : index
    %get3A_2837 = tpu.vector_load %arg6[%get3A_2834, %get3A_2835, %get3A_2836] {strides = array<i32>} : memref<32x8x128xf32, #tpu.memory_space<vmem>>, vector<1x1x16xf32>,
    %get3A_2838 = vector.shape_cast %get3A_2837 : vector<1x1x16xf32> to vector<16xf32>
    %swap3A_2839 = arith.constant 17 : i32
    %swap3A_2840 = arith.index_cast %swap3A_2839 : i32 to index
    %swap3A_2841 = arith.constant 48 : index
    %swap3A_2842 = tpu.vector_load %arg7[%swap3A_2840, %swap3A_2841] {strides = array<i32>} : memref<32x128xf32, #tpu.memory_space<vmem>>, vector<1x16xf32>,
    %swap3A_2843 = vector.shape_cast %swap3A_2842 : vector<1x16xf32> to vector<16xf32>
    %swap3A_2844 = vector.shape_cast %get3A_2838 : vector<16xf32> to vector<1x16xf32>
    tpu.vector_store %arg7[%swap3A_2840, %swap3A_2841], %swap3A_2844 {strides = array<i32>} : memref<32x128xf32, #tpu.memory_space<vmem>>, vector<1x16xf32>,
    %get3A_2845 = arith.constant 17 : i32
    %get3A_2846 = arith.constant 1 : i32
    %get3A_2847 = arith.index_cast %get3A_2845 : i32 to index
    %get3A_2848 = arith.index_cast %get3A_2846 : i32 to index
    %get3A_2849 = arith.constant 64 : index
    %get3A_2850 = tpu.vector_load %arg6[%get3A_2847, %get3A_2848, %get3A_2849] {strides = array<i32>} : memref<32x8x128xf32, #tpu.memory_space<vmem>>, vector<1x1x16xf32>,
    %get3A_2851 = vector.shape_cast %get3A_2850 : vector<1x1x16xf32> to vector<16xf32>
    %swap3A_2852 = arith.constant 17 : i32
    %swap3A_2853 = arith.index_cast %swap3A_2852 : i32 to index
    %swap3A_2854 = arith.constant 64 : index
    %swap3A_2855 = tpu.vector_load %arg7[%swap3A_2853, %swap3A_2854] {strides = array<i32>} : memref<32x128xf32, #tpu.memory_space<vmem>>, vector<1x16xf32>,
    %swap3A_2856 = vector.shape_cast %swap3A_2855 : vector<1x16xf32> to vector<16xf32>
    %swap3A_2857 = vector.shape_cast %get3A_2851 : vector<16xf32> to vector<1x16xf32>
    tpu.vector_store %arg7[%swap3A_2853, %swap3A_2854], %swap3A_2857 {strides = array<i32>} : memref<32x128xf32, #tpu.memory_space<vmem>>, vector<1x16xf32>,
    %get3A_2858 = arith.constant 17 : i32
    %get3A_2859 = arith.constant 1 : i32
    %get3A_2860 = arith.index_cast %get3A_2858 : i32 to index
    %get3A_2861 = arith.index_cast %get3A_2859 : i32 to index
    %get3A_2862 = arith.constant 80 : index
    %get3A_2863 = tpu.vector_load %arg6[%get3A_2860, %get3A_2861, %get3A_2862] {strides = array<i32>} : memref<32x8x128xf32, #tpu.memory_space<vmem>>, vector<1x1x16xf32>,
    %get3A_2864 = vector.shape_cast %get3A_2863 : vector<1x1x16xf32> to vector<16xf32>
    %swap3A_2865 = arith.constant 17 : i32
    %swap3A_2866 = arith.index_cast %swap3A_2865 : i32 to index
    %swap3A_2867 = arith.constant 80 : index
    %swap3A_2868 = tpu.vector_load %arg7[%swap3A_2866, %swap3A_2867] {strides = array<i32>} : memref<32x128xf32, #tpu.memory_space<vmem>>, vector<1x16xf32>,
    %swap3A_2869 = vector.shape_cast %swap3A_2868 : vector<1x16xf32> to vector<16xf32>
    %swap3A_2870 = vector.shape_cast %get3A_2864 : vector<16xf32> to vector<1x16xf32>
    tpu.vector_store %arg7[%swap3A_2866, %swap3A_2867], %swap3A_2870 {strides = array<i32>} : memref<32x128xf32, #tpu.memory_space<vmem>>, vector<1x16xf32>,
    %get3A_2871 = arith.constant 17 : i32
    %get3A_2872 = arith.constant 1 : i32
    %get3A_2873 = arith.index_cast %get3A_2871 : i32 to index
    %get3A_2874 = arith.index_cast %get3A_2872 : i32 to index
    %get3A_2875 = arith.constant 96 : index
    %get3A_2876 = tpu.vector_load %arg6[%get3A_2873, %get3A_2874, %get3A_2875] {strides = array<i32>} : memref<32x8x128xf32, #tpu.memory_space<vmem>>, vector<1x1x16xf32>,
    %get3A_2877 = vector.shape_cast %get3A_2876 : vector<1x1x16xf32> to vector<16xf32>
    %swap3A_2878 = arith.constant 17 : i32
    %swap3A_2879 = arith.index_cast %swap3A_2878 : i32 to index
    %swap3A_2880 = arith.constant 96 : index
    %swap3A_2881 = tpu.vector_load %arg7[%swap3A_2879, %swap3A_2880] {strides = array<i32>} : memref<32x128xf32, #tpu.memory_space<vmem>>, vector<1x16xf32>,
    %swap3A_2882 = vector.shape_cast %swap3A_2881 : vector<1x16xf32> to vector<16xf32>
    %swap3A_2883 = vector.shape_cast %get3A_2877 : vector<16xf32> to vector<1x16xf32>
    tpu.vector_store %arg7[%swap3A_2879, %swap3A_2880], %swap3A_2883 {strides = array<i32>} : memref<32x128xf32, #tpu.memory_space<vmem>>, vector<1x16xf32>,
    %get3A_2884 = arith.constant 17 : i32
    %get3A_2885 = arith.constant 1 : i32
    %get3A_2886 = arith.index_cast %get3A_2884 : i32 to index
    %get3A_2887 = arith.index_cast %get3A_2885 : i32 to index
    %get3A_2888 = arith.constant 112 : index
    %get3A_2889 = tpu.vector_load %arg6[%get3A_2886, %get3A_2887, %get3A_2888] {strides = array<i32>} : memref<32x8x128xf32, #tpu.memory_space<vmem>>, vector<1x1x16xf32>,
    %get3A_2890 = vector.shape_cast %get3A_2889 : vector<1x1x16xf32> to vector<16xf32>
    %swap3A_2891 = arith.constant 17 : i32
    %swap3A_2892 = arith.index_cast %swap3A_2891 : i32 to index
    %swap3A_2893 = arith.constant 112 : index
    %swap3A_2894 = tpu.vector_load %arg7[%swap3A_2892, %swap3A_2893] {strides = array<i32>} : memref<32x128xf32, #tpu.memory_space<vmem>>, vector<1x16xf32>,
    %swap3A_2895 = vector.shape_cast %swap3A_2894 : vector<1x16xf32> to vector<16xf32>
    %swap3A_2896 = vector.shape_cast %get3A_2890 : vector<16xf32> to vector<1x16xf32>
    tpu.vector_store %arg7[%swap3A_2892, %swap3A_2893], %swap3A_2896 {strides = array<i32>} : memref<32x128xf32, #tpu.memory_space<vmem>>, vector<1x16xf32>,
    %get3A_2897 = arith.constant 18 : i32
    %get3A_2898 = arith.constant 2 : i32
    %get3A_2899 = arith.index_cast %get3A_2897 : i32 to index
    %get3A_2900 = arith.index_cast %get3A_2898 : i32 to index
    %get3A_2901 = arith.constant 0 : index
    %get3A_2902 = tpu.vector_load %arg6[%get3A_2899, %get3A_2900, %get3A_2901] {strides = array<i32>} : memref<32x8x128xf32, #tpu.memory_space<vmem>>, vector<1x1x16xf32>,
    %get3A_2903 = vector.shape_cast %get3A_2902 : vector<1x1x16xf32> to vector<16xf32>
    %swap3A_2904 = arith.constant 18 : i32
    %swap3A_2905 = arith.index_cast %swap3A_2904 : i32 to index
    %swap3A_2906 = arith.constant 0 : index
    %swap3A_2907 = tpu.vector_load %arg7[%swap3A_2905, %swap3A_2906] {strides = array<i32>} : memref<32x128xf32, #tpu.memory_space<vmem>>, vector<1x16xf32>,
    %swap3A_2908 = vector.shape_cast %swap3A_2907 : vector<1x16xf32> to vector<16xf32>
    %swap3A_2909 = vector.shape_cast %get3A_2903 : vector<16xf32> to vector<1x16xf32>
    tpu.vector_store %arg7[%swap3A_2905, %swap3A_2906], %swap3A_2909 {strides = array<i32>} : memref<32x128xf32, #tpu.memory_space<vmem>>, vector<1x16xf32>,
    %get3A_2910 = arith.constant 18 : i32
    %get3A_2911 = arith.constant 2 : i32
    %get3A_2912 = arith.index_cast %get3A_2910 : i32 to index
    %get3A_2913 = arith.index_cast %get3A_2911 : i32 to index
    %get3A_2914 = arith.constant 16 : index
    %get3A_2915 = tpu.vector_load %arg6[%get3A_2912, %get3A_2913, %get3A_2914] {strides = array<i32>} : memref<32x8x128xf32, #tpu.memory_space<vmem>>, vector<1x1x16xf32>,
    %get3A_2916 = vector.shape_cast %get3A_2915 : vector<1x1x16xf32> to vector<16xf32>
    %swap3A_2917 = arith.constant 18 : i32
    %swap3A_2918 = arith.index_cast %swap3A_2917 : i32 to index
    %swap3A_2919 = arith.constant 16 : index
    %swap3A_2920 = tpu.vector_load %arg7[%swap3A_2918, %swap3A_2919] {strides = array<i32>} : memref<32x128xf32, #tpu.memory_space<vmem>>, vector<1x16xf32>,
    %swap3A_2921 = vector.shape_cast %swap3A_2920 : vector<1x16xf32> to vector<16xf32>
    %swap3A_2922 = vector.shape_cast %get3A_2916 : vector<16xf32> to vector<1x16xf32>
    tpu.vector_store %arg7[%swap3A_2918, %swap3A_2919], %swap3A_2922 {strides = array<i32>} : memref<32x128xf32, #tpu.memory_space<vmem>>, vector<1x16xf32>,
    %get3A_2923 = arith.constant 18 : i32
    %get3A_2924 = arith.constant 2 : i32
    %get3A_2925 = arith.index_cast %get3A_2923 : i32 to index
    %get3A_2926 = arith.index_cast %get3A_2924 : i32 to index
    %get3A_2927 = arith.constant 32 : index
    %get3A_2928 = tpu.vector_load %arg6[%get3A_2925, %get3A_2926, %get3A_2927] {strides = array<i32>} : memref<32x8x128xf32, #tpu.memory_space<vmem>>, vector<1x1x16xf32>,
    %get3A_2929 = vector.shape_cast %get3A_2928 : vector<1x1x16xf32> to vector<16xf32>
    %swap3A_2930 = arith.constant 18 : i32
    %swap3A_2931 = arith.index_cast %swap3A_2930 : i32 to index
    %swap3A_2932 = arith.constant 32 : index
    %swap3A_2933 = tpu.vector_load %arg7[%swap3A_2931, %swap3A_2932] {strides = array<i32>} : memref<32x128xf32, #tpu.memory_space<vmem>>, vector<1x16xf32>,
    %swap3A_2934 = vector.shape_cast %swap3A_2933 : vector<1x16xf32> to vector<16xf32>
    %swap3A_2935 = vector.shape_cast %get3A_2929 : vector<16xf32> to vector<1x16xf32>
    tpu.vector_store %arg7[%swap3A_2931, %swap3A_2932], %swap3A_2935 {strides = array<i32>} : memref<32x128xf32, #tpu.memory_space<vmem>>, vector<1x16xf32>,
    %get3A_2936 = arith.constant 18 : i32
    %get3A_2937 = arith.constant 2 : i32
    %get3A_2938 = arith.index_cast %get3A_2936 : i32 to index
    %get3A_2939 = arith.index_cast %get3A_2937 : i32 to index
    %get3A_2940 = arith.constant 48 : index
    %get3A_2941 = tpu.vector_load %arg6[%get3A_2938, %get3A_2939, %get3A_2940] {strides = array<i32>} : memref<32x8x128xf32, #tpu.memory_space<vmem>>, vector<1x1x16xf32>,
    %get3A_2942 = vector.shape_cast %get3A_2941 : vector<1x1x16xf32> to vector<16xf32>
    %swap3A_2943 = arith.constant 18 : i32
    %swap3A_2944 = arith.index_cast %swap3A_2943 : i32 to index
    %swap3A_2945 = arith.constant 48 : index
    %swap3A_2946 = tpu.vector_load %arg7[%swap3A_2944, %swap3A_2945] {strides = array<i32>} : memref<32x128xf32, #tpu.memory_space<vmem>>, vector<1x16xf32>,
    %swap3A_2947 = vector.shape_cast %swap3A_2946 : vector<1x16xf32> to vector<16xf32>
    %swap3A_2948 = vector.shape_cast %get3A_2942 : vector<16xf32> to vector<1x16xf32>
    tpu.vector_store %arg7[%swap3A_2944, %swap3A_2945], %swap3A_2948 {strides = array<i32>} : memref<32x128xf32, #tpu.memory_space<vmem>>, vector<1x16xf32>,
    %get3A_2949 = arith.constant 18 : i32
    %get3A_2950 = arith.constant 2 : i32
    %get3A_2951 = arith.index_cast %get3A_2949 : i32 to index
    %get3A_2952 = arith.index_cast %get3A_2950 : i32 to index
    %get3A_2953 = arith.constant 64 : index
    %get3A_2954 = tpu.vector_load %arg6[%get3A_2951, %get3A_2952, %get3A_2953] {strides = array<i32>} : memref<32x8x128xf32, #tpu.memory_space<vmem>>, vector<1x1x16xf32>,
    %get3A_2955 = vector.shape_cast %get3A_2954 : vector<1x1x16xf32> to vector<16xf32>
    %swap3A_2956 = arith.constant 18 : i32
    %swap3A_2957 = arith.index_cast %swap3A_2956 : i32 to index
    %swap3A_2958 = arith.constant 64 : index
    %swap3A_2959 = tpu.vector_load %arg7[%swap3A_2957, %swap3A_2958] {strides = array<i32>} : memref<32x128xf32, #tpu.memory_space<vmem>>, vector<1x16xf32>,
    %swap3A_2960 = vector.shape_cast %swap3A_2959 : vector<1x16xf32> to vector<16xf32>
    %swap3A_2961 = vector.shape_cast %get3A_2955 : vector<16xf32> to vector<1x16xf32>
    tpu.vector_store %arg7[%swap3A_2957, %swap3A_2958], %swap3A_2961 {strides = array<i32>} : memref<32x128xf32, #tpu.memory_space<vmem>>, vector<1x16xf32>,
    %get3A_2962 = arith.constant 18 : i32
    %get3A_2963 = arith.constant 2 : i32
    %get3A_2964 = arith.index_cast %get3A_2962 : i32 to index
    %get3A_2965 = arith.index_cast %get3A_2963 : i32 to index
    %get3A_2966 = arith.constant 80 : index
    %get3A_2967 = tpu.vector_load %arg6[%get3A_2964, %get3A_2965, %get3A_2966] {strides = array<i32>} : memref<32x8x128xf32, #tpu.memory_space<vmem>>, vector<1x1x16xf32>,
    %get3A_2968 = vector.shape_cast %get3A_2967 : vector<1x1x16xf32> to vector<16xf32>
    %swap3A_2969 = arith.constant 18 : i32
    %swap3A_2970 = arith.index_cast %swap3A_2969 : i32 to index
    %swap3A_2971 = arith.constant 80 : index
    %swap3A_2972 = tpu.vector_load %arg7[%swap3A_2970, %swap3A_2971] {strides = array<i32>} : memref<32x128xf32, #tpu.memory_space<vmem>>, vector<1x16xf32>,
    %swap3A_2973 = vector.shape_cast %swap3A_2972 : vector<1x16xf32> to vector<16xf32>
    %swap3A_2974 = vector.shape_cast %get3A_2968 : vector<16xf32> to vector<1x16xf32>
    tpu.vector_store %arg7[%swap3A_2970, %swap3A_2971], %swap3A_2974 {strides = array<i32>} : memref<32x128xf32, #tpu.memory_space<vmem>>, vector<1x16xf32>,
    %get3A_2975 = arith.constant 18 : i32
    %get3A_2976 = arith.constant 2 : i32
    %get3A_2977 = arith.index_cast %get3A_2975 : i32 to index
    %get3A_2978 = arith.index_cast %get3A_2976 : i32 to index
    %get3A_2979 = arith.constant 96 : index
    %get3A_2980 = tpu.vector_load %arg6[%get3A_2977, %get3A_2978, %get3A_2979] {strides = array<i32>} : memref<32x8x128xf32, #tpu.memory_space<vmem>>, vector<1x1x16xf32>,
    %get3A_2981 = vector.shape_cast %get3A_2980 : vector<1x1x16xf32> to vector<16xf32>
    %swap3A_2982 = arith.constant 18 : i32
    %swap3A_2983 = arith.index_cast %swap3A_2982 : i32 to index
    %swap3A_2984 = arith.constant 96 : index
    %swap3A_2985 = tpu.vector_load %arg7[%swap3A_2983, %swap3A_2984] {strides = array<i32>} : memref<32x128xf32, #tpu.memory_space<vmem>>, vector<1x16xf32>,
    %swap3A_2986 = vector.shape_cast %swap3A_2985 : vector<1x16xf32> to vector<16xf32>
    %swap3A_2987 = vector.shape_cast %get3A_2981 : vector<16xf32> to vector<1x16xf32>
    tpu.vector_store %arg7[%swap3A_2983, %swap3A_2984], %swap3A_2987 {strides = array<i32>} : memref<32x128xf32, #tpu.memory_space<vmem>>, vector<1x16xf32>,
    %get3A_2988 = arith.constant 18 : i32
    %get3A_2989 = arith.constant 2 : i32
    %get3A_2990 = arith.index_cast %get3A_2988 : i32 to index
    %get3A_2991 = arith.index_cast %get3A_2989 : i32 to index
    %get3A_2992 = arith.constant 112 : index
    %get3A_2993 = tpu.vector_load %arg6[%get3A_2990, %get3A_2991, %get3A_2992] {strides = array<i32>} : memref<32x8x128xf32, #tpu.memory_space<vmem>>, vector<1x1x16xf32>,
    %get3A_2994 = vector.shape_cast %get3A_2993 : vector<1x1x16xf32> to vector<16xf32>
    %swap3A_2995 = arith.constant 18 : i32
    %swap3A_2996 = arith.index_cast %swap3A_2995 : i32 to index
    %swap3A_2997 = arith.constant 112 : index
    %swap3A_2998 = tpu.vector_load %arg7[%swap3A_2996, %swap3A_2997] {strides = array<i32>} : memref<32x128xf32, #tpu.memory_space<vmem>>, vector<1x16xf32>,
    %swap3A_2999 = vector.shape_cast %swap3A_2998 : vector<1x16xf32> to vector<16xf32>
    %swap3A_3000 = vector.shape_cast %get3A_2994 : vector<16xf32> to vector<1x16xf32>
    tpu.vector_store %arg7[%swap3A_2996, %swap3A_2997], %swap3A_3000 {strides = array<i32>} : memref<32x128xf32, #tpu.memory_space<vmem>>, vector<1x16xf32>,
    %get3A_3001 = arith.constant 19 : i32
    %get3A_3002 = arith.constant 3 : i32
    %get3A_3003 = arith.index_cast %get3A_3001 : i32 to index
    %get3A_3004 = arith.index_cast %get3A_3002 : i32 to index
    %get3A_3005 = arith.constant 0 : index
    %get3A_3006 = tpu.vector_load %arg6[%get3A_3003, %get3A_3004, %get3A_3005] {strides = array<i32>} : memref<32x8x128xf32, #tpu.memory_space<vmem>>, vector<1x1x16xf32>,
    %get3A_3007 = vector.shape_cast %get3A_3006 : vector<1x1x16xf32> to vector<16xf32>
    %swap3A_3008 = arith.constant 19 : i32
    %swap3A_3009 = arith.index_cast %swap3A_3008 : i32 to index
    %swap3A_3010 = arith.constant 0 : index
    %swap3A_3011 = tpu.vector_load %arg7[%swap3A_3009, %swap3A_3010] {strides = array<i32>} : memref<32x128xf32, #tpu.memory_space<vmem>>, vector<1x16xf32>,
    %swap3A_3012 = vector.shape_cast %swap3A_3011 : vector<1x16xf32> to vector<16xf32>
    %swap3A_3013 = vector.shape_cast %get3A_3007 : vector<16xf32> to vector<1x16xf32>
    tpu.vector_store %arg7[%swap3A_3009, %swap3A_3010], %swap3A_3013 {strides = array<i32>} : memref<32x128xf32, #tpu.memory_space<vmem>>, vector<1x16xf32>,
    %get3A_3014 = arith.constant 19 : i32
    %get3A_3015 = arith.constant 3 : i32
    %get3A_3016 = arith.index_cast %get3A_3014 : i32 to index
    %get3A_3017 = arith.index_cast %get3A_3015 : i32 to index
    %get3A_3018 = arith.constant 16 : index
    %get3A_3019 = tpu.vector_load %arg6[%get3A_3016, %get3A_3017, %get3A_3018] {strides = array<i32>} : memref<32x8x128xf32, #tpu.memory_space<vmem>>, vector<1x1x16xf32>,
    %get3A_3020 = vector.shape_cast %get3A_3019 : vector<1x1x16xf32> to vector<16xf32>
    %swap3A_3021 = arith.constant 19 : i32
    %swap3A_3022 = arith.index_cast %swap3A_3021 : i32 to index
    %swap3A_3023 = arith.constant 16 : index
    %swap3A_3024 = tpu.vector_load %arg7[%swap3A_3022, %swap3A_3023] {strides = array<i32>} : memref<32x128xf32, #tpu.memory_space<vmem>>, vector<1x16xf32>,
    %swap3A_3025 = vector.shape_cast %swap3A_3024 : vector<1x16xf32> to vector<16xf32>
    %swap3A_3026 = vector.shape_cast %get3A_3020 : vector<16xf32> to vector<1x16xf32>
    tpu.vector_store %arg7[%swap3A_3022, %swap3A_3023], %swap3A_3026 {strides = array<i32>} : memref<32x128xf32, #tpu.memory_space<vmem>>, vector<1x16xf32>,
    %get3A_3027 = arith.constant 19 : i32
    %get3A_3028 = arith.constant 3 : i32
    %get3A_3029 = arith.index_cast %get3A_3027 : i32 to index
    %get3A_3030 = arith.index_cast %get3A_3028 : i32 to index
    %get3A_3031 = arith.constant 32 : index
    %get3A_3032 = tpu.vector_load %arg6[%get3A_3029, %get3A_3030, %get3A_3031] {strides = array<i32>} : memref<32x8x128xf32, #tpu.memory_space<vmem>>, vector<1x1x16xf32>,
    %get3A_3033 = vector.shape_cast %get3A_3032 : vector<1x1x16xf32> to vector<16xf32>
    %swap3A_3034 = arith.constant 19 : i32
    %swap3A_3035 = arith.index_cast %swap3A_3034 : i32 to index
    %swap3A_3036 = arith.constant 32 : index
    %swap3A_3037 = tpu.vector_load %arg7[%swap3A_3035, %swap3A_3036] {strides = array<i32>} : memref<32x128xf32, #tpu.memory_space<vmem>>, vector<1x16xf32>,
    %swap3A_3038 = vector.shape_cast %swap3A_3037 : vector<1x16xf32> to vector<16xf32>
    %swap3A_3039 = vector.shape_cast %get3A_3033 : vector<16xf32> to vector<1x16xf32>
    tpu.vector_store %arg7[%swap3A_3035, %swap3A_3036], %swap3A_3039 {strides = array<i32>} : memref<32x128xf32, #tpu.memory_space<vmem>>, vector<1x16xf32>,
    %get3A_3040 = arith.constant 19 : i32
    %get3A_3041 = arith.constant 3 : i32
    %get3A_3042 = arith.index_cast %get3A_3040 : i32 to index
    %get3A_3043 = arith.index_cast %get3A_3041 : i32 to index
    %get3A_3044 = arith.constant 48 : index
    %get3A_3045 = tpu.vector_load %arg6[%get3A_3042, %get3A_3043, %get3A_3044] {strides = array<i32>} : memref<32x8x128xf32, #tpu.memory_space<vmem>>, vector<1x1x16xf32>,
    %get3A_3046 = vector.shape_cast %get3A_3045 : vector<1x1x16xf32> to vector<16xf32>
    %swap3A_3047 = arith.constant 19 : i32
    %swap3A_3048 = arith.index_cast %swap3A_3047 : i32 to index
    %swap3A_3049 = arith.constant 48 : index
    %swap3A_3050 = tpu.vector_load %arg7[%swap3A_3048, %swap3A_3049] {strides = array<i32>} : memref<32x128xf32, #tpu.memory_space<vmem>>, vector<1x16xf32>,
    %swap3A_3051 = vector.shape_cast %swap3A_3050 : vector<1x16xf32> to vector<16xf32>
    %swap3A_3052 = vector.shape_cast %get3A_3046 : vector<16xf32> to vector<1x16xf32>
    tpu.vector_store %arg7[%swap3A_3048, %swap3A_3049], %swap3A_3052 {strides = array<i32>} : memref<32x128xf32, #tpu.memory_space<vmem>>, vector<1x16xf32>,
    %get3A_3053 = arith.constant 19 : i32
    %get3A_3054 = arith.constant 3 : i32
    %get3A_3055 = arith.index_cast %get3A_3053 : i32 to index
    %get3A_3056 = arith.index_cast %get3A_3054 : i32 to index
    %get3A_3057 = arith.constant 64 : index
    %get3A_3058 = tpu.vector_load %arg6[%get3A_3055, %get3A_3056, %get3A_3057] {strides = array<i32>} : memref<32x8x128xf32, #tpu.memory_space<vmem>>, vector<1x1x16xf32>,
    %get3A_3059 = vector.shape_cast %get3A_3058 : vector<1x1x16xf32> to vector<16xf32>
    %swap3A_3060 = arith.constant 19 : i32
    %swap3A_3061 = arith.index_cast %swap3A_3060 : i32 to index
    %swap3A_3062 = arith.constant 64 : index
    %swap3A_3063 = tpu.vector_load %arg7[%swap3A_3061, %swap3A_3062] {strides = array<i32>} : memref<32x128xf32, #tpu.memory_space<vmem>>, vector<1x16xf32>,
    %swap3A_3064 = vector.shape_cast %swap3A_3063 : vector<1x16xf32> to vector<16xf32>
    %swap3A_3065 = vector.shape_cast %get3A_3059 : vector<16xf32> to vector<1x16xf32>
    tpu.vector_store %arg7[%swap3A_3061, %swap3A_3062], %swap3A_3065 {strides = array<i32>} : memref<32x128xf32, #tpu.memory_space<vmem>>, vector<1x16xf32>,
    %get3A_3066 = arith.constant 19 : i32
    %get3A_3067 = arith.constant 3 : i32
    %get3A_3068 = arith.index_cast %get3A_3066 : i32 to index
    %get3A_3069 = arith.index_cast %get3A_3067 : i32 to index
    %get3A_3070 = arith.constant 80 : index
    %get3A_3071 = tpu.vector_load %arg6[%get3A_3068, %get3A_3069, %get3A_3070] {strides = array<i32>} : memref<32x8x128xf32, #tpu.memory_space<vmem>>, vector<1x1x16xf32>,
    %get3A_3072 = vector.shape_cast %get3A_3071 : vector<1x1x16xf32> to vector<16xf32>
    %swap3A_3073 = arith.constant 19 : i32
    %swap3A_3074 = arith.index_cast %swap3A_3073 : i32 to index
    %swap3A_3075 = arith.constant 80 : index
    %swap3A_3076 = tpu.vector_load %arg7[%swap3A_3074, %swap3A_3075] {strides = array<i32>} : memref<32x128xf32, #tpu.memory_space<vmem>>, vector<1x16xf32>,
    %swap3A_3077 = vector.shape_cast %swap3A_3076 : vector<1x16xf32> to vector<16xf32>
    %swap3A_3078 = vector.shape_cast %get3A_3072 : vector<16xf32> to vector<1x16xf32>
    tpu.vector_store %arg7[%swap3A_3074, %swap3A_3075], %swap3A_3078 {strides = array<i32>} : memref<32x128xf32, #tpu.memory_space<vmem>>, vector<1x16xf32>,
    %get3A_3079 = arith.constant 19 : i32
    %get3A_3080 = arith.constant 3 : i32
    %get3A_3081 = arith.index_cast %get3A_3079 : i32 to index
    %get3A_3082 = arith.index_cast %get3A_3080 : i32 to index
    %get3A_3083 = arith.constant 96 : index
    %get3A_3084 = tpu.vector_load %arg6[%get3A_3081, %get3A_3082, %get3A_3083] {strides = array<i32>} : memref<32x8x128xf32, #tpu.memory_space<vmem>>, vector<1x1x16xf32>,
    %get3A_3085 = vector.shape_cast %get3A_3084 : vector<1x1x16xf32> to vector<16xf32>
    %swap3A_3086 = arith.constant 19 : i32
    %swap3A_3087 = arith.index_cast %swap3A_3086 : i32 to index
    %swap3A_3088 = arith.constant 96 : index
    %swap3A_3089 = tpu.vector_load %arg7[%swap3A_3087, %swap3A_3088] {strides = array<i32>} : memref<32x128xf32, #tpu.memory_space<vmem>>, vector<1x16xf32>,
    %swap3A_3090 = vector.shape_cast %swap3A_3089 : vector<1x16xf32> to vector<16xf32>
    %swap3A_3091 = vector.shape_cast %get3A_3085 : vector<16xf32> to vector<1x16xf32>
    tpu.vector_store %arg7[%swap3A_3087, %swap3A_3088], %swap3A_3091 {strides = array<i32>} : memref<32x128xf32, #tpu.memory_space<vmem>>, vector<1x16xf32>,
    %get3A_3092 = arith.constant 19 : i32
    %get3A_3093 = arith.constant 3 : i32
    %get3A_3094 = arith.index_cast %get3A_3092 : i32 to index
    %get3A_3095 = arith.index_cast %get3A_3093 : i32 to index
    %get3A_3096 = arith.constant 112 : index
    %get3A_3097 = tpu.vector_load %arg6[%get3A_3094, %get3A_3095, %get3A_3096] {strides = array<i32>} : memref<32x8x128xf32, #tpu.memory_space<vmem>>, vector<1x1x16xf32>,
    %get3A_3098 = vector.shape_cast %get3A_3097 : vector<1x1x16xf32> to vector<16xf32>
    %swap3A_3099 = arith.constant 19 : i32
    %swap3A_3100 = arith.index_cast %swap3A_3099 : i32 to index
    %swap3A_3101 = arith.constant 112 : index
    %swap3A_3102 = tpu.vector_load %arg7[%swap3A_3100, %swap3A_3101] {strides = array<i32>} : memref<32x128xf32, #tpu.memory_space<vmem>>, vector<1x16xf32>,
    %swap3A_3103 = vector.shape_cast %swap3A_3102 : vector<1x16xf32> to vector<16xf32>
    %swap3A_3104 = vector.shape_cast %get3A_3098 : vector<16xf32> to vector<1x16xf32>
    tpu.vector_store %arg7[%swap3A_3100, %swap3A_3101], %swap3A_3104 {strides = array<i32>} : memref<32x128xf32, #tpu.memory_space<vmem>>, vector<1x16xf32>,
    %get3A_3105 = arith.constant 20 : i32
    %get3A_3106 = arith.constant 4 : i32
    %get3A_3107 = arith.index_cast %get3A_3105 : i32 to index
    %get3A_3108 = arith.index_cast %get3A_3106 : i32 to index
    %get3A_3109 = arith.constant 0 : index
    %get3A_3110 = tpu.vector_load %arg6[%get3A_3107, %get3A_3108, %get3A_3109] {strides = array<i32>} : memref<32x8x128xf32, #tpu.memory_space<vmem>>, vector<1x1x16xf32>,
    %get3A_3111 = vector.shape_cast %get3A_3110 : vector<1x1x16xf32> to vector<16xf32>
    %swap3A_3112 = arith.constant 20 : i32
    %swap3A_3113 = arith.index_cast %swap3A_3112 : i32 to index
    %swap3A_3114 = arith.constant 0 : index
    %swap3A_3115 = tpu.vector_load %arg7[%swap3A_3113, %swap3A_3114] {strides = array<i32>} : memref<32x128xf32, #tpu.memory_space<vmem>>, vector<1x16xf32>,
    %swap3A_3116 = vector.shape_cast %swap3A_3115 : vector<1x16xf32> to vector<16xf32>
    %swap3A_3117 = vector.shape_cast %get3A_3111 : vector<16xf32> to vector<1x16xf32>
    tpu.vector_store %arg7[%swap3A_3113, %swap3A_3114], %swap3A_3117 {strides = array<i32>} : memref<32x128xf32, #tpu.memory_space<vmem>>, vector<1x16xf32>,
    %get3A_3118 = arith.constant 20 : i32
    %get3A_3119 = arith.constant 4 : i32
    %get3A_3120 = arith.index_cast %get3A_3118 : i32 to index
    %get3A_3121 = arith.index_cast %get3A_3119 : i32 to index
    %get3A_3122 = arith.constant 16 : index
    %get3A_3123 = tpu.vector_load %arg6[%get3A_3120, %get3A_3121, %get3A_3122] {strides = array<i32>} : memref<32x8x128xf32, #tpu.memory_space<vmem>>, vector<1x1x16xf32>,
    %get3A_3124 = vector.shape_cast %get3A_3123 : vector<1x1x16xf32> to vector<16xf32>
    %swap3A_3125 = arith.constant 20 : i32
    %swap3A_3126 = arith.index_cast %swap3A_3125 : i32 to index
    %swap3A_3127 = arith.constant 16 : index
    %swap3A_3128 = tpu.vector_load %arg7[%swap3A_3126, %swap3A_3127] {strides = array<i32>} : memref<32x128xf32, #tpu.memory_space<vmem>>, vector<1x16xf32>,
    %swap3A_3129 = vector.shape_cast %swap3A_3128 : vector<1x16xf32> to vector<16xf32>
    %swap3A_3130 = vector.shape_cast %get3A_3124 : vector<16xf32> to vector<1x16xf32>
    tpu.vector_store %arg7[%swap3A_3126, %swap3A_3127], %swap3A_3130 {strides = array<i32>} : memref<32x128xf32, #tpu.memory_space<vmem>>, vector<1x16xf32>,
    %get3A_3131 = arith.constant 20 : i32
    %get3A_3132 = arith.constant 4 : i32
    %get3A_3133 = arith.index_cast %get3A_3131 : i32 to index
    %get3A_3134 = arith.index_cast %get3A_3132 : i32 to index
    %get3A_3135 = arith.constant 32 : index
    %get3A_3136 = tpu.vector_load %arg6[%get3A_3133, %get3A_3134, %get3A_3135] {strides = array<i32>} : memref<32x8x128xf32, #tpu.memory_space<vmem>>, vector<1x1x16xf32>,
    %get3A_3137 = vector.shape_cast %get3A_3136 : vector<1x1x16xf32> to vector<16xf32>
    %swap3A_3138 = arith.constant 20 : i32
    %swap3A_3139 = arith.index_cast %swap3A_3138 : i32 to index
    %swap3A_3140 = arith.constant 32 : index
    %swap3A_3141 = tpu.vector_load %arg7[%swap3A_3139, %swap3A_3140] {strides = array<i32>} : memref<32x128xf32, #tpu.memory_space<vmem>>, vector<1x16xf32>,
    %swap3A_3142 = vector.shape_cast %swap3A_3141 : vector<1x16xf32> to vector<16xf32>
    %swap3A_3143 = vector.shape_cast %get3A_3137 : vector<16xf32> to vector<1x16xf32>
    tpu.vector_store %arg7[%swap3A_3139, %swap3A_3140], %swap3A_3143 {strides = array<i32>} : memref<32x128xf32, #tpu.memory_space<vmem>>, vector<1x16xf32>,
    %get3A_3144 = arith.constant 20 : i32
    %get3A_3145 = arith.constant 4 : i32
    %get3A_3146 = arith.index_cast %get3A_3144 : i32 to index
    %get3A_3147 = arith.index_cast %get3A_3145 : i32 to index
    %get3A_3148 = arith.constant 48 : index
    %get3A_3149 = tpu.vector_load %arg6[%get3A_3146, %get3A_3147, %get3A_3148] {strides = array<i32>} : memref<32x8x128xf32, #tpu.memory_space<vmem>>, vector<1x1x16xf32>,
    %get3A_3150 = vector.shape_cast %get3A_3149 : vector<1x1x16xf32> to vector<16xf32>
    %swap3A_3151 = arith.constant 20 : i32
    %swap3A_3152 = arith.index_cast %swap3A_3151 : i32 to index
    %swap3A_3153 = arith.constant 48 : index
    %swap3A_3154 = tpu.vector_load %arg7[%swap3A_3152, %swap3A_3153] {strides = array<i32>} : memref<32x128xf32, #tpu.memory_space<vmem>>, vector<1x16xf32>,
    %swap3A_3155 = vector.shape_cast %swap3A_3154 : vector<1x16xf32> to vector<16xf32>
    %swap3A_3156 = vector.shape_cast %get3A_3150 : vector<16xf32> to vector<1x16xf32>
    tpu.vector_store %arg7[%swap3A_3152, %swap3A_3153], %swap3A_3156 {strides = array<i32>} : memref<32x128xf32, #tpu.memory_space<vmem>>, vector<1x16xf32>,
    %get3A_3157 = arith.constant 20 : i32
    %get3A_3158 = arith.constant 4 : i32
    %get3A_3159 = arith.index_cast %get3A_3157 : i32 to index
    %get3A_3160 = arith.index_cast %get3A_3158 : i32 to index
    %get3A_3161 = arith.constant 64 : index
    %get3A_3162 = tpu.vector_load %arg6[%get3A_3159, %get3A_3160, %get3A_3161] {strides = array<i32>} : memref<32x8x128xf32, #tpu.memory_space<vmem>>, vector<1x1x16xf32>,
    %get3A_3163 = vector.shape_cast %get3A_3162 : vector<1x1x16xf32> to vector<16xf32>
    %swap3A_3164 = arith.constant 20 : i32
    %swap3A_3165 = arith.index_cast %swap3A_3164 : i32 to index
    %swap3A_3166 = arith.constant 64 : index
    %swap3A_3167 = tpu.vector_load %arg7[%swap3A_3165, %swap3A_3166] {strides = array<i32>} : memref<32x128xf32, #tpu.memory_space<vmem>>, vector<1x16xf32>,
    %swap3A_3168 = vector.shape_cast %swap3A_3167 : vector<1x16xf32> to vector<16xf32>
    %swap3A_3169 = vector.shape_cast %get3A_3163 : vector<16xf32> to vector<1x16xf32>
    tpu.vector_store %arg7[%swap3A_3165, %swap3A_3166], %swap3A_3169 {strides = array<i32>} : memref<32x128xf32, #tpu.memory_space<vmem>>, vector<1x16xf32>,
    %get3A_3170 = arith.constant 20 : i32
    %get3A_3171 = arith.constant 4 : i32
    %get3A_3172 = arith.index_cast %get3A_3170 : i32 to index
    %get3A_3173 = arith.index_cast %get3A_3171 : i32 to index
    %get3A_3174 = arith.constant 80 : index
    %get3A_3175 = tpu.vector_load %arg6[%get3A_3172, %get3A_3173, %get3A_3174] {strides = array<i32>} : memref<32x8x128xf32, #tpu.memory_space<vmem>>, vector<1x1x16xf32>,
    %get3A_3176 = vector.shape_cast %get3A_3175 : vector<1x1x16xf32> to vector<16xf32>
    %swap3A_3177 = arith.constant 20 : i32
    %swap3A_3178 = arith.index_cast %swap3A_3177 : i32 to index
    %swap3A_3179 = arith.constant 80 : index
    %swap3A_3180 = tpu.vector_load %arg7[%swap3A_3178, %swap3A_3179] {strides = array<i32>} : memref<32x128xf32, #tpu.memory_space<vmem>>, vector<1x16xf32>,
    %swap3A_3181 = vector.shape_cast %swap3A_3180 : vector<1x16xf32> to vector<16xf32>
    %swap3A_3182 = vector.shape_cast %get3A_3176 : vector<16xf32> to vector<1x16xf32>
    tpu.vector_store %arg7[%swap3A_3178, %swap3A_3179], %swap3A_3182 {strides = array<i32>} : memref<32x128xf32, #tpu.memory_space<vmem>>, vector<1x16xf32>,
    %get3A_3183 = arith.constant 20 : i32
    %get3A_3184 = arith.constant 4 : i32
    %get3A_3185 = arith.index_cast %get3A_3183 : i32 to index
    %get3A_3186 = arith.index_cast %get3A_3184 : i32 to index
    %get3A_3187 = arith.constant 96 : index
    %get3A_3188 = tpu.vector_load %arg6[%get3A_3185, %get3A_3186, %get3A_3187] {strides = array<i32>} : memref<32x8x128xf32, #tpu.memory_space<vmem>>, vector<1x1x16xf32>,
    %get3A_3189 = vector.shape_cast %get3A_3188 : vector<1x1x16xf32> to vector<16xf32>
    %swap3A_3190 = arith.constant 20 : i32
    %swap3A_3191 = arith.index_cast %swap3A_3190 : i32 to index
    %swap3A_3192 = arith.constant 96 : index
    %swap3A_3193 = tpu.vector_load %arg7[%swap3A_3191, %swap3A_3192] {strides = array<i32>} : memref<32x128xf32, #tpu.memory_space<vmem>>, vector<1x16xf32>,
    %swap3A_3194 = vector.shape_cast %swap3A_3193 : vector<1x16xf32> to vector<16xf32>
    %swap3A_3195 = vector.shape_cast %get3A_3189 : vector<16xf32> to vector<1x16xf32>
    tpu.vector_store %arg7[%swap3A_3191, %swap3A_3192], %swap3A_3195 {strides = array<i32>} : memref<32x128xf32, #tpu.memory_space<vmem>>, vector<1x16xf32>,
    %get3A_3196 = arith.constant 20 : i32
    %get3A_3197 = arith.constant 4 : i32
    %get3A_3198 = arith.index_cast %get3A_3196 : i32 to index
    %get3A_3199 = arith.index_cast %get3A_3197 : i32 to index
    %get3A_3200 = arith.constant 112 : index
    %get3A_3201 = tpu.vector_load %arg6[%get3A_3198, %get3A_3199, %get3A_3200] {strides = array<i32>} : memref<32x8x128xf32, #tpu.memory_space<vmem>>, vector<1x1x16xf32>,
    %get3A_3202 = vector.shape_cast %get3A_3201 : vector<1x1x16xf32> to vector<16xf32>
    %swap3A_3203 = arith.constant 20 : i32
    %swap3A_3204 = arith.index_cast %swap3A_3203 : i32 to index
    %swap3A_3205 = arith.constant 112 : index
    %swap3A_3206 = tpu.vector_load %arg7[%swap3A_3204, %swap3A_3205] {strides = array<i32>} : memref<32x128xf32, #tpu.memory_space<vmem>>, vector<1x16xf32>,
    %swap3A_3207 = vector.shape_cast %swap3A_3206 : vector<1x16xf32> to vector<16xf32>
    %swap3A_3208 = vector.shape_cast %get3A_3202 : vector<16xf32> to vector<1x16xf32>
    tpu.vector_store %arg7[%swap3A_3204, %swap3A_3205], %swap3A_3208 {strides = array<i32>} : memref<32x128xf32, #tpu.memory_space<vmem>>, vector<1x16xf32>,
    %get3A_3209 = arith.constant 21 : i32
    %get3A_3210 = arith.constant 5 : i32
    %get3A_3211 = arith.index_cast %get3A_3209 : i32 to index
    %get3A_3212 = arith.index_cast %get3A_3210 : i32 to index
    %get3A_3213 = arith.constant 0 : index
    %get3A_3214 = tpu.vector_load %arg6[%get3A_3211, %get3A_3212, %get3A_3213] {strides = array<i32>} : memref<32x8x128xf32, #tpu.memory_space<vmem>>, vector<1x1x16xf32>,
    %get3A_3215 = vector.shape_cast %get3A_3214 : vector<1x1x16xf32> to vector<16xf32>
    %swap3A_3216 = arith.constant 21 : i32
    %swap3A_3217 = arith.index_cast %swap3A_3216 : i32 to index
    %swap3A_3218 = arith.constant 0 : index
    %swap3A_3219 = tpu.vector_load %arg7[%swap3A_3217, %swap3A_3218] {strides = array<i32>} : memref<32x128xf32, #tpu.memory_space<vmem>>, vector<1x16xf32>,
    %swap3A_3220 = vector.shape_cast %swap3A_3219 : vector<1x16xf32> to vector<16xf32>
    %swap3A_3221 = vector.shape_cast %get3A_3215 : vector<16xf32> to vector<1x16xf32>
    tpu.vector_store %arg7[%swap3A_3217, %swap3A_3218], %swap3A_3221 {strides = array<i32>} : memref<32x128xf32, #tpu.memory_space<vmem>>, vector<1x16xf32>,
    %get3A_3222 = arith.constant 21 : i32
    %get3A_3223 = arith.constant 5 : i32
    %get3A_3224 = arith.index_cast %get3A_3222 : i32 to index
    %get3A_3225 = arith.index_cast %get3A_3223 : i32 to index
    %get3A_3226 = arith.constant 16 : index
    %get3A_3227 = tpu.vector_load %arg6[%get3A_3224, %get3A_3225, %get3A_3226] {strides = array<i32>} : memref<32x8x128xf32, #tpu.memory_space<vmem>>, vector<1x1x16xf32>,
    %get3A_3228 = vector.shape_cast %get3A_3227 : vector<1x1x16xf32> to vector<16xf32>
    %swap3A_3229 = arith.constant 21 : i32
    %swap3A_3230 = arith.index_cast %swap3A_3229 : i32 to index
    %swap3A_3231 = arith.constant 16 : index
    %swap3A_3232 = tpu.vector_load %arg7[%swap3A_3230, %swap3A_3231] {strides = array<i32>} : memref<32x128xf32, #tpu.memory_space<vmem>>, vector<1x16xf32>,
    %swap3A_3233 = vector.shape_cast %swap3A_3232 : vector<1x16xf32> to vector<16xf32>
    %swap3A_3234 = vector.shape_cast %get3A_3228 : vector<16xf32> to vector<1x16xf32>
    tpu.vector_store %arg7[%swap3A_3230, %swap3A_3231], %swap3A_3234 {strides = array<i32>} : memref<32x128xf32, #tpu.memory_space<vmem>>, vector<1x16xf32>,
    %get3A_3235 = arith.constant 21 : i32
    %get3A_3236 = arith.constant 5 : i32
    %get3A_3237 = arith.index_cast %get3A_3235 : i32 to index
    %get3A_3238 = arith.index_cast %get3A_3236 : i32 to index
    %get3A_3239 = arith.constant 32 : index
    %get3A_3240 = tpu.vector_load %arg6[%get3A_3237, %get3A_3238, %get3A_3239] {strides = array<i32>} : memref<32x8x128xf32, #tpu.memory_space<vmem>>, vector<1x1x16xf32>,
    %get3A_3241 = vector.shape_cast %get3A_3240 : vector<1x1x16xf32> to vector<16xf32>
    %swap3A_3242 = arith.constant 21 : i32
    %swap3A_3243 = arith.index_cast %swap3A_3242 : i32 to index
    %swap3A_3244 = arith.constant 32 : index
    %swap3A_3245 = tpu.vector_load %arg7[%swap3A_3243, %swap3A_3244] {strides = array<i32>} : memref<32x128xf32, #tpu.memory_space<vmem>>, vector<1x16xf32>,
    %swap3A_3246 = vector.shape_cast %swap3A_3245 : vector<1x16xf32> to vector<16xf32>
    %swap3A_3247 = vector.shape_cast %get3A_3241 : vector<16xf32> to vector<1x16xf32>
    tpu.vector_store %arg7[%swap3A_3243, %swap3A_3244], %swap3A_3247 {strides = array<i32>} : memref<32x128xf32, #tpu.memory_space<vmem>>, vector<1x16xf32>,
    %get3A_3248 = arith.constant 21 : i32
    %get3A_3249 = arith.constant 5 : i32
    %get3A_3250 = arith.index_cast %get3A_3248 : i32 to index
    %get3A_3251 = arith.index_cast %get3A_3249 : i32 to index
    %get3A_3252 = arith.constant 48 : index
    %get3A_3253 = tpu.vector_load %arg6[%get3A_3250, %get3A_3251, %get3A_3252] {strides = array<i32>} : memref<32x8x128xf32, #tpu.memory_space<vmem>>, vector<1x1x16xf32>,
    %get3A_3254 = vector.shape_cast %get3A_3253 : vector<1x1x16xf32> to vector<16xf32>
    %swap3A_3255 = arith.constant 21 : i32
    %swap3A_3256 = arith.index_cast %swap3A_3255 : i32 to index
    %swap3A_3257 = arith.constant 48 : index
    %swap3A_3258 = tpu.vector_load %arg7[%swap3A_3256, %swap3A_3257] {strides = array<i32>} : memref<32x128xf32, #tpu.memory_space<vmem>>, vector<1x16xf32>,
    %swap3A_3259 = vector.shape_cast %swap3A_3258 : vector<1x16xf32> to vector<16xf32>
    %swap3A_3260 = vector.shape_cast %get3A_3254 : vector<16xf32> to vector<1x16xf32>
    tpu.vector_store %arg7[%swap3A_3256, %swap3A_3257], %swap3A_3260 {strides = array<i32>} : memref<32x128xf32, #tpu.memory_space<vmem>>, vector<1x16xf32>,
    %get3A_3261 = arith.constant 21 : i32
    %get3A_3262 = arith.constant 5 : i32
    %get3A_3263 = arith.index_cast %get3A_3261 : i32 to index
    %get3A_3264 = arith.index_cast %get3A_3262 : i32 to index
    %get3A_3265 = arith.constant 64 : index
    %get3A_3266 = tpu.vector_load %arg6[%get3A_3263, %get3A_3264, %get3A_3265] {strides = array<i32>} : memref<32x8x128xf32, #tpu.memory_space<vmem>>, vector<1x1x16xf32>,
    %get3A_3267 = vector.shape_cast %get3A_3266 : vector<1x1x16xf32> to vector<16xf32>
    %swap3A_3268 = arith.constant 21 : i32
    %swap3A_3269 = arith.index_cast %swap3A_3268 : i32 to index
    %swap3A_3270 = arith.constant 64 : index
    %swap3A_3271 = tpu.vector_load %arg7[%swap3A_3269, %swap3A_3270] {strides = array<i32>} : memref<32x128xf32, #tpu.memory_space<vmem>>, vector<1x16xf32>,
    %swap3A_3272 = vector.shape_cast %swap3A_3271 : vector<1x16xf32> to vector<16xf32>
    %swap3A_3273 = vector.shape_cast %get3A_3267 : vector<16xf32> to vector<1x16xf32>
    tpu.vector_store %arg7[%swap3A_3269, %swap3A_3270], %swap3A_3273 {strides = array<i32>} : memref<32x128xf32, #tpu.memory_space<vmem>>, vector<1x16xf32>,
    %get3A_3274 = arith.constant 21 : i32
    %get3A_3275 = arith.constant 5 : i32
    %get3A_3276 = arith.index_cast %get3A_3274 : i32 to index
    %get3A_3277 = arith.index_cast %get3A_3275 : i32 to index
    %get3A_3278 = arith.constant 80 : index
    %get3A_3279 = tpu.vector_load %arg6[%get3A_3276, %get3A_3277, %get3A_3278] {strides = array<i32>} : memref<32x8x128xf32, #tpu.memory_space<vmem>>, vector<1x1x16xf32>,
    %get3A_3280 = vector.shape_cast %get3A_3279 : vector<1x1x16xf32> to vector<16xf32>
    %swap3A_3281 = arith.constant 21 : i32
    %swap3A_3282 = arith.index_cast %swap3A_3281 : i32 to index
    %swap3A_3283 = arith.constant 80 : index
    %swap3A_3284 = tpu.vector_load %arg7[%swap3A_3282, %swap3A_3283] {strides = array<i32>} : memref<32x128xf32, #tpu.memory_space<vmem>>, vector<1x16xf32>,
    %swap3A_3285 = vector.shape_cast %swap3A_3284 : vector<1x16xf32> to vector<16xf32>
    %swap3A_3286 = vector.shape_cast %get3A_3280 : vector<16xf32> to vector<1x16xf32>
    tpu.vector_store %arg7[%swap3A_3282, %swap3A_3283], %swap3A_3286 {strides = array<i32>} : memref<32x128xf32, #tpu.memory_space<vmem>>, vector<1x16xf32>,
    %get3A_3287 = arith.constant 21 : i32
    %get3A_3288 = arith.constant 5 : i32
    %get3A_3289 = arith.index_cast %get3A_3287 : i32 to index
    %get3A_3290 = arith.index_cast %get3A_3288 : i32 to index
    %get3A_3291 = arith.constant 96 : index
    %get3A_3292 = tpu.vector_load %arg6[%get3A_3289, %get3A_3290, %get3A_3291] {strides = array<i32>} : memref<32x8x128xf32, #tpu.memory_space<vmem>>, vector<1x1x16xf32>,
    %get3A_3293 = vector.shape_cast %get3A_3292 : vector<1x1x16xf32> to vector<16xf32>
    %swap3A_3294 = arith.constant 21 : i32
    %swap3A_3295 = arith.index_cast %swap3A_3294 : i32 to index
    %swap3A_3296 = arith.constant 96 : index
    %swap3A_3297 = tpu.vector_load %arg7[%swap3A_3295, %swap3A_3296] {strides = array<i32>} : memref<32x128xf32, #tpu.memory_space<vmem>>, vector<1x16xf32>,
    %swap3A_3298 = vector.shape_cast %swap3A_3297 : vector<1x16xf32> to vector<16xf32>
    %swap3A_3299 = vector.shape_cast %get3A_3293 : vector<16xf32> to vector<1x16xf32>
    tpu.vector_store %arg7[%swap3A_3295, %swap3A_3296], %swap3A_3299 {strides = array<i32>} : memref<32x128xf32, #tpu.memory_space<vmem>>, vector<1x16xf32>,
    %get3A_3300 = arith.constant 21 : i32
    %get3A_3301 = arith.constant 5 : i32
    %get3A_3302 = arith.index_cast %get3A_3300 : i32 to index
    %get3A_3303 = arith.index_cast %get3A_3301 : i32 to index
    %get3A_3304 = arith.constant 112 : index
    %get3A_3305 = tpu.vector_load %arg6[%get3A_3302, %get3A_3303, %get3A_3304] {strides = array<i32>} : memref<32x8x128xf32, #tpu.memory_space<vmem>>, vector<1x1x16xf32>,
    %get3A_3306 = vector.shape_cast %get3A_3305 : vector<1x1x16xf32> to vector<16xf32>
    %swap3A_3307 = arith.constant 21 : i32
    %swap3A_3308 = arith.index_cast %swap3A_3307 : i32 to index
    %swap3A_3309 = arith.constant 112 : index
    %swap3A_3310 = tpu.vector_load %arg7[%swap3A_3308, %swap3A_3309] {strides = array<i32>} : memref<32x128xf32, #tpu.memory_space<vmem>>, vector<1x16xf32>,
    %swap3A_3311 = vector.shape_cast %swap3A_3310 : vector<1x16xf32> to vector<16xf32>
    %swap3A_3312 = vector.shape_cast %get3A_3306 : vector<16xf32> to vector<1x16xf32>
    tpu.vector_store %arg7[%swap3A_3308, %swap3A_3309], %swap3A_3312 {strides = array<i32>} : memref<32x128xf32, #tpu.memory_space<vmem>>, vector<1x16xf32>,
    %get3A_3313 = arith.constant 22 : i32
    %get3A_3314 = arith.constant 6 : i32
    %get3A_3315 = arith.index_cast %get3A_3313 : i32 to index
    %get3A_3316 = arith.index_cast %get3A_3314 : i32 to index
    %get3A_3317 = arith.constant 0 : index
    %get3A_3318 = tpu.vector_load %arg6[%get3A_3315, %get3A_3316, %get3A_3317] {strides = array<i32>} : memref<32x8x128xf32, #tpu.memory_space<vmem>>, vector<1x1x16xf32>,
    %get3A_3319 = vector.shape_cast %get3A_3318 : vector<1x1x16xf32> to vector<16xf32>
    %swap3A_3320 = arith.constant 22 : i32
    %swap3A_3321 = arith.index_cast %swap3A_3320 : i32 to index
    %swap3A_3322 = arith.constant 0 : index
    %swap3A_3323 = tpu.vector_load %arg7[%swap3A_3321, %swap3A_3322] {strides = array<i32>} : memref<32x128xf32, #tpu.memory_space<vmem>>, vector<1x16xf32>,
    %swap3A_3324 = vector.shape_cast %swap3A_3323 : vector<1x16xf32> to vector<16xf32>
    %swap3A_3325 = vector.shape_cast %get3A_3319 : vector<16xf32> to vector<1x16xf32>
    tpu.vector_store %arg7[%swap3A_3321, %swap3A_3322], %swap3A_3325 {strides = array<i32>} : memref<32x128xf32, #tpu.memory_space<vmem>>, vector<1x16xf32>,
    %get3A_3326 = arith.constant 22 : i32
    %get3A_3327 = arith.constant 6 : i32
    %get3A_3328 = arith.index_cast %get3A_3326 : i32 to index
    %get3A_3329 = arith.index_cast %get3A_3327 : i32 to index
    %get3A_3330 = arith.constant 16 : index
    %get3A_3331 = tpu.vector_load %arg6[%get3A_3328, %get3A_3329, %get3A_3330] {strides = array<i32>} : memref<32x8x128xf32, #tpu.memory_space<vmem>>, vector<1x1x16xf32>,
    %get3A_3332 = vector.shape_cast %get3A_3331 : vector<1x1x16xf32> to vector<16xf32>
    %swap3A_3333 = arith.constant 22 : i32
    %swap3A_3334 = arith.index_cast %swap3A_3333 : i32 to index
    %swap3A_3335 = arith.constant 16 : index
    %swap3A_3336 = tpu.vector_load %arg7[%swap3A_3334, %swap3A_3335] {strides = array<i32>} : memref<32x128xf32, #tpu.memory_space<vmem>>, vector<1x16xf32>,
    %swap3A_3337 = vector.shape_cast %swap3A_3336 : vector<1x16xf32> to vector<16xf32>
    %swap3A_3338 = vector.shape_cast %get3A_3332 : vector<16xf32> to vector<1x16xf32>
    tpu.vector_store %arg7[%swap3A_3334, %swap3A_3335], %swap3A_3338 {strides = array<i32>} : memref<32x128xf32, #tpu.memory_space<vmem>>, vector<1x16xf32>,
    %get3A_3339 = arith.constant 22 : i32
    %get3A_3340 = arith.constant 6 : i32
    %get3A_3341 = arith.index_cast %get3A_3339 : i32 to index
    %get3A_3342 = arith.index_cast %get3A_3340 : i32 to index
    %get3A_3343 = arith.constant 32 : index
    %get3A_3344 = tpu.vector_load %arg6[%get3A_3341, %get3A_3342, %get3A_3343] {strides = array<i32>} : memref<32x8x128xf32, #tpu.memory_space<vmem>>, vector<1x1x16xf32>,
    %get3A_3345 = vector.shape_cast %get3A_3344 : vector<1x1x16xf32> to vector<16xf32>
    %swap3A_3346 = arith.constant 22 : i32
    %swap3A_3347 = arith.index_cast %swap3A_3346 : i32 to index
    %swap3A_3348 = arith.constant 32 : index
    %swap3A_3349 = tpu.vector_load %arg7[%swap3A_3347, %swap3A_3348] {strides = array<i32>} : memref<32x128xf32, #tpu.memory_space<vmem>>, vector<1x16xf32>,
    %swap3A_3350 = vector.shape_cast %swap3A_3349 : vector<1x16xf32> to vector<16xf32>
    %swap3A_3351 = vector.shape_cast %get3A_3345 : vector<16xf32> to vector<1x16xf32>
    tpu.vector_store %arg7[%swap3A_3347, %swap3A_3348], %swap3A_3351 {strides = array<i32>} : memref<32x128xf32, #tpu.memory_space<vmem>>, vector<1x16xf32>,
    %get3A_3352 = arith.constant 22 : i32
    %get3A_3353 = arith.constant 6 : i32
    %get3A_3354 = arith.index_cast %get3A_3352 : i32 to index
    %get3A_3355 = arith.index_cast %get3A_3353 : i32 to index
    %get3A_3356 = arith.constant 48 : index
    %get3A_3357 = tpu.vector_load %arg6[%get3A_3354, %get3A_3355, %get3A_3356] {strides = array<i32>} : memref<32x8x128xf32, #tpu.memory_space<vmem>>, vector<1x1x16xf32>,
    %get3A_3358 = vector.shape_cast %get3A_3357 : vector<1x1x16xf32> to vector<16xf32>
    %swap3A_3359 = arith.constant 22 : i32
    %swap3A_3360 = arith.index_cast %swap3A_3359 : i32 to index
    %swap3A_3361 = arith.constant 48 : index
    %swap3A_3362 = tpu.vector_load %arg7[%swap3A_3360, %swap3A_3361] {strides = array<i32>} : memref<32x128xf32, #tpu.memory_space<vmem>>, vector<1x16xf32>,
    %swap3A_3363 = vector.shape_cast %swap3A_3362 : vector<1x16xf32> to vector<16xf32>
    %swap3A_3364 = vector.shape_cast %get3A_3358 : vector<16xf32> to vector<1x16xf32>
    tpu.vector_store %arg7[%swap3A_3360, %swap3A_3361], %swap3A_3364 {strides = array<i32>} : memref<32x128xf32, #tpu.memory_space<vmem>>, vector<1x16xf32>,
    %get3A_3365 = arith.constant 22 : i32
    %get3A_3366 = arith.constant 6 : i32
    %get3A_3367 = arith.index_cast %get3A_3365 : i32 to index
    %get3A_3368 = arith.index_cast %get3A_3366 : i32 to index
    %get3A_3369 = arith.constant 64 : index
    %get3A_3370 = tpu.vector_load %arg6[%get3A_3367, %get3A_3368, %get3A_3369] {strides = array<i32>} : memref<32x8x128xf32, #tpu.memory_space<vmem>>, vector<1x1x16xf32>,
    %get3A_3371 = vector.shape_cast %get3A_3370 : vector<1x1x16xf32> to vector<16xf32>
    %swap3A_3372 = arith.constant 22 : i32
    %swap3A_3373 = arith.index_cast %swap3A_3372 : i32 to index
    %swap3A_3374 = arith.constant 64 : index
    %swap3A_3375 = tpu.vector_load %arg7[%swap3A_3373, %swap3A_3374] {strides = array<i32>} : memref<32x128xf32, #tpu.memory_space<vmem>>, vector<1x16xf32>,
    %swap3A_3376 = vector.shape_cast %swap3A_3375 : vector<1x16xf32> to vector<16xf32>
    %swap3A_3377 = vector.shape_cast %get3A_3371 : vector<16xf32> to vector<1x16xf32>
    tpu.vector_store %arg7[%swap3A_3373, %swap3A_3374], %swap3A_3377 {strides = array<i32>} : memref<32x128xf32, #tpu.memory_space<vmem>>, vector<1x16xf32>,
    %get3A_3378 = arith.constant 22 : i32
    %get3A_3379 = arith.constant 6 : i32
    %get3A_3380 = arith.index_cast %get3A_3378 : i32 to index
    %get3A_3381 = arith.index_cast %get3A_3379 : i32 to index
    %get3A_3382 = arith.constant 80 : index
    %get3A_3383 = tpu.vector_load %arg6[%get3A_3380, %get3A_3381, %get3A_3382] {strides = array<i32>} : memref<32x8x128xf32, #tpu.memory_space<vmem>>, vector<1x1x16xf32>,
    %get3A_3384 = vector.shape_cast %get3A_3383 : vector<1x1x16xf32> to vector<16xf32>
    %swap3A_3385 = arith.constant 22 : i32
    %swap3A_3386 = arith.index_cast %swap3A_3385 : i32 to index
    %swap3A_3387 = arith.constant 80 : index
    %swap3A_3388 = tpu.vector_load %arg7[%swap3A_3386, %swap3A_3387] {strides = array<i32>} : memref<32x128xf32, #tpu.memory_space<vmem>>, vector<1x16xf32>,
    %swap3A_3389 = vector.shape_cast %swap3A_3388 : vector<1x16xf32> to vector<16xf32>
    %swap3A_3390 = vector.shape_cast %get3A_3384 : vector<16xf32> to vector<1x16xf32>
    tpu.vector_store %arg7[%swap3A_3386, %swap3A_3387], %swap3A_3390 {strides = array<i32>} : memref<32x128xf32, #tpu.memory_space<vmem>>, vector<1x16xf32>,
    %get3A_3391 = arith.constant 22 : i32
    %get3A_3392 = arith.constant 6 : i32
    %get3A_3393 = arith.index_cast %get3A_3391 : i32 to index
    %get3A_3394 = arith.index_cast %get3A_3392 : i32 to index
    %get3A_3395 = arith.constant 96 : index
    %get3A_3396 = tpu.vector_load %arg6[%get3A_3393, %get3A_3394, %get3A_3395] {strides = array<i32>} : memref<32x8x128xf32, #tpu.memory_space<vmem>>, vector<1x1x16xf32>,
    %get3A_3397 = vector.shape_cast %get3A_3396 : vector<1x1x16xf32> to vector<16xf32>
    %swap3A_3398 = arith.constant 22 : i32
    %swap3A_3399 = arith.index_cast %swap3A_3398 : i32 to index
    %swap3A_3400 = arith.constant 96 : index
    %swap3A_3401 = tpu.vector_load %arg7[%swap3A_3399, %swap3A_3400] {strides = array<i32>} : memref<32x128xf32, #tpu.memory_space<vmem>>, vector<1x16xf32>,
    %swap3A_3402 = vector.shape_cast %swap3A_3401 : vector<1x16xf32> to vector<16xf32>
    %swap3A_3403 = vector.shape_cast %get3A_3397 : vector<16xf32> to vector<1x16xf32>
    tpu.vector_store %arg7[%swap3A_3399, %swap3A_3400], %swap3A_3403 {strides = array<i32>} : memref<32x128xf32, #tpu.memory_space<vmem>>, vector<1x16xf32>,
    %get3A_3404 = arith.constant 22 : i32
    %get3A_3405 = arith.constant 6 : i32
    %get3A_3406 = arith.index_cast %get3A_3404 : i32 to index
    %get3A_3407 = arith.index_cast %get3A_3405 : i32 to index
    %get3A_3408 = arith.constant 112 : index
    %get3A_3409 = tpu.vector_load %arg6[%get3A_3406, %get3A_3407, %get3A_3408] {strides = array<i32>} : memref<32x8x128xf32, #tpu.memory_space<vmem>>, vector<1x1x16xf32>,
    %get3A_3410 = vector.shape_cast %get3A_3409 : vector<1x1x16xf32> to vector<16xf32>
    %swap3A_3411 = arith.constant 22 : i32
    %swap3A_3412 = arith.index_cast %swap3A_3411 : i32 to index
    %swap3A_3413 = arith.constant 112 : index
    %swap3A_3414 = tpu.vector_load %arg7[%swap3A_3412, %swap3A_3413] {strides = array<i32>} : memref<32x128xf32, #tpu.memory_space<vmem>>, vector<1x16xf32>,
    %swap3A_3415 = vector.shape_cast %swap3A_3414 : vector<1x16xf32> to vector<16xf32>
    %swap3A_3416 = vector.shape_cast %get3A_3410 : vector<16xf32> to vector<1x16xf32>
    tpu.vector_store %arg7[%swap3A_3412, %swap3A_3413], %swap3A_3416 {strides = array<i32>} : memref<32x128xf32, #tpu.memory_space<vmem>>, vector<1x16xf32>,
    %get3A_3417 = arith.constant 23 : i32
    %get3A_3418 = arith.constant 7 : i32
    %get3A_3419 = arith.index_cast %get3A_3417 : i32 to index
    %get3A_3420 = arith.index_cast %get3A_3418 : i32 to index
    %get3A_3421 = arith.constant 0 : index
    %get3A_3422 = tpu.vector_load %arg6[%get3A_3419, %get3A_3420, %get3A_3421] {strides = array<i32>} : memref<32x8x128xf32, #tpu.memory_space<vmem>>, vector<1x1x16xf32>,
    %get3A_3423 = vector.shape_cast %get3A_3422 : vector<1x1x16xf32> to vector<16xf32>
    %swap3A_3424 = arith.constant 23 : i32
    %swap3A_3425 = arith.index_cast %swap3A_3424 : i32 to index
    %swap3A_3426 = arith.constant 0 : index
    %swap3A_3427 = tpu.vector_load %arg7[%swap3A_3425, %swap3A_3426] {strides = array<i32>} : memref<32x128xf32, #tpu.memory_space<vmem>>, vector<1x16xf32>,
    %swap3A_3428 = vector.shape_cast %swap3A_3427 : vector<1x16xf32> to vector<16xf32>
    %swap3A_3429 = vector.shape_cast %get3A_3423 : vector<16xf32> to vector<1x16xf32>
    tpu.vector_store %arg7[%swap3A_3425, %swap3A_3426], %swap3A_3429 {strides = array<i32>} : memref<32x128xf32, #tpu.memory_space<vmem>>, vector<1x16xf32>,
    %get3A_3430 = arith.constant 23 : i32
    %get3A_3431 = arith.constant 7 : i32
    %get3A_3432 = arith.index_cast %get3A_3430 : i32 to index
    %get3A_3433 = arith.index_cast %get3A_3431 : i32 to index
    %get3A_3434 = arith.constant 16 : index
    %get3A_3435 = tpu.vector_load %arg6[%get3A_3432, %get3A_3433, %get3A_3434] {strides = array<i32>} : memref<32x8x128xf32, #tpu.memory_space<vmem>>, vector<1x1x16xf32>,
    %get3A_3436 = vector.shape_cast %get3A_3435 : vector<1x1x16xf32> to vector<16xf32>
    %swap3A_3437 = arith.constant 23 : i32
    %swap3A_3438 = arith.index_cast %swap3A_3437 : i32 to index
    %swap3A_3439 = arith.constant 16 : index
    %swap3A_3440 = tpu.vector_load %arg7[%swap3A_3438, %swap3A_3439] {strides = array<i32>} : memref<32x128xf32, #tpu.memory_space<vmem>>, vector<1x16xf32>,
    %swap3A_3441 = vector.shape_cast %swap3A_3440 : vector<1x16xf32> to vector<16xf32>
    %swap3A_3442 = vector.shape_cast %get3A_3436 : vector<16xf32> to vector<1x16xf32>
    tpu.vector_store %arg7[%swap3A_3438, %swap3A_3439], %swap3A_3442 {strides = array<i32>} : memref<32x128xf32, #tpu.memory_space<vmem>>, vector<1x16xf32>,
    %get3A_3443 = arith.constant 23 : i32
    %get3A_3444 = arith.constant 7 : i32
    %get3A_3445 = arith.index_cast %get3A_3443 : i32 to index
    %get3A_3446 = arith.index_cast %get3A_3444 : i32 to index
    %get3A_3447 = arith.constant 32 : index
    %get3A_3448 = tpu.vector_load %arg6[%get3A_3445, %get3A_3446, %get3A_3447] {strides = array<i32>} : memref<32x8x128xf32, #tpu.memory_space<vmem>>, vector<1x1x16xf32>,
    %get3A_3449 = vector.shape_cast %get3A_3448 : vector<1x1x16xf32> to vector<16xf32>
    %swap3A_3450 = arith.constant 23 : i32
    %swap3A_3451 = arith.index_cast %swap3A_3450 : i32 to index
    %swap3A_3452 = arith.constant 32 : index
    %swap3A_3453 = tpu.vector_load %arg7[%swap3A_3451, %swap3A_3452] {strides = array<i32>} : memref<32x128xf32, #tpu.memory_space<vmem>>, vector<1x16xf32>,
    %swap3A_3454 = vector.shape_cast %swap3A_3453 : vector<1x16xf32> to vector<16xf32>
    %swap3A_3455 = vector.shape_cast %get3A_3449 : vector<16xf32> to vector<1x16xf32>
    tpu.vector_store %arg7[%swap3A_3451, %swap3A_3452], %swap3A_3455 {strides = array<i32>} : memref<32x128xf32, #tpu.memory_space<vmem>>, vector<1x16xf32>,
    %get3A_3456 = arith.constant 23 : i32
    %get3A_3457 = arith.constant 7 : i32
    %get3A_3458 = arith.index_cast %get3A_3456 : i32 to index
    %get3A_3459 = arith.index_cast %get3A_3457 : i32 to index
    %get3A_3460 = arith.constant 48 : index
    %get3A_3461 = tpu.vector_load %arg6[%get3A_3458, %get3A_3459, %get3A_3460] {strides = array<i32>} : memref<32x8x128xf32, #tpu.memory_space<vmem>>, vector<1x1x16xf32>,
    %get3A_3462 = vector.shape_cast %get3A_3461 : vector<1x1x16xf32> to vector<16xf32>
    %swap3A_3463 = arith.constant 23 : i32
    %swap3A_3464 = arith.index_cast %swap3A_3463 : i32 to index
    %swap3A_3465 = arith.constant 48 : index
    %swap3A_3466 = tpu.vector_load %arg7[%swap3A_3464, %swap3A_3465] {strides = array<i32>} : memref<32x128xf32, #tpu.memory_space<vmem>>, vector<1x16xf32>,
    %swap3A_3467 = vector.shape_cast %swap3A_3466 : vector<1x16xf32> to vector<16xf32>
    %swap3A_3468 = vector.shape_cast %get3A_3462 : vector<16xf32> to vector<1x16xf32>
    tpu.vector_store %arg7[%swap3A_3464, %swap3A_3465], %swap3A_3468 {strides = array<i32>} : memref<32x128xf32, #tpu.memory_space<vmem>>, vector<1x16xf32>,
    %get3A_3469 = arith.constant 23 : i32
    %get3A_3470 = arith.constant 7 : i32
    %get3A_3471 = arith.index_cast %get3A_3469 : i32 to index
    %get3A_3472 = arith.index_cast %get3A_3470 : i32 to index
    %get3A_3473 = arith.constant 64 : index
    %get3A_3474 = tpu.vector_load %arg6[%get3A_3471, %get3A_3472, %get3A_3473] {strides = array<i32>} : memref<32x8x128xf32, #tpu.memory_space<vmem>>, vector<1x1x16xf32>,
    %get3A_3475 = vector.shape_cast %get3A_3474 : vector<1x1x16xf32> to vector<16xf32>
    %swap3A_3476 = arith.constant 23 : i32
    %swap3A_3477 = arith.index_cast %swap3A_3476 : i32 to index
    %swap3A_3478 = arith.constant 64 : index
    %swap3A_3479 = tpu.vector_load %arg7[%swap3A_3477, %swap3A_3478] {strides = array<i32>} : memref<32x128xf32, #tpu.memory_space<vmem>>, vector<1x16xf32>,
    %swap3A_3480 = vector.shape_cast %swap3A_3479 : vector<1x16xf32> to vector<16xf32>
    %swap3A_3481 = vector.shape_cast %get3A_3475 : vector<16xf32> to vector<1x16xf32>
    tpu.vector_store %arg7[%swap3A_3477, %swap3A_3478], %swap3A_3481 {strides = array<i32>} : memref<32x128xf32, #tpu.memory_space<vmem>>, vector<1x16xf32>,
    %get3A_3482 = arith.constant 23 : i32
    %get3A_3483 = arith.constant 7 : i32
    %get3A_3484 = arith.index_cast %get3A_3482 : i32 to index
    %get3A_3485 = arith.index_cast %get3A_3483 : i32 to index
    %get3A_3486 = arith.constant 80 : index
    %get3A_3487 = tpu.vector_load %arg6[%get3A_3484, %get3A_3485, %get3A_3486] {strides = array<i32>} : memref<32x8x128xf32, #tpu.memory_space<vmem>>, vector<1x1x16xf32>,
    %get3A_3488 = vector.shape_cast %get3A_3487 : vector<1x1x16xf32> to vector<16xf32>
    %swap3A_3489 = arith.constant 23 : i32
    %swap3A_3490 = arith.index_cast %swap3A_3489 : i32 to index
    %swap3A_3491 = arith.constant 80 : index
    %swap3A_3492 = tpu.vector_load %arg7[%swap3A_3490, %swap3A_3491] {strides = array<i32>} : memref<32x128xf32, #tpu.memory_space<vmem>>, vector<1x16xf32>,
    %swap3A_3493 = vector.shape_cast %swap3A_3492 : vector<1x16xf32> to vector<16xf32>
    %swap3A_3494 = vector.shape_cast %get3A_3488 : vector<16xf32> to vector<1x16xf32>
    tpu.vector_store %arg7[%swap3A_3490, %swap3A_3491], %swap3A_3494 {strides = array<i32>} : memref<32x128xf32, #tpu.memory_space<vmem>>, vector<1x16xf32>,
    %get3A_3495 = arith.constant 23 : i32
    %get3A_3496 = arith.constant 7 : i32
    %get3A_3497 = arith.index_cast %get3A_3495 : i32 to index
    %get3A_3498 = arith.index_cast %get3A_3496 : i32 to index
    %get3A_3499 = arith.constant 96 : index
    %get3A_3500 = tpu.vector_load %arg6[%get3A_3497, %get3A_3498, %get3A_3499] {strides = array<i32>} : memref<32x8x128xf32, #tpu.memory_space<vmem>>, vector<1x1x16xf32>,
    %get3A_3501 = vector.shape_cast %get3A_3500 : vector<1x1x16xf32> to vector<16xf32>
    %swap3A_3502 = arith.constant 23 : i32
    %swap3A_3503 = arith.index_cast %swap3A_3502 : i32 to index
    %swap3A_3504 = arith.constant 96 : index
    %swap3A_3505 = tpu.vector_load %arg7[%swap3A_3503, %swap3A_3504] {strides = array<i32>} : memref<32x128xf32, #tpu.memory_space<vmem>>, vector<1x16xf32>,
    %swap3A_3506 = vector.shape_cast %swap3A_3505 : vector<1x16xf32> to vector<16xf32>
    %swap3A_3507 = vector.shape_cast %get3A_3501 : vector<16xf32> to vector<1x16xf32>
    tpu.vector_store %arg7[%swap3A_3503, %swap3A_3504], %swap3A_3507 {strides = array<i32>} : memref<32x128xf32, #tpu.memory_space<vmem>>, vector<1x16xf32>,
    %get3A_3508 = arith.constant 23 : i32
    %get3A_3509 = arith.constant 7 : i32
    %get3A_3510 = arith.index_cast %get3A_3508 : i32 to index
    %get3A_3511 = arith.index_cast %get3A_3509 : i32 to index
    %get3A_3512 = arith.constant 112 : index
    %get3A_3513 = tpu.vector_load %arg6[%get3A_3510, %get3A_3511, %get3A_3512] {strides = array<i32>} : memref<32x8x128xf32, #tpu.memory_space<vmem>>, vector<1x1x16xf32>,
    %get3A_3514 = vector.shape_cast %get3A_3513 : vector<1x1x16xf32> to vector<16xf32>
    %swap3A_3515 = arith.constant 23 : i32
    %swap3A_3516 = arith.index_cast %swap3A_3515 : i32 to index
    %swap3A_3517 = arith.constant 112 : index
    %swap3A_3518 = tpu.vector_load %arg7[%swap3A_3516, %swap3A_3517] {strides = array<i32>} : memref<32x128xf32, #tpu.memory_space<vmem>>, vector<1x16xf32>,
    %swap3A_3519 = vector.shape_cast %swap3A_3518 : vector<1x16xf32> to vector<16xf32>
    %swap3A_3520 = vector.shape_cast %get3A_3514 : vector<16xf32> to vector<1x16xf32>
    tpu.vector_store %arg7[%swap3A_3516, %swap3A_3517], %swap3A_3520 {strides = array<i32>} : memref<32x128xf32, #tpu.memory_space<vmem>>, vector<1x16xf32>,
    %get3A_3521 = arith.constant 24 : i32
    %get3A_3522 = arith.constant 0 : i32
    %get3A_3523 = arith.index_cast %get3A_3521 : i32 to index
    %get3A_3524 = arith.index_cast %get3A_3522 : i32 to index
    %get3A_3525 = arith.constant 0 : index
    %get3A_3526 = tpu.vector_load %arg6[%get3A_3523, %get3A_3524, %get3A_3525] {strides = array<i32>} : memref<32x8x128xf32, #tpu.memory_space<vmem>>, vector<1x1x16xf32>,
    %get3A_3527 = vector.shape_cast %get3A_3526 : vector<1x1x16xf32> to vector<16xf32>
    %swap3A_3528 = arith.constant 24 : i32
    %swap3A_3529 = arith.index_cast %swap3A_3528 : i32 to index
    %swap3A_3530 = arith.constant 0 : index
    %swap3A_3531 = tpu.vector_load %arg7[%swap3A_3529, %swap3A_3530] {strides = array<i32>} : memref<32x128xf32, #tpu.memory_space<vmem>>, vector<1x16xf32>,
    %swap3A_3532 = vector.shape_cast %swap3A_3531 : vector<1x16xf32> to vector<16xf32>
    %swap3A_3533 = vector.shape_cast %get3A_3527 : vector<16xf32> to vector<1x16xf32>
    tpu.vector_store %arg7[%swap3A_3529, %swap3A_3530], %swap3A_3533 {strides = array<i32>} : memref<32x128xf32, #tpu.memory_space<vmem>>, vector<1x16xf32>,
    %get3A_3534 = arith.constant 24 : i32
    %get3A_3535 = arith.constant 0 : i32
    %get3A_3536 = arith.index_cast %get3A_3534 : i32 to index
    %get3A_3537 = arith.index_cast %get3A_3535 : i32 to index
    %get3A_3538 = arith.constant 16 : index
    %get3A_3539 = tpu.vector_load %arg6[%get3A_3536, %get3A_3537, %get3A_3538] {strides = array<i32>} : memref<32x8x128xf32, #tpu.memory_space<vmem>>, vector<1x1x16xf32>,
    %get3A_3540 = vector.shape_cast %get3A_3539 : vector<1x1x16xf32> to vector<16xf32>
    %swap3A_3541 = arith.constant 24 : i32
    %swap3A_3542 = arith.index_cast %swap3A_3541 : i32 to index
    %swap3A_3543 = arith.constant 16 : index
    %swap3A_3544 = tpu.vector_load %arg7[%swap3A_3542, %swap3A_3543] {strides = array<i32>} : memref<32x128xf32, #tpu.memory_space<vmem>>, vector<1x16xf32>,
    %swap3A_3545 = vector.shape_cast %swap3A_3544 : vector<1x16xf32> to vector<16xf32>
    %swap3A_3546 = vector.shape_cast %get3A_3540 : vector<16xf32> to vector<1x16xf32>
    tpu.vector_store %arg7[%swap3A_3542, %swap3A_3543], %swap3A_3546 {strides = array<i32>} : memref<32x128xf32, #tpu.memory_space<vmem>>, vector<1x16xf32>,
    %get3A_3547 = arith.constant 24 : i32
    %get3A_3548 = arith.constant 0 : i32
    %get3A_3549 = arith.index_cast %get3A_3547 : i32 to index
    %get3A_3550 = arith.index_cast %get3A_3548 : i32 to index
    %get3A_3551 = arith.constant 32 : index
    %get3A_3552 = tpu.vector_load %arg6[%get3A_3549, %get3A_3550, %get3A_3551] {strides = array<i32>} : memref<32x8x128xf32, #tpu.memory_space<vmem>>, vector<1x1x16xf32>,
    %get3A_3553 = vector.shape_cast %get3A_3552 : vector<1x1x16xf32> to vector<16xf32>
    %swap3A_3554 = arith.constant 24 : i32
    %swap3A_3555 = arith.index_cast %swap3A_3554 : i32 to index
    %swap3A_3556 = arith.constant 32 : index
    %swap3A_3557 = tpu.vector_load %arg7[%swap3A_3555, %swap3A_3556] {strides = array<i32>} : memref<32x128xf32, #tpu.memory_space<vmem>>, vector<1x16xf32>,
    %swap3A_3558 = vector.shape_cast %swap3A_3557 : vector<1x16xf32> to vector<16xf32>
    %swap3A_3559 = vector.shape_cast %get3A_3553 : vector<16xf32> to vector<1x16xf32>
    tpu.vector_store %arg7[%swap3A_3555, %swap3A_3556], %swap3A_3559 {strides = array<i32>} : memref<32x128xf32, #tpu.memory_space<vmem>>, vector<1x16xf32>,
    %get3A_3560 = arith.constant 24 : i32
    %get3A_3561 = arith.constant 0 : i32
    %get3A_3562 = arith.index_cast %get3A_3560 : i32 to index
    %get3A_3563 = arith.index_cast %get3A_3561 : i32 to index
    %get3A_3564 = arith.constant 48 : index
    %get3A_3565 = tpu.vector_load %arg6[%get3A_3562, %get3A_3563, %get3A_3564] {strides = array<i32>} : memref<32x8x128xf32, #tpu.memory_space<vmem>>, vector<1x1x16xf32>,
    %get3A_3566 = vector.shape_cast %get3A_3565 : vector<1x1x16xf32> to vector<16xf32>
    %swap3A_3567 = arith.constant 24 : i32
    %swap3A_3568 = arith.index_cast %swap3A_3567 : i32 to index
    %swap3A_3569 = arith.constant 48 : index
    %swap3A_3570 = tpu.vector_load %arg7[%swap3A_3568, %swap3A_3569] {strides = array<i32>} : memref<32x128xf32, #tpu.memory_space<vmem>>, vector<1x16xf32>,
    %swap3A_3571 = vector.shape_cast %swap3A_3570 : vector<1x16xf32> to vector<16xf32>
    %swap3A_3572 = vector.shape_cast %get3A_3566 : vector<16xf32> to vector<1x16xf32>
    tpu.vector_store %arg7[%swap3A_3568, %swap3A_3569], %swap3A_3572 {strides = array<i32>} : memref<32x128xf32, #tpu.memory_space<vmem>>, vector<1x16xf32>,
    %get3A_3573 = arith.constant 24 : i32
    %get3A_3574 = arith.constant 0 : i32
    %get3A_3575 = arith.index_cast %get3A_3573 : i32 to index
    %get3A_3576 = arith.index_cast %get3A_3574 : i32 to index
    %get3A_3577 = arith.constant 64 : index
    %get3A_3578 = tpu.vector_load %arg6[%get3A_3575, %get3A_3576, %get3A_3577] {strides = array<i32>} : memref<32x8x128xf32, #tpu.memory_space<vmem>>, vector<1x1x16xf32>,
    %get3A_3579 = vector.shape_cast %get3A_3578 : vector<1x1x16xf32> to vector<16xf32>
    %swap3A_3580 = arith.constant 24 : i32
    %swap3A_3581 = arith.index_cast %swap3A_3580 : i32 to index
    %swap3A_3582 = arith.constant 64 : index
    %swap3A_3583 = tpu.vector_load %arg7[%swap3A_3581, %swap3A_3582] {strides = array<i32>} : memref<32x128xf32, #tpu.memory_space<vmem>>, vector<1x16xf32>,
    %swap3A_3584 = vector.shape_cast %swap3A_3583 : vector<1x16xf32> to vector<16xf32>
    %swap3A_3585 = vector.shape_cast %get3A_3579 : vector<16xf32> to vector<1x16xf32>
    tpu.vector_store %arg7[%swap3A_3581, %swap3A_3582], %swap3A_3585 {strides = array<i32>} : memref<32x128xf32, #tpu.memory_space<vmem>>, vector<1x16xf32>,
    %get3A_3586 = arith.constant 24 : i32
    %get3A_3587 = arith.constant 0 : i32
    %get3A_3588 = arith.index_cast %get3A_3586 : i32 to index
    %get3A_3589 = arith.index_cast %get3A_3587 : i32 to index
    %get3A_3590 = arith.constant 80 : index
    %get3A_3591 = tpu.vector_load %arg6[%get3A_3588, %get3A_3589, %get3A_3590] {strides = array<i32>} : memref<32x8x128xf32, #tpu.memory_space<vmem>>, vector<1x1x16xf32>,
    %get3A_3592 = vector.shape_cast %get3A_3591 : vector<1x1x16xf32> to vector<16xf32>
    %swap3A_3593 = arith.constant 24 : i32
    %swap3A_3594 = arith.index_cast %swap3A_3593 : i32 to index
    %swap3A_3595 = arith.constant 80 : index
    %swap3A_3596 = tpu.vector_load %arg7[%swap3A_3594, %swap3A_3595] {strides = array<i32>} : memref<32x128xf32, #tpu.memory_space<vmem>>, vector<1x16xf32>,
    %swap3A_3597 = vector.shape_cast %swap3A_3596 : vector<1x16xf32> to vector<16xf32>
    %swap3A_3598 = vector.shape_cast %get3A_3592 : vector<16xf32> to vector<1x16xf32>
    tpu.vector_store %arg7[%swap3A_3594, %swap3A_3595], %swap3A_3598 {strides = array<i32>} : memref<32x128xf32, #tpu.memory_space<vmem>>, vector<1x16xf32>,
    %get3A_3599 = arith.constant 24 : i32
    %get3A_3600 = arith.constant 0 : i32
    %get3A_3601 = arith.index_cast %get3A_3599 : i32 to index
    %get3A_3602 = arith.index_cast %get3A_3600 : i32 to index
    %get3A_3603 = arith.constant 96 : index
    %get3A_3604 = tpu.vector_load %arg6[%get3A_3601, %get3A_3602, %get3A_3603] {strides = array<i32>} : memref<32x8x128xf32, #tpu.memory_space<vmem>>, vector<1x1x16xf32>,
    %get3A_3605 = vector.shape_cast %get3A_3604 : vector<1x1x16xf32> to vector<16xf32>
    %swap3A_3606 = arith.constant 24 : i32
    %swap3A_3607 = arith.index_cast %swap3A_3606 : i32 to index
    %swap3A_3608 = arith.constant 96 : index
    %swap3A_3609 = tpu.vector_load %arg7[%swap3A_3607, %swap3A_3608] {strides = array<i32>} : memref<32x128xf32, #tpu.memory_space<vmem>>, vector<1x16xf32>,
    %swap3A_3610 = vector.shape_cast %swap3A_3609 : vector<1x16xf32> to vector<16xf32>
    %swap3A_3611 = vector.shape_cast %get3A_3605 : vector<16xf32> to vector<1x16xf32>
    tpu.vector_store %arg7[%swap3A_3607, %swap3A_3608], %swap3A_3611 {strides = array<i32>} : memref<32x128xf32, #tpu.memory_space<vmem>>, vector<1x16xf32>,
    %get3A_3612 = arith.constant 24 : i32
    %get3A_3613 = arith.constant 0 : i32
    %get3A_3614 = arith.index_cast %get3A_3612 : i32 to index
    %get3A_3615 = arith.index_cast %get3A_3613 : i32 to index
    %get3A_3616 = arith.constant 112 : index
    %get3A_3617 = tpu.vector_load %arg6[%get3A_3614, %get3A_3615, %get3A_3616] {strides = array<i32>} : memref<32x8x128xf32, #tpu.memory_space<vmem>>, vector<1x1x16xf32>,
    %get3A_3618 = vector.shape_cast %get3A_3617 : vector<1x1x16xf32> to vector<16xf32>
    %swap3A_3619 = arith.constant 24 : i32
    %swap3A_3620 = arith.index_cast %swap3A_3619 : i32 to index
    %swap3A_3621 = arith.constant 112 : index
    %swap3A_3622 = tpu.vector_load %arg7[%swap3A_3620, %swap3A_3621] {strides = array<i32>} : memref<32x128xf32, #tpu.memory_space<vmem>>, vector<1x16xf32>,
    %swap3A_3623 = vector.shape_cast %swap3A_3622 : vector<1x16xf32> to vector<16xf32>
    %swap3A_3624 = vector.shape_cast %get3A_3618 : vector<16xf32> to vector<1x16xf32>
    tpu.vector_store %arg7[%swap3A_3620, %swap3A_3621], %swap3A_3624 {strides = array<i32>} : memref<32x128xf32, #tpu.memory_space<vmem>>, vector<1x16xf32>,
    %get3A_3625 = arith.constant 25 : i32
    %get3A_3626 = arith.constant 1 : i32
    %get3A_3627 = arith.index_cast %get3A_3625 : i32 to index
    %get3A_3628 = arith.index_cast %get3A_3626 : i32 to index
    %get3A_3629 = arith.constant 0 : index
    %get3A_3630 = tpu.vector_load %arg6[%get3A_3627, %get3A_3628, %get3A_3629] {strides = array<i32>} : memref<32x8x128xf32, #tpu.memory_space<vmem>>, vector<1x1x16xf32>,
    %get3A_3631 = vector.shape_cast %get3A_3630 : vector<1x1x16xf32> to vector<16xf32>
    %swap3A_3632 = arith.constant 25 : i32
    %swap3A_3633 = arith.index_cast %swap3A_3632 : i32 to index
    %swap3A_3634 = arith.constant 0 : index
    %swap3A_3635 = tpu.vector_load %arg7[%swap3A_3633, %swap3A_3634] {strides = array<i32>} : memref<32x128xf32, #tpu.memory_space<vmem>>, vector<1x16xf32>,
    %swap3A_3636 = vector.shape_cast %swap3A_3635 : vector<1x16xf32> to vector<16xf32>
    %swap3A_3637 = vector.shape_cast %get3A_3631 : vector<16xf32> to vector<1x16xf32>
    tpu.vector_store %arg7[%swap3A_3633, %swap3A_3634], %swap3A_3637 {strides = array<i32>} : memref<32x128xf32, #tpu.memory_space<vmem>>, vector<1x16xf32>,
    %get3A_3638 = arith.constant 25 : i32
    %get3A_3639 = arith.constant 1 : i32
    %get3A_3640 = arith.index_cast %get3A_3638 : i32 to index
    %get3A_3641 = arith.index_cast %get3A_3639 : i32 to index
    %get3A_3642 = arith.constant 16 : index
    %get3A_3643 = tpu.vector_load %arg6[%get3A_3640, %get3A_3641, %get3A_3642] {strides = array<i32>} : memref<32x8x128xf32, #tpu.memory_space<vmem>>, vector<1x1x16xf32>,
    %get3A_3644 = vector.shape_cast %get3A_3643 : vector<1x1x16xf32> to vector<16xf32>
    %swap3A_3645 = arith.constant 25 : i32
    %swap3A_3646 = arith.index_cast %swap3A_3645 : i32 to index
    %swap3A_3647 = arith.constant 16 : index
    %swap3A_3648 = tpu.vector_load %arg7[%swap3A_3646, %swap3A_3647] {strides = array<i32>} : memref<32x128xf32, #tpu.memory_space<vmem>>, vector<1x16xf32>,
    %swap3A_3649 = vector.shape_cast %swap3A_3648 : vector<1x16xf32> to vector<16xf32>
    %swap3A_3650 = vector.shape_cast %get3A_3644 : vector<16xf32> to vector<1x16xf32>
    tpu.vector_store %arg7[%swap3A_3646, %swap3A_3647], %swap3A_3650 {strides = array<i32>} : memref<32x128xf32, #tpu.memory_space<vmem>>, vector<1x16xf32>,
    %get3A_3651 = arith.constant 25 : i32
    %get3A_3652 = arith.constant 1 : i32
    %get3A_3653 = arith.index_cast %get3A_3651 : i32 to index
    %get3A_3654 = arith.index_cast %get3A_3652 : i32 to index
    %get3A_3655 = arith.constant 32 : index
    %get3A_3656 = tpu.vector_load %arg6[%get3A_3653, %get3A_3654, %get3A_3655] {strides = array<i32>} : memref<32x8x128xf32, #tpu.memory_space<vmem>>, vector<1x1x16xf32>,
    %get3A_3657 = vector.shape_cast %get3A_3656 : vector<1x1x16xf32> to vector<16xf32>
    %swap3A_3658 = arith.constant 25 : i32
    %swap3A_3659 = arith.index_cast %swap3A_3658 : i32 to index
    %swap3A_3660 = arith.constant 32 : index
    %swap3A_3661 = tpu.vector_load %arg7[%swap3A_3659, %swap3A_3660] {strides = array<i32>} : memref<32x128xf32, #tpu.memory_space<vmem>>, vector<1x16xf32>,
    %swap3A_3662 = vector.shape_cast %swap3A_3661 : vector<1x16xf32> to vector<16xf32>
    %swap3A_3663 = vector.shape_cast %get3A_3657 : vector<16xf32> to vector<1x16xf32>
    tpu.vector_store %arg7[%swap3A_3659, %swap3A_3660], %swap3A_3663 {strides = array<i32>} : memref<32x128xf32, #tpu.memory_space<vmem>>, vector<1x16xf32>,
    %get3A_3664 = arith.constant 25 : i32
    %get3A_3665 = arith.constant 1 : i32
    %get3A_3666 = arith.index_cast %get3A_3664 : i32 to index
    %get3A_3667 = arith.index_cast %get3A_3665 : i32 to index
    %get3A_3668 = arith.constant 48 : index
    %get3A_3669 = tpu.vector_load %arg6[%get3A_3666, %get3A_3667, %get3A_3668] {strides = array<i32>} : memref<32x8x128xf32, #tpu.memory_space<vmem>>, vector<1x1x16xf32>,
    %get3A_3670 = vector.shape_cast %get3A_3669 : vector<1x1x16xf32> to vector<16xf32>
    %swap3A_3671 = arith.constant 25 : i32
    %swap3A_3672 = arith.index_cast %swap3A_3671 : i32 to index
    %swap3A_3673 = arith.constant 48 : index
    %swap3A_3674 = tpu.vector_load %arg7[%swap3A_3672, %swap3A_3673] {strides = array<i32>} : memref<32x128xf32, #tpu.memory_space<vmem>>, vector<1x16xf32>,
    %swap3A_3675 = vector.shape_cast %swap3A_3674 : vector<1x16xf32> to vector<16xf32>
    %swap3A_3676 = vector.shape_cast %get3A_3670 : vector<16xf32> to vector<1x16xf32>
    tpu.vector_store %arg7[%swap3A_3672, %swap3A_3673], %swap3A_3676 {strides = array<i32>} : memref<32x128xf32, #tpu.memory_space<vmem>>, vector<1x16xf32>,
    %get3A_3677 = arith.constant 25 : i32
    %get3A_3678 = arith.constant 1 : i32
    %get3A_3679 = arith.index_cast %get3A_3677 : i32 to index
    %get3A_3680 = arith.index_cast %get3A_3678 : i32 to index
    %get3A_3681 = arith.constant 64 : index
    %get3A_3682 = tpu.vector_load %arg6[%get3A_3679, %get3A_3680, %get3A_3681] {strides = array<i32>} : memref<32x8x128xf32, #tpu.memory_space<vmem>>, vector<1x1x16xf32>,
    %get3A_3683 = vector.shape_cast %get3A_3682 : vector<1x1x16xf32> to vector<16xf32>
    %swap3A_3684 = arith.constant 25 : i32
    %swap3A_3685 = arith.index_cast %swap3A_3684 : i32 to index
    %swap3A_3686 = arith.constant 64 : index
    %swap3A_3687 = tpu.vector_load %arg7[%swap3A_3685, %swap3A_3686] {strides = array<i32>} : memref<32x128xf32, #tpu.memory_space<vmem>>, vector<1x16xf32>,
    %swap3A_3688 = vector.shape_cast %swap3A_3687 : vector<1x16xf32> to vector<16xf32>
    %swap3A_3689 = vector.shape_cast %get3A_3683 : vector<16xf32> to vector<1x16xf32>
    tpu.vector_store %arg7[%swap3A_3685, %swap3A_3686], %swap3A_3689 {strides = array<i32>} : memref<32x128xf32, #tpu.memory_space<vmem>>, vector<1x16xf32>,
    %get3A_3690 = arith.constant 25 : i32
    %get3A_3691 = arith.constant 1 : i32
    %get3A_3692 = arith.index_cast %get3A_3690 : i32 to index
    %get3A_3693 = arith.index_cast %get3A_3691 : i32 to index
    %get3A_3694 = arith.constant 80 : index
    %get3A_3695 = tpu.vector_load %arg6[%get3A_3692, %get3A_3693, %get3A_3694] {strides = array<i32>} : memref<32x8x128xf32, #tpu.memory_space<vmem>>, vector<1x1x16xf32>,
    %get3A_3696 = vector.shape_cast %get3A_3695 : vector<1x1x16xf32> to vector<16xf32>
    %swap3A_3697 = arith.constant 25 : i32
    %swap3A_3698 = arith.index_cast %swap3A_3697 : i32 to index
    %swap3A_3699 = arith.constant 80 : index
    %swap3A_3700 = tpu.vector_load %arg7[%swap3A_3698, %swap3A_3699] {strides = array<i32>} : memref<32x128xf32, #tpu.memory_space<vmem>>, vector<1x16xf32>,
    %swap3A_3701 = vector.shape_cast %swap3A_3700 : vector<1x16xf32> to vector<16xf32>
    %swap3A_3702 = vector.shape_cast %get3A_3696 : vector<16xf32> to vector<1x16xf32>
    tpu.vector_store %arg7[%swap3A_3698, %swap3A_3699], %swap3A_3702 {strides = array<i32>} : memref<32x128xf32, #tpu.memory_space<vmem>>, vector<1x16xf32>,
    %get3A_3703 = arith.constant 25 : i32
    %get3A_3704 = arith.constant 1 : i32
    %get3A_3705 = arith.index_cast %get3A_3703 : i32 to index
    %get3A_3706 = arith.index_cast %get3A_3704 : i32 to index
    %get3A_3707 = arith.constant 96 : index
    %get3A_3708 = tpu.vector_load %arg6[%get3A_3705, %get3A_3706, %get3A_3707] {strides = array<i32>} : memref<32x8x128xf32, #tpu.memory_space<vmem>>, vector<1x1x16xf32>,
    %get3A_3709 = vector.shape_cast %get3A_3708 : vector<1x1x16xf32> to vector<16xf32>
    %swap3A_3710 = arith.constant 25 : i32
    %swap3A_3711 = arith.index_cast %swap3A_3710 : i32 to index
    %swap3A_3712 = arith.constant 96 : index
    %swap3A_3713 = tpu.vector_load %arg7[%swap3A_3711, %swap3A_3712] {strides = array<i32>} : memref<32x128xf32, #tpu.memory_space<vmem>>, vector<1x16xf32>,
    %swap3A_3714 = vector.shape_cast %swap3A_3713 : vector<1x16xf32> to vector<16xf32>
    %swap3A_3715 = vector.shape_cast %get3A_3709 : vector<16xf32> to vector<1x16xf32>
    tpu.vector_store %arg7[%swap3A_3711, %swap3A_3712], %swap3A_3715 {strides = array<i32>} : memref<32x128xf32, #tpu.memory_space<vmem>>, vector<1x16xf32>,
    %get3A_3716 = arith.constant 25 : i32
    %get3A_3717 = arith.constant 1 : i32
    %get3A_3718 = arith.index_cast %get3A_3716 : i32 to index
    %get3A_3719 = arith.index_cast %get3A_3717 : i32 to index
    %get3A_3720 = arith.constant 112 : index
    %get3A_3721 = tpu.vector_load %arg6[%get3A_3718, %get3A_3719, %get3A_3720] {strides = array<i32>} : memref<32x8x128xf32, #tpu.memory_space<vmem>>, vector<1x1x16xf32>,
    %get3A_3722 = vector.shape_cast %get3A_3721 : vector<1x1x16xf32> to vector<16xf32>
    %swap3A_3723 = arith.constant 25 : i32
    %swap3A_3724 = arith.index_cast %swap3A_3723 : i32 to index
    %swap3A_3725 = arith.constant 112 : index
    %swap3A_3726 = tpu.vector_load %arg7[%swap3A_3724, %swap3A_3725] {strides = array<i32>} : memref<32x128xf32, #tpu.memory_space<vmem>>, vector<1x16xf32>,
    %swap3A_3727 = vector.shape_cast %swap3A_3726 : vector<1x16xf32> to vector<16xf32>
    %swap3A_3728 = vector.shape_cast %get3A_3722 : vector<16xf32> to vector<1x16xf32>
    tpu.vector_store %arg7[%swap3A_3724, %swap3A_3725], %swap3A_3728 {strides = array<i32>} : memref<32x128xf32, #tpu.memory_space<vmem>>, vector<1x16xf32>,
    %get3A_3729 = arith.constant 26 : i32
    %get3A_3730 = arith.constant 2 : i32
    %get3A_3731 = arith.index_cast %get3A_3729 : i32 to index
    %get3A_3732 = arith.index_cast %get3A_3730 : i32 to index
    %get3A_3733 = arith.constant 0 : index
    %get3A_3734 = tpu.vector_load %arg6[%get3A_3731, %get3A_3732, %get3A_3733] {strides = array<i32>} : memref<32x8x128xf32, #tpu.memory_space<vmem>>, vector<1x1x16xf32>,
    %get3A_3735 = vector.shape_cast %get3A_3734 : vector<1x1x16xf32> to vector<16xf32>
    %swap3A_3736 = arith.constant 26 : i32
    %swap3A_3737 = arith.index_cast %swap3A_3736 : i32 to index
    %swap3A_3738 = arith.constant 0 : index
    %swap3A_3739 = tpu.vector_load %arg7[%swap3A_3737, %swap3A_3738] {strides = array<i32>} : memref<32x128xf32, #tpu.memory_space<vmem>>, vector<1x16xf32>,
    %swap3A_3740 = vector.shape_cast %swap3A_3739 : vector<1x16xf32> to vector<16xf32>
    %swap3A_3741 = vector.shape_cast %get3A_3735 : vector<16xf32> to vector<1x16xf32>
    tpu.vector_store %arg7[%swap3A_3737, %swap3A_3738], %swap3A_3741 {strides = array<i32>} : memref<32x128xf32, #tpu.memory_space<vmem>>, vector<1x16xf32>,
    %get3A_3742 = arith.constant 26 : i32
    %get3A_3743 = arith.constant 2 : i32
    %get3A_3744 = arith.index_cast %get3A_3742 : i32 to index
    %get3A_3745 = arith.index_cast %get3A_3743 : i32 to index
    %get3A_3746 = arith.constant 16 : index
    %get3A_3747 = tpu.vector_load %arg6[%get3A_3744, %get3A_3745, %get3A_3746] {strides = array<i32>} : memref<32x8x128xf32, #tpu.memory_space<vmem>>, vector<1x1x16xf32>,
    %get3A_3748 = vector.shape_cast %get3A_3747 : vector<1x1x16xf32> to vector<16xf32>
    %swap3A_3749 = arith.constant 26 : i32
    %swap3A_3750 = arith.index_cast %swap3A_3749 : i32 to index
    %swap3A_3751 = arith.constant 16 : index
    %swap3A_3752 = tpu.vector_load %arg7[%swap3A_3750, %swap3A_3751] {strides = array<i32>} : memref<32x128xf32, #tpu.memory_space<vmem>>, vector<1x16xf32>,
    %swap3A_3753 = vector.shape_cast %swap3A_3752 : vector<1x16xf32> to vector<16xf32>
    %swap3A_3754 = vector.shape_cast %get3A_3748 : vector<16xf32> to vector<1x16xf32>
    tpu.vector_store %arg7[%swap3A_3750, %swap3A_3751], %swap3A_3754 {strides = array<i32>} : memref<32x128xf32, #tpu.memory_space<vmem>>, vector<1x16xf32>,
    %get3A_3755 = arith.constant 26 : i32
    %get3A_3756 = arith.constant 2 : i32
    %get3A_3757 = arith.index_cast %get3A_3755 : i32 to index
    %get3A_3758 = arith.index_cast %get3A_3756 : i32 to index
    %get3A_3759 = arith.constant 32 : index
    %get3A_3760 = tpu.vector_load %arg6[%get3A_3757, %get3A_3758, %get3A_3759] {strides = array<i32>} : memref<32x8x128xf32, #tpu.memory_space<vmem>>, vector<1x1x16xf32>,
    %get3A_3761 = vector.shape_cast %get3A_3760 : vector<1x1x16xf32> to vector<16xf32>
    %swap3A_3762 = arith.constant 26 : i32
    %swap3A_3763 = arith.index_cast %swap3A_3762 : i32 to index
    %swap3A_3764 = arith.constant 32 : index
    %swap3A_3765 = tpu.vector_load %arg7[%swap3A_3763, %swap3A_3764] {strides = array<i32>} : memref<32x128xf32, #tpu.memory_space<vmem>>, vector<1x16xf32>,
    %swap3A_3766 = vector.shape_cast %swap3A_3765 : vector<1x16xf32> to vector<16xf32>
    %swap3A_3767 = vector.shape_cast %get3A_3761 : vector<16xf32> to vector<1x16xf32>
    tpu.vector_store %arg7[%swap3A_3763, %swap3A_3764], %swap3A_3767 {strides = array<i32>} : memref<32x128xf32, #tpu.memory_space<vmem>>, vector<1x16xf32>,
    %get3A_3768 = arith.constant 26 : i32
    %get3A_3769 = arith.constant 2 : i32
    %get3A_3770 = arith.index_cast %get3A_3768 : i32 to index
    %get3A_3771 = arith.index_cast %get3A_3769 : i32 to index
    %get3A_3772 = arith.constant 48 : index
    %get3A_3773 = tpu.vector_load %arg6[%get3A_3770, %get3A_3771, %get3A_3772] {strides = array<i32>} : memref<32x8x128xf32, #tpu.memory_space<vmem>>, vector<1x1x16xf32>,
    %get3A_3774 = vector.shape_cast %get3A_3773 : vector<1x1x16xf32> to vector<16xf32>
    %swap3A_3775 = arith.constant 26 : i32
    %swap3A_3776 = arith.index_cast %swap3A_3775 : i32 to index
    %swap3A_3777 = arith.constant 48 : index
    %swap3A_3778 = tpu.vector_load %arg7[%swap3A_3776, %swap3A_3777] {strides = array<i32>} : memref<32x128xf32, #tpu.memory_space<vmem>>, vector<1x16xf32>,
    %swap3A_3779 = vector.shape_cast %swap3A_3778 : vector<1x16xf32> to vector<16xf32>
    %swap3A_3780 = vector.shape_cast %get3A_3774 : vector<16xf32> to vector<1x16xf32>
    tpu.vector_store %arg7[%swap3A_3776, %swap3A_3777], %swap3A_3780 {strides = array<i32>} : memref<32x128xf32, #tpu.memory_space<vmem>>, vector<1x16xf32>,
    %get3A_3781 = arith.constant 26 : i32
    %get3A_3782 = arith.constant 2 : i32
    %get3A_3783 = arith.index_cast %get3A_3781 : i32 to index
    %get3A_3784 = arith.index_cast %get3A_3782 : i32 to index
    %get3A_3785 = arith.constant 64 : index
    %get3A_3786 = tpu.vector_load %arg6[%get3A_3783, %get3A_3784, %get3A_3785] {strides = array<i32>} : memref<32x8x128xf32, #tpu.memory_space<vmem>>, vector<1x1x16xf32>,
    %get3A_3787 = vector.shape_cast %get3A_3786 : vector<1x1x16xf32> to vector<16xf32>
    %swap3A_3788 = arith.constant 26 : i32
    %swap3A_3789 = arith.index_cast %swap3A_3788 : i32 to index
    %swap3A_3790 = arith.constant 64 : index
    %swap3A_3791 = tpu.vector_load %arg7[%swap3A_3789, %swap3A_3790] {strides = array<i32>} : memref<32x128xf32, #tpu.memory_space<vmem>>, vector<1x16xf32>,
    %swap3A_3792 = vector.shape_cast %swap3A_3791 : vector<1x16xf32> to vector<16xf32>
    %swap3A_3793 = vector.shape_cast %get3A_3787 : vector<16xf32> to vector<1x16xf32>
    tpu.vector_store %arg7[%swap3A_3789, %swap3A_3790], %swap3A_3793 {strides = array<i32>} : memref<32x128xf32, #tpu.memory_space<vmem>>, vector<1x16xf32>,
    %get3A_3794 = arith.constant 26 : i32
    %get3A_3795 = arith.constant 2 : i32
    %get3A_3796 = arith.index_cast %get3A_3794 : i32 to index
    %get3A_3797 = arith.index_cast %get3A_3795 : i32 to index
    %get3A_3798 = arith.constant 80 : index
    %get3A_3799 = tpu.vector_load %arg6[%get3A_3796, %get3A_3797, %get3A_3798] {strides = array<i32>} : memref<32x8x128xf32, #tpu.memory_space<vmem>>, vector<1x1x16xf32>,
    %get3A_3800 = vector.shape_cast %get3A_3799 : vector<1x1x16xf32> to vector<16xf32>
    %swap3A_3801 = arith.constant 26 : i32
    %swap3A_3802 = arith.index_cast %swap3A_3801 : i32 to index
    %swap3A_3803 = arith.constant 80 : index
    %swap3A_3804 = tpu.vector_load %arg7[%swap3A_3802, %swap3A_3803] {strides = array<i32>} : memref<32x128xf32, #tpu.memory_space<vmem>>, vector<1x16xf32>,
    %swap3A_3805 = vector.shape_cast %swap3A_3804 : vector<1x16xf32> to vector<16xf32>
    %swap3A_3806 = vector.shape_cast %get3A_3800 : vector<16xf32> to vector<1x16xf32>
    tpu.vector_store %arg7[%swap3A_3802, %swap3A_3803], %swap3A_3806 {strides = array<i32>} : memref<32x128xf32, #tpu.memory_space<vmem>>, vector<1x16xf32>,
    %get3A_3807 = arith.constant 26 : i32
    %get3A_3808 = arith.constant 2 : i32
    %get3A_3809 = arith.index_cast %get3A_3807 : i32 to index
    %get3A_3810 = arith.index_cast %get3A_3808 : i32 to index
    %get3A_3811 = arith.constant 96 : index
    %get3A_3812 = tpu.vector_load %arg6[%get3A_3809, %get3A_3810, %get3A_3811] {strides = array<i32>} : memref<32x8x128xf32, #tpu.memory_space<vmem>>, vector<1x1x16xf32>,
    %get3A_3813 = vector.shape_cast %get3A_3812 : vector<1x1x16xf32> to vector<16xf32>
    %swap3A_3814 = arith.constant 26 : i32
    %swap3A_3815 = arith.index_cast %swap3A_3814 : i32 to index
    %swap3A_3816 = arith.constant 96 : index
    %swap3A_3817 = tpu.vector_load %arg7[%swap3A_3815, %swap3A_3816] {strides = array<i32>} : memref<32x128xf32, #tpu.memory_space<vmem>>, vector<1x16xf32>,
    %swap3A_3818 = vector.shape_cast %swap3A_3817 : vector<1x16xf32> to vector<16xf32>
    %swap3A_3819 = vector.shape_cast %get3A_3813 : vector<16xf32> to vector<1x16xf32>
    tpu.vector_store %arg7[%swap3A_3815, %swap3A_3816], %swap3A_3819 {strides = array<i32>} : memref<32x128xf32, #tpu.memory_space<vmem>>, vector<1x16xf32>,
    %get3A_3820 = arith.constant 26 : i32
    %get3A_3821 = arith.constant 2 : i32
    %get3A_3822 = arith.index_cast %get3A_3820 : i32 to index
    %get3A_3823 = arith.index_cast %get3A_3821 : i32 to index
    %get3A_3824 = arith.constant 112 : index
    %get3A_3825 = tpu.vector_load %arg6[%get3A_3822, %get3A_3823, %get3A_3824] {strides = array<i32>} : memref<32x8x128xf32, #tpu.memory_space<vmem>>, vector<1x1x16xf32>,
    %get3A_3826 = vector.shape_cast %get3A_3825 : vector<1x1x16xf32> to vector<16xf32>
    %swap3A_3827 = arith.constant 26 : i32
    %swap3A_3828 = arith.index_cast %swap3A_3827 : i32 to index
    %swap3A_3829 = arith.constant 112 : index
    %swap3A_3830 = tpu.vector_load %arg7[%swap3A_3828, %swap3A_3829] {strides = array<i32>} : memref<32x128xf32, #tpu.memory_space<vmem>>, vector<1x16xf32>,
    %swap3A_3831 = vector.shape_cast %swap3A_3830 : vector<1x16xf32> to vector<16xf32>
    %swap3A_3832 = vector.shape_cast %get3A_3826 : vector<16xf32> to vector<1x16xf32>
    tpu.vector_store %arg7[%swap3A_3828, %swap3A_3829], %swap3A_3832 {strides = array<i32>} : memref<32x128xf32, #tpu.memory_space<vmem>>, vector<1x16xf32>,
    %get3A_3833 = arith.constant 27 : i32
    %get3A_3834 = arith.constant 3 : i32
    %get3A_3835 = arith.index_cast %get3A_3833 : i32 to index
    %get3A_3836 = arith.index_cast %get3A_3834 : i32 to index
    %get3A_3837 = arith.constant 0 : index
    %get3A_3838 = tpu.vector_load %arg6[%get3A_3835, %get3A_3836, %get3A_3837] {strides = array<i32>} : memref<32x8x128xf32, #tpu.memory_space<vmem>>, vector<1x1x16xf32>,
    %get3A_3839 = vector.shape_cast %get3A_3838 : vector<1x1x16xf32> to vector<16xf32>
    %swap3A_3840 = arith.constant 27 : i32
    %swap3A_3841 = arith.index_cast %swap3A_3840 : i32 to index
    %swap3A_3842 = arith.constant 0 : index
    %swap3A_3843 = tpu.vector_load %arg7[%swap3A_3841, %swap3A_3842] {strides = array<i32>} : memref<32x128xf32, #tpu.memory_space<vmem>>, vector<1x16xf32>,
    %swap3A_3844 = vector.shape_cast %swap3A_3843 : vector<1x16xf32> to vector<16xf32>
    %swap3A_3845 = vector.shape_cast %get3A_3839 : vector<16xf32> to vector<1x16xf32>
    tpu.vector_store %arg7[%swap3A_3841, %swap3A_3842], %swap3A_3845 {strides = array<i32>} : memref<32x128xf32, #tpu.memory_space<vmem>>, vector<1x16xf32>,
    %get3A_3846 = arith.constant 27 : i32
    %get3A_3847 = arith.constant 3 : i32
    %get3A_3848 = arith.index_cast %get3A_3846 : i32 to index
    %get3A_3849 = arith.index_cast %get3A_3847 : i32 to index
    %get3A_3850 = arith.constant 16 : index
    %get3A_3851 = tpu.vector_load %arg6[%get3A_3848, %get3A_3849, %get3A_3850] {strides = array<i32>} : memref<32x8x128xf32, #tpu.memory_space<vmem>>, vector<1x1x16xf32>,
    %get3A_3852 = vector.shape_cast %get3A_3851 : vector<1x1x16xf32> to vector<16xf32>
    %swap3A_3853 = arith.constant 27 : i32
    %swap3A_3854 = arith.index_cast %swap3A_3853 : i32 to index
    %swap3A_3855 = arith.constant 16 : index
    %swap3A_3856 = tpu.vector_load %arg7[%swap3A_3854, %swap3A_3855] {strides = array<i32>} : memref<32x128xf32, #tpu.memory_space<vmem>>, vector<1x16xf32>,
    %swap3A_3857 = vector.shape_cast %swap3A_3856 : vector<1x16xf32> to vector<16xf32>
    %swap3A_3858 = vector.shape_cast %get3A_3852 : vector<16xf32> to vector<1x16xf32>
    tpu.vector_store %arg7[%swap3A_3854, %swap3A_3855], %swap3A_3858 {strides = array<i32>} : memref<32x128xf32, #tpu.memory_space<vmem>>, vector<1x16xf32>,
    %get3A_3859 = arith.constant 27 : i32
    %get3A_3860 = arith.constant 3 : i32
    %get3A_3861 = arith.index_cast %get3A_3859 : i32 to index
    %get3A_3862 = arith.index_cast %get3A_3860 : i32 to index
    %get3A_3863 = arith.constant 32 : index
    %get3A_3864 = tpu.vector_load %arg6[%get3A_3861, %get3A_3862, %get3A_3863] {strides = array<i32>} : memref<32x8x128xf32, #tpu.memory_space<vmem>>, vector<1x1x16xf32>,
    %get3A_3865 = vector.shape_cast %get3A_3864 : vector<1x1x16xf32> to vector<16xf32>
    %swap3A_3866 = arith.constant 27 : i32
    %swap3A_3867 = arith.index_cast %swap3A_3866 : i32 to index
    %swap3A_3868 = arith.constant 32 : index
    %swap3A_3869 = tpu.vector_load %arg7[%swap3A_3867, %swap3A_3868] {strides = array<i32>} : memref<32x128xf32, #tpu.memory_space<vmem>>, vector<1x16xf32>,
    %swap3A_3870 = vector.shape_cast %swap3A_3869 : vector<1x16xf32> to vector<16xf32>
    %swap3A_3871 = vector.shape_cast %get3A_3865 : vector<16xf32> to vector<1x16xf32>
    tpu.vector_store %arg7[%swap3A_3867, %swap3A_3868], %swap3A_3871 {strides = array<i32>} : memref<32x128xf32, #tpu.memory_space<vmem>>, vector<1x16xf32>,
    %get3A_3872 = arith.constant 27 : i32
    %get3A_3873 = arith.constant 3 : i32
    %get3A_3874 = arith.index_cast %get3A_3872 : i32 to index
    %get3A_3875 = arith.index_cast %get3A_3873 : i32 to index
    %get3A_3876 = arith.constant 48 : index
    %get3A_3877 = tpu.vector_load %arg6[%get3A_3874, %get3A_3875, %get3A_3876] {strides = array<i32>} : memref<32x8x128xf32, #tpu.memory_space<vmem>>, vector<1x1x16xf32>,
    %get3A_3878 = vector.shape_cast %get3A_3877 : vector<1x1x16xf32> to vector<16xf32>
    %swap3A_3879 = arith.constant 27 : i32
    %swap3A_3880 = arith.index_cast %swap3A_3879 : i32 to index
    %swap3A_3881 = arith.constant 48 : index
    %swap3A_3882 = tpu.vector_load %arg7[%swap3A_3880, %swap3A_3881] {strides = array<i32>} : memref<32x128xf32, #tpu.memory_space<vmem>>, vector<1x16xf32>,
    %swap3A_3883 = vector.shape_cast %swap3A_3882 : vector<1x16xf32> to vector<16xf32>
    %swap3A_3884 = vector.shape_cast %get3A_3878 : vector<16xf32> to vector<1x16xf32>
    tpu.vector_store %arg7[%swap3A_3880, %swap3A_3881], %swap3A_3884 {strides = array<i32>} : memref<32x128xf32, #tpu.memory_space<vmem>>, vector<1x16xf32>,
    %get3A_3885 = arith.constant 27 : i32
    %get3A_3886 = arith.constant 3 : i32
    %get3A_3887 = arith.index_cast %get3A_3885 : i32 to index
    %get3A_3888 = arith.index_cast %get3A_3886 : i32 to index
    %get3A_3889 = arith.constant 64 : index
    %get3A_3890 = tpu.vector_load %arg6[%get3A_3887, %get3A_3888, %get3A_3889] {strides = array<i32>} : memref<32x8x128xf32, #tpu.memory_space<vmem>>, vector<1x1x16xf32>,
    %get3A_3891 = vector.shape_cast %get3A_3890 : vector<1x1x16xf32> to vector<16xf32>
    %swap3A_3892 = arith.constant 27 : i32
    %swap3A_3893 = arith.index_cast %swap3A_3892 : i32 to index
    %swap3A_3894 = arith.constant 64 : index
    %swap3A_3895 = tpu.vector_load %arg7[%swap3A_3893, %swap3A_3894] {strides = array<i32>} : memref<32x128xf32, #tpu.memory_space<vmem>>, vector<1x16xf32>,
    %swap3A_3896 = vector.shape_cast %swap3A_3895 : vector<1x16xf32> to vector<16xf32>
    %swap3A_3897 = vector.shape_cast %get3A_3891 : vector<16xf32> to vector<1x16xf32>
    tpu.vector_store %arg7[%swap3A_3893, %swap3A_3894], %swap3A_3897 {strides = array<i32>} : memref<32x128xf32, #tpu.memory_space<vmem>>, vector<1x16xf32>,
    %get3A_3898 = arith.constant 27 : i32
    %get3A_3899 = arith.constant 3 : i32
    %get3A_3900 = arith.index_cast %get3A_3898 : i32 to index
    %get3A_3901 = arith.index_cast %get3A_3899 : i32 to index
    %get3A_3902 = arith.constant 80 : index
    %get3A_3903 = tpu.vector_load %arg6[%get3A_3900, %get3A_3901, %get3A_3902] {strides = array<i32>} : memref<32x8x128xf32, #tpu.memory_space<vmem>>, vector<1x1x16xf32>,
    %get3A_3904 = vector.shape_cast %get3A_3903 : vector<1x1x16xf32> to vector<16xf32>
    %swap3A_3905 = arith.constant 27 : i32
    %swap3A_3906 = arith.index_cast %swap3A_3905 : i32 to index
    %swap3A_3907 = arith.constant 80 : index
    %swap3A_3908 = tpu.vector_load %arg7[%swap3A_3906, %swap3A_3907] {strides = array<i32>} : memref<32x128xf32, #tpu.memory_space<vmem>>, vector<1x16xf32>,
    %swap3A_3909 = vector.shape_cast %swap3A_3908 : vector<1x16xf32> to vector<16xf32>
    %swap3A_3910 = vector.shape_cast %get3A_3904 : vector<16xf32> to vector<1x16xf32>
    tpu.vector_store %arg7[%swap3A_3906, %swap3A_3907], %swap3A_3910 {strides = array<i32>} : memref<32x128xf32, #tpu.memory_space<vmem>>, vector<1x16xf32>,
    %get3A_3911 = arith.constant 27 : i32
    %get3A_3912 = arith.constant 3 : i32
    %get3A_3913 = arith.index_cast %get3A_3911 : i32 to index
    %get3A_3914 = arith.index_cast %get3A_3912 : i32 to index
    %get3A_3915 = arith.constant 96 : index
    %get3A_3916 = tpu.vector_load %arg6[%get3A_3913, %get3A_3914, %get3A_3915] {strides = array<i32>} : memref<32x8x128xf32, #tpu.memory_space<vmem>>, vector<1x1x16xf32>,
    %get3A_3917 = vector.shape_cast %get3A_3916 : vector<1x1x16xf32> to vector<16xf32>
    %swap3A_3918 = arith.constant 27 : i32
    %swap3A_3919 = arith.index_cast %swap3A_3918 : i32 to index
    %swap3A_3920 = arith.constant 96 : index
    %swap3A_3921 = tpu.vector_load %arg7[%swap3A_3919, %swap3A_3920] {strides = array<i32>} : memref<32x128xf32, #tpu.memory_space<vmem>>, vector<1x16xf32>,
    %swap3A_3922 = vector.shape_cast %swap3A_3921 : vector<1x16xf32> to vector<16xf32>
    %swap3A_3923 = vector.shape_cast %get3A_3917 : vector<16xf32> to vector<1x16xf32>
    tpu.vector_store %arg7[%swap3A_3919, %swap3A_3920], %swap3A_3923 {strides = array<i32>} : memref<32x128xf32, #tpu.memory_space<vmem>>, vector<1x16xf32>,
    %get3A_3924 = arith.constant 27 : i32
    %get3A_3925 = arith.constant 3 : i32
    %get3A_3926 = arith.index_cast %get3A_3924 : i32 to index
    %get3A_3927 = arith.index_cast %get3A_3925 : i32 to index
    %get3A_3928 = arith.constant 112 : index
    %get3A_3929 = tpu.vector_load %arg6[%get3A_3926, %get3A_3927, %get3A_3928] {strides = array<i32>} : memref<32x8x128xf32, #tpu.memory_space<vmem>>, vector<1x1x16xf32>,
    %get3A_3930 = vector.shape_cast %get3A_3929 : vector<1x1x16xf32> to vector<16xf32>
    %swap3A_3931 = arith.constant 27 : i32
    %swap3A_3932 = arith.index_cast %swap3A_3931 : i32 to index
    %swap3A_3933 = arith.constant 112 : index
    %swap3A_3934 = tpu.vector_load %arg7[%swap3A_3932, %swap3A_3933] {strides = array<i32>} : memref<32x128xf32, #tpu.memory_space<vmem>>, vector<1x16xf32>,
    %swap3A_3935 = vector.shape_cast %swap3A_3934 : vector<1x16xf32> to vector<16xf32>
    %swap3A_3936 = vector.shape_cast %get3A_3930 : vector<16xf32> to vector<1x16xf32>
    tpu.vector_store %arg7[%swap3A_3932, %swap3A_3933], %swap3A_3936 {strides = array<i32>} : memref<32x128xf32, #tpu.memory_space<vmem>>, vector<1x16xf32>,
    %get3A_3937 = arith.constant 28 : i32
    %get3A_3938 = arith.constant 4 : i32
    %get3A_3939 = arith.index_cast %get3A_3937 : i32 to index
    %get3A_3940 = arith.index_cast %get3A_3938 : i32 to index
    %get3A_3941 = arith.constant 0 : index
    %get3A_3942 = tpu.vector_load %arg6[%get3A_3939, %get3A_3940, %get3A_3941] {strides = array<i32>} : memref<32x8x128xf32, #tpu.memory_space<vmem>>, vector<1x1x16xf32>,
    %get3A_3943 = vector.shape_cast %get3A_3942 : vector<1x1x16xf32> to vector<16xf32>
    %swap3A_3944 = arith.constant 28 : i32
    %swap3A_3945 = arith.index_cast %swap3A_3944 : i32 to index
    %swap3A_3946 = arith.constant 0 : index
    %swap3A_3947 = tpu.vector_load %arg7[%swap3A_3945, %swap3A_3946] {strides = array<i32>} : memref<32x128xf32, #tpu.memory_space<vmem>>, vector<1x16xf32>,
    %swap3A_3948 = vector.shape_cast %swap3A_3947 : vector<1x16xf32> to vector<16xf32>
    %swap3A_3949 = vector.shape_cast %get3A_3943 : vector<16xf32> to vector<1x16xf32>
    tpu.vector_store %arg7[%swap3A_3945, %swap3A_3946], %swap3A_3949 {strides = array<i32>} : memref<32x128xf32, #tpu.memory_space<vmem>>, vector<1x16xf32>,
    %get3A_3950 = arith.constant 28 : i32
    %get3A_3951 = arith.constant 4 : i32
    %get3A_3952 = arith.index_cast %get3A_3950 : i32 to index
    %get3A_3953 = arith.index_cast %get3A_3951 : i32 to index
    %get3A_3954 = arith.constant 16 : index
    %get3A_3955 = tpu.vector_load %arg6[%get3A_3952, %get3A_3953, %get3A_3954] {strides = array<i32>} : memref<32x8x128xf32, #tpu.memory_space<vmem>>, vector<1x1x16xf32>,
    %get3A_3956 = vector.shape_cast %get3A_3955 : vector<1x1x16xf32> to vector<16xf32>
    %swap3A_3957 = arith.constant 28 : i32
    %swap3A_3958 = arith.index_cast %swap3A_3957 : i32 to index
    %swap3A_3959 = arith.constant 16 : index
    %swap3A_3960 = tpu.vector_load %arg7[%swap3A_3958, %swap3A_3959] {strides = array<i32>} : memref<32x128xf32, #tpu.memory_space<vmem>>, vector<1x16xf32>,
    %swap3A_3961 = vector.shape_cast %swap3A_3960 : vector<1x16xf32> to vector<16xf32>
    %swap3A_3962 = vector.shape_cast %get3A_3956 : vector<16xf32> to vector<1x16xf32>
    tpu.vector_store %arg7[%swap3A_3958, %swap3A_3959], %swap3A_3962 {strides = array<i32>} : memref<32x128xf32, #tpu.memory_space<vmem>>, vector<1x16xf32>,
    %get3A_3963 = arith.constant 28 : i32
    %get3A_3964 = arith.constant 4 : i32
    %get3A_3965 = arith.index_cast %get3A_3963 : i32 to index
    %get3A_3966 = arith.index_cast %get3A_3964 : i32 to index
    %get3A_3967 = arith.constant 32 : index
    %get3A_3968 = tpu.vector_load %arg6[%get3A_3965, %get3A_3966, %get3A_3967] {strides = array<i32>} : memref<32x8x128xf32, #tpu.memory_space<vmem>>, vector<1x1x16xf32>,
    %get3A_3969 = vector.shape_cast %get3A_3968 : vector<1x1x16xf32> to vector<16xf32>
    %swap3A_3970 = arith.constant 28 : i32
    %swap3A_3971 = arith.index_cast %swap3A_3970 : i32 to index
    %swap3A_3972 = arith.constant 32 : index
    %swap3A_3973 = tpu.vector_load %arg7[%swap3A_3971, %swap3A_3972] {strides = array<i32>} : memref<32x128xf32, #tpu.memory_space<vmem>>, vector<1x16xf32>,
    %swap3A_3974 = vector.shape_cast %swap3A_3973 : vector<1x16xf32> to vector<16xf32>
    %swap3A_3975 = vector.shape_cast %get3A_3969 : vector<16xf32> to vector<1x16xf32>
    tpu.vector_store %arg7[%swap3A_3971, %swap3A_3972], %swap3A_3975 {strides = array<i32>} : memref<32x128xf32, #tpu.memory_space<vmem>>, vector<1x16xf32>,
    %get3A_3976 = arith.constant 28 : i32
    %get3A_3977 = arith.constant 4 : i32
    %get3A_3978 = arith.index_cast %get3A_3976 : i32 to index
    %get3A_3979 = arith.index_cast %get3A_3977 : i32 to index
    %get3A_3980 = arith.constant 48 : index
    %get3A_3981 = tpu.vector_load %arg6[%get3A_3978, %get3A_3979, %get3A_3980] {strides = array<i32>} : memref<32x8x128xf32, #tpu.memory_space<vmem>>, vector<1x1x16xf32>,
    %get3A_3982 = vector.shape_cast %get3A_3981 : vector<1x1x16xf32> to vector<16xf32>
    %swap3A_3983 = arith.constant 28 : i32
    %swap3A_3984 = arith.index_cast %swap3A_3983 : i32 to index
    %swap3A_3985 = arith.constant 48 : index
    %swap3A_3986 = tpu.vector_load %arg7[%swap3A_3984, %swap3A_3985] {strides = array<i32>} : memref<32x128xf32, #tpu.memory_space<vmem>>, vector<1x16xf32>,
    %swap3A_3987 = vector.shape_cast %swap3A_3986 : vector<1x16xf32> to vector<16xf32>
    %swap3A_3988 = vector.shape_cast %get3A_3982 : vector<16xf32> to vector<1x16xf32>
    tpu.vector_store %arg7[%swap3A_3984, %swap3A_3985], %swap3A_3988 {strides = array<i32>} : memref<32x128xf32, #tpu.memory_space<vmem>>, vector<1x16xf32>,
    %get3A_3989 = arith.constant 28 : i32
    %get3A_3990 = arith.constant 4 : i32
    %get3A_3991 = arith.index_cast %get3A_3989 : i32 to index
    %get3A_3992 = arith.index_cast %get3A_3990 : i32 to index
    %get3A_3993 = arith.constant 64 : index
    %get3A_3994 = tpu.vector_load %arg6[%get3A_3991, %get3A_3992, %get3A_3993] {strides = array<i32>} : memref<32x8x128xf32, #tpu.memory_space<vmem>>, vector<1x1x16xf32>,
    %get3A_3995 = vector.shape_cast %get3A_3994 : vector<1x1x16xf32> to vector<16xf32>
    %swap3A_3996 = arith.constant 28 : i32
    %swap3A_3997 = arith.index_cast %swap3A_3996 : i32 to index
    %swap3A_3998 = arith.constant 64 : index
    %swap3A_3999 = tpu.vector_load %arg7[%swap3A_3997, %swap3A_3998] {strides = array<i32>} : memref<32x128xf32, #tpu.memory_space<vmem>>, vector<1x16xf32>,
    %swap3A_4000 = vector.shape_cast %swap3A_3999 : vector<1x16xf32> to vector<16xf32>
    %swap3A_4001 = vector.shape_cast %get3A_3995 : vector<16xf32> to vector<1x16xf32>
    tpu.vector_store %arg7[%swap3A_3997, %swap3A_3998], %swap3A_4001 {strides = array<i32>} : memref<32x128xf32, #tpu.memory_space<vmem>>, vector<1x16xf32>,
    %get3A_4002 = arith.constant 28 : i32
    %get3A_4003 = arith.constant 4 : i32
    %get3A_4004 = arith.index_cast %get3A_4002 : i32 to index
    %get3A_4005 = arith.index_cast %get3A_4003 : i32 to index
    %get3A_4006 = arith.constant 80 : index
    %get3A_4007 = tpu.vector_load %arg6[%get3A_4004, %get3A_4005, %get3A_4006] {strides = array<i32>} : memref<32x8x128xf32, #tpu.memory_space<vmem>>, vector<1x1x16xf32>,
    %get3A_4008 = vector.shape_cast %get3A_4007 : vector<1x1x16xf32> to vector<16xf32>
    %swap3A_4009 = arith.constant 28 : i32
    %swap3A_4010 = arith.index_cast %swap3A_4009 : i32 to index
    %swap3A_4011 = arith.constant 80 : index
    %swap3A_4012 = tpu.vector_load %arg7[%swap3A_4010, %swap3A_4011] {strides = array<i32>} : memref<32x128xf32, #tpu.memory_space<vmem>>, vector<1x16xf32>,
    %swap3A_4013 = vector.shape_cast %swap3A_4012 : vector<1x16xf32> to vector<16xf32>
    %swap3A_4014 = vector.shape_cast %get3A_4008 : vector<16xf32> to vector<1x16xf32>
    tpu.vector_store %arg7[%swap3A_4010, %swap3A_4011], %swap3A_4014 {strides = array<i32>} : memref<32x128xf32, #tpu.memory_space<vmem>>, vector<1x16xf32>,
    %get3A_4015 = arith.constant 28 : i32
    %get3A_4016 = arith.constant 4 : i32
    %get3A_4017 = arith.index_cast %get3A_4015 : i32 to index
    %get3A_4018 = arith.index_cast %get3A_4016 : i32 to index
    %get3A_4019 = arith.constant 96 : index
    %get3A_4020 = tpu.vector_load %arg6[%get3A_4017, %get3A_4018, %get3A_4019] {strides = array<i32>} : memref<32x8x128xf32, #tpu.memory_space<vmem>>, vector<1x1x16xf32>,
    %get3A_4021 = vector.shape_cast %get3A_4020 : vector<1x1x16xf32> to vector<16xf32>
    %swap3A_4022 = arith.constant 28 : i32
    %swap3A_4023 = arith.index_cast %swap3A_4022 : i32 to index
    %swap3A_4024 = arith.constant 96 : index
    %swap3A_4025 = tpu.vector_load %arg7[%swap3A_4023, %swap3A_4024] {strides = array<i32>} : memref<32x128xf32, #tpu.memory_space<vmem>>, vector<1x16xf32>,
    %swap3A_4026 = vector.shape_cast %swap3A_4025 : vector<1x16xf32> to vector<16xf32>
    %swap3A_4027 = vector.shape_cast %get3A_4021 : vector<16xf32> to vector<1x16xf32>
    tpu.vector_store %arg7[%swap3A_4023, %swap3A_4024], %swap3A_4027 {strides = array<i32>} : memref<32x128xf32, #tpu.memory_space<vmem>>, vector<1x16xf32>,
    %get3A_4028 = arith.constant 28 : i32
    %get3A_4029 = arith.constant 4 : i32
    %get3A_4030 = arith.index_cast %get3A_4028 : i32 to index
    %get3A_4031 = arith.index_cast %get3A_4029 : i32 to index
    %get3A_4032 = arith.constant 112 : index
    %get3A_4033 = tpu.vector_load %arg6[%get3A_4030, %get3A_4031, %get3A_4032] {strides = array<i32>} : memref<32x8x128xf32, #tpu.memory_space<vmem>>, vector<1x1x16xf32>,
    %get3A_4034 = vector.shape_cast %get3A_4033 : vector<1x1x16xf32> to vector<16xf32>
    %swap3A_4035 = arith.constant 28 : i32
    %swap3A_4036 = arith.index_cast %swap3A_4035 : i32 to index
    %swap3A_4037 = arith.constant 112 : index
    %swap3A_4038 = tpu.vector_load %arg7[%swap3A_4036, %swap3A_4037] {strides = array<i32>} : memref<32x128xf32, #tpu.memory_space<vmem>>, vector<1x16xf32>,
    %swap3A_4039 = vector.shape_cast %swap3A_4038 : vector<1x16xf32> to vector<16xf32>
    %swap3A_4040 = vector.shape_cast %get3A_4034 : vector<16xf32> to vector<1x16xf32>
    tpu.vector_store %arg7[%swap3A_4036, %swap3A_4037], %swap3A_4040 {strides = array<i32>} : memref<32x128xf32, #tpu.memory_space<vmem>>, vector<1x16xf32>,
    %get3A_4041 = arith.constant 29 : i32
    %get3A_4042 = arith.constant 5 : i32
    %get3A_4043 = arith.index_cast %get3A_4041 : i32 to index
    %get3A_4044 = arith.index_cast %get3A_4042 : i32 to index
    %get3A_4045 = arith.constant 0 : index
    %get3A_4046 = tpu.vector_load %arg6[%get3A_4043, %get3A_4044, %get3A_4045] {strides = array<i32>} : memref<32x8x128xf32, #tpu.memory_space<vmem>>, vector<1x1x16xf32>,
    %get3A_4047 = vector.shape_cast %get3A_4046 : vector<1x1x16xf32> to vector<16xf32>
    %swap3A_4048 = arith.constant 29 : i32
    %swap3A_4049 = arith.index_cast %swap3A_4048 : i32 to index
    %swap3A_4050 = arith.constant 0 : index
    %swap3A_4051 = tpu.vector_load %arg7[%swap3A_4049, %swap3A_4050] {strides = array<i32>} : memref<32x128xf32, #tpu.memory_space<vmem>>, vector<1x16xf32>,
    %swap3A_4052 = vector.shape_cast %swap3A_4051 : vector<1x16xf32> to vector<16xf32>
    %swap3A_4053 = vector.shape_cast %get3A_4047 : vector<16xf32> to vector<1x16xf32>
    tpu.vector_store %arg7[%swap3A_4049, %swap3A_4050], %swap3A_4053 {strides = array<i32>} : memref<32x128xf32, #tpu.memory_space<vmem>>, vector<1x16xf32>,
    %get3A_4054 = arith.constant 29 : i32
    %get3A_4055 = arith.constant 5 : i32
    %get3A_4056 = arith.index_cast %get3A_4054 : i32 to index
    %get3A_4057 = arith.index_cast %get3A_4055 : i32 to index
    %get3A_4058 = arith.constant 16 : index
    %get3A_4059 = tpu.vector_load %arg6[%get3A_4056, %get3A_4057, %get3A_4058] {strides = array<i32>} : memref<32x8x128xf32, #tpu.memory_space<vmem>>, vector<1x1x16xf32>,
    %get3A_4060 = vector.shape_cast %get3A_4059 : vector<1x1x16xf32> to vector<16xf32>
    %swap3A_4061 = arith.constant 29 : i32
    %swap3A_4062 = arith.index_cast %swap3A_4061 : i32 to index
    %swap3A_4063 = arith.constant 16 : index
    %swap3A_4064 = tpu.vector_load %arg7[%swap3A_4062, %swap3A_4063] {strides = array<i32>} : memref<32x128xf32, #tpu.memory_space<vmem>>, vector<1x16xf32>,
    %swap3A_4065 = vector.shape_cast %swap3A_4064 : vector<1x16xf32> to vector<16xf32>
    %swap3A_4066 = vector.shape_cast %get3A_4060 : vector<16xf32> to vector<1x16xf32>
    tpu.vector_store %arg7[%swap3A_4062, %swap3A_4063], %swap3A_4066 {strides = array<i32>} : memref<32x128xf32, #tpu.memory_space<vmem>>, vector<1x16xf32>,
    %get3A_4067 = arith.constant 29 : i32
    %get3A_4068 = arith.constant 5 : i32
    %get3A_4069 = arith.index_cast %get3A_4067 : i32 to index
    %get3A_4070 = arith.index_cast %get3A_4068 : i32 to index
    %get3A_4071 = arith.constant 32 : index
    %get3A_4072 = tpu.vector_load %arg6[%get3A_4069, %get3A_4070, %get3A_4071] {strides = array<i32>} : memref<32x8x128xf32, #tpu.memory_space<vmem>>, vector<1x1x16xf32>,
    %get3A_4073 = vector.shape_cast %get3A_4072 : vector<1x1x16xf32> to vector<16xf32>
    %swap3A_4074 = arith.constant 29 : i32
    %swap3A_4075 = arith.index_cast %swap3A_4074 : i32 to index
    %swap3A_4076 = arith.constant 32 : index
    %swap3A_4077 = tpu.vector_load %arg7[%swap3A_4075, %swap3A_4076] {strides = array<i32>} : memref<32x128xf32, #tpu.memory_space<vmem>>, vector<1x16xf32>,
    %swap3A_4078 = vector.shape_cast %swap3A_4077 : vector<1x16xf32> to vector<16xf32>
    %swap3A_4079 = vector.shape_cast %get3A_4073 : vector<16xf32> to vector<1x16xf32>
    tpu.vector_store %arg7[%swap3A_4075, %swap3A_4076], %swap3A_4079 {strides = array<i32>} : memref<32x128xf32, #tpu.memory_space<vmem>>, vector<1x16xf32>,
    %get3A_4080 = arith.constant 29 : i32
    %get3A_4081 = arith.constant 5 : i32
    %get3A_4082 = arith.index_cast %get3A_4080 : i32 to index
    %get3A_4083 = arith.index_cast %get3A_4081 : i32 to index
    %get3A_4084 = arith.constant 48 : index
    %get3A_4085 = tpu.vector_load %arg6[%get3A_4082, %get3A_4083, %get3A_4084] {strides = array<i32>} : memref<32x8x128xf32, #tpu.memory_space<vmem>>, vector<1x1x16xf32>,
    %get3A_4086 = vector.shape_cast %get3A_4085 : vector<1x1x16xf32> to vector<16xf32>
    %swap3A_4087 = arith.constant 29 : i32
    %swap3A_4088 = arith.index_cast %swap3A_4087 : i32 to index
    %swap3A_4089 = arith.constant 48 : index
    %swap3A_4090 = tpu.vector_load %arg7[%swap3A_4088, %swap3A_4089] {strides = array<i32>} : memref<32x128xf32, #tpu.memory_space<vmem>>, vector<1x16xf32>,
    %swap3A_4091 = vector.shape_cast %swap3A_4090 : vector<1x16xf32> to vector<16xf32>
    %swap3A_4092 = vector.shape_cast %get3A_4086 : vector<16xf32> to vector<1x16xf32>
    tpu.vector_store %arg7[%swap3A_4088, %swap3A_4089], %swap3A_4092 {strides = array<i32>} : memref<32x128xf32, #tpu.memory_space<vmem>>, vector<1x16xf32>,
    %get3A_4093 = arith.constant 29 : i32
    %get3A_4094 = arith.constant 5 : i32
    %get3A_4095 = arith.index_cast %get3A_4093 : i32 to index
    %get3A_4096 = arith.index_cast %get3A_4094 : i32 to index
    %get3A_4097 = arith.constant 64 : index
    %get3A_4098 = tpu.vector_load %arg6[%get3A_4095, %get3A_4096, %get3A_4097] {strides = array<i32>} : memref<32x8x128xf32, #tpu.memory_space<vmem>>, vector<1x1x16xf32>,
    %get3A_4099 = vector.shape_cast %get3A_4098 : vector<1x1x16xf32> to vector<16xf32>
    %swap3A_4100 = arith.constant 29 : i32
    %swap3A_4101 = arith.index_cast %swap3A_4100 : i32 to index
    %swap3A_4102 = arith.constant 64 : index
    %swap3A_4103 = tpu.vector_load %arg7[%swap3A_4101, %swap3A_4102] {strides = array<i32>} : memref<32x128xf32, #tpu.memory_space<vmem>>, vector<1x16xf32>,
    %swap3A_4104 = vector.shape_cast %swap3A_4103 : vector<1x16xf32> to vector<16xf32>
    %swap3A_4105 = vector.shape_cast %get3A_4099 : vector<16xf32> to vector<1x16xf32>
    tpu.vector_store %arg7[%swap3A_4101, %swap3A_4102], %swap3A_4105 {strides = array<i32>} : memref<32x128xf32, #tpu.memory_space<vmem>>, vector<1x16xf32>,
    %get3A_4106 = arith.constant 29 : i32
    %get3A_4107 = arith.constant 5 : i32
    %get3A_4108 = arith.index_cast %get3A_4106 : i32 to index
    %get3A_4109 = arith.index_cast %get3A_4107 : i32 to index
    %get3A_4110 = arith.constant 80 : index
    %get3A_4111 = tpu.vector_load %arg6[%get3A_4108, %get3A_4109, %get3A_4110] {strides = array<i32>} : memref<32x8x128xf32, #tpu.memory_space<vmem>>, vector<1x1x16xf32>,
    %get3A_4112 = vector.shape_cast %get3A_4111 : vector<1x1x16xf32> to vector<16xf32>
    %swap3A_4113 = arith.constant 29 : i32
    %swap3A_4114 = arith.index_cast %swap3A_4113 : i32 to index
    %swap3A_4115 = arith.constant 80 : index
    %swap3A_4116 = tpu.vector_load %arg7[%swap3A_4114, %swap3A_4115] {strides = array<i32>} : memref<32x128xf32, #tpu.memory_space<vmem>>, vector<1x16xf32>,
    %swap3A_4117 = vector.shape_cast %swap3A_4116 : vector<1x16xf32> to vector<16xf32>
    %swap3A_4118 = vector.shape_cast %get3A_4112 : vector<16xf32> to vector<1x16xf32>
    tpu.vector_store %arg7[%swap3A_4114, %swap3A_4115], %swap3A_4118 {strides = array<i32>} : memref<32x128xf32, #tpu.memory_space<vmem>>, vector<1x16xf32>,
    %get3A_4119 = arith.constant 29 : i32
    %get3A_4120 = arith.constant 5 : i32
    %get3A_4121 = arith.index_cast %get3A_4119 : i32 to index
    %get3A_4122 = arith.index_cast %get3A_4120 : i32 to index
    %get3A_4123 = arith.constant 96 : index
    %get3A_4124 = tpu.vector_load %arg6[%get3A_4121, %get3A_4122, %get3A_4123] {strides = array<i32>} : memref<32x8x128xf32, #tpu.memory_space<vmem>>, vector<1x1x16xf32>,
    %get3A_4125 = vector.shape_cast %get3A_4124 : vector<1x1x16xf32> to vector<16xf32>
    %swap3A_4126 = arith.constant 29 : i32
    %swap3A_4127 = arith.index_cast %swap3A_4126 : i32 to index
    %swap3A_4128 = arith.constant 96 : index
    %swap3A_4129 = tpu.vector_load %arg7[%swap3A_4127, %swap3A_4128] {strides = array<i32>} : memref<32x128xf32, #tpu.memory_space<vmem>>, vector<1x16xf32>,
    %swap3A_4130 = vector.shape_cast %swap3A_4129 : vector<1x16xf32> to vector<16xf32>
    %swap3A_4131 = vector.shape_cast %get3A_4125 : vector<16xf32> to vector<1x16xf32>
    tpu.vector_store %arg7[%swap3A_4127, %swap3A_4128], %swap3A_4131 {strides = array<i32>} : memref<32x128xf32, #tpu.memory_space<vmem>>, vector<1x16xf32>,
    %get3A_4132 = arith.constant 29 : i32
    %get3A_4133 = arith.constant 5 : i32
    %get3A_4134 = arith.index_cast %get3A_4132 : i32 to index
    %get3A_4135 = arith.index_cast %get3A_4133 : i32 to index
    %get3A_4136 = arith.constant 112 : index
    %get3A_4137 = tpu.vector_load %arg6[%get3A_4134, %get3A_4135, %get3A_4136] {strides = array<i32>} : memref<32x8x128xf32, #tpu.memory_space<vmem>>, vector<1x1x16xf32>,
    %get3A_4138 = vector.shape_cast %get3A_4137 : vector<1x1x16xf32> to vector<16xf32>
    %swap3A_4139 = arith.constant 29 : i32
    %swap3A_4140 = arith.index_cast %swap3A_4139 : i32 to index
    %swap3A_4141 = arith.constant 112 : index
    %swap3A_4142 = tpu.vector_load %arg7[%swap3A_4140, %swap3A_4141] {strides = array<i32>} : memref<32x128xf32, #tpu.memory_space<vmem>>, vector<1x16xf32>,
    %swap3A_4143 = vector.shape_cast %swap3A_4142 : vector<1x16xf32> to vector<16xf32>
    %swap3A_4144 = vector.shape_cast %get3A_4138 : vector<16xf32> to vector<1x16xf32>
    tpu.vector_store %arg7[%swap3A_4140, %swap3A_4141], %swap3A_4144 {strides = array<i32>} : memref<32x128xf32, #tpu.memory_space<vmem>>, vector<1x16xf32>,
    %get3A_4145 = arith.constant 30 : i32
    %get3A_4146 = arith.constant 6 : i32
    %get3A_4147 = arith.index_cast %get3A_4145 : i32 to index
    %get3A_4148 = arith.index_cast %get3A_4146 : i32 to index
    %get3A_4149 = arith.constant 0 : index
    %get3A_4150 = tpu.vector_load %arg6[%get3A_4147, %get3A_4148, %get3A_4149] {strides = array<i32>} : memref<32x8x128xf32, #tpu.memory_space<vmem>>, vector<1x1x16xf32>,
    %get3A_4151 = vector.shape_cast %get3A_4150 : vector<1x1x16xf32> to vector<16xf32>
    %swap3A_4152 = arith.constant 30 : i32
    %swap3A_4153 = arith.index_cast %swap3A_4152 : i32 to index
    %swap3A_4154 = arith.constant 0 : index
    %swap3A_4155 = tpu.vector_load %arg7[%swap3A_4153, %swap3A_4154] {strides = array<i32>} : memref<32x128xf32, #tpu.memory_space<vmem>>, vector<1x16xf32>,
    %swap3A_4156 = vector.shape_cast %swap3A_4155 : vector<1x16xf32> to vector<16xf32>
    %swap3A_4157 = vector.shape_cast %get3A_4151 : vector<16xf32> to vector<1x16xf32>
    tpu.vector_store %arg7[%swap3A_4153, %swap3A_4154], %swap3A_4157 {strides = array<i32>} : memref<32x128xf32, #tpu.memory_space<vmem>>, vector<1x16xf32>,
    %get3A_4158 = arith.constant 30 : i32
    %get3A_4159 = arith.constant 6 : i32
    %get3A_4160 = arith.index_cast %get3A_4158 : i32 to index
    %get3A_4161 = arith.index_cast %get3A_4159 : i32 to index
    %get3A_4162 = arith.constant 16 : index
    %get3A_4163 = tpu.vector_load %arg6[%get3A_4160, %get3A_4161, %get3A_4162] {strides = array<i32>} : memref<32x8x128xf32, #tpu.memory_space<vmem>>, vector<1x1x16xf32>,
    %get3A_4164 = vector.shape_cast %get3A_4163 : vector<1x1x16xf32> to vector<16xf32>
    %swap3A_4165 = arith.constant 30 : i32
    %swap3A_4166 = arith.index_cast %swap3A_4165 : i32 to index
    %swap3A_4167 = arith.constant 16 : index
    %swap3A_4168 = tpu.vector_load %arg7[%swap3A_4166, %swap3A_4167] {strides = array<i32>} : memref<32x128xf32, #tpu.memory_space<vmem>>, vector<1x16xf32>,
    %swap3A_4169 = vector.shape_cast %swap3A_4168 : vector<1x16xf32> to vector<16xf32>
    %swap3A_4170 = vector.shape_cast %get3A_4164 : vector<16xf32> to vector<1x16xf32>
    tpu.vector_store %arg7[%swap3A_4166, %swap3A_4167], %swap3A_4170 {strides = array<i32>} : memref<32x128xf32, #tpu.memory_space<vmem>>, vector<1x16xf32>,
    %get3A_4171 = arith.constant 30 : i32
    %get3A_4172 = arith.constant 6 : i32
    %get3A_4173 = arith.index_cast %get3A_4171 : i32 to index
    %get3A_4174 = arith.index_cast %get3A_4172 : i32 to index
    %get3A_4175 = arith.constant 32 : index
    %get3A_4176 = tpu.vector_load %arg6[%get3A_4173, %get3A_4174, %get3A_4175] {strides = array<i32>} : memref<32x8x128xf32, #tpu.memory_space<vmem>>, vector<1x1x16xf32>,
    %get3A_4177 = vector.shape_cast %get3A_4176 : vector<1x1x16xf32> to vector<16xf32>
    %swap3A_4178 = arith.constant 30 : i32
    %swap3A_4179 = arith.index_cast %swap3A_4178 : i32 to index
    %swap3A_4180 = arith.constant 32 : index
    %swap3A_4181 = tpu.vector_load %arg7[%swap3A_4179, %swap3A_4180] {strides = array<i32>} : memref<32x128xf32, #tpu.memory_space<vmem>>, vector<1x16xf32>,
    %swap3A_4182 = vector.shape_cast %swap3A_4181 : vector<1x16xf32> to vector<16xf32>
    %swap3A_4183 = vector.shape_cast %get3A_4177 : vector<16xf32> to vector<1x16xf32>
    tpu.vector_store %arg7[%swap3A_4179, %swap3A_4180], %swap3A_4183 {strides = array<i32>} : memref<32x128xf32, #tpu.memory_space<vmem>>, vector<1x16xf32>,
    %get3A_4184 = arith.constant 30 : i32
    %get3A_4185 = arith.constant 6 : i32
    %get3A_4186 = arith.index_cast %get3A_4184 : i32 to index
    %get3A_4187 = arith.index_cast %get3A_4185 : i32 to index
    %get3A_4188 = arith.constant 48 : index
    %get3A_4189 = tpu.vector_load %arg6[%get3A_4186, %get3A_4187, %get3A_4188] {strides = array<i32>} : memref<32x8x128xf32, #tpu.memory_space<vmem>>, vector<1x1x16xf32>,
    %get3A_4190 = vector.shape_cast %get3A_4189 : vector<1x1x16xf32> to vector<16xf32>
    %swap3A_4191 = arith.constant 30 : i32
    %swap3A_4192 = arith.index_cast %swap3A_4191 : i32 to index
    %swap3A_4193 = arith.constant 48 : index
    %swap3A_4194 = tpu.vector_load %arg7[%swap3A_4192, %swap3A_4193] {strides = array<i32>} : memref<32x128xf32, #tpu.memory_space<vmem>>, vector<1x16xf32>,
    %swap3A_4195 = vector.shape_cast %swap3A_4194 : vector<1x16xf32> to vector<16xf32>
    %swap3A_4196 = vector.shape_cast %get3A_4190 : vector<16xf32> to vector<1x16xf32>
    tpu.vector_store %arg7[%swap3A_4192, %swap3A_4193], %swap3A_4196 {strides = array<i32>} : memref<32x128xf32, #tpu.memory_space<vmem>>, vector<1x16xf32>,
    %get3A_4197 = arith.constant 30 : i32
    %get3A_4198 = arith.constant 6 : i32
    %get3A_4199 = arith.index_cast %get3A_4197 : i32 to index
    %get3A_4200 = arith.index_cast %get3A_4198 : i32 to index
    %get3A_4201 = arith.constant 64 : index
    %get3A_4202 = tpu.vector_load %arg6[%get3A_4199, %get3A_4200, %get3A_4201] {strides = array<i32>} : memref<32x8x128xf32, #tpu.memory_space<vmem>>, vector<1x1x16xf32>,
    %get3A_4203 = vector.shape_cast %get3A_4202 : vector<1x1x16xf32> to vector<16xf32>
    %swap3A_4204 = arith.constant 30 : i32
    %swap3A_4205 = arith.index_cast %swap3A_4204 : i32 to index
    %swap3A_4206 = arith.constant 64 : index
    %swap3A_4207 = tpu.vector_load %arg7[%swap3A_4205, %swap3A_4206] {strides = array<i32>} : memref<32x128xf32, #tpu.memory_space<vmem>>, vector<1x16xf32>,
    %swap3A_4208 = vector.shape_cast %swap3A_4207 : vector<1x16xf32> to vector<16xf32>
    %swap3A_4209 = vector.shape_cast %get3A_4203 : vector<16xf32> to vector<1x16xf32>
    tpu.vector_store %arg7[%swap3A_4205, %swap3A_4206], %swap3A_4209 {strides = array<i32>} : memref<32x128xf32, #tpu.memory_space<vmem>>, vector<1x16xf32>,
    %get3A_4210 = arith.constant 30 : i32
    %get3A_4211 = arith.constant 6 : i32
    %get3A_4212 = arith.index_cast %get3A_4210 : i32 to index
    %get3A_4213 = arith.index_cast %get3A_4211 : i32 to index
    %get3A_4214 = arith.constant 80 : index
    %get3A_4215 = tpu.vector_load %arg6[%get3A_4212, %get3A_4213, %get3A_4214] {strides = array<i32>} : memref<32x8x128xf32, #tpu.memory_space<vmem>>, vector<1x1x16xf32>,
    %get3A_4216 = vector.shape_cast %get3A_4215 : vector<1x1x16xf32> to vector<16xf32>
    %swap3A_4217 = arith.constant 30 : i32
    %swap3A_4218 = arith.index_cast %swap3A_4217 : i32 to index
    %swap3A_4219 = arith.constant 80 : index
    %swap3A_4220 = tpu.vector_load %arg7[%swap3A_4218, %swap3A_4219] {strides = array<i32>} : memref<32x128xf32, #tpu.memory_space<vmem>>, vector<1x16xf32>,
    %swap3A_4221 = vector.shape_cast %swap3A_4220 : vector<1x16xf32> to vector<16xf32>
    %swap3A_4222 = vector.shape_cast %get3A_4216 : vector<16xf32> to vector<1x16xf32>
    tpu.vector_store %arg7[%swap3A_4218, %swap3A_4219], %swap3A_4222 {strides = array<i32>} : memref<32x128xf32, #tpu.memory_space<vmem>>, vector<1x16xf32>,
    %get3A_4223 = arith.constant 30 : i32
    %get3A_4224 = arith.constant 6 : i32
    %get3A_4225 = arith.index_cast %get3A_4223 : i32 to index
    %get3A_4226 = arith.index_cast %get3A_4224 : i32 to index
    %get3A_4227 = arith.constant 96 : index
    %get3A_4228 = tpu.vector_load %arg6[%get3A_4225, %get3A_4226, %get3A_4227] {strides = array<i32>} : memref<32x8x128xf32, #tpu.memory_space<vmem>>, vector<1x1x16xf32>,
    %get3A_4229 = vector.shape_cast %get3A_4228 : vector<1x1x16xf32> to vector<16xf32>
    %swap3A_4230 = arith.constant 30 : i32
    %swap3A_4231 = arith.index_cast %swap3A_4230 : i32 to index
    %swap3A_4232 = arith.constant 96 : index
    %swap3A_4233 = tpu.vector_load %arg7[%swap3A_4231, %swap3A_4232] {strides = array<i32>} : memref<32x128xf32, #tpu.memory_space<vmem>>, vector<1x16xf32>,
    %swap3A_4234 = vector.shape_cast %swap3A_4233 : vector<1x16xf32> to vector<16xf32>
    %swap3A_4235 = vector.shape_cast %get3A_4229 : vector<16xf32> to vector<1x16xf32>
    tpu.vector_store %arg7[%swap3A_4231, %swap3A_4232], %swap3A_4235 {strides = array<i32>} : memref<32x128xf32, #tpu.memory_space<vmem>>, vector<1x16xf32>,
    %get3A_4236 = arith.constant 30 : i32
    %get3A_4237 = arith.constant 6 : i32
    %get3A_4238 = arith.index_cast %get3A_4236 : i32 to index
    %get3A_4239 = arith.index_cast %get3A_4237 : i32 to index
    %get3A_4240 = arith.constant 112 : index
    %get3A_4241 = tpu.vector_load %arg6[%get3A_4238, %get3A_4239, %get3A_4240] {strides = array<i32>} : memref<32x8x128xf32, #tpu.memory_space<vmem>>, vector<1x1x16xf32>,
    %get3A_4242 = vector.shape_cast %get3A_4241 : vector<1x1x16xf32> to vector<16xf32>
    %swap3A_4243 = arith.constant 30 : i32
    %swap3A_4244 = arith.index_cast %swap3A_4243 : i32 to index
    %swap3A_4245 = arith.constant 112 : index
    %swap3A_4246 = tpu.vector_load %arg7[%swap3A_4244, %swap3A_4245] {strides = array<i32>} : memref<32x128xf32, #tpu.memory_space<vmem>>, vector<1x16xf32>,
    %swap3A_4247 = vector.shape_cast %swap3A_4246 : vector<1x16xf32> to vector<16xf32>
    %swap3A_4248 = vector.shape_cast %get3A_4242 : vector<16xf32> to vector<1x16xf32>
    tpu.vector_store %arg7[%swap3A_4244, %swap3A_4245], %swap3A_4248 {strides = array<i32>} : memref<32x128xf32, #tpu.memory_space<vmem>>, vector<1x16xf32>,
    %get3A_4249 = arith.constant 31 : i32
    %get3A_4250 = arith.constant 7 : i32
    %get3A_4251 = arith.index_cast %get3A_4249 : i32 to index
    %get3A_4252 = arith.index_cast %get3A_4250 : i32 to index
    %get3A_4253 = arith.constant 0 : index
    %get3A_4254 = tpu.vector_load %arg6[%get3A_4251, %get3A_4252, %get3A_4253] {strides = array<i32>} : memref<32x8x128xf32, #tpu.memory_space<vmem>>, vector<1x1x16xf32>,
    %get3A_4255 = vector.shape_cast %get3A_4254 : vector<1x1x16xf32> to vector<16xf32>
    %swap3A_4256 = arith.constant 31 : i32
    %swap3A_4257 = arith.index_cast %swap3A_4256 : i32 to index
    %swap3A_4258 = arith.constant 0 : index
    %swap3A_4259 = tpu.vector_load %arg7[%swap3A_4257, %swap3A_4258] {strides = array<i32>} : memref<32x128xf32, #tpu.memory_space<vmem>>, vector<1x16xf32>,
    %swap3A_4260 = vector.shape_cast %swap3A_4259 : vector<1x16xf32> to vector<16xf32>
    %swap3A_4261 = vector.shape_cast %get3A_4255 : vector<16xf32> to vector<1x16xf32>
    tpu.vector_store %arg7[%swap3A_4257, %swap3A_4258], %swap3A_4261 {strides = array<i32>} : memref<32x128xf32, #tpu.memory_space<vmem>>, vector<1x16xf32>,
    %get3A_4262 = arith.constant 31 : i32
    %get3A_4263 = arith.constant 7 : i32
    %get3A_4264 = arith.index_cast %get3A_4262 : i32 to index
    %get3A_4265 = arith.index_cast %get3A_4263 : i32 to index
    %get3A_4266 = arith.constant 16 : index
    %get3A_4267 = tpu.vector_load %arg6[%get3A_4264, %get3A_4265, %get3A_4266] {strides = array<i32>} : memref<32x8x128xf32, #tpu.memory_space<vmem>>, vector<1x1x16xf32>,
    %get3A_4268 = vector.shape_cast %get3A_4267 : vector<1x1x16xf32> to vector<16xf32>
    %swap3A_4269 = arith.constant 31 : i32
    %swap3A_4270 = arith.index_cast %swap3A_4269 : i32 to index
    %swap3A_4271 = arith.constant 16 : index
    %swap3A_4272 = tpu.vector_load %arg7[%swap3A_4270, %swap3A_4271] {strides = array<i32>} : memref<32x128xf32, #tpu.memory_space<vmem>>, vector<1x16xf32>,
    %swap3A_4273 = vector.shape_cast %swap3A_4272 : vector<1x16xf32> to vector<16xf32>
    %swap3A_4274 = vector.shape_cast %get3A_4268 : vector<16xf32> to vector<1x16xf32>
    tpu.vector_store %arg7[%swap3A_4270, %swap3A_4271], %swap3A_4274 {strides = array<i32>} : memref<32x128xf32, #tpu.memory_space<vmem>>, vector<1x16xf32>,
    %get3A_4275 = arith.constant 31 : i32
    %get3A_4276 = arith.constant 7 : i32
    %get3A_4277 = arith.index_cast %get3A_4275 : i32 to index
    %get3A_4278 = arith.index_cast %get3A_4276 : i32 to index
    %get3A_4279 = arith.constant 32 : index
    %get3A_4280 = tpu.vector_load %arg6[%get3A_4277, %get3A_4278, %get3A_4279] {strides = array<i32>} : memref<32x8x128xf32, #tpu.memory_space<vmem>>, vector<1x1x16xf32>,
    %get3A_4281 = vector.shape_cast %get3A_4280 : vector<1x1x16xf32> to vector<16xf32>
    %swap3A_4282 = arith.constant 31 : i32
    %swap3A_4283 = arith.index_cast %swap3A_4282 : i32 to index
    %swap3A_4284 = arith.constant 32 : index
    %swap3A_4285 = tpu.vector_load %arg7[%swap3A_4283, %swap3A_4284] {strides = array<i32>} : memref<32x128xf32, #tpu.memory_space<vmem>>, vector<1x16xf32>,
    %swap3A_4286 = vector.shape_cast %swap3A_4285 : vector<1x16xf32> to vector<16xf32>
    %swap3A_4287 = vector.shape_cast %get3A_4281 : vector<16xf32> to vector<1x16xf32>
    tpu.vector_store %arg7[%swap3A_4283, %swap3A_4284], %swap3A_4287 {strides = array<i32>} : memref<32x128xf32, #tpu.memory_space<vmem>>, vector<1x16xf32>,
    %get3A_4288 = arith.constant 31 : i32
    %get3A_4289 = arith.constant 7 : i32
    %get3A_4290 = arith.index_cast %get3A_4288 : i32 to index
    %get3A_4291 = arith.index_cast %get3A_4289 : i32 to index
    %get3A_4292 = arith.constant 48 : index
    %get3A_4293 = tpu.vector_load %arg6[%get3A_4290, %get3A_4291, %get3A_4292] {strides = array<i32>} : memref<32x8x128xf32, #tpu.memory_space<vmem>>, vector<1x1x16xf32>,
    %get3A_4294 = vector.shape_cast %get3A_4293 : vector<1x1x16xf32> to vector<16xf32>
    %swap3A_4295 = arith.constant 31 : i32
    %swap3A_4296 = arith.index_cast %swap3A_4295 : i32 to index
    %swap3A_4297 = arith.constant 48 : index
    %swap3A_4298 = tpu.vector_load %arg7[%swap3A_4296, %swap3A_4297] {strides = array<i32>} : memref<32x128xf32, #tpu.memory_space<vmem>>, vector<1x16xf32>,
    %swap3A_4299 = vector.shape_cast %swap3A_4298 : vector<1x16xf32> to vector<16xf32>
    %swap3A_4300 = vector.shape_cast %get3A_4294 : vector<16xf32> to vector<1x16xf32>
    tpu.vector_store %arg7[%swap3A_4296, %swap3A_4297], %swap3A_4300 {strides = array<i32>} : memref<32x128xf32, #tpu.memory_space<vmem>>, vector<1x16xf32>,
    %get3A_4301 = arith.constant 31 : i32
    %get3A_4302 = arith.constant 7 : i32
    %get3A_4303 = arith.index_cast %get3A_4301 : i32 to index
    %get3A_4304 = arith.index_cast %get3A_4302 : i32 to index
    %get3A_4305 = arith.constant 64 : index
    %get3A_4306 = tpu.vector_load %arg6[%get3A_4303, %get3A_4304, %get3A_4305] {strides = array<i32>} : memref<32x8x128xf32, #tpu.memory_space<vmem>>, vector<1x1x16xf32>,
    %get3A_4307 = vector.shape_cast %get3A_4306 : vector<1x1x16xf32> to vector<16xf32>
    %swap3A_4308 = arith.constant 31 : i32
    %swap3A_4309 = arith.index_cast %swap3A_4308 : i32 to index
    %swap3A_4310 = arith.constant 64 : index
    %swap3A_4311 = tpu.vector_load %arg7[%swap3A_4309, %swap3A_4310] {strides = array<i32>} : memref<32x128xf32, #tpu.memory_space<vmem>>, vector<1x16xf32>,
    %swap3A_4312 = vector.shape_cast %swap3A_4311 : vector<1x16xf32> to vector<16xf32>
    %swap3A_4313 = vector.shape_cast %get3A_4307 : vector<16xf32> to vector<1x16xf32>
    tpu.vector_store %arg7[%swap3A_4309, %swap3A_4310], %swap3A_4313 {strides = array<i32>} : memref<32x128xf32, #tpu.memory_space<vmem>>, vector<1x16xf32>,
    %get3A_4314 = arith.constant 31 : i32
    %get3A_4315 = arith.constant 7 : i32
    %get3A_4316 = arith.index_cast %get3A_4314 : i32 to index
    %get3A_4317 = arith.index_cast %get3A_4315 : i32 to index
    %get3A_4318 = arith.constant 80 : index
    %get3A_4319 = tpu.vector_load %arg6[%get3A_4316, %get3A_4317, %get3A_4318] {strides = array<i32>} : memref<32x8x128xf32, #tpu.memory_space<vmem>>, vector<1x1x16xf32>,
    %get3A_4320 = vector.shape_cast %get3A_4319 : vector<1x1x16xf32> to vector<16xf32>
    %swap3A_4321 = arith.constant 31 : i32
    %swap3A_4322 = arith.index_cast %swap3A_4321 : i32 to index
    %swap3A_4323 = arith.constant 80 : index
    %swap3A_4324 = tpu.vector_load %arg7[%swap3A_4322, %swap3A_4323] {strides = array<i32>} : memref<32x128xf32, #tpu.memory_space<vmem>>, vector<1x16xf32>,
    %swap3A_4325 = vector.shape_cast %swap3A_4324 : vector<1x16xf32> to vector<16xf32>
    %swap3A_4326 = vector.shape_cast %get3A_4320 : vector<16xf32> to vector<1x16xf32>
    tpu.vector_store %arg7[%swap3A_4322, %swap3A_4323], %swap3A_4326 {strides = array<i32>} : memref<32x128xf32, #tpu.memory_space<vmem>>, vector<1x16xf32>,
    %get3A_4327 = arith.constant 31 : i32
    %get3A_4328 = arith.constant 7 : i32
    %get3A_4329 = arith.index_cast %get3A_4327 : i32 to index
    %get3A_4330 = arith.index_cast %get3A_4328 : i32 to index
    %get3A_4331 = arith.constant 96 : index
    %get3A_4332 = tpu.vector_load %arg6[%get3A_4329, %get3A_4330, %get3A_4331] {strides = array<i32>} : memref<32x8x128xf32, #tpu.memory_space<vmem>>, vector<1x1x16xf32>,
    %get3A_4333 = vector.shape_cast %get3A_4332 : vector<1x1x16xf32> to vector<16xf32>
    %swap3A_4334 = arith.constant 31 : i32
    %swap3A_4335 = arith.index_cast %swap3A_4334 : i32 to index
    %swap3A_4336 = arith.constant 96 : index
    %swap3A_4337 = tpu.vector_load %arg7[%swap3A_4335, %swap3A_4336] {strides = array<i32>} : memref<32x128xf32, #tpu.memory_space<vmem>>, vector<1x16xf32>,
    %swap3A_4338 = vector.shape_cast %swap3A_4337 : vector<1x16xf32> to vector<16xf32>
    %swap3A_4339 = vector.shape_cast %get3A_4333 : vector<16xf32> to vector<1x16xf32>
    tpu.vector_store %arg7[%swap3A_4335, %swap3A_4336], %swap3A_4339 {strides = array<i32>} : memref<32x128xf32, #tpu.memory_space<vmem>>, vector<1x16xf32>,
    %get3A_4340 = arith.constant 31 : i32
    %get3A_4341 = arith.constant 7 : i32
    %get3A_4342 = arith.index_cast %get3A_4340 : i32 to index
    %get3A_4343 = arith.index_cast %get3A_4341 : i32 to index
    %get3A_4344 = arith.constant 112 : index
    %get3A_4345 = tpu.vector_load %arg6[%get3A_4342, %get3A_4343, %get3A_4344] {strides = array<i32>} : memref<32x8x128xf32, #tpu.memory_space<vmem>>, vector<1x1x16xf32>,
    %get3A_4346 = vector.shape_cast %get3A_4345 : vector<1x1x16xf32> to vector<16xf32>
    %swap3A_4347 = arith.constant 31 : i32
    %swap3A_4348 = arith.index_cast %swap3A_4347 : i32 to index
    %swap3A_4349 = arith.constant 112 : index
    %swap3A_4350 = tpu.vector_load %arg7[%swap3A_4348, %swap3A_4349] {strides = array<i32>} : memref<32x128xf32, #tpu.memory_space<vmem>>, vector<1x16xf32>,
    %swap3A_4351 = vector.shape_cast %swap3A_4350 : vector<1x16xf32> to vector<16xf32>
    %swap3A_4352 = vector.shape_cast %get3A_4346 : vector<16xf32> to vector<1x16xf32>
    tpu.vector_store %arg7[%swap3A_4348, %swap3A_4349], %swap3A_4352 {strides = array<i32>} : memref<32x128xf32, #tpu.memory_space<vmem>>, vector<1x16xf32>,
    "tpu.region"() ({
      %run_scoped3A = tpu.sem_alloc : memref<!tpu.dma_semaphore, #tpu.memory_space<semaphore_mem>>
      %dma_start3A_4353 = arith.constant 0 : i32
      %dma_start3A_4354 = tpu.memref_slice %arg4[%mul3A_2, %dma_start3A_4353] : memref<1024x128xf32, #tpu.memory_space<hbm>> -> memref<32x128xf32, #tpu.memory_space<hbm>>
      %dma_start3A_4355 = arith.constant 0 : i32
      %dma_start3A_4356 = tpu.memref_slice %arg4[%mul3A_2, %dma_start3A_4355] : memref<1024x128xf32, #tpu.memory_space<hbm>> -> memref<32x128xf32, #tpu.memory_space<hbm>>
      tpu.enqueue_dma source(%arg7 : memref<32x128xf32, #tpu.memory_space<vmem>>) target(%dma_start3A_4356 : memref<32x128xf32, #tpu.memory_space<hbm>>) target_semaphore(%run_scoped3A : memref<!tpu.dma_semaphore, #tpu.memory_space<semaphore_mem>>)
      %dma_wait3A_4357 = arith.constant 0 : i32
      %dma_wait3A_4358 = tpu.memref_slice %arg4[%mul3A_2, %dma_wait3A_4357] : memref<1024x128xf32, #tpu.memory_space<hbm>> -> memref<32x128xf32, #tpu.memory_space<hbm>>
      %dma_wait3A_4359 = arith.constant 0 : i32
      %dma_wait3A_4360 = tpu.memref_slice %arg4[%mul3A_2, %dma_wait3A_4359] : memref<1024x128xf32, #tpu.memory_space<hbm>> -> memref<32x128xf32, #tpu.memory_space<hbm>>
      tpu.wait_dma2 semaphore(%run_scoped3A : memref<!tpu.dma_semaphore, #tpu.memory_space<semaphore_mem>>) src(%arg7 : memref<32x128xf32, #tpu.memory_space<vmem>>) dst(%dma_wait3A_4360 : memref<32x128xf32, #tpu.memory_space<hbm>>)
      tpu.yield
    }) : () -> ()
    return
  }
}

module attributes {stable_mosaic.version = 14 : i64} {
  func.func @loss_body(%arg0: i32, %arg1: i32, %arg2: memref<512x4096xf32, #tpu.memory_space<vmem>>, %arg3: memref<512x128xf32, #tpu.memory_space<vmem>>, %arg4: memref<512x1xi32, #tpu.memory_space<vmem>>, %arg5: memref<1x1xf32, #tpu.memory_space<vmem>>, %arg6: memref<512x1xf32, #tpu.memory_space<vmem>>) attributes {dimension_semantics = [#tpu.dimension_semantics<arbitrary>, #tpu.dimension_semantics<arbitrary>], iteration_bounds = array<i64: 2, 25>, scalar_prefetch = 0 : i64, scratch_operands = 1 : i64, tpu.core_type = #tpu.core_type<tc>, window_params = [{transform_indices = @transform_0, window_bounds = array<i64: 512, 4096>}, {transform_indices = @transform_1, window_bounds = array<i64: 512, 128>}, {transform_indices = @transform_2, window_bounds = array<i64: 512, 1>}, {pipeline_mode = #tpu.pipeline_mode<synchronous>, transform_indices = @transform_3, window_bounds = array<i64: 1, 1>}]} {
    %eq3A = arith.constant 0 : i32
    %eq3A_0 = arith.cmpi eq, %arg0, %eq3A : i32
    %eq3A_1 = arith.constant 0 : i32
    %eq3A_2 = arith.cmpi eq, %arg1, %eq3A_1 : i32
    %and3A = arith.andi %eq3A_0, %eq3A_2 : i1
    %convert_element_type3A = arith.extui %and3A : i1 to i32
    %cond3A = arith.constant 0 : i32
    %cond3A_3 = arith.cmpi ne, %convert_element_type3A, %cond3A : i32
    scf.if %cond3A_3 {
      %broadcast_in_dim3A = arith.constant 0.000000e+00 : f32
      %broadcast_in_dim3A_18 = vector.broadcast %broadcast_in_dim3A : f32 to vector<1x1xf32>
      %swap3A = arith.constant 0 : index
      %swap3A_19 = arith.constant 0 : index
      %swap3A_20 = vector.load %arg5[%swap3A, %swap3A_19] : memref<1x1xf32, #tpu.memory_space<vmem>>, vector<1x1xf32>
      tpu.vector_store %arg5[%swap3A, %swap3A_19], %broadcast_in_dim3A_18 {strides = array<i32>} : memref<1x1xf32, #tpu.memory_space<vmem>>, vector<1x1xf32>,
    } else {
    }
    %eq3A_4 = arith.constant 0 : i32
    %eq3A_5 = arith.cmpi eq, %arg1, %eq3A_4 : i32
    %convert_element_type3A_6 = arith.extui %eq3A_5 : i1 to i32
    %cond3A_7 = arith.constant 0 : i32
    %cond3A_8 = arith.cmpi ne, %convert_element_type3A_6, %cond3A_7 : i32
    scf.if %cond3A_8 {
      %broadcast_in_dim3A = arith.constant 0.000000e+00 : f32
      %broadcast_in_dim3A_18 = vector.broadcast %broadcast_in_dim3A : f32 to vector<512x1xf32>
      %swap3A = arith.constant 0 : index
      %swap3A_19 = arith.constant 0 : index
      %swap3A_20 = vector.load %arg6[%swap3A, %swap3A_19] : memref<512x1xf32, #tpu.memory_space<vmem>>, vector<512x1xf32>
      tpu.vector_store %arg6[%swap3A, %swap3A_19], %broadcast_in_dim3A_18 {strides = array<i32>} : memref<512x1xf32, #tpu.memory_space<vmem>>, vector<512x1xf32>,
    } else {
    }
    %lt3A = arith.constant 24 : i32
    %lt3A_9 = arith.cmpi slt, %arg1, %lt3A : i32
    %convert_element_type3A_10 = arith.extui %lt3A_9 : i1 to i32
    %cond3A_11 = arith.constant 0 : i32
    %cond3A_12 = arith.cmpi ne, %convert_element_type3A_10, %cond3A_11 : i32
    scf.if %cond3A_12 {
      %get3A = arith.constant 0 : index
      %get3A_18 = arith.constant 0 : index
      %get3A_19 = vector.load %arg6[%get3A, %get3A_18] : memref<512x1xf32, #tpu.memory_space<vmem>>, vector<512x1xf32>
      %get3A_20 = arith.constant 0 : index
      %get3A_21 = arith.constant 0 : index
      %get3A_22 = vector.load %arg2[%get3A_20, %get3A_21] : memref<512x4096xf32, #tpu.memory_space<vmem>>, vector<512x4096xf32>
      %exp3A = math.exp %get3A_22 : vector<512x4096xf32>
      %reduce_sum3A = arith.constant dense<0.000000e+00> : vector<512xf32>
      %reduce_sum3A_23 = vector.multi_reduction <add>, %exp3A, %reduce_sum3A [1] : vector<512x4096xf32> to vector<512xf32>
      %broadcast_in_dim3A = vector.shape_cast %reduce_sum3A_23 : vector<512xf32> to vector<512x1xf32>
      %add3A = arith.addf %get3A_19, %broadcast_in_dim3A : vector<512x1xf32>
      %swap3A = arith.constant 0 : index
      %swap3A_24 = arith.constant 0 : index
      %swap3A_25 = vector.load %arg6[%swap3A, %swap3A_24] : memref<512x1xf32, #tpu.memory_space<vmem>>, vector<512x1xf32>
      tpu.vector_store %arg6[%swap3A, %swap3A_24], %add3A {strides = array<i32>} : memref<512x1xf32, #tpu.memory_space<vmem>>, vector<512x1xf32>,
    } else {
    }
    %eq3A_13 = arith.constant 24 : i32
    %eq3A_14 = arith.cmpi eq, %arg1, %eq3A_13 : i32
    %convert_element_type3A_15 = arith.extui %eq3A_14 : i1 to i32
    %cond3A_16 = arith.constant 0 : i32
    %cond3A_17 = arith.cmpi ne, %convert_element_type3A_15, %cond3A_16 : i32
    scf.if %cond3A_17 {
      %get3A = arith.constant 0 : index
      %get3A_18 = arith.constant 0 : index
      %get3A_19 = vector.load %arg2[%get3A, %get3A_18] : memref<512x4096xf32, #tpu.memory_space<vmem>>, vector<512x4096xf32>
      %mul3A = arith.constant 4096 : i32
      %mul3A_20 = arith.muli %arg1, %mul3A : i32
      %iota3A = tpu.iota {dimensions = array<i32: 1>} : vector<512x4096xi32>
      %add3A = vector.broadcast %mul3A_20 : i32 to vector<512x4096xi32>
      %add3A_21 = arith.addi %add3A, %iota3A : vector<512x4096xi32>
      %lt3A_22 = arith.constant 100000 : i32
      %lt3A_23 = vector.broadcast %lt3A_22 : i32 to vector<512x4096xi32>
      %lt3A_24 = arith.cmpi slt, %add3A_21, %lt3A_23 : vector<512x4096xi32>
      %exp3A = math.exp %get3A_19 : vector<512x4096xf32>
      %jit3A = arith.constant 0.000000e+00 : f32
      %broadcast_in_dim3A = vector.broadcast %jit3A : f32 to vector<512x4096xf32>
      %select_n3A = arith.select %lt3A_24, %exp3A, %broadcast_in_dim3A : vector<512x4096xi1>, vector<512x4096xf32>
      %get3A_25 = arith.constant 0 : index
      %get3A_26 = arith.constant 0 : index
      %get3A_27 = vector.load %arg6[%get3A_25, %get3A_26] : memref<512x1xf32, #tpu.memory_space<vmem>>, vector<512x1xf32>
      %reduce_sum3A = arith.constant dense<0.000000e+00> : vector<512xf32>
      %reduce_sum3A_28 = vector.multi_reduction <add>, %select_n3A, %reduce_sum3A [1] : vector<512x4096xf32> to vector<512xf32>
      %broadcast_in_dim3A_29 = vector.shape_cast %reduce_sum3A_28 : vector<512xf32> to vector<512x1xf32>
      %add3A_30 = arith.addf %get3A_27, %broadcast_in_dim3A_29 : vector<512x1xf32>
      %get3A_31 = arith.constant 0 : index
      %get3A_32 = arith.constant 0 : index
      %get3A_33 = vector.load %arg4[%get3A_31, %get3A_32] : memref<512x1xi32, #tpu.memory_space<vmem>>, vector<512x1xi32>
      %and3A_34 = arith.constant 127 : i32
      %and3A_35 = vector.broadcast %and3A_34 : i32 to vector<512x1xi32>
      %and3A_36 = arith.andi %get3A_33, %and3A_35 : vector<512x1xi32>
      %iota3A_37 = tpu.iota {dimensions = array<i32: 1>} : vector<512x128xi32>
      %eq3A_38 = vector.broadcast %and3A_36 : vector<512x1xi32> to vector<512x128xi32>
      %eq3A_39 = arith.cmpi eq, %iota3A_37, %eq3A_38 : vector<512x128xi32>
      %get3A_40 = arith.constant 0 : index
      %get3A_41 = arith.constant 0 : index
      %get3A_42 = vector.load %arg3[%get3A_40, %get3A_41] : memref<512x128xf32, #tpu.memory_space<vmem>>, vector<512x128xf32>
      %jit3A_43 = arith.constant 0.000000e+00 : f32
      %broadcast_in_dim3A_44 = vector.broadcast %jit3A_43 : f32 to vector<512x128xf32>
      %select_n3A_45 = arith.select %eq3A_39, %get3A_42, %broadcast_in_dim3A_44 : vector<512x128xi1>, vector<512x128xf32>
      %reduce_sum3A_46 = arith.constant dense<0.000000e+00> : vector<512xf32>
      %reduce_sum3A_47 = vector.multi_reduction <add>, %select_n3A_45, %reduce_sum3A_46 [1] : vector<512x128xf32> to vector<512xf32>
      %broadcast_in_dim3A_48 = vector.shape_cast %reduce_sum3A_47 : vector<512xf32> to vector<512x1xf32>
      %mul3A_49 = arith.mulf %broadcast_in_dim3A_48, %broadcast_in_dim3A_48 : vector<512x1xf32>
      %sub3A = arith.constant 1.000000e+00 : f32
      %sub3A_50 = vector.broadcast %sub3A : f32 to vector<512x1xf32>
      %sub3A_51 = arith.subf %sub3A_50, %mul3A_49 : vector<512x1xf32>
      %max3A = arith.constant 0.000000e+00 : f32
      %max3A_52 = vector.broadcast %max3A : f32 to vector<512x1xf32>
      %max3A_53 = arith.maximumf %sub3A_51, %max3A_52 : vector<512x1xf32>
      %sqrt3A = math.sqrt %max3A_53 : vector<512x1xf32>
      %mul3A_54 = arith.constant 0.87758255 : f32
      %mul3A_55 = vector.broadcast %mul3A_54 : f32 to vector<512x1xf32>
      %mul3A_56 = arith.mulf %broadcast_in_dim3A_48, %mul3A_55 : vector<512x1xf32>
      %mul3A_57 = arith.constant 0.47942555 : f32
      %mul3A_58 = vector.broadcast %mul3A_57 : f32 to vector<512x1xf32>
      %mul3A_59 = arith.mulf %sqrt3A, %mul3A_58 : vector<512x1xf32>
      %sub3A_60 = arith.subf %mul3A_56, %mul3A_59 : vector<512x1xf32>
      %exp3A_61 = math.exp %broadcast_in_dim3A_48 : vector<512x1xf32>
      %sub3A_62 = arith.subf %add3A_30, %exp3A_61 : vector<512x1xf32>
      %exp3A_63 = math.exp %sub3A_60 : vector<512x1xf32>
      %add3A_64 = arith.addf %sub3A_62, %exp3A_63 : vector<512x1xf32>
      %log3A = math.log %add3A_64 : vector<512x1xf32>
      %sub3A_65 = arith.subf %log3A, %sub3A_60 : vector<512x1xf32>
      %get3A_66 = arith.constant 0 : index
      %get3A_67 = arith.constant 0 : index
      %get3A_68 = vector.load %arg5[%get3A_66, %get3A_67] : memref<1x1xf32, #tpu.memory_space<vmem>>, vector<1x1xf32>
      %reduce_sum3A_69 = vector.shape_cast %sub3A_65 : vector<512x1xf32> to vector<1x512x1xf32>
      %reduce_sum3A_70 = arith.constant dense<0.000000e+00> : vector<1xf32>
      %reduce_sum3A_71 = vector.multi_reduction <add>, %reduce_sum3A_69, %reduce_sum3A_70 [1, 2] : vector<1x512x1xf32> to vector<1xf32>
      %reduce_sum3A_72 = vector.shape_cast %reduce_sum3A_71 : vector<1xf32> to vector<1x1x1xf32>
      %reduce_sum3A_73 = vector.extract %reduce_sum3A_72[0, 0, 0] : f32 from vector<1x1x1xf32>
      %reshape3A = vector.broadcast %reduce_sum3A_73 : f32 to vector<1x1xf32>
      %mul3A_74 = arith.constant 9.765625E-4 : f32
      %mul3A_75 = vector.broadcast %mul3A_74 : f32 to vector<1x1xf32>
      %mul3A_76 = arith.mulf %reshape3A, %mul3A_75 : vector<1x1xf32>
      %add3A_77 = arith.addf %get3A_68, %mul3A_76 : vector<1x1xf32>
      %swap3A = arith.constant 0 : index
      %swap3A_78 = arith.constant 0 : index
      %swap3A_79 = vector.load %arg5[%swap3A, %swap3A_78] : memref<1x1xf32, #tpu.memory_space<vmem>>, vector<1x1xf32>
      tpu.vector_store %arg5[%swap3A, %swap3A_78], %add3A_77 {strides = array<i32>} : memref<1x1xf32, #tpu.memory_space<vmem>>, vector<1x1xf32>,
    } else {
    }
    return
  }
  func.func @transform_0(%arg0: i32, %arg1: i32) -> (i32, i32) {
    %c0_i32 = arith.constant 0 : i32
    return %arg0, %arg1 : i32, i32
  }
  func.func @transform_1(%arg0: i32, %arg1: i32) -> (i32, i32) {
    %c0_i32 = arith.constant 0 : i32
    %c0_i32_0 = arith.constant 0 : i32
    return %arg0, %c0_i32 : i32, i32
  }
  func.func @transform_2(%arg0: i32, %arg1: i32) -> (i32, i32) {
    %c0_i32 = arith.constant 0 : i32
    %c0_i32_0 = arith.constant 0 : i32
    return %arg0, %c0_i32 : i32, i32
  }
  func.func @transform_3(%arg0: i32, %arg1: i32) -> (i32, i32) {
    %c0_i32 = arith.constant 0 : i32
    %c0_i32_0 = arith.constant 0 : i32
    %c0_i32_1 = arith.constant 0 : i32
    return %c0_i32, %c0_i32_0 : i32, i32
  }
}

</mosaic_0001>

<sc_bundles>
// kernel: kernel.4.cloned.1.call-start
scs
__scs_entry_jumppad:
0x0: {  	(pc) =	sbr.rel $0x88, $3  }
0x1: {  	(tag) =	ssettag $0x0;
	lr =	simm.s32 $0x1  }
0x2: {  	[smem:$0x3F9F] =	sst lr;
	_ =	strace $0xD0000000  }
0x3: {  	_ = 	snop  }
0x4: {  	_ = 	snop  }
0x5: {  	_ = 	snop  }
0x6: {  	_ = 	snop  }
0x7: {  	_ = 	snop  }
__scs_overlays_trampoline_lowered:
0x8: {  	[smem:$0x3FAE] =	sst s0  }
0x9: {  	[smem:$0x3FAF] =	sst s1  }
0xa: {  	[smem:$0x3FB0] =	sst s2  }
0xb: {  	[smem:$0x3FB1] =	sst s3  }
0xc: {  	[smem:$0x3FB2] =	sst s4  }
0xd: {  	[smem:$0x3FB3] =	sst s5  }
0xe: {  	[smem:$0x3FB4] =	sst s6  }
0xf: {  	[smem:$0x3FB5] =	sst s7  }
0x10: {  	[smem:$0x3FB6] =	sst s8  }
0x11: {  	[smem:$0x3FB7] =	sst s9;
	s0 =	simm.s32 @!p0 $0x0  }
0x12: {  	s1 =	sld [smem:$0x3F9D];
	s0 =	simm.s32 @p0 $0x1  }
0x13: {  	[smem:$0x3FB8] =	sst s0;
	s0 =	simm.s32 @!p1 $0x0  }
0x14: {  	s2 =	sld [smem:$0x3F9C];
	s0 =	simm.s32 @p1 $0x1  }
0x15: {  	[smem:$0x3FB9] =	sst s0;
	s0 =	simm.s32 @!p2 $0x0  }
0x16: {  	s3 =	sld [smem:$0x3FDB];
	s0 =	simm.s32 @p2 $0x1  }
0x17: {  	s4 =	simm.s32 $0x1BF5;
	[smem:$0x3FBB] =	sst s0  }
0x18: {  	s0 =	sld [smem:$0x3F9E];
	_ =	swait.ge [sflag:s4], $0x0  }
0x19: {  	s7 =	sld [smem:$0x3F9F]  }
0x1a: {  	s8 =	sadd.s32 $0xFFFFE003, lr  }
0x1b: {  	s9 =	sadd.s32 $0xFFFFFEF7, lr;
	s5 =	simm.s32 $0xFFFFFFFF;
	p2 =	slt.u32 s8, $0xFFFFF086  }
0x1c: {  	p1 =	slt.u32 s9, $0xF7A;
	s5 =	simm.s32 @!p2 $0x0  }
0x1d: {  	s5 =	simm.s32 @p1 $0x1;
	p0 =	seq.s32 s7, s2  }
0x1e: {  	s7 =	smul.u32 @!p0 $0xF7A, s2;
	p2 =	seq.s32 @!p0 s5, $0x0  }
0x1f: {  	s9 =	smul.u32 $0xF7A, s1;
	s8 =	simm.s32 @!p0 $0x1BF5;
	p2 =	por !p2, p0  }
0x20: {  	[sflag:s8] =	ssyncset.s32 @!p0 $0xFFFFF086;
	s6 =	sadd.s32 @!p0 s3, s7;
	s7 =	simm.s32 @!p0 $0x108  }
0x21: {  	s3 =	sadd.s32 s3, s9;
	s6 =	sadd.s32 @!p0 $0x88, s6;
	s7 =	simm.s32 @p2 $0x1082  }
0x22: {  	[simem:s7], [sflag:s8] =	dma.local @!p0 [hbm:s6], $0xF7A  }
0x23: {  	s9 =	sor.u32 $0xD0000000, s2;
	s6 =	simm.s32 $0x108;
	_ =	swait.ge @!p0 [sflag:s8], $0x0  }
0x24: {  	s3 =	sadd.s32 $0x88, s3;
	s6 =	simm.s32 @!p1 $0x1082;
	[sflag:s4] =	ssyncset.s32 $0xFFFFF086  }
0x25: {  	[simem:s6], [sflag:s4] =	dma.local [hbm:s3], $0xF7A  }
0x26: {  	[smem:$0x3F9F] =	sst s1;
	(tag) =	ssettag s2;
	_ =	strace s9  }
0x27: {  	s1 =	sld [smem:$0x3FAF]  }
0x28: {  	s2 =	sld [smem:$0x3FB0]  }
0x29: {  	s4 =	sld [smem:$0x3FB2]  }
0x2a: {  	p0 =	seq.s32 s5, $0x0;
	s5 =	sld [smem:$0x3FB3]  }
0x2b: {  	s6 =	sld [smem:$0x3FB4]  }
0x2c: {  	s7 =	sld [smem:$0x3FB5]  }
0x2d: {  	s3 =	simm.s32 $0x108;
	s8 =	sld [smem:$0x3FB6]  }
0x2e: {  	s3 =	simm.s32 @!p0 $0x1082;
	s9 =	sld [smem:$0x3FB7]  }
0x2f: {  	lr =	sadd.s32 s0, s3;
	s0 =	sld [smem:$0x3FAE]  }
0x30: {  	s3 =	sld [smem:$0x3FB1]  }
0x31: {  	[smem:$0x3FBA] =	sst s10  }
0x32: {  	s10 =	sld [smem:$0x3FB8];
	_ =	sdelay $0x3  }
0x33: {  	p0 =	seq.s32 s10, $0x1;
	s10 =	sld [smem:$0x3FBA];
	_ =	sdelay $0x3  }
0x34: {  	[smem:$0x3FBA] =	sst s10  }
0x35: {  	s10 =	sld [smem:$0x3FB9];
	_ =	sdelay $0x3  }
0x36: {  	p1 =	seq.s32 s10, $0x1;
	s10 =	sld [smem:$0x3FBA];
	_ =	sdelay $0x3  }
0x37: {  	[smem:$0x3FBA] =	sst s10  }
0x38: {  	s10 =	sld [smem:$0x3FBB]  }
0x39: {  	_ = 	snop;
	(pc) =	sbr.ind lr, $3  }
0x3a: {  	_ = 	snop  }
0x3b: {  	_ = 	snop  }
0x3c: {  	p2 =	seq.s32 s10, $0x1;
	s10 =	sld [smem:$0x3FBA]  }
0x3d: {  	_ =	shalt  }
0x3e: {  	_ =	shalt  }
0x3f: {  	_ =	shalt  }
0x40: {  	_ =	shalt  }
0x41: {  	_ =	shalt  }
0x42: {  	_ =	shalt  }
0x43: {  	_ =	shalt  }
0x44: {  	_ =	shalt  }
0x45: {  	_ =	shalt  }
0x46: {  	_ =	shalt  }
0x47: {  	_ =	shalt  }
0x48: {  	_ =	shalt  }
0x49: {  	_ =	shalt  }
0x4a: {  	_ =	shalt  }
0x4b: {  	_ =	shalt  }
0x4c: {  	_ =	shalt  }
0x4d: {  	_ =	shalt  }
0x4e: {  	_ =	shalt  }
0x4f: {  	_ =	shalt  }
0x50: {  	_ =	shalt  }
0x51: {  	_ =	shalt  }
0x52: {  	_ =	shalt  }
0x53: {  	_ =	shalt  }
0x54: {  	_ =	shalt  }
0x55: {  	_ =	shalt  }
0x56: {  	_ =	shalt  }
0x57: {  	_ =	shalt  }
0x58: {  	_ =	shalt  }
0x59: {  	_ =	shalt  }
0x5a: {  	_ =	shalt  }
0x5b: {  	_ =	shalt  }
0x5c: {  	_ =	shalt  }
0x5d: {  	_ =	shalt  }
0x5e: {  	_ =	shalt  }
0x5f: {  	_ =	shalt  }
0x60: {  	_ =	shalt  }
0x61: {  	_ =	shalt  }
0x62: {  	_ =	shalt  }
0x63: {  	_ =	shalt  }
0x64: {  	_ =	shalt  }
0x65: {  	_ =	shalt  }
0x66: {  	_ =	shalt  }
0x67: {  	_ =	shalt  }
0x68: {  	_ =	shalt  }
0x69: {  	_ =	shalt  }
0x6a: {  	_ =	shalt  }
0x6b: {  	_ =	shalt  }
0x6c: {  	_ =	shalt  }
0x6d: {  	_ =	shalt  }
0x6e: {  	_ =	shalt  }
0x6f: {  	_ =	shalt  }
0x70: {  	_ =	shalt  }
0x71: {  	_ =	shalt  }
0x72: {  	_ =	shalt  }
0x73: {  	_ =	shalt  }
0x74: {  	_ =	shalt  }
0x75: {  	_ =	shalt  }
0x76: {  	_ =	shalt  }
0x77: {  	_ =	shalt  }
0x78: {  	_ =	shalt  }
0x79: {  	_ =	shalt  }
0x7a: {  	_ =	shalt  }
0x7b: {  	_ =	shalt  }
0x7c: {  	_ =	shalt  }
0x7d: {  	_ =	shalt  }
0x7e: {  	_ =	shalt  }
0x7f: {  	_ =	shalt  }
0x80: {  	_ =	shalt  }
0x81: {  	_ =	shalt  }
0x82: {  	_ =	shalt  }
0x83: {  	_ =	shalt  }
0x84: {  	_ =	shalt  }
0x85: {  	_ =	shalt  }
0x86: {  	_ =	shalt  }
0x87: {  	_ =	shalt  }
.Lfunc_end0:
.L_simem_size_0:
called_computation_lowered:
.L_overlay_start_0:
0x88: {  	s2 =	sld [smem:$0x3FD9]  }
0x89: {  	s3 =	sld [smem:$0x3FFE];
	_ =	sdelay $0x1  }
0x8a: {  	s1 =	srdreg.scid  }
0x8b: {  	s0 =	sand.u32 $0x1, s1  }
0x8c: {  	s17 =	sshll.u32 s0, $0xA;
	s2 =	sadd.s32 s3, s2  }
0x8d: {  	s2 =	sadd.s32 s2, s17  }
0x8e: {  	[smem:$0x3FC6] =	sst s2  }
0x8f: {  	_ = 	snop  }
0x90: {  	s2 =	sld [smem:$0x3FC8];
	(tm) =	ssettm $0x1  }
0x91: {  	s18 =	sld [smem:$0x3FFB];
	_ =	sdelay $0x3  }
0x92: {  	_ =	strace s18  }
0x93: {  	s3 =	sld [smem:$0x3FFC];
	_ =	sdelay $0x3  }
0x94: {  	_ =	strace s3  }
0x95: {  	s3 =	sld [smem:$0x3FFD];
	_ =	sdelay $0x3  }
0x96: {  	_ =	strace s3  }
0x97: {  	_ =	strace $0x8FFFFFFF  }
0x98: {  	s19 =	sld [smem:$0x3FDB];
	_ =	sdelay $0x1  }
0x99: {  	s4 =	simm.s32 $_scs_section_size  }
0x9a: {  	s5 =	simm.s32 $_size__tile_overlayer_lowered;
	s6 =	simm.s32 $_tile_overlayer_lowered  }
0x9b: {  	s22 =	simm.s32 $0x1BFF;
	s21 =	sshll.u32 s6, $0x1;
	s3 =	sadd.s32 s4, s19  }
0x9c: {  	s7 =	simm.s32 $0x0;
	s20 =	sshll.u32 s5, $0x1;
	s5 =	sadd.s32 s21, s3  }
0x9d: {  	[timem:s7], [sflag:s22] =	dma.local [hbm:s5], s20  }
0x9e: {  	_ =	swait.ge [sflag:s22], s20  }
0x9f: {  	s4 =	ssub.s32 $0x0, s20;
	[sflag:s22] =	ssyncset.done $0x0  }
0xa0: {  	[sflag:s22] =	ssyncadd.s32 s4;
	_ =	sdelay $0x1  }
0xa1: {  	s23 =	simm.s32 $0x1B8B  }
0xa2: {  	_ =	swait.ge [sflag:s23], $0x1  }
0xa3: {  	[sflag:s23] =	ssyncset.done $0x0  }
0xa4: {  	s25 =	simm.s32 $0x1B8E;
	s24 =	sld [smem:$0x3FFE];
	[sflag:s23] =	ssyncadd.s32 $0xFFFFFFFF  }
0xa5: {  	s26 =	simm.s32 $execute0_lowered;
	[smem:$0x3FD2] =	sst s25  }
0xa6: {  	s5 =	sshll.u32 s26, $0x1;
	_ =	strace $0x80000046;
	[dreg:$0x1] =	wrdreg $0xFFFFFFFF  }
0xa7: {  	s28 =	simm.s32 $_size_execute0_lowered;
	s3 =	sadd.s32 s3, s5;
	[dreg:$0x0] =	wrdreg $0x0  }
0xa8: {  	s5 =	sshll.u32 s28, $0x1;
	[dreg:$0x2] =	wrdreg s3  }
0xa9: {  	[dreg:$0x3] =	wrdreg s5  }
0xaa: {  	[dreg:$0x4] =	wrdreg $0xC0  }
0xab: {  	_ =	task [dreg:s7], $0x5FFFF  }
0xac: {  	[dreg:$0x1] =	wrdreg $0xFFFFFFFF  }
0xad: {  	[dreg:$0x0] =	wrdreg $0x60  }
0xae: {  	[dreg:$0x2] =	wrdreg s24  }
0xaf: {  	[dreg:$0x3] =	wrdreg s2  }
0xb0: {  	[dreg:$0x4] =	wrdreg $0x9  }
0xb1: {  	_ =	task.clear_ibuf [dreg:s7], $0x5FFFF;
	_ =	strace $0x90000046  }
0xb2: {  	s29 =	simm.s32 $0x9;
	_ =	strace $0x80000048  }
0xb3: {  	_ =	swait.ge [sflag:s29], $0x1  }
0xb4: {  	[sflag:s29] =	ssyncadd.s32 $0xFFFFFFFF  }
0xb5: {  	_ =	strace $0x90000048  }
0xb6: {  	_ =	sfence  }
0xb7: {  	s30 =	sld [smem:$0x0];
	_ =	sdelay $0x2  }
0xb8: {  	s31 =	sshll.u32 s1, $0xD;
	s1 =	sshrl.u32 s1, $0x2  }
0xb9: {  	s3 =	sand.u32 $0x4000, s31;
	s1 =	sadd.s32 s1, s30  }
0xba: {  	s0 =	sor.u32 s3, s0;
	s1 =	sshll.u32 s1, $0x11  }
0xbb: {  	s0 =	sor.u32 s1, s0  }
0xbc: {  	s0 =	sadd.s32 $0x8F2B, s0  }
0xbd: {  	[sflag:s0] =	ssyncadd.remote.s32 $0x1  }
0xbe: {  	_ =	sfence.sel $0xFFFF  }
0xbf: {  	[dreg:$0x0] =	wrdreg $0xFFFFFFFF;
	(pc) =	sbr.abs _section_cstart, $3  }
0xc0: {  	[dreg:$0x1] =	wrdreg $0xFFFFFFFF  }
0xc1: {  	_ =	task.clear_ibuf [dreg:s7], $0x2FFFF;
	_ =	strace $0x9FFFFFFF  }
0xc2: {  	(tm) =	ssettm $0x7FFFFFFF  }
0xc3: {  	_ =	shalt  }
tec
execute0_lowered:
.L_overlay_start_1:
0x0: {  	(tag) =	ssettag $0x1  }
0x1: {  	s3 =	rddreg [dreg:$0x0]  }
0x2: {  	s1 =	srdreg.scid;
	s6 =	rddreg [dreg:$0x1]  }
0x3: {  	s2 =	simm.s32 $0x0;
	s4 =	sand.u32 $0x1, s1;
	s1 =	rddreg [dreg:$0x2]  }
0x4: {  	s22 =	simm.s32 $0x80;
	[smem:$0x7FF] =	sst s2  }
0x5: {  	s23 =	simm.s32 $0x480;
	_ =	strace $0x80000047;
	[dreg:$0x5] =	wrdreg s22  }
0x6: {  	s24 =	simm.s32 $0x880;
	[dreg:$0x6] =	wrdreg s23  }
0x7: {  	s25 =	simm.s32 $0xC80;
	[dreg:$0x7] =	wrdreg s24  }
0x8: {  	s26 =	simm.s32 $0x1080;
	[dreg:$0x8] =	wrdreg s25  }
0x9: {  	s28 =	simm.s32 $0x1480;
	[dreg:$0x9] =	wrdreg s26  }
0xa: {  	s29 =	simm.s32 $0x1880;
	[dreg:$0xa] =	wrdreg s28  }
0xb: {  	s30 =	simm.s32 $0x1C80;
	[dreg:$0xb] =	wrdreg s29  }
0xc: {  	s31 =	simm.s32 $0x2080;
	[dreg:$0xc] =	wrdreg s30  }
0xd: {  	s8 =	simm.s32 $0x2880;
	[dreg:$0xd] =	wrdreg s31  }
0xe: {  	s9 =	simm.s32 $0x2C80;
	[dreg:$0xf] =	wrdreg s8  }
0xf: {  	s10 =	simm.s32 $0x3080;
	[dreg:$0x10] =	wrdreg s9  }
0x10: {  	s11 =	simm.s32 $0x3480;
	[dreg:$0x11] =	wrdreg s10  }
0x11: {  	s12 =	simm.s32 $0x3880;
	[dreg:$0x12] =	wrdreg s11  }
0x12: {  	s13 =	simm.s32 $0x3C80;
	[dreg:$0x13] =	wrdreg s12  }
0x13: {  	s14 =	simm.s32 $0x4080;
	[dreg:$0x14] =	wrdreg s13  }
0x14: {  	s15 =	simm.s32 $0x4480;
	[dreg:$0x15] =	wrdreg s14  }
0x15: {  	s16 =	simm.s32 $0x4880;
	[dreg:$0x16] =	wrdreg s15  }
0x16: {  	s17 =	simm.s32 $0x4C80;
	[dreg:$0x17] =	wrdreg s16  }
0x17: {  	s18 =	simm.s32 $0x5080;
	[dreg:$0x18] =	wrdreg s17  }
0x18: {  	s19 =	simm.s32 $0x5480;
	[dreg:$0x19] =	wrdreg s18  }
0x19: {  	s20 =	simm.s32 $0x5880;
	[dreg:$0x1a] =	wrdreg s19  }
0x1a: {  	[dreg:$0x1b] =	wrdreg s20;
	s22 =	simm.s32 $0x6080  }
0x1b: {  	s24 =	simm.s32 $0x6480;
	[dreg:$0x1d] =	wrdreg s22  }
0x1c: {  	s8 =	simm.s32 $0x6880;
	[dreg:$0x1e] =	wrdreg s24  }
0x1d: {  	s0 =	stileid.u32;
	s26 =	simm.s32 $0x6C80;
	[dreg:$0x1f] =	wrdreg s8  }
0x1e: {  	s5 =	sshll.u32 s0, $0x6;
	s29 =	simm.s32 $0x7080;
	[smem:$0x7F8] =	sst s26  }
0x1f: {  	s7 =	sshll.u32 s4, $0x5;
	s30 =	simm.s32 $0x7480;
	[smem:$0x7F9] =	sst s29  }
0x20: {  	s23 =	ssub.s32 $0x2, s4;
	s9 =	simm.s32 $0x7880;
	[smem:$0x7FA] =	sst s30  }
0x21: {  	s31 =	simm.s32 $0x7C80;
	s11 =	simm.s32 $0x8080;
	[smem:$0x7FB] =	sst s9  }
0x22: {  	s10 =	simm.s32 $0x1;
	s5 =	sor.u32 s7, s5;
	[smem:$0x7FC] =	sst s31  }
0x23: {  	s25 =	sshrl.u32 s23, $0x1;
	s9 =	simm.s32 $0x2;
	[smem:$0x7FD] =	sst s11  }
0x24: {  	s7 =	sshll.u32 s5, $0x4;
	s5 =	sshrl.u32 s5, $0x3;
	s28 =	ssub.s32 s23, s25  }
0x25: {  	s7 =	sadd.s32 s7, s3;
	s6 =	sadd.s32 s6, s5;
	s3 =	sadd.s32 $0x800, s3  }
0x26: {  	s4 =	smul.u32 $0xC3800, s5;
	[dreg:$0x3] =	wrdreg s6;
	s21 =	sadd.s32 $0xC38800, s7  }
0x27: {  	s8 =	smax.u32 s28, $0x1;
	s7 =	simm.s32 $0x2480;
	[dreg:$0x4] =	wrdreg s21  }
0x28: {  	[dreg:$0xe] =	wrdreg s7;
	s21 =	simm.s32 $0x5C80;
	s5 =	sadd.s32 $0xC3800, s4  }
0x29: {  	s6 =	sadd.s32 $0x187000, s4;
	s7 =	sadd.s32 $0x24A800, s4;
	[dreg:$0x1c] =	wrdreg s21  }
.LBB2_1:
0x2a: {  	s11 =	rddreg [dreg:$0x3]  }
0x2b: {  	[tilespmem:s2], [sflag:$0x2] =	stream.linear.gather [hbm4b:s11+s2], $0x20, $0x38;
	[tilespmem:$0x9080] =	vst v63  }
0x2c: {  	_ =	swait.ge [sflag:s9], $0x20  }
0x2d: {  	[sflag:s9] =	ssyncset.done $0x0  }
0x2e: {  	[sflag:s9] =	ssyncadd.s32 $0xFFFFFFE0  }
0x2f: {  	v0 =	vld [tilespmem:$0x0];
	_ =	sdelay $0x4  }
0x30: {  	v0 =	vshll.u32 v0, $0x3  }
0x31: {  	(v2sf) =	vpush v0, $0x0;
	_ =	sdelay $0x3  }
0x32: {  	(v2sf) =	vpush v0, $0x1;
	_ =	sdelay $0x4  }
0x33: {  	(v2sf) =	vpush v0, $0x2;
	_ =	sdelay $0x5  }
0x34: {  	s20 =	spop (v2sf)  }
0x35: {  	(v2sf) =	vpush v0, $0x3;
	s11 =	sand.u32 $0x7FFFFC00, s20  }
0x36: {  	s11 =	sadd.s32 s4, s11  }
0x37: {  	s11 =	sshrl.u32 s11, $0x3  }
0x38: {  	s12 =	rddreg [dreg:$0x5];
	s21 =	spop (v2sf);
	s11 =	sadd.s32 s3, s11  }
0x39: {  	(v2sf) =	vpush v0, $0x4;
	[tilespmem:s12], [sflag:$0x1] =	stream.linear.gather [hbm4b:s11+s2], $0x400, $0x38;
	[tilespmem:$0x9080] =	vst v63  }
0x3a: {  	s11 =	sand.u32 $0x7FFFFC00, s21  }
0x3b: {  	s11 =	sadd.s32 s4, s11  }
0x3c: {  	s11 =	sshrl.u32 s11, $0x3  }
0x3d: {  	s22 =	rddreg [dreg:$0x6];
	s23 =	spop (v2sf);
	s11 =	sadd.s32 s3, s11  }
0x3e: {  	(v2sf) =	vpush v0, $0x5;
	[tilespmem:s22], [sflag:$0x1] =	stream.linear.gather [hbm4b:s11+s2], $0x400, $0x38;
	[tilespmem:$0x9080] =	vst v63  }
0x3f: {  	s11 =	sand.u32 $0x7FFFFC00, s23  }
0x40: {  	s11 =	sadd.s32 s4, s11  }
0x41: {  	s11 =	sshrl.u32 s11, $0x3  }
0x42: {  	s24 =	rddreg [dreg:$0x7];
	s11 =	sadd.s32 s3, s11  }
0x43: {  	[tilespmem:s24], [sflag:$0x1] =	stream.linear.gather [hbm4b:s11+s2], $0x400, $0x38;
	[tilespmem:$0x9080] =	vst v63  }
0x44: {  	s25 =	spop (v2sf)  }
0x45: {  	(v2sf) =	vpush v0, $0x6;
	s11 =	sand.u32 $0x7FFFFC00, s25  }
0x46: {  	s11 =	sadd.s32 s4, s11  }
0x47: {  	s11 =	sshrl.u32 s11, $0x3  }
0x48: {  	s26 =	rddreg [dreg:$0x8];
	s28 =	spop (v2sf);
	s11 =	sadd.s32 s3, s11  }
0x49: {  	(v2sf) =	vpush v0, $0x7;
	[tilespmem:s26], [sflag:$0x1] =	stream.linear.gather [hbm4b:s11+s2], $0x400, $0x38;
	[tilespmem:$0x9080] =	vst v63  }
0x4a: {  	s11 =	sand.u32 $0x7FFFFC00, s28  }
0x4b: {  	s11 =	sadd.s32 s4, s11  }
0x4c: {  	s11 =	sshrl.u32 s11, $0x3  }
0x4d: {  	s29 =	rddreg [dreg:$0x9];
	s30 =	spop (v2sf);
	s11 =	sadd.s32 s3, s11  }
0x4e: {  	(v2sf) =	vpush v0, $0x8;
	[tilespmem:s29], [sflag:$0x1] =	stream.linear.gather [hbm4b:s11+s2], $0x400, $0x38;
	[tilespmem:$0x9080] =	vst v63  }
0x4f: {  	s11 =	sand.u32 $0x7FFFFC00, s30  }
0x50: {  	s11 =	sadd.s32 s4, s11  }
0x51: {  	s11 =	sshrl.u32 s11, $0x3  }
0x52: {  	s31 =	rddreg [dreg:$0xa];
	s11 =	sadd.s32 s3, s11  }
0x53: {  	[tilespmem:s31], [sflag:$0x1] =	stream.linear.gather [hbm4b:s11+s2], $0x400, $0x38;
	[tilespmem:$0x9080] =	vst v63  }
0x54: {  	s13 =	spop (v2sf)  }
0x55: {  	(v2sf) =	vpush v0, $0x9;
	s11 =	sand.u32 $0x7FFFFC00, s13  }
0x56: {  	s11 =	sadd.s32 s4, s11  }
0x57: {  	s11 =	sshrl.u32 s11, $0x3  }
0x58: {  	s14 =	rddreg [dreg:$0xb];
	s15 =	spop (v2sf);
	s11 =	sadd.s32 s3, s11  }
0x59: {  	(v2sf) =	vpush v0, $0xA;
	[tilespmem:s14], [sflag:$0x1] =	stream.linear.gather [hbm4b:s11+s2], $0x400, $0x38;
	[tilespmem:$0x9080] =	vst v63  }
0x5a: {  	s11 =	sand.u32 $0x7FFFFC00, s15  }
0x5b: {  	s11 =	sadd.s32 s4, s11  }
0x5c: {  	s11 =	sshrl.u32 s11, $0x3  }
0x5d: {  	s16 =	rddreg [dreg:$0xc];
	s17 =	spop (v2sf);
	s11 =	sadd.s32 s3, s11  }
0x5e: {  	(v2sf) =	vpush v0, $0xB;
	[tilespmem:s16], [sflag:$0x1] =	stream.linear.gather [hbm4b:s11+s2], $0x400, $0x38;
	[tilespmem:$0x9080] =	vst v63  }
0x5f: {  	s11 =	sand.u32 $0x7FFFFC00, s17  }
0x60: {  	s11 =	sadd.s32 s5, s11  }
0x61: {  	s11 =	sshrl.u32 s11, $0x3  }
0x62: {  	s18 =	rddreg [dreg:$0xd];
	s11 =	sadd.s32 s3, s11  }
0x63: {  	[tilespmem:s18], [sflag:$0x1] =	stream.linear.gather [hbm4b:s11+s2], $0x400, $0x38;
	[tilespmem:$0x9080] =	vst v63  }
0x64: {  	s19 =	spop (v2sf)  }
0x65: {  	(v2sf) =	vpush v0, $0xC;
	s11 =	sand.u32 $0x7FFFFC00, s19  }
0x66: {  	s11 =	sadd.s32 s5, s11  }
0x67: {  	s11 =	sshrl.u32 s11, $0x3  }
0x68: {  	s20 =	rddreg [dreg:$0xe];
	s21 =	spop (v2sf);
	s11 =	sadd.s32 s3, s11  }
0x69: {  	(v2sf) =	vpush v0, $0xD;
	[tilespmem:s20], [sflag:$0x1] =	stream.linear.gather [hbm4b:s11+s2], $0x400, $0x38;
	[tilespmem:$0x9080] =	vst v63  }
0x6a: {  	s11 =	sand.u32 $0x7FFFFC00, s21  }
0x6b: {  	s11 =	sadd.s32 s5, s11  }
0x6c: {  	s11 =	sshrl.u32 s11, $0x3  }
0x6d: {  	s22 =	rddreg [dreg:$0xf];
	s23 =	spop (v2sf);
	s11 =	sadd.s32 s3, s11  }
0x6e: {  	(v2sf) =	vpush v0, $0xE;
	[tilespmem:s22], [sflag:$0x1] =	stream.linear.gather [hbm4b:s11+s2], $0x400, $0x38;
	[tilespmem:$0x9080] =	vst v63  }
0x6f: {  	s11 =	sand.u32 $0x7FFFFC00, s23  }
0x70: {  	s11 =	sadd.s32 s5, s11  }
0x71: {  	s11 =	sshrl.u32 s11, $0x3  }
0x72: {  	s24 =	rddreg [dreg:$0x10];
	s11 =	sadd.s32 s3, s11  }
0x73: {  	[tilespmem:s24], [sflag:$0x1] =	stream.linear.gather [hbm4b:s11+s2], $0x400, $0x38;
	[tilespmem:$0x9080] =	vst v63  }
0x74: {  	s25 =	spop (v2sf)  }
0x75: {  	(v2sf) =	vpush v0, $0xF;
	s11 =	sand.u32 $0x7FFFFC00, s25  }
0x76: {  	s11 =	sadd.s32 s5, s11  }
0x77: {  	s11 =	sshrl.u32 s11, $0x3  }
0x78: {  	s26 =	rddreg [dreg:$0x11];
	s28 =	spop (v2sf);
	s11 =	sadd.s32 s3, s11  }
0x79: {  	[tilespmem:s26], [sflag:$0x1] =	stream.linear.gather [hbm4b:s11+s2], $0x400, $0x38;
	[tilespmem:$0x9080] =	vst v63  }
0x7a: {  	s11 =	sand.u32 $0x7FFFFC00, s28  }
0x7b: {  	s11 =	sadd.s32 s5, s11  }
0x7c: {  	s11 =	sshrl.u32 s11, $0x3  }
0x7d: {  	s29 =	rddreg [dreg:$0x12];
	s30 =	spop (v2sf);
	s11 =	sadd.s32 s3, s11  }
0x7e: {  	[tilespmem:s29], [sflag:$0x1] =	stream.linear.gather [hbm4b:s11+s2], $0x400, $0x38;
	[tilespmem:$0x9080] =	vst v63  }
0x7f: {  	s11 =	sand.u32 $0x7FFFFC00, s30  }
0x80: {  	s11 =	sadd.s32 s5, s11  }
0x81: {  	s11 =	sshrl.u32 s11, $0x3  }
0x82: {  	s31 =	rddreg [dreg:$0x13];
	s11 =	sadd.s32 s3, s11  }
0x83: {  	[tilespmem:s31], [sflag:$0x1] =	stream.linear.gather [hbm4b:s11+s2], $0x400, $0x38;
	[tilespmem:$0x9080] =	vst v63  }
0x84: {  	s13 =	spop (v2sf)  }
0x85: {  	s11 =	sand.u32 $0x7FFFFC00, s13  }
0x86: {  	s11 =	sadd.s32 s5, s11  }
0x87: {  	s11 =	sshrl.u32 s11, $0x3  }
0x88: {  	s14 =	rddreg [dreg:$0x14];
	s11 =	sadd.s32 s3, s11  }
0x89: {  	[tilespmem:s14], [sflag:$0x1] =	stream.linear.gather [hbm4b:s11+s2], $0x400, $0x38;
	[tilespmem:$0x9080] =	vst v63  }
0x8a: {  	v36 =	vld [tilespmem:$0x10];
	_ =	sdelay $0x4  }
0x8b: {  	v0 =	vshll.u32 v36, $0x3  }
0x8c: {  	(v2sf) =	vpush v0, $0x0;
	_ =	sdelay $0x3  }
0x8d: {  	(v2sf) =	vpush v0, $0x1;
	_ =	sdelay $0x4  }
0x8e: {  	(v2sf) =	vpush v0, $0x2;
	_ =	sdelay $0x5  }
0x8f: {  	s15 =	spop (v2sf)  }
0x90: {  	(v2sf) =	vpush v0, $0x3;
	s11 =	sand.u32 $0x7FFFFC00, s15  }
0x91: {  	s11 =	sadd.s32 s6, s11  }
0x92: {  	s11 =	sshrl.u32 s11, $0x3  }
0x93: {  	s16 =	rddreg [dreg:$0x15];
	s17 =	spop (v2sf);
	s11 =	sadd.s32 s3, s11  }
0x94: {  	(v2sf) =	vpush v0, $0x4;
	[tilespmem:s16], [sflag:$0x1] =	stream.linear.gather [hbm4b:s11+s2], $0x400, $0x38;
	[tilespmem:$0x9080] =	vst v63  }
0x95: {  	s11 =	sand.u32 $0x7FFFFC00, s17  }
0x96: {  	s11 =	sadd.s32 s6, s11  }
0x97: {  	s11 =	sshrl.u32 s11, $0x3  }
0x98: {  	s18 =	rddreg [dreg:$0x16];
	s19 =	spop (v2sf);
	s11 =	sadd.s32 s3, s11  }
0x99: {  	(v2sf) =	vpush v0, $0x5;
	[tilespmem:s18], [sflag:$0x1] =	stream.linear.gather [hbm4b:s11+s2], $0x400, $0x38;
	[tilespmem:$0x9080] =	vst v63  }
0x9a: {  	s11 =	sand.u32 $0x7FFFFC00, s19  }
0x9b: {  	s11 =	sadd.s32 s6, s11  }
0x9c: {  	s11 =	sshrl.u32 s11, $0x3  }
0x9d: {  	s20 =	rddreg [dreg:$0x17];
	s11 =	sadd.s32 s3, s11  }
0x9e: {  	[tilespmem:s20], [sflag:$0x1] =	stream.linear.gather [hbm4b:s11+s2], $0x400, $0x38;
	[tilespmem:$0x9080] =	vst v63  }
0x9f: {  	s21 =	spop (v2sf)  }
0xa0: {  	(v2sf) =	vpush v0, $0x6;
	s11 =	sand.u32 $0x7FFFFC00, s21  }
0xa1: {  	s11 =	sadd.s32 s6, s11  }
0xa2: {  	s11 =	sshrl.u32 s11, $0x3  }
0xa3: {  	s22 =	rddreg [dreg:$0x18];
	s23 =	spop (v2sf);
	s11 =	sadd.s32 s3, s11  }
0xa4: {  	(v2sf) =	vpush v0, $0x7;
	[tilespmem:s22], [sflag:$0x1] =	stream.linear.gather [hbm4b:s11+s2], $0x400, $0x38;
	[tilespmem:$0x9080] =	vst v63  }
0xa5: {  	s11 =	sand.u32 $0x7FFFFC00, s23  }
0xa6: {  	s11 =	sadd.s32 s6, s11  }
0xa7: {  	s11 =	sshrl.u32 s11, $0x3  }
0xa8: {  	s24 =	rddreg [dreg:$0x19];
	s25 =	spop (v2sf);
	s11 =	sadd.s32 s3, s11  }
0xa9: {  	(v2sf) =	vpush v0, $0x8;
	[tilespmem:s24], [sflag:$0x1] =	stream.linear.gather [hbm4b:s11+s2], $0x400, $0x38;
	[tilespmem:$0x9080] =	vst v63  }
0xaa: {  	s11 =	sand.u32 $0x7FFFFC00, s25  }
0xab: {  	s11 =	sadd.s32 s6, s11  }
0xac: {  	s11 =	sshrl.u32 s11, $0x3  }
0xad: {  	s26 =	rddreg [dreg:$0x1a];
	s11 =	sadd.s32 s3, s11  }
0xae: {  	[tilespmem:s26], [sflag:$0x1] =	stream.linear.gather [hbm4b:s11+s2], $0x400, $0x38;
	[tilespmem:$0x9080] =	vst v63  }
0xaf: {  	s28 =	spop (v2sf)  }
0xb0: {  	(v2sf) =	vpush v0, $0x9;
	s11 =	sand.u32 $0x7FFFFC00, s28  }
0xb1: {  	s11 =	sadd.s32 s6, s11  }
0xb2: {  	s11 =	sshrl.u32 s11, $0x3  }
0xb3: {  	s29 =	rddreg [dreg:$0x1b];
	s30 =	spop (v2sf);
	s11 =	sadd.s32 s3, s11  }
0xb4: {  	(v2sf) =	vpush v0, $0xA;
	[tilespmem:s29], [sflag:$0x1] =	stream.linear.gather [hbm4b:s11+s2], $0x400, $0x38;
	[tilespmem:$0x9080] =	vst v63  }
0xb5: {  	s11 =	sand.u32 $0x7FFFFC00, s30  }
0xb6: {  	s11 =	sadd.s32 s6, s11  }
0xb7: {  	s11 =	sshrl.u32 s11, $0x3  }
0xb8: {  	s31 =	rddreg [dreg:$0x1c];
	s13 =	spop (v2sf);
	s11 =	sadd.s32 s3, s11  }
0xb9: {  	(v2sf) =	vpush v0, $0xB;
	[tilespmem:s31], [sflag:$0x1] =	stream.linear.gather [hbm4b:s11+s2], $0x400, $0x38;
	[tilespmem:$0x9080] =	vst v63  }
0xba: {  	s11 =	sand.u32 $0x7FFFFC00, s13  }
0xbb: {  	s11 =	sadd.s32 s7, s11  }
0xbc: {  	s11 =	sshrl.u32 s11, $0x3  }
0xbd: {  	s14 =	rddreg [dreg:$0x1d];
	s11 =	sadd.s32 s3, s11  }
0xbe: {  	[tilespmem:s14], [sflag:$0x1] =	stream.linear.gather [hbm4b:s11+s2], $0x400, $0x38;
	[tilespmem:$0x9080] =	vst v63  }
0xbf: {  	s15 =	spop (v2sf)  }
0xc0: {  	(v2sf) =	vpush v0, $0xC;
	s11 =	sand.u32 $0x7FFFFC00, s15  }
0xc1: {  	s11 =	sadd.s32 s7, s11  }
0xc2: {  	s11 =	sshrl.u32 s11, $0x3  }
0xc3: {  	s16 =	rddreg [dreg:$0x1e];
	s17 =	spop (v2sf);
	s11 =	sadd.s32 s3, s11  }
0xc4: {  	(v2sf) =	vpush v0, $0xD;
	[tilespmem:s16], [sflag:$0x1] =	stream.linear.gather [hbm4b:s11+s2], $0x400, $0x38;
	[tilespmem:$0x9080] =	vst v63  }
0xc5: {  	s11 =	sand.u32 $0x7FFFFC00, s17  }
0xc6: {  	s11 =	sadd.s32 s7, s11  }
0xc7: {  	s11 =	sshrl.u32 s11, $0x3  }
0xc8: {  	s18 =	rddreg [dreg:$0x1f];
	s19 =	spop (v2sf);
	s11 =	sadd.s32 s3, s11  }
0xc9: {  	(v2sf) =	vpush v0, $0xE;
	[tilespmem:s18], [sflag:$0x1] =	stream.linear.gather [hbm4b:s11+s2], $0x400, $0x38;
	[tilespmem:$0x9080] =	vst v63  }
0xca: {  	s11 =	sand.u32 $0x7FFFFC00, s19  }
0xcb: {  	s20 =	sld [smem:$0x7F8];
	s11 =	sadd.s32 s7, s11  }
0xcc: {  	s11 =	sshrl.u32 s11, $0x3  }
0xcd: {  	s11 =	sadd.s32 s3, s11  }
0xce: {  	[tilespmem:s20], [sflag:$0x1] =	stream.linear.gather [hbm4b:s11+s2], $0x400, $0x38;
	[tilespmem:$0x9080] =	vst v63  }
0xcf: {  	s21 =	spop (v2sf)  }
0xd0: {  	(v2sf) =	vpush v0, $0xF;
	s11 =	sand.u32 $0x7FFFFC00, s21  }
0xd1: {  	s22 =	sld [smem:$0x7F9];
	s11 =	sadd.s32 s7, s11  }
0xd2: {  	s11 =	sshrl.u32 s11, $0x3  }
0xd3: {  	s23 =	spop (v2sf);
	s11 =	sadd.s32 s3, s11  }
0xd4: {  	[tilespmem:s22], [sflag:$0x1] =	stream.linear.gather [hbm4b:s11+s2], $0x400, $0x38;
	[tilespmem:$0x9080] =	vst v63  }
0xd5: {  	s11 =	sand.u32 $0x7FFFFC00, s23  }
0xd6: {  	s24 =	sld [smem:$0x7FA];
	s11 =	sadd.s32 s7, s11  }
0xd7: {  	s11 =	sshrl.u32 s11, $0x3  }
0xd8: {  	s25 =	spop (v2sf);
	s11 =	sadd.s32 s3, s11  }
0xd9: {  	[tilespmem:s24], [sflag:$0x1] =	stream.linear.gather [hbm4b:s11+s2], $0x400, $0x38;
	[tilespmem:$0x9080] =	vst v63  }
0xda: {  	s11 =	sand.u32 $0x7FFFFC00, s25  }
0xdb: {  	s26 =	sld [smem:$0x7FB];
	s11 =	sadd.s32 s7, s11  }
0xdc: {  	s11 =	sshrl.u32 s11, $0x3  }
0xdd: {  	s11 =	sadd.s32 s3, s11  }
0xde: {  	[tilespmem:s26], [sflag:$0x1] =	stream.linear.gather [hbm4b:s11+s2], $0x400, $0x38;
	[tilespmem:$0x9080] =	vst v63  }
0xdf: {  	s28 =	spop (v2sf)  }
0xe0: {  	s11 =	sand.u32 $0x7FFFFC00, s28  }
0xe1: {  	s29 =	sld [smem:$0x7FC];
	s11 =	sadd.s32 s7, s11  }
0xe2: {  	s11 =	sshrl.u32 s11, $0x3  }
0xe3: {  	s11 =	sadd.s32 s3, s11  }
0xe4: {  	[tilespmem:s29], [sflag:$0x1] =	stream.linear.gather [hbm4b:s11+s2], $0x400, $0x38;
	[tilespmem:$0x9080] =	vst v63  }
0xe5: {  	_ =	swait.ge [sflag:s10], $0x400  }
0xe6: {  	[sflag:s10] =	ssyncset.done $0x0  }
0xe7: {  	[sflag:s10] =	ssyncadd.s32 $0xFFFFFC00  }
0xe8: {  	_ =	swait.ge [sflag:s10], $0x400  }
0xe9: {  	[sflag:s10] =	ssyncset.done $0x0  }
0xea: {  	[sflag:s10] =	ssyncadd.s32 $0xFFFFFC00  }
0xeb: {  	_ =	swait.ge [sflag:s10], $0x400  }
0xec: {  	[sflag:s10] =	ssyncset.done $0x0  }
0xed: {  	[sflag:s10] =	ssyncadd.s32 $0xFFFFFC00  }
0xee: {  	_ =	swait.ge [sflag:s10], $0x400  }
0xef: {  	[sflag:s10] =	ssyncset.done $0x0  }
0xf0: {  	[sflag:s10] =	ssyncadd.s32 $0xFFFFFC00  }
0xf1: {  	_ =	swait.ge [sflag:s10], $0x400  }
0xf2: {  	[sflag:s10] =	ssyncset.done $0x0  }
0xf3: {  	[sflag:s10] =	ssyncadd.s32 $0xFFFFFC00  }
0xf4: {  	_ =	swait.ge [sflag:s10], $0x400  }
0xf5: {  	[sflag:s10] =	ssyncset.done $0x0  }
0xf6: {  	[sflag:s10] =	ssyncadd.s32 $0xFFFFFC00  }
0xf7: {  	_ =	swait.ge [sflag:s10], $0x400  }
0xf8: {  	[sflag:s10] =	ssyncset.done $0x0  }
0xf9: {  	[sflag:s10] =	ssyncadd.s32 $0xFFFFFC00  }
0xfa: {  	_ =	swait.ge [sflag:s10], $0x400  }
0xfb: {  	[sflag:s10] =	ssyncset.done $0x0  }
0xfc: {  	[sflag:s10] =	ssyncadd.s32 $0xFFFFFC00  }
0xfd: {  	_ =	swait.ge [sflag:s10], $0x400  }
0xfe: {  	[sflag:s10] =	ssyncset.done $0x0  }
0xff: {  	[sflag:s10] =	ssyncadd.s32 $0xFFFFFC00  }
0x100: {  	_ =	swait.ge [sflag:s10], $0x400  }
0x101: {  	[sflag:s10] =	ssyncset.done $0x0  }
0x102: {  	[sflag:s10] =	ssyncadd.s32 $0xFFFFFC00  }
0x103: {  	_ =	swait.ge [sflag:s10], $0x400  }
0x104: {  	[sflag:s10] =	ssyncset.done $0x0  }
0x105: {  	[sflag:s10] =	ssyncadd.s32 $0xFFFFFC00  }
0x106: {  	_ =	swait.ge [sflag:s10], $0x400  }
0x107: {  	[sflag:s10] =	ssyncset.done $0x0  }
0x108: {  	[sflag:s10] =	ssyncadd.s32 $0xFFFFFC00  }
0x109: {  	_ =	swait.ge [sflag:s10], $0x400  }
0x10a: {  	[sflag:s10] =	ssyncset.done $0x0  }
0x10b: {  	[sflag:s10] =	ssyncadd.s32 $0xFFFFFC00  }
0x10c: {  	_ =	swait.ge [sflag:s10], $0x400  }
0x10d: {  	[sflag:s10] =	ssyncset.done $0x0  }
0x10e: {  	[sflag:s10] =	ssyncadd.s32 $0xFFFFFC00  }
0x10f: {  	_ =	swait.ge [sflag:s10], $0x400  }
0x110: {  	[sflag:s10] =	ssyncset.done $0x0  }
0x111: {  	[sflag:s10] =	ssyncadd.s32 $0xFFFFFC00  }
0x112: {  	_ =	swait.ge [sflag:s10], $0x400  }
0x113: {  	[sflag:s10] =	ssyncset.done $0x0  }
0x114: {  	[sflag:s10] =	ssyncadd.s32 $0xFFFFFC00  }
0x115: {  	_ =	swait.ge [sflag:s10], $0x400  }
0x116: {  	[sflag:s10] =	ssyncset.done $0x0  }
0x117: {  	[sflag:s10] =	ssyncadd.s32 $0xFFFFFC00  }
0x118: {  	_ =	swait.ge [sflag:s10], $0x400  }
0x119: {  	[sflag:s10] =	ssyncset.done $0x0  }
0x11a: {  	[sflag:s10] =	ssyncadd.s32 $0xFFFFFC00  }
0x11b: {  	_ =	swait.ge [sflag:s10], $0x400  }
0x11c: {  	[sflag:s10] =	ssyncset.done $0x0  }
0x11d: {  	[sflag:s10] =	ssyncadd.s32 $0xFFFFFC00  }
0x11e: {  	_ =	swait.ge [sflag:s10], $0x400  }
0x11f: {  	[sflag:s10] =	ssyncset.done $0x0  }
0x120: {  	[sflag:s10] =	ssyncadd.s32 $0xFFFFFC00  }
0x121: {  	_ =	swait.ge [sflag:s10], $0x400  }
0x122: {  	[sflag:s10] =	ssyncset.done $0x0  }
0x123: {  	[sflag:s10] =	ssyncadd.s32 $0xFFFFFC00  }
0x124: {  	_ =	swait.ge [sflag:s10], $0x400  }
0x125: {  	[sflag:s10] =	ssyncset.done $0x0  }
0x126: {  	[sflag:s10] =	ssyncadd.s32 $0xFFFFFC00  }
0x127: {  	_ =	swait.ge [sflag:s10], $0x400  }
0x128: {  	[sflag:s10] =	ssyncset.done $0x0  }
0x129: {  	[sflag:s10] =	ssyncadd.s32 $0xFFFFFC00  }
0x12a: {  	_ =	swait.ge [sflag:s10], $0x400  }
0x12b: {  	[sflag:s10] =	ssyncset.done $0x0  }
0x12c: {  	[sflag:s10] =	ssyncadd.s32 $0xFFFFFC00  }
0x12d: {  	_ =	swait.ge [sflag:s10], $0x400  }
0x12e: {  	[sflag:s10] =	ssyncset.done $0x0  }
0x12f: {  	[sflag:s10] =	ssyncadd.s32 $0xFFFFFC00  }
0x130: {  	_ =	swait.ge [sflag:s10], $0x400  }
0x131: {  	[sflag:s10] =	ssyncset.done $0x0  }
0x132: {  	[sflag:s10] =	ssyncadd.s32 $0xFFFFFC00  }
0x133: {  	_ =	swait.ge [sflag:s10], $0x400  }
0x134: {  	[sflag:s10] =	ssyncset.done $0x0  }
0x135: {  	[sflag:s10] =	ssyncadd.s32 $0xFFFFFC00  }
0x136: {  	_ =	swait.ge [sflag:s10], $0x400  }
0x137: {  	[sflag:s10] =	ssyncset.done $0x0  }
0x138: {  	[sflag:s10] =	ssyncadd.s32 $0xFFFFFC00  }
0x139: {  	_ =	swait.ge [sflag:s10], $0x400  }
0x13a: {  	[sflag:s10] =	ssyncset.done $0x0  }
0x13b: {  	[sflag:s10] =	ssyncadd.s32 $0xFFFFFC00  }
0x13c: {  	_ =	swait.ge [sflag:s10], $0x400  }
0x13d: {  	[sflag:s10] =	ssyncset.done $0x0  }
0x13e: {  	[sflag:s10] =	ssyncadd.s32 $0xFFFFFC00  }
0x13f: {  	_ =	swait.ge [sflag:s10], $0x400  }
0x140: {  	[sflag:s10] =	ssyncset.done $0x0  }
0x141: {  	[sflag:s10] =	ssyncadd.s32 $0xFFFFFC00  }
0x142: {  	_ =	swait.ge [sflag:s10], $0x400  }
0x143: {  	[sflag:s10] =	ssyncset.done $0x0  }
0x144: {  	[sflag:s10] =	ssyncadd.s32 $0xFFFFFC00  }
0x145: {  	v37 =	vld [tilespmem:$0x80]  }
0x146: {  	v1 =	vld [tilespmem:$0x90]  }
0x147: {  	v2 =	vld [tilespmem:$0xA0]  }
0x148: {  	v3 =	vld [tilespmem:$0xB0]  }
0x149: {  	v4 =	vld [tilespmem:$0xC0]  }
0x14a: {  	v38 =	vld [tilespmem:$0xD0];
	[tilespmem:$0x8080] =	vst v37  }
0x14b: {  	v39 =	vld [tilespmem:$0xE0];
	[tilespmem:$0x8090] =	vst v1  }
0x14c: {  	v40 =	vld [tilespmem:$0xF0];
	[tilespmem:$0x80A0] =	vst v2  }
0x14d: {  	v41 =	vld [tilespmem:$0x500];
	[tilespmem:$0x80B0] =	vst v3  }
0x14e: {  	[tilespmem:$0x80C0] =	vst v4  }
0x14f: {  	[tilespmem:$0x80D0] =	vst v38  }
0x150: {  	[tilespmem:$0x80E0] =	vst v39  }
0x151: {  	[tilespmem:$0x80F0] =	vst v40  }
0x152: {  	[tilespmem:$0x8100] =	vst v41  }
0x153: {  	v42 =	vld [tilespmem:$0x510]  }
0x154: {  	v43 =	vld [tilespmem:$0x520]  }
0x155: {  	v44 =	vld [tilespmem:$0x530]  }
0x156: {  	v3 =	vld [tilespmem:$0x540]  }
0x157: {  	v45 =	vld [tilespmem:$0x550]  }
0x158: {  	v46 =	vld [tilespmem:$0x560];
	[tilespmem:$0x8110] =	vst v42  }
0x159: {  	v47 =	vld [tilespmem:$0x570];
	[tilespmem:$0x8120] =	vst v43  }
0x15a: {  	v48 =	vld [tilespmem:$0x980];
	[tilespmem:$0x8130] =	vst v44  }
0x15b: {  	v49 =	vld [tilespmem:$0x990];
	[tilespmem:$0x8140] =	vst v3  }
0x15c: {  	v50 =	vld [tilespmem:$0x9A0];
	[tilespmem:$0x8150] =	vst v45  }
0x15d: {  	v51 =	vld [tilespmem:$0x9B0];
	[tilespmem:$0x8160] =	vst v46  }
0x15e: {  	v52 =	vld [tilespmem:$0x9C0];
	[tilespmem:$0x8170] =	vst v47  }
0x15f: {  	v53 =	vld [tilespmem:$0x9D0];
	[tilespmem:$0x8180] =	vst v48  }
0x160: {  	v54 =	vld [tilespmem:$0x9E0];
	[tilespmem:$0x8190] =	vst v49  }
0x161: {  	v55 =	vld [tilespmem:$0x9F0];
	[tilespmem:$0x81A0] =	vst v50  }
0x162: {  	v56 =	vld [tilespmem:$0xE00];
	[tilespmem:$0x81B0] =	vst v51  }
0x163: {  	v57 =	vld [tilespmem:$0xE10];
	[tilespmem:$0x81C0] =	vst v52  }
0x164: {  	v58 =	vld [tilespmem:$0xE20];
	[tilespmem:$0x81D0] =	vst v53  }
0x165: {  	v59 =	vld [tilespmem:$0xE30];
	[tilespmem:$0x81E0] =	vst v54  }
0x166: {  	v60 =	vld [tilespmem:$0xE40];
	[tilespmem:$0x81F0] =	vst v55  }
0x167: {  	v61 =	vld [tilespmem:$0xE50];
	[tilespmem:$0x8200] =	vst v56  }
0x168: {  	v62 =	vld [tilespmem:$0xE60];
	[tilespmem:$0x8210] =	vst v57  }
0x169: {  	v63 =	vld [tilespmem:$0xE70];
	[tilespmem:$0x8220] =	vst v58  }
0x16a: {  	v8 =	vld [tilespmem:$0x1280];
	[tilespmem:$0x8230] =	vst v59  }
0x16b: {  	v9 =	vld [tilespmem:$0x1290];
	[tilespmem:$0x8240] =	vst v60  }
0x16c: {  	v10 =	vld [tilespmem:$0x12A0];
	[tilespmem:$0x8250] =	vst v61  }
0x16d: {  	v11 =	vld [tilespmem:$0x12B0];
	[tilespmem:$0x8260] =	vst v62  }
0x16e: {  	v12 =	vld [tilespmem:$0x12C0];
	[tilespmem:$0x8270] =	vst v63  }
0x16f: {  	v13 =	vld [tilespmem:$0x12D0];
	[tilespmem:$0x8280] =	vst v8  }
0x170: {  	v14 =	vld [tilespmem:$0x12E0];
	[tilespmem:$0x8290] =	vst v9  }
0x171: {  	v15 =	vld [tilespmem:$0x12F0];
	[tilespmem:$0x82A0] =	vst v10  }
0x172: {  	v16 =	vld [tilespmem:$0x1700];
	[tilespmem:$0x82B0] =	vst v11  }
0x173: {  	v17 =	vld [tilespmem:$0x1710];
	[tilespmem:$0x82C0] =	vst v12  }
0x174: {  	v18 =	vld [tilespmem:$0x1720];
	[tilespmem:$0x82D0] =	vst v13  }
0x175: {  	v19 =	vld [tilespmem:$0x1730];
	[tilespmem:$0x82E0] =	vst v14  }
0x176: {  	v20 =	vld [tilespmem:$0x1740];
	[tilespmem:$0x82F0] =	vst v15  }
0x177: {  	v21 =	vld [tilespmem:$0x1750];
	[tilespmem:$0x8300] =	vst v16  }
0x178: {  	v22 =	vld [tilespmem:$0x1760];
	[tilespmem:$0x8310] =	vst v17  }
0x179: {  	v23 =	vld [tilespmem:$0x1770];
	[tilespmem:$0x8320] =	vst v18  }
0x17a: {  	v24 =	vld [tilespmem:$0x1B80];
	[tilespmem:$0x8330] =	vst v19  }
0x17b: {  	v25 =	vld [tilespmem:$0x1B90];
	[tilespmem:$0x8340] =	vst v20  }
0x17c: {  	v26 =	vld [tilespmem:$0x1BA0];
	[tilespmem:$0x8350] =	vst v21  }
0x17d: {  	v27 =	vld [tilespmem:$0x1BB0];
	[tilespmem:$0x8360] =	vst v22  }
0x17e: {  	v28 =	vld [tilespmem:$0x1BC0];
	[tilespmem:$0x8370] =	vst v23  }
0x17f: {  	v29 =	vld [tilespmem:$0x1BD0];
	[tilespmem:$0x8380] =	vst v24  }
0x180: {  	v30 =	vld [tilespmem:$0x1BE0];
	[tilespmem:$0x8390] =	vst v25  }
0x181: {  	v31 =	vld [tilespmem:$0x1BF0];
	[tilespmem:$0x83A0] =	vst v26  }
0x182: {  	v32 =	vld [tilespmem:$0x2000];
	[tilespmem:$0x83B0] =	vst v27  }
0x183: {  	v33 =	vld [tilespmem:$0x2010];
	[tilespmem:$0x83C0] =	vst v28  }
0x184: {  	v34 =	vld [tilespmem:$0x2020];
	[tilespmem:$0x83D0] =	vst v29  }
0x185: {  	v35 =	vld [tilespmem:$0x2030];
	[tilespmem:$0x83E0] =	vst v30  }
0x186: {  	v36 =	vld [tilespmem:$0x2040];
	[tilespmem:$0x83F0] =	vst v31  }
0x187: {  	v37 =	vld [tilespmem:$0x2050];
	[tilespmem:$0x8400] =	vst v32  }
0x188: {  	v38 =	vld [tilespmem:$0x2060];
	[tilespmem:$0x8410] =	vst v33  }
0x189: {  	v39 =	vld [tilespmem:$0x2070];
	[tilespmem:$0x8420] =	vst v34  }
0x18a: {  	v40 =	vld [tilespmem:$0x2080];
	[tilespmem:$0x8430] =	vst v35  }
0x18b: {  	v41 =	vld [tilespmem:$0x2090];
	[tilespmem:$0x8440] =	vst v36  }
0x18c: {  	[tilespmem:$0x8450] =	vst v37;
	v42 =	vld [tilespmem:$0x20A0]  }
0x18d: {  	[tilespmem:$0x8460] =	vst v38;
	v43 =	vld [tilespmem:$0x20B0]  }
0x18e: {  	[tilespmem:$0x8470] =	vst v39;
	v44 =	vld [tilespmem:$0x20C0]  }
0x18f: {  	[tilespmem:$0x8480] =	vst v40;
	v45 =	vld [tilespmem:$0x20D0]  }
0x190: {  	[tilespmem:$0x8490] =	vst v41;
	v46 =	vld [tilespmem:$0x20E0]  }
0x191: {  	v47 =	vld [tilespmem:$0x20F0];
	[tilespmem:$0x84A0] =	vst v42  }
0x192: {  	v48 =	vld [tilespmem:$0x2500];
	[tilespmem:$0x84B0] =	vst v43  }
0x193: {  	v49 =	vld [tilespmem:$0x2510];
	[tilespmem:$0x84C0] =	vst v44  }
0x194: {  	v50 =	vld [tilespmem:$0x2520];
	[tilespmem:$0x84D0] =	vst v45  }
0x195: {  	v51 =	vld [tilespmem:$0x2530];
	[tilespmem:$0x84E0] =	vst v46  }
0x196: {  	v52 =	vld [tilespmem:$0x2540];
	[tilespmem:$0x84F0] =	vst v47  }
0x197: {  	v53 =	vld [tilespmem:$0x2550];
	[tilespmem:$0x8500] =	vst v48  }
0x198: {  	v54 =	vld [tilespmem:$0x2560];
	[tilespmem:$0x8510] =	vst v49  }
0x199: {  	v55 =	vld [tilespmem:$0x2570];
	[tilespmem:$0x8520] =	vst v50  }
0x19a: {  	v56 =	vld [tilespmem:$0x2980];
	[tilespmem:$0x8530] =	vst v51  }
0x19b: {  	v57 =	vld [tilespmem:$0x2990];
	[tilespmem:$0x8540] =	vst v52  }
0x19c: {  	v58 =	vld [tilespmem:$0x29A0];
	[tilespmem:$0x8550] =	vst v53  }
0x19d: {  	v59 =	vld [tilespmem:$0x29B0];
	[tilespmem:$0x8560] =	vst v54  }
0x19e: {  	v60 =	vld [tilespmem:$0x29C0];
	[tilespmem:$0x8570] =	vst v55  }
0x19f: {  	v61 =	vld [tilespmem:$0x29D0];
	[tilespmem:$0x8580] =	vst v56  }
0x1a0: {  	v62 =	vld [tilespmem:$0x29E0];
	[tilespmem:$0x8590] =	vst v57  }
0x1a1: {  	v63 =	vld [tilespmem:$0x29F0];
	[tilespmem:$0x85A0] =	vst v58  }
0x1a2: {  	v8 =	vld [tilespmem:$0x2E00];
	[tilespmem:$0x85B0] =	vst v59  }
0x1a3: {  	v9 =	vld [tilespmem:$0x2E10];
	[tilespmem:$0x85C0] =	vst v60  }
0x1a4: {  	v10 =	vld [tilespmem:$0x2E20];
	[tilespmem:$0x85D0] =	vst v61  }
0x1a5: {  	v11 =	vld [tilespmem:$0x2E30];
	[tilespmem:$0x85E0] =	vst v62  }
0x1a6: {  	v12 =	vld [tilespmem:$0x2E40];
	[tilespmem:$0x85F0] =	vst v63  }
0x1a7: {  	v13 =	vld [tilespmem:$0x2E50];
	[tilespmem:$0x8600] =	vst v8  }
0x1a8: {  	v14 =	vld [tilespmem:$0x2E60];
	[tilespmem:$0x8610] =	vst v9  }
0x1a9: {  	v15 =	vld [tilespmem:$0x2E70];
	[tilespmem:$0x8620] =	vst v10  }
0x1aa: {  	v16 =	vld [tilespmem:$0x3280];
	[tilespmem:$0x8630] =	vst v11  }
0x1ab: {  	v17 =	vld [tilespmem:$0x3290];
	[tilespmem:$0x8640] =	vst v12  }
0x1ac: {  	v18 =	vld [tilespmem:$0x32A0];
	[tilespmem:$0x8650] =	vst v13  }
0x1ad: {  	v19 =	vld [tilespmem:$0x32B0];
	[tilespmem:$0x8660] =	vst v14  }
0x1ae: {  	v20 =	vld [tilespmem:$0x32C0];
	[tilespmem:$0x8670] =	vst v15  }
0x1af: {  	v21 =	vld [tilespmem:$0x32D0];
	[tilespmem:$0x8680] =	vst v16  }
0x1b0: {  	v22 =	vld [tilespmem:$0x32E0];
	[tilespmem:$0x8690] =	vst v17  }
0x1b1: {  	v23 =	vld [tilespmem:$0x32F0];
	[tilespmem:$0x86A0] =	vst v18  }
0x1b2: {  	v24 =	vld [tilespmem:$0x3700];
	[tilespmem:$0x86B0] =	vst v19  }
0x1b3: {  	v25 =	vld [tilespmem:$0x3710];
	[tilespmem:$0x86C0] =	vst v20  }
0x1b4: {  	v26 =	vld [tilespmem:$0x3720];
	[tilespmem:$0x86D0] =	vst v21  }
0x1b5: {  	v27 =	vld [tilespmem:$0x3730];
	[tilespmem:$0x86E0] =	vst v22  }
0x1b6: {  	v28 =	vld [tilespmem:$0x3740];
	[tilespmem:$0x86F0] =	vst v23  }
0x1b7: {  	v29 =	vld [tilespmem:$0x3750];
	[tilespmem:$0x8700] =	vst v24  }
0x1b8: {  	v30 =	vld [tilespmem:$0x3760];
	[tilespmem:$0x8710] =	vst v25  }
0x1b9: {  	v31 =	vld [tilespmem:$0x3770];
	[tilespmem:$0x8720] =	vst v26  }
0x1ba: {  	v32 =	vld [tilespmem:$0x3B80];
	[tilespmem:$0x8730] =	vst v27  }
0x1bb: {  	v33 =	vld [tilespmem:$0x3B90];
	[tilespmem:$0x8740] =	vst v28  }
0x1bc: {  	v34 =	vld [tilespmem:$0x3BA0];
	[tilespmem:$0x8750] =	vst v29  }
0x1bd: {  	v35 =	vld [tilespmem:$0x3BB0];
	[tilespmem:$0x8760] =	vst v30  }
0x1be: {  	v36 =	vld [tilespmem:$0x3BC0];
	[tilespmem:$0x8770] =	vst v31  }
0x1bf: {  	v37 =	vld [tilespmem:$0x3BD0];
	[tilespmem:$0x8780] =	vst v32  }
0x1c0: {  	v38 =	vld [tilespmem:$0x3BE0];
	[tilespmem:$0x8790] =	vst v33  }
0x1c1: {  	v39 =	vld [tilespmem:$0x3BF0];
	[tilespmem:$0x87A0] =	vst v34  }
0x1c2: {  	v40 =	vld [tilespmem:$0x4000];
	[tilespmem:$0x87B0] =	vst v35  }
0x1c3: {  	v41 =	vld [tilespmem:$0x4010];
	[tilespmem:$0x87C0] =	vst v36  }
0x1c4: {  	[tilespmem:$0x87D0] =	vst v37;
	v42 =	vld [tilespmem:$0x4020]  }
0x1c5: {  	[tilespmem:$0x87E0] =	vst v38;
	v43 =	vld [tilespmem:$0x4030]  }
0x1c6: {  	[tilespmem:$0x87F0] =	vst v39;
	v44 =	vld [tilespmem:$0x4040]  }
0x1c7: {  	[tilespmem:$0x8800] =	vst v40;
	v45 =	vld [tilespmem:$0x4050]  }
0x1c8: {  	[tilespmem:$0x8810] =	vst v41;
	v46 =	vld [tilespmem:$0x4060]  }
0x1c9: {  	v47 =	vld [tilespmem:$0x4070];
	[tilespmem:$0x8820] =	vst v42  }
0x1ca: {  	v48 =	vld [tilespmem:$0x4080];
	[tilespmem:$0x8830] =	vst v43  }
0x1cb: {  	v49 =	vld [tilespmem:$0x4090];
	[tilespmem:$0x8840] =	vst v44  }
0x1cc: {  	v50 =	vld [tilespmem:$0x40A0];
	[tilespmem:$0x8850] =	vst v45  }
0x1cd: {  	v51 =	vld [tilespmem:$0x40B0];
	[tilespmem:$0x8860] =	vst v46  }
0x1ce: {  	v52 =	vld [tilespmem:$0x40C0];
	[tilespmem:$0x8870] =	vst v47  }
0x1cf: {  	v53 =	vld [tilespmem:$0x40D0];
	[tilespmem:$0x8880] =	vst v48  }
0x1d0: {  	v54 =	vld [tilespmem:$0x40E0];
	[tilespmem:$0x8890] =	vst v49  }
0x1d1: {  	v55 =	vld [tilespmem:$0x40F0];
	[tilespmem:$0x88A0] =	vst v50  }
0x1d2: {  	v56 =	vld [tilespmem:$0x4500];
	[tilespmem:$0x88B0] =	vst v51  }
0x1d3: {  	v57 =	vld [tilespmem:$0x4510];
	[tilespmem:$0x88C0] =	vst v52  }
0x1d4: {  	v58 =	vld [tilespmem:$0x4520];
	[tilespmem:$0x88D0] =	vst v53  }
0x1d5: {  	v59 =	vld [tilespmem:$0x4530];
	[tilespmem:$0x88E0] =	vst v54  }
0x1d6: {  	v60 =	vld [tilespmem:$0x4540];
	[tilespmem:$0x88F0] =	vst v55  }
0x1d7: {  	v61 =	vld [tilespmem:$0x4550];
	[tilespmem:$0x8900] =	vst v56  }
0x1d8: {  	v62 =	vld [tilespmem:$0x4560];
	[tilespmem:$0x8910] =	vst v57  }
0x1d9: {  	v63 =	vld [tilespmem:$0x4570];
	[tilespmem:$0x8920] =	vst v58  }
0x1da: {  	v8 =	vld [tilespmem:$0x4980];
	[tilespmem:$0x8930] =	vst v59  }
0x1db: {  	v9 =	vld [tilespmem:$0x4990];
	[tilespmem:$0x8940] =	vst v60  }
0x1dc: {  	v10 =	vld [tilespmem:$0x49A0];
	[tilespmem:$0x8950] =	vst v61  }
0x1dd: {  	v11 =	vld [tilespmem:$0x49B0];
	[tilespmem:$0x8960] =	vst v62  }
0x1de: {  	v12 =	vld [tilespmem:$0x49C0];
	[tilespmem:$0x8970] =	vst v63  }
0x1df: {  	v13 =	vld [tilespmem:$0x49D0];
	[tilespmem:$0x8980] =	vst v8  }
0x1e0: {  	v14 =	vld [tilespmem:$0x49E0];
	[tilespmem:$0x8990] =	vst v9  }
0x1e1: {  	v15 =	vld [tilespmem:$0x49F0];
	[tilespmem:$0x89A0] =	vst v10  }
0x1e2: {  	v16 =	vld [tilespmem:$0x4E00];
	[tilespmem:$0x89B0] =	vst v11  }
0x1e3: {  	v17 =	vld [tilespmem:$0x4E10];
	[tilespmem:$0x89C0] =	vst v12  }
0x1e4: {  	v18 =	vld [tilespmem:$0x4E20];
	[tilespmem:$0x89D0] =	vst v13  }
0x1e5: {  	v19 =	vld [tilespmem:$0x4E30];
	[tilespmem:$0x89E0] =	vst v14  }
0x1e6: {  	v20 =	vld [tilespmem:$0x4E40];
	[tilespmem:$0x89F0] =	vst v15  }
0x1e7: {  	v21 =	vld [tilespmem:$0x4E50];
	[tilespmem:$0x8A00] =	vst v16  }
0x1e8: {  	v22 =	vld [tilespmem:$0x4E60];
	[tilespmem:$0x8A10] =	vst v17  }
0x1e9: {  	v23 =	vld [tilespmem:$0x4E70];
	[tilespmem:$0x8A20] =	vst v18  }
0x1ea: {  	v24 =	vld [tilespmem:$0x5280];
	[tilespmem:$0x8A30] =	vst v19  }
0x1eb: {  	v25 =	vld [tilespmem:$0x5290];
	[tilespmem:$0x8A40] =	vst v20  }
0x1ec: {  	v26 =	vld [tilespmem:$0x52A0];
	[tilespmem:$0x8A50] =	vst v21  }
0x1ed: {  	v27 =	vld [tilespmem:$0x52B0];
	[tilespmem:$0x8A60] =	vst v22  }
0x1ee: {  	v28 =	vld [tilespmem:$0x52C0];
	[tilespmem:$0x8A70] =	vst v23  }
0x1ef: {  	v29 =	vld [tilespmem:$0x52D0];
	[tilespmem:$0x8A80] =	vst v24  }
0x1f0: {  	v30 =	vld [tilespmem:$0x52E0];
	[tilespmem:$0x8A90] =	vst v25  }
0x1f1: {  	v31 =	vld [tilespmem:$0x52F0];
	[tilespmem:$0x8AA0] =	vst v26  }
0x1f2: {  	v32 =	vld [tilespmem:$0x5700];
	[tilespmem:$0x8AB0] =	vst v27  }
0x1f3: {  	v33 =	vld [tilespmem:$0x5710];
	[tilespmem:$0x8AC0] =	vst v28  }
0x1f4: {  	v34 =	vld [tilespmem:$0x5720];
	[tilespmem:$0x8AD0] =	vst v29  }
0x1f5: {  	v35 =	vld [tilespmem:$0x5730];
	[tilespmem:$0x8AE0] =	vst v30  }
0x1f6: {  	v36 =	vld [tilespmem:$0x5740];
	[tilespmem:$0x8AF0] =	vst v31  }
0x1f7: {  	v37 =	vld [tilespmem:$0x5750];
	[tilespmem:$0x8B00] =	vst v32  }
0x1f8: {  	v38 =	vld [tilespmem:$0x5760];
	[tilespmem:$0x8B10] =	vst v33  }
0x1f9: {  	v39 =	vld [tilespmem:$0x5770];
	[tilespmem:$0x8B20] =	vst v34  }
0x1fa: {  	v40 =	vld [tilespmem:$0x5B80];
	[tilespmem:$0x8B30] =	vst v35  }
0x1fb: {  	v41 =	vld [tilespmem:$0x5B90];
	[tilespmem:$0x8B40] =	vst v36  }
0x1fc: {  	[tilespmem:$0x8B50] =	vst v37;
	v42 =	vld [tilespmem:$0x5BA0]  }
0x1fd: {  	[tilespmem:$0x8B60] =	vst v38;
	v43 =	vld [tilespmem:$0x5BB0]  }
0x1fe: {  	[tilespmem:$0x8B70] =	vst v39;
	v44 =	vld [tilespmem:$0x5BC0]  }
0x1ff: {  	[tilespmem:$0x8B80] =	vst v40;
	v45 =	vld [tilespmem:$0x5BD0]  }
0x200: {  	[tilespmem:$0x8B90] =	vst v41;
	v46 =	vld [tilespmem:$0x5BE0]  }
0x201: {  	v47 =	vld [tilespmem:$0x5BF0];
	[tilespmem:$0x8BA0] =	vst v42  }
0x202: {  	v48 =	vld [tilespmem:$0x6000];
	[tilespmem:$0x8BB0] =	vst v43  }
0x203: {  	v49 =	vld [tilespmem:$0x6010];
	[tilespmem:$0x8BC0] =	vst v44  }
0x204: {  	v50 =	vld [tilespmem:$0x6020];
	[tilespmem:$0x8BD0] =	vst v45  }
0x205: {  	v51 =	vld [tilespmem:$0x6030];
	[tilespmem:$0x8BE0] =	vst v46  }
0x206: {  	v52 =	vld [tilespmem:$0x6040];
	[tilespmem:$0x8BF0] =	vst v47  }
0x207: {  	v53 =	vld [tilespmem:$0x6050];
	[tilespmem:$0x8C00] =	vst v48  }
0x208: {  	v54 =	vld [tilespmem:$0x6060];
	[tilespmem:$0x8C10] =	vst v49  }
0x209: {  	v55 =	vld [tilespmem:$0x6070];
	[tilespmem:$0x8C20] =	vst v50  }
0x20a: {  	v56 =	vld [tilespmem:$0x6080];
	[tilespmem:$0x8C30] =	vst v51  }
0x20b: {  	v57 =	vld [tilespmem:$0x6090];
	[tilespmem:$0x8C40] =	vst v52  }
0x20c: {  	v58 =	vld [tilespmem:$0x60A0];
	[tilespmem:$0x8C50] =	vst v53  }
0x20d: {  	v59 =	vld [tilespmem:$0x60B0];
	[tilespmem:$0x8C60] =	vst v54  }
0x20e: {  	v60 =	vld [tilespmem:$0x60C0];
	[tilespmem:$0x8C70] =	vst v55  }
0x20f: {  	v61 =	vld [tilespmem:$0x60D0];
	[tilespmem:$0x8C80] =	vst v56  }
0x210: {  	v62 =	vld [tilespmem:$0x60E0];
	[tilespmem:$0x8C90] =	vst v57  }
0x211: {  	v63 =	vld [tilespmem:$0x60F0];
	[tilespmem:$0x8CA0] =	vst v58  }
0x212: {  	v8 =	vld [tilespmem:$0x6500];
	[tilespmem:$0x8CB0] =	vst v59  }
0x213: {  	v9 =	vld [tilespmem:$0x6510];
	[tilespmem:$0x8CC0] =	vst v60  }
0x214: {  	v10 =	vld [tilespmem:$0x6520];
	[tilespmem:$0x8CD0] =	vst v61  }
0x215: {  	v11 =	vld [tilespmem:$0x6530];
	[tilespmem:$0x8CE0] =	vst v62  }
0x216: {  	v12 =	vld [tilespmem:$0x6540];
	[tilespmem:$0x8CF0] =	vst v63  }
0x217: {  	v13 =	vld [tilespmem:$0x6550];
	[tilespmem:$0x8D00] =	vst v8  }
0x218: {  	v14 =	vld [tilespmem:$0x6560];
	[tilespmem:$0x8D10] =	vst v9  }
0x219: {  	v15 =	vld [tilespmem:$0x6570];
	[tilespmem:$0x8D20] =	vst v10  }
0x21a: {  	v16 =	vld [tilespmem:$0x6980];
	[tilespmem:$0x8D30] =	vst v11  }
0x21b: {  	v17 =	vld [tilespmem:$0x6990];
	[tilespmem:$0x8D40] =	vst v12  }
0x21c: {  	v18 =	vld [tilespmem:$0x69A0];
	[tilespmem:$0x8D50] =	vst v13  }
0x21d: {  	v19 =	vld [tilespmem:$0x69B0];
	[tilespmem:$0x8D60] =	vst v14  }
0x21e: {  	v20 =	vld [tilespmem:$0x69C0];
	[tilespmem:$0x8D70] =	vst v15  }
0x21f: {  	v21 =	vld [tilespmem:$0x69D0];
	[tilespmem:$0x8D80] =	vst v16  }
0x220: {  	v22 =	vld [tilespmem:$0x69E0];
	[tilespmem:$0x8D90] =	vst v17  }
0x221: {  	v23 =	vld [tilespmem:$0x69F0];
	[tilespmem:$0x8DA0] =	vst v18  }
0x222: {  	v24 =	vld [tilespmem:$0x6E00];
	[tilespmem:$0x8DB0] =	vst v19  }
0x223: {  	v25 =	vld [tilespmem:$0x6E10];
	[tilespmem:$0x8DC0] =	vst v20  }
0x224: {  	v26 =	vld [tilespmem:$0x6E20];
	[tilespmem:$0x8DD0] =	vst v21  }
0x225: {  	v27 =	vld [tilespmem:$0x6E30];
	[tilespmem:$0x8DE0] =	vst v22  }
0x226: {  	v28 =	vld [tilespmem:$0x6E40];
	[tilespmem:$0x8DF0] =	vst v23  }
0x227: {  	v29 =	vld [tilespmem:$0x6E50];
	[tilespmem:$0x8E00] =	vst v24  }
0x228: {  	v30 =	vld [tilespmem:$0x6E60];
	[tilespmem:$0x8E10] =	vst v25  }
0x229: {  	v31 =	vld [tilespmem:$0x6E70];
	[tilespmem:$0x8E20] =	vst v26  }
0x22a: {  	v32 =	vld [tilespmem:$0x7280];
	[tilespmem:$0x8E30] =	vst v27  }
0x22b: {  	v33 =	vld [tilespmem:$0x7290];
	[tilespmem:$0x8E40] =	vst v28  }
0x22c: {  	v34 =	vld [tilespmem:$0x72A0];
	[tilespmem:$0x8E50] =	vst v29  }
0x22d: {  	v35 =	vld [tilespmem:$0x72B0];
	[tilespmem:$0x8E60] =	vst v30  }
0x22e: {  	v36 =	vld [tilespmem:$0x72C0];
	[tilespmem:$0x8E70] =	vst v31  }
0x22f: {  	v37 =	vld [tilespmem:$0x72D0];
	[tilespmem:$0x8E80] =	vst v32  }
0x230: {  	v38 =	vld [tilespmem:$0x72E0];
	[tilespmem:$0x8E90] =	vst v33  }
0x231: {  	v39 =	vld [tilespmem:$0x72F0];
	[tilespmem:$0x8EA0] =	vst v34  }
0x232: {  	v40 =	vld [tilespmem:$0x7700];
	[tilespmem:$0x8EB0] =	vst v35  }
0x233: {  	v41 =	vld [tilespmem:$0x7710];
	[tilespmem:$0x8EC0] =	vst v36  }
0x234: {  	[tilespmem:$0x8ED0] =	vst v37;
	v42 =	vld [tilespmem:$0x7720]  }
0x235: {  	[tilespmem:$0x8EE0] =	vst v38;
	v43 =	vld [tilespmem:$0x7730]  }
0x236: {  	[tilespmem:$0x8EF0] =	vst v39;
	v44 =	vld [tilespmem:$0x7740]  }
0x237: {  	[tilespmem:$0x8F00] =	vst v40;
	v45 =	vld [tilespmem:$0x7750]  }
0x238: {  	[tilespmem:$0x8F10] =	vst v41;
	v46 =	vld [tilespmem:$0x7760]  }
0x239: {  	v47 =	vld [tilespmem:$0x7770];
	[tilespmem:$0x8F20] =	vst v42  }
0x23a: {  	v48 =	vld [tilespmem:$0x7B80];
	[tilespmem:$0x8F30] =	vst v43  }
0x23b: {  	v49 =	vld [tilespmem:$0x7B90];
	[tilespmem:$0x8F40] =	vst v44  }
0x23c: {  	v50 =	vld [tilespmem:$0x7BA0];
	[tilespmem:$0x8F50] =	vst v45  }
0x23d: {  	v51 =	vld [tilespmem:$0x7BB0];
	[tilespmem:$0x8F60] =	vst v46  }
0x23e: {  	v52 =	vld [tilespmem:$0x7BC0];
	[tilespmem:$0x8F70] =	vst v47  }
0x23f: {  	v53 =	vld [tilespmem:$0x7BD0];
	[tilespmem:$0x8F80] =	vst v48  }
0x240: {  	v54 =	vld [tilespmem:$0x7BE0];
	[tilespmem:$0x8F90] =	vst v49  }
0x241: {  	v55 =	vld [tilespmem:$0x7BF0];
	[tilespmem:$0x8FA0] =	vst v50  }
0x242: {  	v56 =	vld [tilespmem:$0x8000];
	[tilespmem:$0x8FB0] =	vst v51  }
0x243: {  	v57 =	vld [tilespmem:$0x8010];
	[tilespmem:$0x8FC0] =	vst v52  }
0x244: {  	v58 =	vld [tilespmem:$0x8020];
	[tilespmem:$0x8FD0] =	vst v53  }
0x245: {  	v59 =	vld [tilespmem:$0x8030];
	[tilespmem:$0x8FE0] =	vst v54  }
0x246: {  	v60 =	vld [tilespmem:$0x8040];
	[tilespmem:$0x8FF0] =	vst v55  }
0x247: {  	v61 =	vld [tilespmem:$0x8050];
	[tilespmem:$0x9000] =	vst v56  }
0x248: {  	v62 =	vld [tilespmem:$0x8060];
	[tilespmem:$0x9010] =	vst v57  }
0x249: {  	v63 =	vld [tilespmem:$0x8070];
	[tilespmem:$0x9020] =	vst v58  }
0x24a: {  	[tilespmem:$0x9030] =	vst v59  }
0x24b: {  	[tilespmem:$0x9040] =	vst v60  }
0x24c: {  	s31 =	sld [smem:$0x7FD];
	[tilespmem:$0x9050] =	vst v61  }
0x24d: {  	p0 =	sne.s32 s8, $0x1;
	[tilespmem:$0x9060] =	vst v62  }
.Ltmp0:
0x24e: {  	s30 =	rddreg [dreg:$0x4];
	[tilespmem:$0x9070] =	vst v63;
	(pc) =	sbr.rel @p0 .LBB2_1-.Ltmp0, $4  }
0x24f: {  	[hbm4b:s30+s2] =	stream.linear.scatter [tilespmem:s31], [sflag:$0x2], $0x1000, $0x38;
	[tilespmem:$0x9080] =	vst v63  }
0x250: {  	_ =	swait.ge [sflag:s9], $0x1000  }
0x251: {  	[sflag:s9] =	ssyncset.done $0x0  }
0x252: {  	s8 =	sadd.s32 $0xFFFFFFFF, s8;
	[sflag:s9] =	ssyncadd.s32 $0xFFFFF000  }
0x253: {  	_ =	sfence.sel $0x180000  }
0x254: {  	[bflag:$0x0] =	sbarrier.arrive $0xFFFF  }
0x255: {  	p0 =	sne.s32 s0, $0x0;
	_ =	strace $0x90000047  }
0x256: {  	s0 =	sadd.s32 @!p0 $0x100000, s1;
	[bflag:$0x2] =	sbarrier.arrive $0xFFFF  }
0x257: {  	[sflag:s0] =	ssyncadd.tile.s32 @!p0 $0x1;
	_ =	shalt  }
.Lfunc_end2:
_tile_overlayer_lowered:
.L_overlay_start_2:
0x258: {  	(tag) =	ssettag $0x2  }
0x259: {  	s0 =	rddreg [dreg:$0x0];
	s2 =	stileid.u32  }
0x25a: {  	s1 =	rddreg [dreg:$0x1];
	p0 =	sne.s32 s2, $0x0  }
0x25b: {  	s3 =	rddreg [dreg:$0x2];
	[bflag:$0x3] =	sbarrier.arrive $0xFFFF;
	s2 =	simm.s32 @!p0 $0x1C02  }
0x25c: {  	[timem:s3], [sflag:s2] =	dma.local @!p0 [hbm:s0], s1  }
0x25d: {  	s0 =	simm.s32 @!p0 $0x2  }
0x25e: {  	_ =	swait.ge @!p0 [sflag:s0], s1  }
0x25f: {  	s1 =	ssub.s32 @!p0 $0x0, s1;
	[sflag:s0] =	ssyncset.done @!p0 $0x0  }
0x260: {  	[sflag:s0] =	ssyncadd.s32 @!p0 s1  }
0x261: {  	[bflag:$0x3] =	sbarrier.arrive $0xFFFF  }
0x262: {  	_ =	shalt  }

</sc_bundles>
